<compile_context>
chip_gen: v7x
topology: tpu7x:2x2x1
jax: 0.10.2.dev20260603
libtpu: 0.0.44.dev20260713+nightly
codegen_flags: <defaults>
</compile_context>

<pallas_src>
import jax
import jax.numpy as jnp
from jax import lax
from jax.experimental import pallas as pl
from jax.experimental.pallas import tpu as pltpu
from jax.experimental.pallas import tpu_sc as plsc

N_NODES = 10000
D = 128
NC = 2
NS = 16
NW = NC * NS
CHUNK = 40
GRP = 5
NGRP = 50
EPT = GRP * CHUNK * NGRP
RPT = 640
NACC = NS * RPT


def _sc_agg():
  mesh = plsc.VectorSubcoreMesh(core_axis_name="c", subcore_axis_name="s")
  scratch = [
      pltpu.VMEM((GRP, CHUNK), jnp.int32),
      pltpu.VMEM((GRP, CHUNK), jnp.int32),
      pltpu.VMEM((GRP, CHUNK), jnp.int32),
      pltpu.VMEM((GRP, CHUNK, D), jnp.float32),
      pltpu.VMEM_SHARED((NACC, D), jnp.float32),
      pltpu.SemaphoreType.DMA,
      pltpu.SemaphoreType.DMA,
  ]

  def body(h_hbm, src_hbm, dst_hbm, out_hbm, srcv, dstva, dstvb, gbuf, acc,
           gsem, ssem):
    c = lax.axis_index("c")
    s = lax.axis_index("s")
    wid = c * NS + s

    zero16 = jnp.zeros((16,), jnp.float32)

    def fill_z(i, carry):
      for j in range(D // 16):
        gbuf[0, i, pl.ds(j * 16, 16)] = zero16
      return carry

    lax.fori_loop(0, CHUNK, fill_z, 0)

    base = s * RPT

    def zero_acc(k, carry):
      off = base + k * CHUNK
      pltpu.sync_copy(gbuf.at[0], acc.at[pl.ds(off, CHUNK)])
      return carry

    lax.fori_loop(0, RPT // CHUNK, zero_acc, 0)

    plsc.subcore_barrier()

    def half(g, dstv, first):
      pltpu.sync_copy(src_hbm.at[wid, g], srcv)
      pltpu.sync_copy(dst_hbm.at[wid, g], dstv)
      descs = []
      for b in range(GRP):
        if first is None:
          pltpu.make_async_copy(gbuf.at[b], acc.at[dstv.at[b]], ssem).wait()
        else:
          @pl.when(first)
          def _drain():
            pltpu.make_async_copy(gbuf.at[b], acc.at[dstv.at[b]],
                                  ssem).wait()
        descs.append(
            pltpu.async_copy(h_hbm.at[srcv.at[b]], gbuf.at[b], gsem))
      for b in range(GRP):
        descs[b].wait()
        pltpu.async_copy(gbuf.at[b], acc.at[dstv.at[b]], ssem, add=True)

    def group_pair(gg, carry):
      half(2 * gg, dstva, gg > 0)
      half(2 * gg + 1, dstvb, None)
      return carry

    lax.fori_loop(0, NGRP // 2, group_pair, 0)

    for b in range(GRP):
      pltpu.make_async_copy(gbuf.at[b], acc.at[dstvb.at[b]], ssem).wait()

    plsc.subcore_barrier()

    def flush(k, carry):
      off = base + k * CHUNK
      pltpu.sync_copy(acc.at[pl.ds(off, CHUNK)], gbuf.at[0])
      pltpu.sync_copy(gbuf.at[0], out_hbm.at[c, pl.ds(off, CHUNK)])
      return carry

    lax.fori_loop(0, RPT // CHUNK, flush, 0)

  return pl.kernel(
      body,
      out_type=jax.ShapeDtypeStruct((NC, NACC, D), jnp.float32),
      mesh=mesh,
      scratch_types=scratch,
  )


def _sc_counts():
  mesh = plsc.VectorSubcoreMesh(core_axis_name="c", subcore_axis_name="s")
  scratch = [
      pltpu.VMEM((EPT,), jnp.int32),
      pltpu.VMEM((NACC,), jnp.float32),
  ]

  def body(dst_hbm, cnt_hbm, dstv, cntv):
    c = lax.axis_index("c")
    s = lax.axis_index("s")
    wid = c * NS + s

    pltpu.sync_copy(dst_hbm.at[wid], dstv)

    zero16 = jnp.zeros((16,), jnp.float32)
    one16 = jnp.ones((16,), jnp.float32)

    def fill_z(i, carry):
      cntv[pl.ds(i * 16, 16)] = zero16
      return carry

    lax.fori_loop(0, NACC // 16, fill_z, 0)

    def count(e, carry):
      idx = dstv[pl.ds(e * 16, 16)]
      plsc.addupdate_scatter(cntv, [idx], one16)
      return carry

    lax.fori_loop(0, EPT // 16, count, 0)

    pltpu.sync_copy(cntv, cnt_hbm.at[wid])

  return pl.kernel(
      body,
      out_type=jax.ShapeDtypeStruct((NW, NACC), jnp.float32),
      mesh=mesh,
      scratch_types=scratch,
      compiler_params=pltpu.CompilerParams(needs_layout_passes=False),
  )


def _tc_layer(p0, p1, cnt_t, h, Wl, Wr, b, W4=None, b4=None):
  R = 1000
  fused_final = W4 is not None

  def tcb(p0_ref, p1_ref, c_ref, h_ref, wl_ref, wr_ref, b_ref, *rest):
    if fused_final:
      w4_ref, b4_ref, o_ref = rest
    else:
      (o_ref,) = rest
    cnt = jnp.sum(c_ref[:, :], axis=1, keepdims=True)
    mean = (p0_ref[:, :] + p1_ref[:, :]) / jnp.maximum(cnt, 1.0)
    acc = jnp.dot(mean, wl_ref[:, :], preferred_element_type=jnp.float32)
    acc = acc + jnp.dot(h_ref[:, :], wr_ref[:, :],
                        preferred_element_type=jnp.float32)
    acc = acc + b_ref[:, :]
    acc = jnp.maximum(acc, 0.0)
    if fused_final:
      acc = jnp.dot(acc, w4_ref[:, :],
                    preferred_element_type=jnp.float32) + b4_ref[:, :]
    o_ref[:, :] = acc

  row_spec = pl.BlockSpec((R, D), lambda i: (i, 0))
  cnt_spec = pl.BlockSpec((R, NW), lambda i: (i, 0))
  w_spec = pl.BlockSpec((D, D), lambda i: (0, 0))
  b_spec = pl.BlockSpec((1, D), lambda i: (0, 0))
  in_specs = [row_spec, row_spec, cnt_spec, row_spec,
              w_spec, w_spec, b_spec]
  args = [p0, p1, cnt_t, h, Wl, Wr, b.reshape(1, D)]
  if fused_final:
    in_specs += [w_spec, b_spec]
    args += [W4, b4.reshape(1, D)]
  return pl.pallas_call(
      tcb,
      grid=(N_NODES // R,),
      in_specs=in_specs,
      out_specs=row_spec,
      out_shape=jax.ShapeDtypeStruct((N_NODES, D), jnp.float32),
  )(*args)


def kernel(x, edge_index, W1l, W1r, b1, W2l, W2r, b2, W3l, W3r, b3, W4, b4):
  ei = edge_index.astype(jnp.int32)
  src = ei[0].reshape(NW, NGRP, GRP, CHUNK)
  dst = ei[1].reshape(NW, NGRP, GRP, CHUNK)
  dstf = ei[1].reshape(NW, EPT)

  agg = _sc_agg()
  cnt = _sc_counts()(dstf)
  cnt_t = cnt.T[:N_NODES]

  p = agg(x, src, dst)
  h1 = _tc_layer(p[0, :N_NODES], p[1, :N_NODES], cnt_t, x, W1l, W1r, b1)
  p2 = agg(h1, src, dst)
  h2 = _tc_layer(p2[0, :N_NODES], p2[1, :N_NODES], cnt_t, h1, W2l, W2r, b2)
  p3 = agg(h2, src, dst)
  return _tc_layer(p3[0, :N_NODES], p3[1, :N_NODES], cnt_t, h2,
                   W3l, W3r, b3, W4, b4)

# --- scband reference (transcript-rebuilt; emitter-appended) ---
"""Pipeline reference for scband-encoder-59854664237737 (READ-ONLY COPY).

The authoritative reference and input builder live on the scoring server;
editing this copy changes nothing except your own understanding.
"""

import jax, jax.numpy as jnp
import numpy as np

N = 10000
E = 320000
D = 128
H = 128
O = 128


def _sage_conv(x, src, dst, Wl, Wr, b, n_nodes):
    # PyG SAGEConv with mean aggregation:
    # out_i = lin_l(mean_{j in N(i)} x_j) + lin_r(x_i)
    msg = jnp.take(x, src, axis=0)
    summed = jax.ops.segment_sum(msg, dst, num_segments=n_nodes)
    cnt = jax.ops.segment_sum(jnp.ones((src.shape[0], 1), dtype=x.dtype), dst, num_segments=n_nodes)
    mean = summed / jnp.maximum(cnt, 1.0)
    return mean @ Wl + x @ Wr + b


def setup_inputs(seed: int = 0) -> dict:
    key = jax.random.key(seed)
    ks = jax.random.split(key, 16)
    x = jax.random.normal(ks[0], (N, D), dtype=jnp.float32)
    edge_index = jax.random.randint(ks[1], (2, E), 0, N, dtype=jnp.int64)
    s = 1.0 / np.sqrt(D)
    params = {
        'W1l': jax.random.normal(ks[2], (D, H), dtype=jnp.float32) * s,
        'W1r': jax.random.normal(ks[3], (D, H), dtype=jnp.float32) * s,
        'b1': jnp.zeros((H,), dtype=jnp.float32),
        'W2l': jax.random.normal(ks[4], (H, H), dtype=jnp.float32) * s,
        'W2r': jax.random.normal(ks[5], (H, H), dtype=jnp.float32) * s,
        'b2': jnp.zeros((H,), dtype=jnp.float32),
        'W3l': jax.random.normal(ks[6], (H, H), dtype=jnp.float32) * s,
        'W3r': jax.random.normal(ks[7], (H, H), dtype=jnp.float32) * s,
        'b3': jnp.zeros((H,), dtype=jnp.float32),
        'W4': jax.random.normal(ks[8], (H, O), dtype=jnp.float32) * s,
        'b4': jnp.zeros((O,), dtype=jnp.float32),
    }
    return {'x': x, 'edge_index': edge_index, **params}


def reference(x, edge_index, W1l, W1r, b1, W2l, W2r, b2, W3l, W3r, b3, W4, b4):
    src = edge_index[0]
    dst = edge_index[1]
    n = x.shape[0]
    h = _sage_conv(x, src, dst, W1l, W1r, b1, n)
    h = jax.nn.relu(h)
    h = _sage_conv(h, src, dst, W2l, W2r, b2, n)
    h = jax.nn.relu(h)
    h = _sage_conv(h, src, dst, W3l, W3r, b3, n)
    h = jax.nn.relu(h)
    out = h @ W4 + b4
    return out

if __name__ == "__main__":
    import jax
    _d = setup_inputs()
    print(jax.jit(kernel)(*tuple(_d.values())))

</pallas_src>

<mosaic_0001>
#map = affine_map<(d0, d1) -> (0, 0)>
#map1 = affine_map<(d0, d1) -> (0, 0, 0, 0)>
#map2 = affine_map<(d0, d1) -> (0, 0, 0)>
module attributes {stable_mosaic.version = 14 : i64} {
  func.func @body(%arg0: i32, %arg1: i32, %arg2: memref<10000x128xf32, #tpu.memory_space<hbm>>, %arg3: memref<32x50x5x40xi32, #tpu.memory_space<hbm>>, %arg4: memref<32x50x5x40xi32, #tpu.memory_space<hbm>>, %arg5: memref<2x10240x128xf32, #tpu.memory_space<hbm>>, %arg6: memref<5x40xi32, #tpu.memory_space<vmem>>, %arg7: memref<5x40xi32, #tpu.memory_space<vmem>>, %arg8: memref<5x40xi32, #tpu.memory_space<vmem>>, %arg9: memref<5x40x128xf32, #tpu.memory_space<vmem>>, %arg10: memref<10240x128xf32, #tpu.memory_space<vmem_shared>>, %arg11: memref<!tpu.dma_semaphore, #tpu.memory_space<semaphore_mem>>, %arg12: memref<!tpu.dma_semaphore, #tpu.memory_space<semaphore_mem>>) attributes {dimension_semantics = [#tpu.dimension_semantics<core_parallel>, #tpu.dimension_semantics<subcore_parallel>], iteration_bounds = array<i64: 2, 16>, scalar_prefetch = 0 : i64, scratch_operands = 7 : i64, tpu.core_type = #tpu.core_type<sc_vector_subcore>, window_params = [{transform_indices = #map}, {transform_indices = #map1}, {transform_indices = #map1}, {transform_indices = #map2}]} {
    %mul3A = arith.constant 16 : i32
    %mul3A_0 = arith.muli %arg0, %mul3A : i32
    %add3A = arith.addi %mul3A_0, %arg1 : i32
    %broadcast_in_dim3A = arith.constant 0.000000e+00 : f32
    %broadcast_in_dim3A_1 = vector.broadcast %broadcast_in_dim3A : f32 to vector<16xf32>
    %scan3A = arith.constant 0 : i32
    %scan3A_2 = arith.constant 0 : i32
    %scan3A_3 = arith.constant 40 : i32
    %scan3A_4 = arith.addi %scan3A_2, %scan3A_3 : i32
    %scan3A_5 = arith.constant 1 : i32
    scf.for %scan3A_87 = %scan3A_2 to %scan3A_4 step %scan3A_5  : i32 {
      %swap3A = arith.constant 0 : i32
      %swap3A_88 = arith.index_cast %swap3A : i32 to index
      %swap3A_89 = arith.index_cast %scan3A_87 : i32 to index
      %swap3A_90 = arith.constant 0 : index
      %swap3A_91 = tpu.vector_load %arg9[%swap3A_88, %swap3A_89, %swap3A_90] {strides = array<i32>} : memref<5x40x128xf32, #tpu.memory_space<vmem>>, vector<1x1x16xf32>,
      %swap3A_92 = vector.shape_cast %swap3A_91 : vector<1x1x16xf32> to vector<16xf32>
      %swap3A_93 = vector.shape_cast %broadcast_in_dim3A_1 : vector<16xf32> to vector<1x1x16xf32>
      tpu.vector_store %arg9[%swap3A_88, %swap3A_89, %swap3A_90], %swap3A_93 {strides = array<i32>} : memref<5x40x128xf32, #tpu.memory_space<vmem>>, vector<1x1x16xf32>,
      %swap3A_94 = arith.constant 0 : i32
      %swap3A_95 = arith.index_cast %swap3A_94 : i32 to index
      %swap3A_96 = arith.index_cast %scan3A_87 : i32 to index
      %swap3A_97 = arith.constant 16 : index
      %swap3A_98 = tpu.vector_load %arg9[%swap3A_95, %swap3A_96, %swap3A_97] {strides = array<i32>} : memref<5x40x128xf32, #tpu.memory_space<vmem>>, vector<1x1x16xf32>,
      %swap3A_99 = vector.shape_cast %swap3A_98 : vector<1x1x16xf32> to vector<16xf32>
      %swap3A_100 = vector.shape_cast %broadcast_in_dim3A_1 : vector<16xf32> to vector<1x1x16xf32>
      tpu.vector_store %arg9[%swap3A_95, %swap3A_96, %swap3A_97], %swap3A_100 {strides = array<i32>} : memref<5x40x128xf32, #tpu.memory_space<vmem>>, vector<1x1x16xf32>,
      %swap3A_101 = arith.constant 0 : i32
      %swap3A_102 = arith.index_cast %swap3A_101 : i32 to index
      %swap3A_103 = arith.index_cast %scan3A_87 : i32 to index
      %swap3A_104 = arith.constant 32 : index
      %swap3A_105 = tpu.vector_load %arg9[%swap3A_102, %swap3A_103, %swap3A_104] {strides = array<i32>} : memref<5x40x128xf32, #tpu.memory_space<vmem>>, vector<1x1x16xf32>,
      %swap3A_106 = vector.shape_cast %swap3A_105 : vector<1x1x16xf32> to vector<16xf32>
      %swap3A_107 = vector.shape_cast %broadcast_in_dim3A_1 : vector<16xf32> to vector<1x1x16xf32>
      tpu.vector_store %arg9[%swap3A_102, %swap3A_103, %swap3A_104], %swap3A_107 {strides = array<i32>} : memref<5x40x128xf32, #tpu.memory_space<vmem>>, vector<1x1x16xf32>,
      %swap3A_108 = arith.constant 0 : i32
      %swap3A_109 = arith.index_cast %swap3A_108 : i32 to index
      %swap3A_110 = arith.index_cast %scan3A_87 : i32 to index
      %swap3A_111 = arith.constant 48 : index
      %swap3A_112 = tpu.vector_load %arg9[%swap3A_109, %swap3A_110, %swap3A_111] {strides = array<i32>} : memref<5x40x128xf32, #tpu.memory_space<vmem>>, vector<1x1x16xf32>,
      %swap3A_113 = vector.shape_cast %swap3A_112 : vector<1x1x16xf32> to vector<16xf32>
      %swap3A_114 = vector.shape_cast %broadcast_in_dim3A_1 : vector<16xf32> to vector<1x1x16xf32>
      tpu.vector_store %arg9[%swap3A_109, %swap3A_110, %swap3A_111], %swap3A_114 {strides = array<i32>} : memref<5x40x128xf32, #tpu.memory_space<vmem>>, vector<1x1x16xf32>,
      %swap3A_115 = arith.constant 0 : i32
      %swap3A_116 = arith.index_cast %swap3A_115 : i32 to index
      %swap3A_117 = arith.index_cast %scan3A_87 : i32 to index
      %swap3A_118 = arith.constant 64 : index
      %swap3A_119 = tpu.vector_load %arg9[%swap3A_116, %swap3A_117, %swap3A_118] {strides = array<i32>} : memref<5x40x128xf32, #tpu.memory_space<vmem>>, vector<1x1x16xf32>,
      %swap3A_120 = vector.shape_cast %swap3A_119 : vector<1x1x16xf32> to vector<16xf32>
      %swap3A_121 = vector.shape_cast %broadcast_in_dim3A_1 : vector<16xf32> to vector<1x1x16xf32>
      tpu.vector_store %arg9[%swap3A_116, %swap3A_117, %swap3A_118], %swap3A_121 {strides = array<i32>} : memref<5x40x128xf32, #tpu.memory_space<vmem>>, vector<1x1x16xf32>,
      %swap3A_122 = arith.constant 0 : i32
      %swap3A_123 = arith.index_cast %swap3A_122 : i32 to index
      %swap3A_124 = arith.index_cast %scan3A_87 : i32 to index
      %swap3A_125 = arith.constant 80 : index
      %swap3A_126 = tpu.vector_load %arg9[%swap3A_123, %swap3A_124, %swap3A_125] {strides = array<i32>} : memref<5x40x128xf32, #tpu.memory_space<vmem>>, vector<1x1x16xf32>,
      %swap3A_127 = vector.shape_cast %swap3A_126 : vector<1x1x16xf32> to vector<16xf32>
      %swap3A_128 = vector.shape_cast %broadcast_in_dim3A_1 : vector<16xf32> to vector<1x1x16xf32>
      tpu.vector_store %arg9[%swap3A_123, %swap3A_124, %swap3A_125], %swap3A_128 {strides = array<i32>} : memref<5x40x128xf32, #tpu.memory_space<vmem>>, vector<1x1x16xf32>,
      %swap3A_129 = arith.constant 0 : i32
      %swap3A_130 = arith.index_cast %swap3A_129 : i32 to index
      %swap3A_131 = arith.index_cast %scan3A_87 : i32 to index
      %swap3A_132 = arith.constant 96 : index
      %swap3A_133 = tpu.vector_load %arg9[%swap3A_130, %swap3A_131, %swap3A_132] {strides = array<i32>} : memref<5x40x128xf32, #tpu.memory_space<vmem>>, vector<1x1x16xf32>,
      %swap3A_134 = vector.shape_cast %swap3A_133 : vector<1x1x16xf32> to vector<16xf32>
      %swap3A_135 = vector.shape_cast %broadcast_in_dim3A_1 : vector<16xf32> to vector<1x1x16xf32>
      tpu.vector_store %arg9[%swap3A_130, %swap3A_131, %swap3A_132], %swap3A_135 {strides = array<i32>} : memref<5x40x128xf32, #tpu.memory_space<vmem>>, vector<1x1x16xf32>,
      %swap3A_136 = arith.constant 0 : i32
      %swap3A_137 = arith.index_cast %swap3A_136 : i32 to index
      %swap3A_138 = arith.index_cast %scan3A_87 : i32 to index
      %swap3A_139 = arith.constant 112 : index
      %swap3A_140 = tpu.vector_load %arg9[%swap3A_137, %swap3A_138, %swap3A_139] {strides = array<i32>} : memref<5x40x128xf32, #tpu.memory_space<vmem>>, vector<1x1x16xf32>,
      %swap3A_141 = vector.shape_cast %swap3A_140 : vector<1x1x16xf32> to vector<16xf32>
      %swap3A_142 = vector.shape_cast %broadcast_in_dim3A_1 : vector<16xf32> to vector<1x1x16xf32>
      tpu.vector_store %arg9[%swap3A_137, %swap3A_138, %swap3A_139], %swap3A_142 {strides = array<i32>} : memref<5x40x128xf32, #tpu.memory_space<vmem>>, vector<1x1x16xf32>,
    }
    %scan3A_6 = arith.constant 40 : i32
    %mul3A_7 = arith.constant 640 : i32
    %mul3A_8 = arith.muli %arg1, %mul3A_7 : i32
    %scan3A_9 = arith.constant 0 : i32
    %scan3A_10 = arith.constant 0 : i32
    %scan3A_11 = arith.constant 16 : i32
    %scan3A_12 = arith.addi %scan3A_10, %scan3A_11 : i32
    %scan3A_13 = arith.constant 1 : i32
    scf.for %scan3A_87 = %scan3A_10 to %scan3A_12 step %scan3A_13  : i32 {
      %mul3A_88 = arith.constant 40 : i32
      %mul3A_89 = arith.muli %scan3A_87, %mul3A_88 : i32
      %add3A_90 = arith.addi %mul3A_8, %mul3A_89 : i32
      %run_scoped3A = arith.constant 0 : i32
      "tpu.region"() ({
        %run_scoped3A_91 = tpu.sem_alloc : memref<!tpu.dma_semaphore, #tpu.memory_space<semaphore_mem>>
        %dma_start3A = arith.constant 0 : i32
        %dma_start3A_92 = arith.constant 0 : i32
        %dma_start3A_93 = tpu.memref_slice %arg9[%run_scoped3A, %dma_start3A, %dma_start3A_92] : memref<5x40x128xf32, #tpu.memory_space<vmem>> -> memref<1x40x128xf32, #tpu.memory_space<vmem>>
        %dma_start3A_94 = tpu.memref_squeeze %dma_start3A_93 : memref<1x40x128xf32, #tpu.memory_space<vmem>> -> memref<40x128xf32, #tpu.memory_space<vmem>>
        %dma_start3A_95 = arith.constant 0 : i32
        %dma_start3A_96 = tpu.memref_slice %arg10[%add3A_90, %dma_start3A_95] : memref<10240x128xf32, #tpu.memory_space<vmem_shared>> -> memref<40x128xf32, #tpu.memory_space<vmem_shared>>
        %dma_start3A_97 = arith.constant 0 : i32
        %dma_start3A_98 = tpu.memref_slice %arg10[%add3A_90, %dma_start3A_97] : memref<10240x128xf32, #tpu.memory_space<vmem_shared>> -> memref<40x128xf32, #tpu.memory_space<vmem_shared>>
        %dma_start3A_99 = arith.constant 0 : i32
        %dma_start3A_100 = arith.constant 0 : i32
        %dma_start3A_101 = tpu.memref_slice %arg9[%run_scoped3A, %dma_start3A_99, %dma_start3A_100] : memref<5x40x128xf32, #tpu.memory_space<vmem>> -> memref<1x40x128xf32, #tpu.memory_space<vmem>>
        %dma_start3A_102 = tpu.memref_squeeze %dma_start3A_101 : memref<1x40x128xf32, #tpu.memory_space<vmem>> -> memref<40x128xf32, #tpu.memory_space<vmem>>
        tpu.enqueue_dma source(%dma_start3A_102 : memref<40x128xf32, #tpu.memory_space<vmem>>) target(%dma_start3A_98 : memref<40x128xf32, #tpu.memory_space<vmem_shared>>) target_semaphore(%run_scoped3A_91 : memref<!tpu.dma_semaphore, #tpu.memory_space<semaphore_mem>>)
        %dma_wait3A_103 = arith.constant 0 : i32
        %dma_wait3A_104 = arith.constant 0 : i32
        %dma_wait3A_105 = tpu.memref_slice %arg9[%run_scoped3A, %dma_wait3A_103, %dma_wait3A_104] : memref<5x40x128xf32, #tpu.memory_space<vmem>> -> memref<1x40x128xf32, #tpu.memory_space<vmem>>
        %dma_wait3A_106 = tpu.memref_squeeze %dma_wait3A_105 : memref<1x40x128xf32, #tpu.memory_space<vmem>> -> memref<40x128xf32, #tpu.memory_space<vmem>>
        %dma_wait3A_107 = arith.constant 0 : i32
        %dma_wait3A_108 = tpu.memref_slice %arg10[%add3A_90, %dma_wait3A_107] : memref<10240x128xf32, #tpu.memory_space<vmem_shared>> -> memref<40x128xf32, #tpu.memory_space<vmem_shared>>
        %dma_wait3A_109 = arith.constant 0 : i32
        %dma_wait3A_110 = tpu.memref_slice %arg10[%add3A_90, %dma_wait3A_109] : memref<10240x128xf32, #tpu.memory_space<vmem_shared>> -> memref<40x128xf32, #tpu.memory_space<vmem_shared>>
        %dma_wait3A_111 = arith.constant 0 : i32
        %dma_wait3A_112 = arith.constant 0 : i32
        %dma_wait3A_113 = tpu.memref_slice %arg9[%run_scoped3A, %dma_wait3A_111, %dma_wait3A_112] : memref<5x40x128xf32, #tpu.memory_space<vmem>> -> memref<1x40x128xf32, #tpu.memory_space<vmem>>
        %dma_wait3A_114 = tpu.memref_squeeze %dma_wait3A_113 : memref<1x40x128xf32, #tpu.memory_space<vmem>> -> memref<40x128xf32, #tpu.memory_space<vmem>>
        tpu.wait_dma2 semaphore(%run_scoped3A_91 : memref<!tpu.dma_semaphore, #tpu.memory_space<semaphore_mem>>) src(%dma_wait3A_114 : memref<40x128xf32, #tpu.memory_space<vmem>>) dst(%dma_wait3A_110 : memref<40x128xf32, #tpu.memory_space<vmem_shared>>)
        tpu.yield
      }) : () -> ()
    }
    %scan3A_14 = arith.constant 16 : i32
    %barrier3A = arith.constant 0 : index
    tpu.barrier barrier_id(%barrier3A)
    %scan3A_15 = arith.constant 0 : i32
    %scan3A_16 = arith.constant 0 : i32
    %scan3A_17 = arith.constant 25 : i32
    %scan3A_18 = arith.addi %scan3A_16, %scan3A_17 : i32
    %scan3A_19 = arith.constant 1 : i32
    scf.for %scan3A_87 = %scan3A_16 to %scan3A_18 step %scan3A_19  : i32 {
      %mul3A_88 = arith.constant 2 : i32
      %mul3A_89 = arith.muli %mul3A_88, %scan3A_87 : i32
      %gt3A = arith.constant 0 : i32
      %gt3A_90 = arith.cmpi sgt, %scan3A_87, %gt3A : i32
      "tpu.region"() ({
        %run_scoped3A = tpu.sem_alloc : memref<!tpu.dma_semaphore, #tpu.memory_space<semaphore_mem>>
        %dma_start3A_527 = arith.constant 0 : i32
        %dma_start3A_528 = arith.constant 0 : i32
        %dma_start3A_529 = tpu.memref_slice %arg3[%add3A, %mul3A_89, %dma_start3A_527, %dma_start3A_528] : memref<32x50x5x40xi32, #tpu.memory_space<hbm>> -> memref<1x1x5x40xi32, #tpu.memory_space<hbm>>
        %dma_start3A_530 = tpu.memref_squeeze %dma_start3A_529 : memref<1x1x5x40xi32, #tpu.memory_space<hbm>> -> memref<5x40xi32, #tpu.memory_space<hbm>>
        %dma_start3A_531 = arith.constant 0 : i32
        %dma_start3A_532 = arith.constant 0 : i32
        %dma_start3A_533 = tpu.memref_slice %arg3[%add3A, %mul3A_89, %dma_start3A_531, %dma_start3A_532] : memref<32x50x5x40xi32, #tpu.memory_space<hbm>> -> memref<1x1x5x40xi32, #tpu.memory_space<hbm>>
        %dma_start3A_534 = tpu.memref_squeeze %dma_start3A_533 : memref<1x1x5x40xi32, #tpu.memory_space<hbm>> -> memref<5x40xi32, #tpu.memory_space<hbm>>
        tpu.enqueue_dma source(%dma_start3A_534 : memref<5x40xi32, #tpu.memory_space<hbm>>) target(%arg6 : memref<5x40xi32, #tpu.memory_space<vmem>>) target_semaphore(%run_scoped3A : memref<!tpu.dma_semaphore, #tpu.memory_space<semaphore_mem>>)
        %dma_wait3A_535 = arith.constant 0 : i32
        %dma_wait3A_536 = arith.constant 0 : i32
        %dma_wait3A_537 = tpu.memref_slice %arg3[%add3A, %mul3A_89, %dma_wait3A_535, %dma_wait3A_536] : memref<32x50x5x40xi32, #tpu.memory_space<hbm>> -> memref<1x1x5x40xi32, #tpu.memory_space<hbm>>
        %dma_wait3A_538 = tpu.memref_squeeze %dma_wait3A_537 : memref<1x1x5x40xi32, #tpu.memory_space<hbm>> -> memref<5x40xi32, #tpu.memory_space<hbm>>
        %dma_wait3A_539 = arith.constant 0 : i32
        %dma_wait3A_540 = arith.constant 0 : i32
        %dma_wait3A_541 = tpu.memref_slice %arg3[%add3A, %mul3A_89, %dma_wait3A_539, %dma_wait3A_540] : memref<32x50x5x40xi32, #tpu.memory_space<hbm>> -> memref<1x1x5x40xi32, #tpu.memory_space<hbm>>
        %dma_wait3A_542 = tpu.memref_squeeze %dma_wait3A_541 : memref<1x1x5x40xi32, #tpu.memory_space<hbm>> -> memref<5x40xi32, #tpu.memory_space<hbm>>
        tpu.wait_dma2 semaphore(%run_scoped3A : memref<!tpu.dma_semaphore, #tpu.memory_space<semaphore_mem>>) src(%dma_wait3A_542 : memref<5x40xi32, #tpu.memory_space<hbm>>) dst(%arg6 : memref<5x40xi32, #tpu.memory_space<vmem>>)
        tpu.yield
      }) : () -> ()
      "tpu.region"() ({
        %run_scoped3A = tpu.sem_alloc : memref<!tpu.dma_semaphore, #tpu.memory_space<semaphore_mem>>
        %dma_start3A_527 = arith.constant 0 : i32
        %dma_start3A_528 = arith.constant 0 : i32
        %dma_start3A_529 = tpu.memref_slice %arg4[%add3A, %mul3A_89, %dma_start3A_527, %dma_start3A_528] : memref<32x50x5x40xi32, #tpu.memory_space<hbm>> -> memref<1x1x5x40xi32, #tpu.memory_space<hbm>>
        %dma_start3A_530 = tpu.memref_squeeze %dma_start3A_529 : memref<1x1x5x40xi32, #tpu.memory_space<hbm>> -> memref<5x40xi32, #tpu.memory_space<hbm>>
        %dma_start3A_531 = arith.constant 0 : i32
        %dma_start3A_532 = arith.constant 0 : i32
        %dma_start3A_533 = tpu.memref_slice %arg4[%add3A, %mul3A_89, %dma_start3A_531, %dma_start3A_532] : memref<32x50x5x40xi32, #tpu.memory_space<hbm>> -> memref<1x1x5x40xi32, #tpu.memory_space<hbm>>
        %dma_start3A_534 = tpu.memref_squeeze %dma_start3A_533 : memref<1x1x5x40xi32, #tpu.memory_space<hbm>> -> memref<5x40xi32, #tpu.memory_space<hbm>>
        tpu.enqueue_dma source(%dma_start3A_534 : memref<5x40xi32, #tpu.memory_space<hbm>>) target(%arg7 : memref<5x40xi32, #tpu.memory_space<vmem>>) target_semaphore(%run_scoped3A : memref<!tpu.dma_semaphore, #tpu.memory_space<semaphore_mem>>)
        %dma_wait3A_535 = arith.constant 0 : i32
        %dma_wait3A_536 = arith.constant 0 : i32
        %dma_wait3A_537 = tpu.memref_slice %arg4[%add3A, %mul3A_89, %dma_wait3A_535, %dma_wait3A_536] : memref<32x50x5x40xi32, #tpu.memory_space<hbm>> -> memref<1x1x5x40xi32, #tpu.memory_space<hbm>>
        %dma_wait3A_538 = tpu.memref_squeeze %dma_wait3A_537 : memref<1x1x5x40xi32, #tpu.memory_space<hbm>> -> memref<5x40xi32, #tpu.memory_space<hbm>>
        %dma_wait3A_539 = arith.constant 0 : i32
        %dma_wait3A_540 = arith.constant 0 : i32
        %dma_wait3A_541 = tpu.memref_slice %arg4[%add3A, %mul3A_89, %dma_wait3A_539, %dma_wait3A_540] : memref<32x50x5x40xi32, #tpu.memory_space<hbm>> -> memref<1x1x5x40xi32, #tpu.memory_space<hbm>>
        %dma_wait3A_542 = tpu.memref_squeeze %dma_wait3A_541 : memref<1x1x5x40xi32, #tpu.memory_space<hbm>> -> memref<5x40xi32, #tpu.memory_space<hbm>>
        tpu.wait_dma2 semaphore(%run_scoped3A : memref<!tpu.dma_semaphore, #tpu.memory_space<semaphore_mem>>) src(%dma_wait3A_542 : memref<5x40xi32, #tpu.memory_space<hbm>>) dst(%arg7 : memref<5x40xi32, #tpu.memory_space<vmem>>)
        tpu.yield
      }) : () -> ()
      %convert_element_type3A = arith.extui %gt3A_90 : i1 to i32
      %cond3A = arith.constant 0 : i32
      %cond3A_91 = arith.cmpi ne, %convert_element_type3A, %cond3A : i32
      scf.if %cond3A_91 {
        %dma_wait3A_527 = arith.constant 0 : i32
        %dma_wait3A_528 = arith.constant 0 : i32
        %dma_wait3A_529 = arith.constant 0 : i32
        %dma_wait3A_530 = arith.constant 0 : i32
        %dma_wait3A_531 = tpu.memref_slice %arg9[%dma_wait3A_527, %dma_wait3A_529, %dma_wait3A_530] : memref<5x40x128xf32, #tpu.memory_space<vmem>> -> memref<1x40x128xf32, #tpu.memory_space<vmem>>
        %dma_wait3A_532 = tpu.memref_squeeze %dma_wait3A_531 : memref<1x40x128xf32, #tpu.memory_space<vmem>> -> memref<40x128xf32, #tpu.memory_space<vmem>>
        %dma_wait3A_533 = arith.constant 0 : i32
        %dma_wait3A_534 = tpu.memref_slice %arg7[%dma_wait3A_528, %dma_wait3A_533] : memref<5x40xi32, #tpu.memory_space<vmem>> -> memref<1x40xi32, #tpu.memory_space<vmem>>
        %dma_wait3A_535 = tpu.memref_squeeze %dma_wait3A_534 : memref<1x40xi32, #tpu.memory_space<vmem>> -> memref<40xi32, #tpu.memory_space<vmem>>
        %dma_wait3A_536 = arith.constant 0 : i32
        %dma_wait3A_537 = arith.constant 0 : i32
        %dma_wait3A_538 = tpu.memref_slice %arg10[%dma_wait3A_536, %dma_wait3A_537] : memref<10240x128xf32, #tpu.memory_space<vmem_shared>> -> memref<10240x128xf32, #tpu.memory_space<vmem_shared>>
        tpu.wait_indirect_dma semaphore(%arg12 : memref<!tpu.dma_semaphore, #tpu.memory_space<semaphore_mem>>) src(%dma_wait3A_532 : memref<40x128xf32, #tpu.memory_space<vmem>>) dst(%dma_wait3A_538 : memref<10240x128xf32, #tpu.memory_space<vmem_shared>>)
      } else {
      }
      %dma_start3A = arith.constant 0 : i32
      %dma_start3A_92 = arith.constant 0 : i32
      %dma_start3A_93 = arith.constant 0 : i32
      %dma_start3A_94 = arith.constant 0 : i32
      %dma_start3A_95 = tpu.memref_slice %arg9[%dma_start3A_92, %dma_start3A_93, %dma_start3A_94] : memref<5x40x128xf32, #tpu.memory_space<vmem>> -> memref<1x40x128xf32, #tpu.memory_space<vmem>>
      %dma_start3A_96 = tpu.memref_squeeze %dma_start3A_95 : memref<1x40x128xf32, #tpu.memory_space<vmem>> -> memref<40x128xf32, #tpu.memory_space<vmem>>
      %dma_start3A_97 = arith.constant 0 : i32
      %dma_start3A_98 = tpu.memref_slice %arg6[%dma_start3A, %dma_start3A_97] : memref<5x40xi32, #tpu.memory_space<vmem>> -> memref<1x40xi32, #tpu.memory_space<vmem>>
      %dma_start3A_99 = tpu.memref_squeeze %dma_start3A_98 : memref<1x40xi32, #tpu.memory_space<vmem>> -> memref<40xi32, #tpu.memory_space<vmem>>
      %dma_start3A_100 = arith.constant 0 : i32
      %dma_start3A_101 = arith.constant 0 : i32
      %dma_start3A_102 = tpu.memref_slice %arg2[%dma_start3A_100, %dma_start3A_101] : memref<10000x128xf32, #tpu.memory_space<hbm>> -> memref<10000x128xf32, #tpu.memory_space<hbm>>
      tpu.enqueue_indirect_dma source(%dma_start3A_102 : memref<10000x128xf32, #tpu.memory_space<hbm>>) target(%dma_start3A_96 : memref<40x128xf32, #tpu.memory_space<vmem>>) offsets(%dma_start3A_99 : memref<40xi32, #tpu.memory_space<vmem>>) semaphore(%arg11 : memref<!tpu.dma_semaphore, #tpu.memory_space<semaphore_mem>>)
      %convert_element_type3A_103 = arith.extui %gt3A_90 : i1 to i32
      %cond3A_104 = arith.constant 0 : i32
      %cond3A_105 = arith.cmpi ne, %convert_element_type3A_103, %cond3A_104 : i32
      scf.if %cond3A_105 {
        %dma_wait3A_527 = arith.constant 1 : i32
        %dma_wait3A_528 = arith.constant 1 : i32
        %dma_wait3A_529 = arith.constant 0 : i32
        %dma_wait3A_530 = arith.constant 0 : i32
        %dma_wait3A_531 = tpu.memref_slice %arg9[%dma_wait3A_527, %dma_wait3A_529, %dma_wait3A_530] : memref<5x40x128xf32, #tpu.memory_space<vmem>> -> memref<1x40x128xf32, #tpu.memory_space<vmem>>
        %dma_wait3A_532 = tpu.memref_squeeze %dma_wait3A_531 : memref<1x40x128xf32, #tpu.memory_space<vmem>> -> memref<40x128xf32, #tpu.memory_space<vmem>>
        %dma_wait3A_533 = arith.constant 0 : i32
        %dma_wait3A_534 = tpu.memref_slice %arg7[%dma_wait3A_528, %dma_wait3A_533] : memref<5x40xi32, #tpu.memory_space<vmem>> -> memref<1x40xi32, #tpu.memory_space<vmem>>
        %dma_wait3A_535 = tpu.memref_squeeze %dma_wait3A_534 : memref<1x40xi32, #tpu.memory_space<vmem>> -> memref<40xi32, #tpu.memory_space<vmem>>
        %dma_wait3A_536 = arith.constant 0 : i32
        %dma_wait3A_537 = arith.constant 0 : i32
        %dma_wait3A_538 = tpu.memref_slice %arg10[%dma_wait3A_536, %dma_wait3A_537] : memref<10240x128xf32, #tpu.memory_space<vmem_shared>> -> memref<10240x128xf32, #tpu.memory_space<vmem_shared>>
        tpu.wait_indirect_dma semaphore(%arg12 : memref<!tpu.dma_semaphore, #tpu.memory_space<semaphore_mem>>) src(%dma_wait3A_532 : memref<40x128xf32, #tpu.memory_space<vmem>>) dst(%dma_wait3A_538 : memref<10240x128xf32, #tpu.memory_space<vmem_shared>>)
      } else {
      }
      %dma_start3A_106 = arith.constant 1 : i32
      %dma_start3A_107 = arith.constant 1 : i32
      %dma_start3A_108 = arith.constant 0 : i32
      %dma_start3A_109 = arith.constant 0 : i32
      %dma_start3A_110 = tpu.memref_slice %arg9[%dma_start3A_107, %dma_start3A_108, %dma_start3A_109] : memref<5x40x128xf32, #tpu.memory_space<vmem>> -> memref<1x40x128xf32, #tpu.memory_space<vmem>>
      %dma_start3A_111 = tpu.memref_squeeze %dma_start3A_110 : memref<1x40x128xf32, #tpu.memory_space<vmem>> -> memref<40x128xf32, #tpu.memory_space<vmem>>
      %dma_start3A_112 = arith.constant 0 : i32
      %dma_start3A_113 = tpu.memref_slice %arg6[%dma_start3A_106, %dma_start3A_112] : memref<5x40xi32, #tpu.memory_space<vmem>> -> memref<1x40xi32, #tpu.memory_space<vmem>>
      %dma_start3A_114 = tpu.memref_squeeze %dma_start3A_113 : memref<1x40xi32, #tpu.memory_space<vmem>> -> memref<40xi32, #tpu.memory_space<vmem>>
      %dma_start3A_115 = arith.constant 0 : i32
      %dma_start3A_116 = arith.constant 0 : i32
      %dma_start3A_117 = tpu.memref_slice %arg2[%dma_start3A_115, %dma_start3A_116] : memref<10000x128xf32, #tpu.memory_space<hbm>> -> memref<10000x128xf32, #tpu.memory_space<hbm>>
      tpu.enqueue_indirect_dma source(%dma_start3A_117 : memref<10000x128xf32, #tpu.memory_space<hbm>>) target(%dma_start3A_111 : memref<40x128xf32, #tpu.memory_space<vmem>>) offsets(%dma_start3A_114 : memref<40xi32, #tpu.memory_space<vmem>>) semaphore(%arg11 : memref<!tpu.dma_semaphore, #tpu.memory_space<semaphore_mem>>)
      %convert_element_type3A_118 = arith.extui %gt3A_90 : i1 to i32
      %cond3A_119 = arith.constant 0 : i32
      %cond3A_120 = arith.cmpi ne, %convert_element_type3A_118, %cond3A_119 : i32
      scf.if %cond3A_120 {
        %dma_wait3A_527 = arith.constant 2 : i32
        %dma_wait3A_528 = arith.constant 2 : i32
        %dma_wait3A_529 = arith.constant 0 : i32
        %dma_wait3A_530 = arith.constant 0 : i32
        %dma_wait3A_531 = tpu.memref_slice %arg9[%dma_wait3A_527, %dma_wait3A_529, %dma_wait3A_530] : memref<5x40x128xf32, #tpu.memory_space<vmem>> -> memref<1x40x128xf32, #tpu.memory_space<vmem>>
        %dma_wait3A_532 = tpu.memref_squeeze %dma_wait3A_531 : memref<1x40x128xf32, #tpu.memory_space<vmem>> -> memref<40x128xf32, #tpu.memory_space<vmem>>
        %dma_wait3A_533 = arith.constant 0 : i32
        %dma_wait3A_534 = tpu.memref_slice %arg7[%dma_wait3A_528, %dma_wait3A_533] : memref<5x40xi32, #tpu.memory_space<vmem>> -> memref<1x40xi32, #tpu.memory_space<vmem>>
        %dma_wait3A_535 = tpu.memref_squeeze %dma_wait3A_534 : memref<1x40xi32, #tpu.memory_space<vmem>> -> memref<40xi32, #tpu.memory_space<vmem>>
        %dma_wait3A_536 = arith.constant 0 : i32
        %dma_wait3A_537 = arith.constant 0 : i32
        %dma_wait3A_538 = tpu.memref_slice %arg10[%dma_wait3A_536, %dma_wait3A_537] : memref<10240x128xf32, #tpu.memory_space<vmem_shared>> -> memref<10240x128xf32, #tpu.memory_space<vmem_shared>>
        tpu.wait_indirect_dma semaphore(%arg12 : memref<!tpu.dma_semaphore, #tpu.memory_space<semaphore_mem>>) src(%dma_wait3A_532 : memref<40x128xf32, #tpu.memory_space<vmem>>) dst(%dma_wait3A_538 : memref<10240x128xf32, #tpu.memory_space<vmem_shared>>)
      } else {
      }
      %dma_start3A_121 = arith.constant 2 : i32
      %dma_start3A_122 = arith.constant 2 : i32
      %dma_start3A_123 = arith.constant 0 : i32
      %dma_start3A_124 = arith.constant 0 : i32
      %dma_start3A_125 = tpu.memref_slice %arg9[%dma_start3A_122, %dma_start3A_123, %dma_start3A_124] : memref<5x40x128xf32, #tpu.memory_space<vmem>> -> memref<1x40x128xf32, #tpu.memory_space<vmem>>
      %dma_start3A_126 = tpu.memref_squeeze %dma_start3A_125 : memref<1x40x128xf32, #tpu.memory_space<vmem>> -> memref<40x128xf32, #tpu.memory_space<vmem>>
      %dma_start3A_127 = arith.constant 0 : i32
      %dma_start3A_128 = tpu.memref_slice %arg6[%dma_start3A_121, %dma_start3A_127] : memref<5x40xi32, #tpu.memory_space<vmem>> -> memref<1x40xi32, #tpu.memory_space<vmem>>
      %dma_start3A_129 = tpu.memref_squeeze %dma_start3A_128 : memref<1x40xi32, #tpu.memory_space<vmem>> -> memref<40xi32, #tpu.memory_space<vmem>>
      %dma_start3A_130 = arith.constant 0 : i32
      %dma_start3A_131 = arith.constant 0 : i32
      %dma_start3A_132 = tpu.memref_slice %arg2[%dma_start3A_130, %dma_start3A_131] : memref<10000x128xf32, #tpu.memory_space<hbm>> -> memref<10000x128xf32, #tpu.memory_space<hbm>>
      tpu.enqueue_indirect_dma source(%dma_start3A_132 : memref<10000x128xf32, #tpu.memory_space<hbm>>) target(%dma_start3A_126 : memref<40x128xf32, #tpu.memory_space<vmem>>) offsets(%dma_start3A_129 : memref<40xi32, #tpu.memory_space<vmem>>) semaphore(%arg11 : memref<!tpu.dma_semaphore, #tpu.memory_space<semaphore_mem>>)
      %convert_element_type3A_133 = arith.extui %gt3A_90 : i1 to i32
      %cond3A_134 = arith.constant 0 : i32
      %cond3A_135 = arith.cmpi ne, %convert_element_type3A_133, %cond3A_134 : i32
      scf.if %cond3A_135 {
        %dma_wait3A_527 = arith.constant 3 : i32
        %dma_wait3A_528 = arith.constant 3 : i32
        %dma_wait3A_529 = arith.constant 0 : i32
        %dma_wait3A_530 = arith.constant 0 : i32
        %dma_wait3A_531 = tpu.memref_slice %arg9[%dma_wait3A_527, %dma_wait3A_529, %dma_wait3A_530] : memref<5x40x128xf32, #tpu.memory_space<vmem>> -> memref<1x40x128xf32, #tpu.memory_space<vmem>>
        %dma_wait3A_532 = tpu.memref_squeeze %dma_wait3A_531 : memref<1x40x128xf32, #tpu.memory_space<vmem>> -> memref<40x128xf32, #tpu.memory_space<vmem>>
        %dma_wait3A_533 = arith.constant 0 : i32
        %dma_wait3A_534 = tpu.memref_slice %arg7[%dma_wait3A_528, %dma_wait3A_533] : memref<5x40xi32, #tpu.memory_space<vmem>> -> memref<1x40xi32, #tpu.memory_space<vmem>>
        %dma_wait3A_535 = tpu.memref_squeeze %dma_wait3A_534 : memref<1x40xi32, #tpu.memory_space<vmem>> -> memref<40xi32, #tpu.memory_space<vmem>>
        %dma_wait3A_536 = arith.constant 0 : i32
        %dma_wait3A_537 = arith.constant 0 : i32
        %dma_wait3A_538 = tpu.memref_slice %arg10[%dma_wait3A_536, %dma_wait3A_537] : memref<10240x128xf32, #tpu.memory_space<vmem_shared>> -> memref<10240x128xf32, #tpu.memory_space<vmem_shared>>
        tpu.wait_indirect_dma semaphore(%arg12 : memref<!tpu.dma_semaphore, #tpu.memory_space<semaphore_mem>>) src(%dma_wait3A_532 : memref<40x128xf32, #tpu.memory_space<vmem>>) dst(%dma_wait3A_538 : memref<10240x128xf32, #tpu.memory_space<vmem_shared>>)
      } else {
      }
      %dma_start3A_136 = arith.constant 3 : i32
      %dma_start3A_137 = arith.constant 3 : i32
      %dma_start3A_138 = arith.constant 0 : i32
      %dma_start3A_139 = arith.constant 0 : i32
      %dma_start3A_140 = tpu.memref_slice %arg9[%dma_start3A_137, %dma_start3A_138, %dma_start3A_139] : memref<5x40x128xf32, #tpu.memory_space<vmem>> -> memref<1x40x128xf32, #tpu.memory_space<vmem>>
      %dma_start3A_141 = tpu.memref_squeeze %dma_start3A_140 : memref<1x40x128xf32, #tpu.memory_space<vmem>> -> memref<40x128xf32, #tpu.memory_space<vmem>>
      %dma_start3A_142 = arith.constant 0 : i32
      %dma_start3A_143 = tpu.memref_slice %arg6[%dma_start3A_136, %dma_start3A_142] : memref<5x40xi32, #tpu.memory_space<vmem>> -> memref<1x40xi32, #tpu.memory_space<vmem>>
      %dma_start3A_144 = tpu.memref_squeeze %dma_start3A_143 : memref<1x40xi32, #tpu.memory_space<vmem>> -> memref<40xi32, #tpu.memory_space<vmem>>
      %dma_start3A_145 = arith.constant 0 : i32
      %dma_start3A_146 = arith.constant 0 : i32
      %dma_start3A_147 = tpu.memref_slice %arg2[%dma_start3A_145, %dma_start3A_146] : memref<10000x128xf32, #tpu.memory_space<hbm>> -> memref<10000x128xf32, #tpu.memory_space<hbm>>
      tpu.enqueue_indirect_dma source(%dma_start3A_147 : memref<10000x128xf32, #tpu.memory_space<hbm>>) target(%dma_start3A_141 : memref<40x128xf32, #tpu.memory_space<vmem>>) offsets(%dma_start3A_144 : memref<40xi32, #tpu.memory_space<vmem>>) semaphore(%arg11 : memref<!tpu.dma_semaphore, #tpu.memory_space<semaphore_mem>>)
      %convert_element_type3A_148 = arith.extui %gt3A_90 : i1 to i32
      %cond3A_149 = arith.constant 0 : i32
      %cond3A_150 = arith.cmpi ne, %convert_element_type3A_148, %cond3A_149 : i32
      scf.if %cond3A_150 {
        %dma_wait3A_527 = arith.constant 4 : i32
        %dma_wait3A_528 = arith.constant 4 : i32
        %dma_wait3A_529 = arith.constant 0 : i32
        %dma_wait3A_530 = arith.constant 0 : i32
        %dma_wait3A_531 = tpu.memref_slice %arg9[%dma_wait3A_527, %dma_wait3A_529, %dma_wait3A_530] : memref<5x40x128xf32, #tpu.memory_space<vmem>> -> memref<1x40x128xf32, #tpu.memory_space<vmem>>
        %dma_wait3A_532 = tpu.memref_squeeze %dma_wait3A_531 : memref<1x40x128xf32, #tpu.memory_space<vmem>> -> memref<40x128xf32, #tpu.memory_space<vmem>>
        %dma_wait3A_533 = arith.constant 0 : i32
        %dma_wait3A_534 = tpu.memref_slice %arg7[%dma_wait3A_528, %dma_wait3A_533] : memref<5x40xi32, #tpu.memory_space<vmem>> -> memref<1x40xi32, #tpu.memory_space<vmem>>
        %dma_wait3A_535 = tpu.memref_squeeze %dma_wait3A_534 : memref<1x40xi32, #tpu.memory_space<vmem>> -> memref<40xi32, #tpu.memory_space<vmem>>
        %dma_wait3A_536 = arith.constant 0 : i32
        %dma_wait3A_537 = arith.constant 0 : i32
        %dma_wait3A_538 = tpu.memref_slice %arg10[%dma_wait3A_536, %dma_wait3A_537] : memref<10240x128xf32, #tpu.memory_space<vmem_shared>> -> memref<10240x128xf32, #tpu.memory_space<vmem_shared>>
        tpu.wait_indirect_dma semaphore(%arg12 : memref<!tpu.dma_semaphore, #tpu.memory_space<semaphore_mem>>) src(%dma_wait3A_532 : memref<40x128xf32, #tpu.memory_space<vmem>>) dst(%dma_wait3A_538 : memref<10240x128xf32, #tpu.memory_space<vmem_shared>>)
      } else {
      }
      %dma_start3A_151 = arith.constant 4 : i32
      %dma_start3A_152 = arith.constant 4 : i32
      %dma_start3A_153 = arith.constant 0 : i32
      %dma_start3A_154 = arith.constant 0 : i32
      %dma_start3A_155 = tpu.memref_slice %arg9[%dma_start3A_152, %dma_start3A_153, %dma_start3A_154] : memref<5x40x128xf32, #tpu.memory_space<vmem>> -> memref<1x40x128xf32, #tpu.memory_space<vmem>>
      %dma_start3A_156 = tpu.memref_squeeze %dma_start3A_155 : memref<1x40x128xf32, #tpu.memory_space<vmem>> -> memref<40x128xf32, #tpu.memory_space<vmem>>
      %dma_start3A_157 = arith.constant 0 : i32
      %dma_start3A_158 = tpu.memref_slice %arg6[%dma_start3A_151, %dma_start3A_157] : memref<5x40xi32, #tpu.memory_space<vmem>> -> memref<1x40xi32, #tpu.memory_space<vmem>>
      %dma_start3A_159 = tpu.memref_squeeze %dma_start3A_158 : memref<1x40xi32, #tpu.memory_space<vmem>> -> memref<40xi32, #tpu.memory_space<vmem>>
      %dma_start3A_160 = arith.constant 0 : i32
      %dma_start3A_161 = arith.constant 0 : i32
      %dma_start3A_162 = tpu.memref_slice %arg2[%dma_start3A_160, %dma_start3A_161] : memref<10000x128xf32, #tpu.memory_space<hbm>> -> memref<10000x128xf32, #tpu.memory_space<hbm>>
      tpu.enqueue_indirect_dma source(%dma_start3A_162 : memref<10000x128xf32, #tpu.memory_space<hbm>>) target(%dma_start3A_156 : memref<40x128xf32, #tpu.memory_space<vmem>>) offsets(%dma_start3A_159 : memref<40xi32, #tpu.memory_space<vmem>>) semaphore(%arg11 : memref<!tpu.dma_semaphore, #tpu.memory_space<semaphore_mem>>)
      %dma_wait3A_163 = arith.constant 0 : i32
      %dma_wait3A_164 = arith.constant 0 : i32
      %dma_wait3A_165 = arith.constant 0 : i32
      %dma_wait3A_166 = arith.constant 0 : i32
      %dma_wait3A_167 = tpu.memref_slice %arg9[%dma_wait3A_164, %dma_wait3A_165, %dma_wait3A_166] : memref<5x40x128xf32, #tpu.memory_space<vmem>> -> memref<1x40x128xf32, #tpu.memory_space<vmem>>
      %dma_wait3A_168 = tpu.memref_squeeze %dma_wait3A_167 : memref<1x40x128xf32, #tpu.memory_space<vmem>> -> memref<40x128xf32, #tpu.memory_space<vmem>>
      %dma_wait3A_169 = arith.constant 0 : i32
      %dma_wait3A_170 = tpu.memref_slice %arg6[%dma_wait3A_163, %dma_wait3A_169] : memref<5x40xi32, #tpu.memory_space<vmem>> -> memref<1x40xi32, #tpu.memory_space<vmem>>
      %dma_wait3A_171 = tpu.memref_squeeze %dma_wait3A_170 : memref<1x40xi32, #tpu.memory_space<vmem>> -> memref<40xi32, #tpu.memory_space<vmem>>
      %dma_wait3A_172 = arith.constant 0 : i32
      %dma_wait3A_173 = arith.constant 0 : i32
      %dma_wait3A_174 = tpu.memref_slice %arg2[%dma_wait3A_172, %dma_wait3A_173] : memref<10000x128xf32, #tpu.memory_space<hbm>> -> memref<10000x128xf32, #tpu.memory_space<hbm>>
      tpu.wait_indirect_dma semaphore(%arg11 : memref<!tpu.dma_semaphore, #tpu.memory_space<semaphore_mem>>) src(%dma_wait3A_174 : memref<10000x128xf32, #tpu.memory_space<hbm>>) dst(%dma_wait3A_168 : memref<40x128xf32, #tpu.memory_space<vmem>>)
      %dma_start3A_175 = arith.constant 0 : i32
      %dma_start3A_176 = arith.constant 0 : i32
      %dma_start3A_177 = arith.constant 0 : i32
      %dma_start3A_178 = arith.constant 0 : i32
      %dma_start3A_179 = tpu.memref_slice %arg9[%dma_start3A_175, %dma_start3A_177, %dma_start3A_178] : memref<5x40x128xf32, #tpu.memory_space<vmem>> -> memref<1x40x128xf32, #tpu.memory_space<vmem>>
      %dma_start3A_180 = tpu.memref_squeeze %dma_start3A_179 : memref<1x40x128xf32, #tpu.memory_space<vmem>> -> memref<40x128xf32, #tpu.memory_space<vmem>>
      %dma_start3A_181 = arith.constant 0 : i32
      %dma_start3A_182 = tpu.memref_slice %arg7[%dma_start3A_176, %dma_start3A_181] : memref<5x40xi32, #tpu.memory_space<vmem>> -> memref<1x40xi32, #tpu.memory_space<vmem>>
      %dma_start3A_183 = tpu.memref_squeeze %dma_start3A_182 : memref<1x40xi32, #tpu.memory_space<vmem>> -> memref<40xi32, #tpu.memory_space<vmem>>
      %dma_start3A_184 = arith.constant 0 : i32
      %dma_start3A_185 = arith.constant 0 : i32
      %dma_start3A_186 = tpu.memref_slice %arg10[%dma_start3A_184, %dma_start3A_185] : memref<10240x128xf32, #tpu.memory_space<vmem_shared>> -> memref<10240x128xf32, #tpu.memory_space<vmem_shared>>
      tpu.enqueue_indirect_dma source(%dma_start3A_180 : memref<40x128xf32, #tpu.memory_space<vmem>>) target(%dma_start3A_186 : memref<10240x128xf32, #tpu.memory_space<vmem_shared>>) offsets(%dma_start3A_183 : memref<40xi32, #tpu.memory_space<vmem>>) semaphore(%arg12 : memref<!tpu.dma_semaphore, #tpu.memory_space<semaphore_mem>>) {add = true}
      %dma_wait3A_187 = arith.constant 1 : i32
      %dma_wait3A_188 = arith.constant 1 : i32
      %dma_wait3A_189 = arith.constant 0 : i32
      %dma_wait3A_190 = arith.constant 0 : i32
      %dma_wait3A_191 = tpu.memref_slice %arg9[%dma_wait3A_188, %dma_wait3A_189, %dma_wait3A_190] : memref<5x40x128xf32, #tpu.memory_space<vmem>> -> memref<1x40x128xf32, #tpu.memory_space<vmem>>
      %dma_wait3A_192 = tpu.memref_squeeze %dma_wait3A_191 : memref<1x40x128xf32, #tpu.memory_space<vmem>> -> memref<40x128xf32, #tpu.memory_space<vmem>>
      %dma_wait3A_193 = arith.constant 0 : i32
      %dma_wait3A_194 = tpu.memref_slice %arg6[%dma_wait3A_187, %dma_wait3A_193] : memref<5x40xi32, #tpu.memory_space<vmem>> -> memref<1x40xi32, #tpu.memory_space<vmem>>
      %dma_wait3A_195 = tpu.memref_squeeze %dma_wait3A_194 : memref<1x40xi32, #tpu.memory_space<vmem>> -> memref<40xi32, #tpu.memory_space<vmem>>
      %dma_wait3A_196 = arith.constant 0 : i32
      %dma_wait3A_197 = arith.constant 0 : i32
      %dma_wait3A_198 = tpu.memref_slice %arg2[%dma_wait3A_196, %dma_wait3A_197] : memref<10000x128xf32, #tpu.memory_space<hbm>> -> memref<10000x128xf32, #tpu.memory_space<hbm>>
      tpu.wait_indirect_dma semaphore(%arg11 : memref<!tpu.dma_semaphore, #tpu.memory_space<semaphore_mem>>) src(%dma_wait3A_198 : memref<10000x128xf32, #tpu.memory_space<hbm>>) dst(%dma_wait3A_192 : memref<40x128xf32, #tpu.memory_space<vmem>>)
      %dma_start3A_199 = arith.constant 1 : i32
      %dma_start3A_200 = arith.constant 1 : i32
      %dma_start3A_201 = arith.constant 0 : i32
      %dma_start3A_202 = arith.constant 0 : i32
      %dma_start3A_203 = tpu.memref_slice %arg9[%dma_start3A_199, %dma_start3A_201, %dma_start3A_202] : memref<5x40x128xf32, #tpu.memory_space<vmem>> -> memref<1x40x128xf32, #tpu.memory_space<vmem>>
      %dma_start3A_204 = tpu.memref_squeeze %dma_start3A_203 : memref<1x40x128xf32, #tpu.memory_space<vmem>> -> memref<40x128xf32, #tpu.memory_space<vmem>>
      %dma_start3A_205 = arith.constant 0 : i32
      %dma_start3A_206 = tpu.memref_slice %arg7[%dma_start3A_200, %dma_start3A_205] : memref<5x40xi32, #tpu.memory_space<vmem>> -> memref<1x40xi32, #tpu.memory_space<vmem>>
      %dma_start3A_207 = tpu.memref_squeeze %dma_start3A_206 : memref<1x40xi32, #tpu.memory_space<vmem>> -> memref<40xi32, #tpu.memory_space<vmem>>
      %dma_start3A_208 = arith.constant 0 : i32
      %dma_start3A_209 = arith.constant 0 : i32
      %dma_start3A_210 = tpu.memref_slice %arg10[%dma_start3A_208, %dma_start3A_209] : memref<10240x128xf32, #tpu.memory_space<vmem_shared>> -> memref<10240x128xf32, #tpu.memory_space<vmem_shared>>
      tpu.enqueue_indirect_dma source(%dma_start3A_204 : memref<40x128xf32, #tpu.memory_space<vmem>>) target(%dma_start3A_210 : memref<10240x128xf32, #tpu.memory_space<vmem_shared>>) offsets(%dma_start3A_207 : memref<40xi32, #tpu.memory_space<vmem>>) semaphore(%arg12 : memref<!tpu.dma_semaphore, #tpu.memory_space<semaphore_mem>>) {add = true}
      %dma_wait3A_211 = arith.constant 2 : i32
      %dma_wait3A_212 = arith.constant 2 : i32
      %dma_wait3A_213 = arith.constant 0 : i32
      %dma_wait3A_214 = arith.constant 0 : i32
      %dma_wait3A_215 = tpu.memref_slice %arg9[%dma_wait3A_212, %dma_wait3A_213, %dma_wait3A_214] : memref<5x40x128xf32, #tpu.memory_space<vmem>> -> memref<1x40x128xf32, #tpu.memory_space<vmem>>
      %dma_wait3A_216 = tpu.memref_squeeze %dma_wait3A_215 : memref<1x40x128xf32, #tpu.memory_space<vmem>> -> memref<40x128xf32, #tpu.memory_space<vmem>>
      %dma_wait3A_217 = arith.constant 0 : i32
      %dma_wait3A_218 = tpu.memref_slice %arg6[%dma_wait3A_211, %dma_wait3A_217] : memref<5x40xi32, #tpu.memory_space<vmem>> -> memref<1x40xi32, #tpu.memory_space<vmem>>
      %dma_wait3A_219 = tpu.memref_squeeze %dma_wait3A_218 : memref<1x40xi32, #tpu.memory_space<vmem>> -> memref<40xi32, #tpu.memory_space<vmem>>
      %dma_wait3A_220 = arith.constant 0 : i32
      %dma_wait3A_221 = arith.constant 0 : i32
      %dma_wait3A_222 = tpu.memref_slice %arg2[%dma_wait3A_220, %dma_wait3A_221] : memref<10000x128xf32, #tpu.memory_space<hbm>> -> memref<10000x128xf32, #tpu.memory_space<hbm>>
      tpu.wait_indirect_dma semaphore(%arg11 : memref<!tpu.dma_semaphore, #tpu.memory_space<semaphore_mem>>) src(%dma_wait3A_222 : memref<10000x128xf32, #tpu.memory_space<hbm>>) dst(%dma_wait3A_216 : memref<40x128xf32, #tpu.memory_space<vmem>>)
      %dma_start3A_223 = arith.constant 2 : i32
      %dma_start3A_224 = arith.constant 2 : i32
      %dma_start3A_225 = arith.constant 0 : i32
      %dma_start3A_226 = arith.constant 0 : i32
      %dma_start3A_227 = tpu.memref_slice %arg9[%dma_start3A_223, %dma_start3A_225, %dma_start3A_226] : memref<5x40x128xf32, #tpu.memory_space<vmem>> -> memref<1x40x128xf32, #tpu.memory_space<vmem>>
      %dma_start3A_228 = tpu.memref_squeeze %dma_start3A_227 : memref<1x40x128xf32, #tpu.memory_space<vmem>> -> memref<40x128xf32, #tpu.memory_space<vmem>>
      %dma_start3A_229 = arith.constant 0 : i32
      %dma_start3A_230 = tpu.memref_slice %arg7[%dma_start3A_224, %dma_start3A_229] : memref<5x40xi32, #tpu.memory_space<vmem>> -> memref<1x40xi32, #tpu.memory_space<vmem>>
      %dma_start3A_231 = tpu.memref_squeeze %dma_start3A_230 : memref<1x40xi32, #tpu.memory_space<vmem>> -> memref<40xi32, #tpu.memory_space<vmem>>
      %dma_start3A_232 = arith.constant 0 : i32
      %dma_start3A_233 = arith.constant 0 : i32
      %dma_start3A_234 = tpu.memref_slice %arg10[%dma_start3A_232, %dma_start3A_233] : memref<10240x128xf32, #tpu.memory_space<vmem_shared>> -> memref<10240x128xf32, #tpu.memory_space<vmem_shared>>
      tpu.enqueue_indirect_dma source(%dma_start3A_228 : memref<40x128xf32, #tpu.memory_space<vmem>>) target(%dma_start3A_234 : memref<10240x128xf32, #tpu.memory_space<vmem_shared>>) offsets(%dma_start3A_231 : memref<40xi32, #tpu.memory_space<vmem>>) semaphore(%arg12 : memref<!tpu.dma_semaphore, #tpu.memory_space<semaphore_mem>>) {add = true}
      %dma_wait3A_235 = arith.constant 3 : i32
      %dma_wait3A_236 = arith.constant 3 : i32
      %dma_wait3A_237 = arith.constant 0 : i32
      %dma_wait3A_238 = arith.constant 0 : i32
      %dma_wait3A_239 = tpu.memref_slice %arg9[%dma_wait3A_236, %dma_wait3A_237, %dma_wait3A_238] : memref<5x40x128xf32, #tpu.memory_space<vmem>> -> memref<1x40x128xf32, #tpu.memory_space<vmem>>
      %dma_wait3A_240 = tpu.memref_squeeze %dma_wait3A_239 : memref<1x40x128xf32, #tpu.memory_space<vmem>> -> memref<40x128xf32, #tpu.memory_space<vmem>>
      %dma_wait3A_241 = arith.constant 0 : i32
      %dma_wait3A_242 = tpu.memref_slice %arg6[%dma_wait3A_235, %dma_wait3A_241] : memref<5x40xi32, #tpu.memory_space<vmem>> -> memref<1x40xi32, #tpu.memory_space<vmem>>
      %dma_wait3A_243 = tpu.memref_squeeze %dma_wait3A_242 : memref<1x40xi32, #tpu.memory_space<vmem>> -> memref<40xi32, #tpu.memory_space<vmem>>
      %dma_wait3A_244 = arith.constant 0 : i32
      %dma_wait3A_245 = arith.constant 0 : i32
      %dma_wait3A_246 = tpu.memref_slice %arg2[%dma_wait3A_244, %dma_wait3A_245] : memref<10000x128xf32, #tpu.memory_space<hbm>> -> memref<10000x128xf32, #tpu.memory_space<hbm>>
      tpu.wait_indirect_dma semaphore(%arg11 : memref<!tpu.dma_semaphore, #tpu.memory_space<semaphore_mem>>) src(%dma_wait3A_246 : memref<10000x128xf32, #tpu.memory_space<hbm>>) dst(%dma_wait3A_240 : memref<40x128xf32, #tpu.memory_space<vmem>>)
      %dma_start3A_247 = arith.constant 3 : i32
      %dma_start3A_248 = arith.constant 3 : i32
      %dma_start3A_249 = arith.constant 0 : i32
      %dma_start3A_250 = arith.constant 0 : i32
      %dma_start3A_251 = tpu.memref_slice %arg9[%dma_start3A_247, %dma_start3A_249, %dma_start3A_250] : memref<5x40x128xf32, #tpu.memory_space<vmem>> -> memref<1x40x128xf32, #tpu.memory_space<vmem>>
      %dma_start3A_252 = tpu.memref_squeeze %dma_start3A_251 : memref<1x40x128xf32, #tpu.memory_space<vmem>> -> memref<40x128xf32, #tpu.memory_space<vmem>>
      %dma_start3A_253 = arith.constant 0 : i32
      %dma_start3A_254 = tpu.memref_slice %arg7[%dma_start3A_248, %dma_start3A_253] : memref<5x40xi32, #tpu.memory_space<vmem>> -> memref<1x40xi32, #tpu.memory_space<vmem>>
      %dma_start3A_255 = tpu.memref_squeeze %dma_start3A_254 : memref<1x40xi32, #tpu.memory_space<vmem>> -> memref<40xi32, #tpu.memory_space<vmem>>
      %dma_start3A_256 = arith.constant 0 : i32
      %dma_start3A_257 = arith.constant 0 : i32
      %dma_start3A_258 = tpu.memref_slice %arg10[%dma_start3A_256, %dma_start3A_257] : memref<10240x128xf32, #tpu.memory_space<vmem_shared>> -> memref<10240x128xf32, #tpu.memory_space<vmem_shared>>
      tpu.enqueue_indirect_dma source(%dma_start3A_252 : memref<40x128xf32, #tpu.memory_space<vmem>>) target(%dma_start3A_258 : memref<10240x128xf32, #tpu.memory_space<vmem_shared>>) offsets(%dma_start3A_255 : memref<40xi32, #tpu.memory_space<vmem>>) semaphore(%arg12 : memref<!tpu.dma_semaphore, #tpu.memory_space<semaphore_mem>>) {add = true}
      %dma_wait3A_259 = arith.constant 4 : i32
      %dma_wait3A_260 = arith.constant 4 : i32
      %dma_wait3A_261 = arith.constant 0 : i32
      %dma_wait3A_262 = arith.constant 0 : i32
      %dma_wait3A_263 = tpu.memref_slice %arg9[%dma_wait3A_260, %dma_wait3A_261, %dma_wait3A_262] : memref<5x40x128xf32, #tpu.memory_space<vmem>> -> memref<1x40x128xf32, #tpu.memory_space<vmem>>
      %dma_wait3A_264 = tpu.memref_squeeze %dma_wait3A_263 : memref<1x40x128xf32, #tpu.memory_space<vmem>> -> memref<40x128xf32, #tpu.memory_space<vmem>>
      %dma_wait3A_265 = arith.constant 0 : i32
      %dma_wait3A_266 = tpu.memref_slice %arg6[%dma_wait3A_259, %dma_wait3A_265] : memref<5x40xi32, #tpu.memory_space<vmem>> -> memref<1x40xi32, #tpu.memory_space<vmem>>
      %dma_wait3A_267 = tpu.memref_squeeze %dma_wait3A_266 : memref<1x40xi32, #tpu.memory_space<vmem>> -> memref<40xi32, #tpu.memory_space<vmem>>
      %dma_wait3A_268 = arith.constant 0 : i32
      %dma_wait3A_269 = arith.constant 0 : i32
      %dma_wait3A_270 = tpu.memref_slice %arg2[%dma_wait3A_268, %dma_wait3A_269] : memref<10000x128xf32, #tpu.memory_space<hbm>> -> memref<10000x128xf32, #tpu.memory_space<hbm>>
      tpu.wait_indirect_dma semaphore(%arg11 : memref<!tpu.dma_semaphore, #tpu.memory_space<semaphore_mem>>) src(%dma_wait3A_270 : memref<10000x128xf32, #tpu.memory_space<hbm>>) dst(%dma_wait3A_264 : memref<40x128xf32, #tpu.memory_space<vmem>>)
      %dma_start3A_271 = arith.constant 4 : i32
      %dma_start3A_272 = arith.constant 4 : i32
      %dma_start3A_273 = arith.constant 0 : i32
      %dma_start3A_274 = arith.constant 0 : i32
      %dma_start3A_275 = tpu.memref_slice %arg9[%dma_start3A_271, %dma_start3A_273, %dma_start3A_274] : memref<5x40x128xf32, #tpu.memory_space<vmem>> -> memref<1x40x128xf32, #tpu.memory_space<vmem>>
      %dma_start3A_276 = tpu.memref_squeeze %dma_start3A_275 : memref<1x40x128xf32, #tpu.memory_space<vmem>> -> memref<40x128xf32, #tpu.memory_space<vmem>>
      %dma_start3A_277 = arith.constant 0 : i32
      %dma_start3A_278 = tpu.memref_slice %arg7[%dma_start3A_272, %dma_start3A_277] : memref<5x40xi32, #tpu.memory_space<vmem>> -> memref<1x40xi32, #tpu.memory_space<vmem>>
      %dma_start3A_279 = tpu.memref_squeeze %dma_start3A_278 : memref<1x40xi32, #tpu.memory_space<vmem>> -> memref<40xi32, #tpu.memory_space<vmem>>
      %dma_start3A_280 = arith.constant 0 : i32
      %dma_start3A_281 = arith.constant 0 : i32
      %dma_start3A_282 = tpu.memref_slice %arg10[%dma_start3A_280, %dma_start3A_281] : memref<10240x128xf32, #tpu.memory_space<vmem_shared>> -> memref<10240x128xf32, #tpu.memory_space<vmem_shared>>
      tpu.enqueue_indirect_dma source(%dma_start3A_276 : memref<40x128xf32, #tpu.memory_space<vmem>>) target(%dma_start3A_282 : memref<10240x128xf32, #tpu.memory_space<vmem_shared>>) offsets(%dma_start3A_279 : memref<40xi32, #tpu.memory_space<vmem>>) semaphore(%arg12 : memref<!tpu.dma_semaphore, #tpu.memory_space<semaphore_mem>>) {add = true}
      %mul3A_283 = arith.constant 2 : i32
      %mul3A_284 = arith.muli %mul3A_283, %scan3A_87 : i32
      %add3A_285 = arith.constant 1 : i32
      %add3A_286 = arith.addi %mul3A_284, %add3A_285 : i32
      "tpu.region"() ({
        %run_scoped3A = tpu.sem_alloc : memref<!tpu.dma_semaphore, #tpu.memory_space<semaphore_mem>>
        %dma_start3A_527 = arith.constant 0 : i32
        %dma_start3A_528 = arith.constant 0 : i32
        %dma_start3A_529 = tpu.memref_slice %arg3[%add3A, %add3A_286, %dma_start3A_527, %dma_start3A_528] : memref<32x50x5x40xi32, #tpu.memory_space<hbm>> -> memref<1x1x5x40xi32, #tpu.memory_space<hbm>>
        %dma_start3A_530 = tpu.memref_squeeze %dma_start3A_529 : memref<1x1x5x40xi32, #tpu.memory_space<hbm>> -> memref<5x40xi32, #tpu.memory_space<hbm>>
        %dma_start3A_531 = arith.constant 0 : i32
        %dma_start3A_532 = arith.constant 0 : i32
        %dma_start3A_533 = tpu.memref_slice %arg3[%add3A, %add3A_286, %dma_start3A_531, %dma_start3A_532] : memref<32x50x5x40xi32, #tpu.memory_space<hbm>> -> memref<1x1x5x40xi32, #tpu.memory_space<hbm>>
        %dma_start3A_534 = tpu.memref_squeeze %dma_start3A_533 : memref<1x1x5x40xi32, #tpu.memory_space<hbm>> -> memref<5x40xi32, #tpu.memory_space<hbm>>
        tpu.enqueue_dma source(%dma_start3A_534 : memref<5x40xi32, #tpu.memory_space<hbm>>) target(%arg6 : memref<5x40xi32, #tpu.memory_space<vmem>>) target_semaphore(%run_scoped3A : memref<!tpu.dma_semaphore, #tpu.memory_space<semaphore_mem>>)
        %dma_wait3A_535 = arith.constant 0 : i32
        %dma_wait3A_536 = arith.constant 0 : i32
        %dma_wait3A_537 = tpu.memref_slice %arg3[%add3A, %add3A_286, %dma_wait3A_535, %dma_wait3A_536] : memref<32x50x5x40xi32, #tpu.memory_space<hbm>> -> memref<1x1x5x40xi32, #tpu.memory_space<hbm>>
        %dma_wait3A_538 = tpu.memref_squeeze %dma_wait3A_537 : memref<1x1x5x40xi32, #tpu.memory_space<hbm>> -> memref<5x40xi32, #tpu.memory_space<hbm>>
        %dma_wait3A_539 = arith.constant 0 : i32
        %dma_wait3A_540 = arith.constant 0 : i32
        %dma_wait3A_541 = tpu.memref_slice %arg3[%add3A, %add3A_286, %dma_wait3A_539, %dma_wait3A_540] : memref<32x50x5x40xi32, #tpu.memory_space<hbm>> -> memref<1x1x5x40xi32, #tpu.memory_space<hbm>>
        %dma_wait3A_542 = tpu.memref_squeeze %dma_wait3A_541 : memref<1x1x5x40xi32, #tpu.memory_space<hbm>> -> memref<5x40xi32, #tpu.memory_space<hbm>>
        tpu.wait_dma2 semaphore(%run_scoped3A : memref<!tpu.dma_semaphore, #tpu.memory_space<semaphore_mem>>) src(%dma_wait3A_542 : memref<5x40xi32, #tpu.memory_space<hbm>>) dst(%arg6 : memref<5x40xi32, #tpu.memory_space<vmem>>)
        tpu.yield
      }) : () -> ()
      "tpu.region"() ({
        %run_scoped3A = tpu.sem_alloc : memref<!tpu.dma_semaphore, #tpu.memory_space<semaphore_mem>>
        %dma_start3A_527 = arith.constant 0 : i32
        %dma_start3A_528 = arith.constant 0 : i32
        %dma_start3A_529 = tpu.memref_slice %arg4[%add3A, %add3A_286, %dma_start3A_527, %dma_start3A_528] : memref<32x50x5x40xi32, #tpu.memory_space<hbm>> -> memref<1x1x5x40xi32, #tpu.memory_space<hbm>>
        %dma_start3A_530 = tpu.memref_squeeze %dma_start3A_529 : memref<1x1x5x40xi32, #tpu.memory_space<hbm>> -> memref<5x40xi32, #tpu.memory_space<hbm>>
        %dma_start3A_531 = arith.constant 0 : i32
        %dma_start3A_532 = arith.constant 0 : i32
        %dma_start3A_533 = tpu.memref_slice %arg4[%add3A, %add3A_286, %dma_start3A_531, %dma_start3A_532] : memref<32x50x5x40xi32, #tpu.memory_space<hbm>> -> memref<1x1x5x40xi32, #tpu.memory_space<hbm>>
        %dma_start3A_534 = tpu.memref_squeeze %dma_start3A_533 : memref<1x1x5x40xi32, #tpu.memory_space<hbm>> -> memref<5x40xi32, #tpu.memory_space<hbm>>
        tpu.enqueue_dma source(%dma_start3A_534 : memref<5x40xi32, #tpu.memory_space<hbm>>) target(%arg8 : memref<5x40xi32, #tpu.memory_space<vmem>>) target_semaphore(%run_scoped3A : memref<!tpu.dma_semaphore, #tpu.memory_space<semaphore_mem>>)
        %dma_wait3A_535 = arith.constant 0 : i32
        %dma_wait3A_536 = arith.constant 0 : i32
        %dma_wait3A_537 = tpu.memref_slice %arg4[%add3A, %add3A_286, %dma_wait3A_535, %dma_wait3A_536] : memref<32x50x5x40xi32, #tpu.memory_space<hbm>> -> memref<1x1x5x40xi32, #tpu.memory_space<hbm>>
        %dma_wait3A_538 = tpu.memref_squeeze %dma_wait3A_537 : memref<1x1x5x40xi32, #tpu.memory_space<hbm>> -> memref<5x40xi32, #tpu.memory_space<hbm>>
        %dma_wait3A_539 = arith.constant 0 : i32
        %dma_wait3A_540 = arith.constant 0 : i32
        %dma_wait3A_541 = tpu.memref_slice %arg4[%add3A, %add3A_286, %dma_wait3A_539, %dma_wait3A_540] : memref<32x50x5x40xi32, #tpu.memory_space<hbm>> -> memref<1x1x5x40xi32, #tpu.memory_space<hbm>>
        %dma_wait3A_542 = tpu.memref_squeeze %dma_wait3A_541 : memref<1x1x5x40xi32, #tpu.memory_space<hbm>> -> memref<5x40xi32, #tpu.memory_space<hbm>>
        tpu.wait_dma2 semaphore(%run_scoped3A : memref<!tpu.dma_semaphore, #tpu.memory_space<semaphore_mem>>) src(%dma_wait3A_542 : memref<5x40xi32, #tpu.memory_space<hbm>>) dst(%arg8 : memref<5x40xi32, #tpu.memory_space<vmem>>)
        tpu.yield
      }) : () -> ()
      %dma_wait3A_287 = arith.constant 0 : i32
      %dma_wait3A_288 = arith.constant 0 : i32
      %dma_wait3A_289 = arith.constant 0 : i32
      %dma_wait3A_290 = arith.constant 0 : i32
      %dma_wait3A_291 = tpu.memref_slice %arg9[%dma_wait3A_287, %dma_wait3A_289, %dma_wait3A_290] : memref<5x40x128xf32, #tpu.memory_space<vmem>> -> memref<1x40x128xf32, #tpu.memory_space<vmem>>
      %dma_wait3A_292 = tpu.memref_squeeze %dma_wait3A_291 : memref<1x40x128xf32, #tpu.memory_space<vmem>> -> memref<40x128xf32, #tpu.memory_space<vmem>>
      %dma_wait3A_293 = arith.constant 0 : i32
      %dma_wait3A_294 = tpu.memref_slice %arg8[%dma_wait3A_288, %dma_wait3A_293] : memref<5x40xi32, #tpu.memory_space<vmem>> -> memref<1x40xi32, #tpu.memory_space<vmem>>
      %dma_wait3A_295 = tpu.memref_squeeze %dma_wait3A_294 : memref<1x40xi32, #tpu.memory_space<vmem>> -> memref<40xi32, #tpu.memory_space<vmem>>
      %dma_wait3A_296 = arith.constant 0 : i32
      %dma_wait3A_297 = arith.constant 0 : i32
      %dma_wait3A_298 = tpu.memref_slice %arg10[%dma_wait3A_296, %dma_wait3A_297] : memref<10240x128xf32, #tpu.memory_space<vmem_shared>> -> memref<10240x128xf32, #tpu.memory_space<vmem_shared>>
      tpu.wait_indirect_dma semaphore(%arg12 : memref<!tpu.dma_semaphore, #tpu.memory_space<semaphore_mem>>) src(%dma_wait3A_292 : memref<40x128xf32, #tpu.memory_space<vmem>>) dst(%dma_wait3A_298 : memref<10240x128xf32, #tpu.memory_space<vmem_shared>>)
      %dma_start3A_299 = arith.constant 0 : i32
      %dma_start3A_300 = arith.constant 0 : i32
      %dma_start3A_301 = arith.constant 0 : i32
      %dma_start3A_302 = arith.constant 0 : i32
      %dma_start3A_303 = tpu.memref_slice %arg9[%dma_start3A_300, %dma_start3A_301, %dma_start3A_302] : memref<5x40x128xf32, #tpu.memory_space<vmem>> -> memref<1x40x128xf32, #tpu.memory_space<vmem>>
      %dma_start3A_304 = tpu.memref_squeeze %dma_start3A_303 : memref<1x40x128xf32, #tpu.memory_space<vmem>> -> memref<40x128xf32, #tpu.memory_space<vmem>>
      %dma_start3A_305 = arith.constant 0 : i32
      %dma_start3A_306 = tpu.memref_slice %arg6[%dma_start3A_299, %dma_start3A_305] : memref<5x40xi32, #tpu.memory_space<vmem>> -> memref<1x40xi32, #tpu.memory_space<vmem>>
      %dma_start3A_307 = tpu.memref_squeeze %dma_start3A_306 : memref<1x40xi32, #tpu.memory_space<vmem>> -> memref<40xi32, #tpu.memory_space<vmem>>
      %dma_start3A_308 = arith.constant 0 : i32
      %dma_start3A_309 = arith.constant 0 : i32
      %dma_start3A_310 = tpu.memref_slice %arg2[%dma_start3A_308, %dma_start3A_309] : memref<10000x128xf32, #tpu.memory_space<hbm>> -> memref<10000x128xf32, #tpu.memory_space<hbm>>
      tpu.enqueue_indirect_dma source(%dma_start3A_310 : memref<10000x128xf32, #tpu.memory_space<hbm>>) target(%dma_start3A_304 : memref<40x128xf32, #tpu.memory_space<vmem>>) offsets(%dma_start3A_307 : memref<40xi32, #tpu.memory_space<vmem>>) semaphore(%arg11 : memref<!tpu.dma_semaphore, #tpu.memory_space<semaphore_mem>>)
      %dma_wait3A_311 = arith.constant 1 : i32
      %dma_wait3A_312 = arith.constant 1 : i32
      %dma_wait3A_313 = arith.constant 0 : i32
      %dma_wait3A_314 = arith.constant 0 : i32
      %dma_wait3A_315 = tpu.memref_slice %arg9[%dma_wait3A_311, %dma_wait3A_313, %dma_wait3A_314] : memref<5x40x128xf32, #tpu.memory_space<vmem>> -> memref<1x40x128xf32, #tpu.memory_space<vmem>>
      %dma_wait3A_316 = tpu.memref_squeeze %dma_wait3A_315 : memref<1x40x128xf32, #tpu.memory_space<vmem>> -> memref<40x128xf32, #tpu.memory_space<vmem>>
      %dma_wait3A_317 = arith.constant 0 : i32
      %dma_wait3A_318 = tpu.memref_slice %arg8[%dma_wait3A_312, %dma_wait3A_317] : memref<5x40xi32, #tpu.memory_space<vmem>> -> memref<1x40xi32, #tpu.memory_space<vmem>>
      %dma_wait3A_319 = tpu.memref_squeeze %dma_wait3A_318 : memref<1x40xi32, #tpu.memory_space<vmem>> -> memref<40xi32, #tpu.memory_space<vmem>>
      %dma_wait3A_320 = arith.constant 0 : i32
      %dma_wait3A_321 = arith.constant 0 : i32
      %dma_wait3A_322 = tpu.memref_slice %arg10[%dma_wait3A_320, %dma_wait3A_321] : memref<10240x128xf32, #tpu.memory_space<vmem_shared>> -> memref<10240x128xf32, #tpu.memory_space<vmem_shared>>
      tpu.wait_indirect_dma semaphore(%arg12 : memref<!tpu.dma_semaphore, #tpu.memory_space<semaphore_mem>>) src(%dma_wait3A_316 : memref<40x128xf32, #tpu.memory_space<vmem>>) dst(%dma_wait3A_322 : memref<10240x128xf32, #tpu.memory_space<vmem_shared>>)
      %dma_start3A_323 = arith.constant 1 : i32
      %dma_start3A_324 = arith.constant 1 : i32
      %dma_start3A_325 = arith.constant 0 : i32
      %dma_start3A_326 = arith.constant 0 : i32
      %dma_start3A_327 = tpu.memref_slice %arg9[%dma_start3A_324, %dma_start3A_325, %dma_start3A_326] : memref<5x40x128xf32, #tpu.memory_space<vmem>> -> memref<1x40x128xf32, #tpu.memory_space<vmem>>
      %dma_start3A_328 = tpu.memref_squeeze %dma_start3A_327 : memref<1x40x128xf32, #tpu.memory_space<vmem>> -> memref<40x128xf32, #tpu.memory_space<vmem>>
      %dma_start3A_329 = arith.constant 0 : i32
      %dma_start3A_330 = tpu.memref_slice %arg6[%dma_start3A_323, %dma_start3A_329] : memref<5x40xi32, #tpu.memory_space<vmem>> -> memref<1x40xi32, #tpu.memory_space<vmem>>
      %dma_start3A_331 = tpu.memref_squeeze %dma_start3A_330 : memref<1x40xi32, #tpu.memory_space<vmem>> -> memref<40xi32, #tpu.memory_space<vmem>>
      %dma_start3A_332 = arith.constant 0 : i32
      %dma_start3A_333 = arith.constant 0 : i32
      %dma_start3A_334 = tpu.memref_slice %arg2[%dma_start3A_332, %dma_start3A_333] : memref<10000x128xf32, #tpu.memory_space<hbm>> -> memref<10000x128xf32, #tpu.memory_space<hbm>>
      tpu.enqueue_indirect_dma source(%dma_start3A_334 : memref<10000x128xf32, #tpu.memory_space<hbm>>) target(%dma_start3A_328 : memref<40x128xf32, #tpu.memory_space<vmem>>) offsets(%dma_start3A_331 : memref<40xi32, #tpu.memory_space<vmem>>) semaphore(%arg11 : memref<!tpu.dma_semaphore, #tpu.memory_space<semaphore_mem>>)
      %dma_wait3A_335 = arith.constant 2 : i32
      %dma_wait3A_336 = arith.constant 2 : i32
      %dma_wait3A_337 = arith.constant 0 : i32
      %dma_wait3A_338 = arith.constant 0 : i32
      %dma_wait3A_339 = tpu.memref_slice %arg9[%dma_wait3A_335, %dma_wait3A_337, %dma_wait3A_338] : memref<5x40x128xf32, #tpu.memory_space<vmem>> -> memref<1x40x128xf32, #tpu.memory_space<vmem>>
      %dma_wait3A_340 = tpu.memref_squeeze %dma_wait3A_339 : memref<1x40x128xf32, #tpu.memory_space<vmem>> -> memref<40x128xf32, #tpu.memory_space<vmem>>
      %dma_wait3A_341 = arith.constant 0 : i32
      %dma_wait3A_342 = tpu.memref_slice %arg8[%dma_wait3A_336, %dma_wait3A_341] : memref<5x40xi32, #tpu.memory_space<vmem>> -> memref<1x40xi32, #tpu.memory_space<vmem>>
      %dma_wait3A_343 = tpu.memref_squeeze %dma_wait3A_342 : memref<1x40xi32, #tpu.memory_space<vmem>> -> memref<40xi32, #tpu.memory_space<vmem>>
      %dma_wait3A_344 = arith.constant 0 : i32
      %dma_wait3A_345 = arith.constant 0 : i32
      %dma_wait3A_346 = tpu.memref_slice %arg10[%dma_wait3A_344, %dma_wait3A_345] : memref<10240x128xf32, #tpu.memory_space<vmem_shared>> -> memref<10240x128xf32, #tpu.memory_space<vmem_shared>>
      tpu.wait_indirect_dma semaphore(%arg12 : memref<!tpu.dma_semaphore, #tpu.memory_space<semaphore_mem>>) src(%dma_wait3A_340 : memref<40x128xf32, #tpu.memory_space<vmem>>) dst(%dma_wait3A_346 : memref<10240x128xf32, #tpu.memory_space<vmem_shared>>)
      %dma_start3A_347 = arith.constant 2 : i32
      %dma_start3A_348 = arith.constant 2 : i32
      %dma_start3A_349 = arith.constant 0 : i32
      %dma_start3A_350 = arith.constant 0 : i32
      %dma_start3A_351 = tpu.memref_slice %arg9[%dma_start3A_348, %dma_start3A_349, %dma_start3A_350] : memref<5x40x128xf32, #tpu.memory_space<vmem>> -> memref<1x40x128xf32, #tpu.memory_space<vmem>>
      %dma_start3A_352 = tpu.memref_squeeze %dma_start3A_351 : memref<1x40x128xf32, #tpu.memory_space<vmem>> -> memref<40x128xf32, #tpu.memory_space<vmem>>
      %dma_start3A_353 = arith.constant 0 : i32
      %dma_start3A_354 = tpu.memref_slice %arg6[%dma_start3A_347, %dma_start3A_353] : memref<5x40xi32, #tpu.memory_space<vmem>> -> memref<1x40xi32, #tpu.memory_space<vmem>>
      %dma_start3A_355 = tpu.memref_squeeze %dma_start3A_354 : memref<1x40xi32, #tpu.memory_space<vmem>> -> memref<40xi32, #tpu.memory_space<vmem>>
      %dma_start3A_356 = arith.constant 0 : i32
      %dma_start3A_357 = arith.constant 0 : i32
      %dma_start3A_358 = tpu.memref_slice %arg2[%dma_start3A_356, %dma_start3A_357] : memref<10000x128xf32, #tpu.memory_space<hbm>> -> memref<10000x128xf32, #tpu.memory_space<hbm>>
      tpu.enqueue_indirect_dma source(%dma_start3A_358 : memref<10000x128xf32, #tpu.memory_space<hbm>>) target(%dma_start3A_352 : memref<40x128xf32, #tpu.memory_space<vmem>>) offsets(%dma_start3A_355 : memref<40xi32, #tpu.memory_space<vmem>>) semaphore(%arg11 : memref<!tpu.dma_semaphore, #tpu.memory_space<semaphore_mem>>)
      %dma_wait3A_359 = arith.constant 3 : i32
      %dma_wait3A_360 = arith.constant 3 : i32
      %dma_wait3A_361 = arith.constant 0 : i32
      %dma_wait3A_362 = arith.constant 0 : i32
      %dma_wait3A_363 = tpu.memref_slice %arg9[%dma_wait3A_359, %dma_wait3A_361, %dma_wait3A_362] : memref<5x40x128xf32, #tpu.memory_space<vmem>> -> memref<1x40x128xf32, #tpu.memory_space<vmem>>
      %dma_wait3A_364 = tpu.memref_squeeze %dma_wait3A_363 : memref<1x40x128xf32, #tpu.memory_space<vmem>> -> memref<40x128xf32, #tpu.memory_space<vmem>>
      %dma_wait3A_365 = arith.constant 0 : i32
      %dma_wait3A_366 = tpu.memref_slice %arg8[%dma_wait3A_360, %dma_wait3A_365] : memref<5x40xi32, #tpu.memory_space<vmem>> -> memref<1x40xi32, #tpu.memory_space<vmem>>
      %dma_wait3A_367 = tpu.memref_squeeze %dma_wait3A_366 : memref<1x40xi32, #tpu.memory_space<vmem>> -> memref<40xi32, #tpu.memory_space<vmem>>
      %dma_wait3A_368 = arith.constant 0 : i32
      %dma_wait3A_369 = arith.constant 0 : i32
      %dma_wait3A_370 = tpu.memref_slice %arg10[%dma_wait3A_368, %dma_wait3A_369] : memref<10240x128xf32, #tpu.memory_space<vmem_shared>> -> memref<10240x128xf32, #tpu.memory_space<vmem_shared>>
      tpu.wait_indirect_dma semaphore(%arg12 : memref<!tpu.dma_semaphore, #tpu.memory_space<semaphore_mem>>) src(%dma_wait3A_364 : memref<40x128xf32, #tpu.memory_space<vmem>>) dst(%dma_wait3A_370 : memref<10240x128xf32, #tpu.memory_space<vmem_shared>>)
      %dma_start3A_371 = arith.constant 3 : i32
      %dma_start3A_372 = arith.constant 3 : i32
      %dma_start3A_373 = arith.constant 0 : i32
      %dma_start3A_374 = arith.constant 0 : i32
      %dma_start3A_375 = tpu.memref_slice %arg9[%dma_start3A_372, %dma_start3A_373, %dma_start3A_374] : memref<5x40x128xf32, #tpu.memory_space<vmem>> -> memref<1x40x128xf32, #tpu.memory_space<vmem>>
      %dma_start3A_376 = tpu.memref_squeeze %dma_start3A_375 : memref<1x40x128xf32, #tpu.memory_space<vmem>> -> memref<40x128xf32, #tpu.memory_space<vmem>>
      %dma_start3A_377 = arith.constant 0 : i32
      %dma_start3A_378 = tpu.memref_slice %arg6[%dma_start3A_371, %dma_start3A_377] : memref<5x40xi32, #tpu.memory_space<vmem>> -> memref<1x40xi32, #tpu.memory_space<vmem>>
      %dma_start3A_379 = tpu.memref_squeeze %dma_start3A_378 : memref<1x40xi32, #tpu.memory_space<vmem>> -> memref<40xi32, #tpu.memory_space<vmem>>
      %dma_start3A_380 = arith.constant 0 : i32
      %dma_start3A_381 = arith.constant 0 : i32
      %dma_start3A_382 = tpu.memref_slice %arg2[%dma_start3A_380, %dma_start3A_381] : memref<10000x128xf32, #tpu.memory_space<hbm>> -> memref<10000x128xf32, #tpu.memory_space<hbm>>
      tpu.enqueue_indirect_dma source(%dma_start3A_382 : memref<10000x128xf32, #tpu.memory_space<hbm>>) target(%dma_start3A_376 : memref<40x128xf32, #tpu.memory_space<vmem>>) offsets(%dma_start3A_379 : memref<40xi32, #tpu.memory_space<vmem>>) semaphore(%arg11 : memref<!tpu.dma_semaphore, #tpu.memory_space<semaphore_mem>>)
      %dma_wait3A_383 = arith.constant 4 : i32
      %dma_wait3A_384 = arith.constant 4 : i32
      %dma_wait3A_385 = arith.constant 0 : i32
      %dma_wait3A_386 = arith.constant 0 : i32
      %dma_wait3A_387 = tpu.memref_slice %arg9[%dma_wait3A_383, %dma_wait3A_385, %dma_wait3A_386] : memref<5x40x128xf32, #tpu.memory_space<vmem>> -> memref<1x40x128xf32, #tpu.memory_space<vmem>>
      %dma_wait3A_388 = tpu.memref_squeeze %dma_wait3A_387 : memref<1x40x128xf32, #tpu.memory_space<vmem>> -> memref<40x128xf32, #tpu.memory_space<vmem>>
      %dma_wait3A_389 = arith.constant 0 : i32
      %dma_wait3A_390 = tpu.memref_slice %arg8[%dma_wait3A_384, %dma_wait3A_389] : memref<5x40xi32, #tpu.memory_space<vmem>> -> memref<1x40xi32, #tpu.memory_space<vmem>>
      %dma_wait3A_391 = tpu.memref_squeeze %dma_wait3A_390 : memref<1x40xi32, #tpu.memory_space<vmem>> -> memref<40xi32, #tpu.memory_space<vmem>>
      %dma_wait3A_392 = arith.constant 0 : i32
      %dma_wait3A_393 = arith.constant 0 : i32
      %dma_wait3A_394 = tpu.memref_slice %arg10[%dma_wait3A_392, %dma_wait3A_393] : memref<10240x128xf32, #tpu.memory_space<vmem_shared>> -> memref<10240x128xf32, #tpu.memory_space<vmem_shared>>
      tpu.wait_indirect_dma semaphore(%arg12 : memref<!tpu.dma_semaphore, #tpu.memory_space<semaphore_mem>>) src(%dma_wait3A_388 : memref<40x128xf32, #tpu.memory_space<vmem>>) dst(%dma_wait3A_394 : memref<10240x128xf32, #tpu.memory_space<vmem_shared>>)
      %dma_start3A_395 = arith.constant 4 : i32
      %dma_start3A_396 = arith.constant 4 : i32
      %dma_start3A_397 = arith.constant 0 : i32
      %dma_start3A_398 = arith.constant 0 : i32
      %dma_start3A_399 = tpu.memref_slice %arg9[%dma_start3A_396, %dma_start3A_397, %dma_start3A_398] : memref<5x40x128xf32, #tpu.memory_space<vmem>> -> memref<1x40x128xf32, #tpu.memory_space<vmem>>
      %dma_start3A_400 = tpu.memref_squeeze %dma_start3A_399 : memref<1x40x128xf32, #tpu.memory_space<vmem>> -> memref<40x128xf32, #tpu.memory_space<vmem>>
      %dma_start3A_401 = arith.constant 0 : i32
      %dma_start3A_402 = tpu.memref_slice %arg6[%dma_start3A_395, %dma_start3A_401] : memref<5x40xi32, #tpu.memory_space<vmem>> -> memref<1x40xi32, #tpu.memory_space<vmem>>
      %dma_start3A_403 = tpu.memref_squeeze %dma_start3A_402 : memref<1x40xi32, #tpu.memory_space<vmem>> -> memref<40xi32, #tpu.memory_space<vmem>>
      %dma_start3A_404 = arith.constant 0 : i32
      %dma_start3A_405 = arith.constant 0 : i32
      %dma_start3A_406 = tpu.memref_slice %arg2[%dma_start3A_404, %dma_start3A_405] : memref<10000x128xf32, #tpu.memory_space<hbm>> -> memref<10000x128xf32, #tpu.memory_space<hbm>>
      tpu.enqueue_indirect_dma source(%dma_start3A_406 : memref<10000x128xf32, #tpu.memory_space<hbm>>) target(%dma_start3A_400 : memref<40x128xf32, #tpu.memory_space<vmem>>) offsets(%dma_start3A_403 : memref<40xi32, #tpu.memory_space<vmem>>) semaphore(%arg11 : memref<!tpu.dma_semaphore, #tpu.memory_space<semaphore_mem>>)
      %dma_wait3A_407 = arith.constant 0 : i32
      %dma_wait3A_408 = arith.constant 0 : i32
      %dma_wait3A_409 = arith.constant 0 : i32
      %dma_wait3A_410 = arith.constant 0 : i32
      %dma_wait3A_411 = tpu.memref_slice %arg9[%dma_wait3A_408, %dma_wait3A_409, %dma_wait3A_410] : memref<5x40x128xf32, #tpu.memory_space<vmem>> -> memref<1x40x128xf32, #tpu.memory_space<vmem>>
      %dma_wait3A_412 = tpu.memref_squeeze %dma_wait3A_411 : memref<1x40x128xf32, #tpu.memory_space<vmem>> -> memref<40x128xf32, #tpu.memory_space<vmem>>
      %dma_wait3A_413 = arith.constant 0 : i32
      %dma_wait3A_414 = tpu.memref_slice %arg6[%dma_wait3A_407, %dma_wait3A_413] : memref<5x40xi32, #tpu.memory_space<vmem>> -> memref<1x40xi32, #tpu.memory_space<vmem>>
      %dma_wait3A_415 = tpu.memref_squeeze %dma_wait3A_414 : memref<1x40xi32, #tpu.memory_space<vmem>> -> memref<40xi32, #tpu.memory_space<vmem>>
      %dma_wait3A_416 = arith.constant 0 : i32
      %dma_wait3A_417 = arith.constant 0 : i32
      %dma_wait3A_418 = tpu.memref_slice %arg2[%dma_wait3A_416, %dma_wait3A_417] : memref<10000x128xf32, #tpu.memory_space<hbm>> -> memref<10000x128xf32, #tpu.memory_space<hbm>>
      tpu.wait_indirect_dma semaphore(%arg11 : memref<!tpu.dma_semaphore, #tpu.memory_space<semaphore_mem>>) src(%dma_wait3A_418 : memref<10000x128xf32, #tpu.memory_space<hbm>>) dst(%dma_wait3A_412 : memref<40x128xf32, #tpu.memory_space<vmem>>)
      %dma_start3A_419 = arith.constant 0 : i32
      %dma_start3A_420 = arith.constant 0 : i32
      %dma_start3A_421 = arith.constant 0 : i32
      %dma_start3A_422 = arith.constant 0 : i32
      %dma_start3A_423 = tpu.memref_slice %arg9[%dma_start3A_419, %dma_start3A_421, %dma_start3A_422] : memref<5x40x128xf32, #tpu.memory_space<vmem>> -> memref<1x40x128xf32, #tpu.memory_space<vmem>>
      %dma_start3A_424 = tpu.memref_squeeze %dma_start3A_423 : memref<1x40x128xf32, #tpu.memory_space<vmem>> -> memref<40x128xf32, #tpu.memory_space<vmem>>
      %dma_start3A_425 = arith.constant 0 : i32
      %dma_start3A_426 = tpu.memref_slice %arg8[%dma_start3A_420, %dma_start3A_425] : memref<5x40xi32, #tpu.memory_space<vmem>> -> memref<1x40xi32, #tpu.memory_space<vmem>>
      %dma_start3A_427 = tpu.memref_squeeze %dma_start3A_426 : memref<1x40xi32, #tpu.memory_space<vmem>> -> memref<40xi32, #tpu.memory_space<vmem>>
      %dma_start3A_428 = arith.constant 0 : i32
      %dma_start3A_429 = arith.constant 0 : i32
      %dma_start3A_430 = tpu.memref_slice %arg10[%dma_start3A_428, %dma_start3A_429] : memref<10240x128xf32, #tpu.memory_space<vmem_shared>> -> memref<10240x128xf32, #tpu.memory_space<vmem_shared>>
      tpu.enqueue_indirect_dma source(%dma_start3A_424 : memref<40x128xf32, #tpu.memory_space<vmem>>) target(%dma_start3A_430 : memref<10240x128xf32, #tpu.memory_space<vmem_shared>>) offsets(%dma_start3A_427 : memref<40xi32, #tpu.memory_space<vmem>>) semaphore(%arg12 : memref<!tpu.dma_semaphore, #tpu.memory_space<semaphore_mem>>) {add = true}
      %dma_wait3A_431 = arith.constant 1 : i32
      %dma_wait3A_432 = arith.constant 1 : i32
      %dma_wait3A_433 = arith.constant 0 : i32
      %dma_wait3A_434 = arith.constant 0 : i32
      %dma_wait3A_435 = tpu.memref_slice %arg9[%dma_wait3A_432, %dma_wait3A_433, %dma_wait3A_434] : memref<5x40x128xf32, #tpu.memory_space<vmem>> -> memref<1x40x128xf32, #tpu.memory_space<vmem>>
      %dma_wait3A_436 = tpu.memref_squeeze %dma_wait3A_435 : memref<1x40x128xf32, #tpu.memory_space<vmem>> -> memref<40x128xf32, #tpu.memory_space<vmem>>
      %dma_wait3A_437 = arith.constant 0 : i32
      %dma_wait3A_438 = tpu.memref_slice %arg6[%dma_wait3A_431, %dma_wait3A_437] : memref<5x40xi32, #tpu.memory_space<vmem>> -> memref<1x40xi32, #tpu.memory_space<vmem>>
      %dma_wait3A_439 = tpu.memref_squeeze %dma_wait3A_438 : memref<1x40xi32, #tpu.memory_space<vmem>> -> memref<40xi32, #tpu.memory_space<vmem>>
      %dma_wait3A_440 = arith.constant 0 : i32
      %dma_wait3A_441 = arith.constant 0 : i32
      %dma_wait3A_442 = tpu.memref_slice %arg2[%dma_wait3A_440, %dma_wait3A_441] : memref<10000x128xf32, #tpu.memory_space<hbm>> -> memref<10000x128xf32, #tpu.memory_space<hbm>>
      tpu.wait_indirect_dma semaphore(%arg11 : memref<!tpu.dma_semaphore, #tpu.memory_space<semaphore_mem>>) src(%dma_wait3A_442 : memref<10000x128xf32, #tpu.memory_space<hbm>>) dst(%dma_wait3A_436 : memref<40x128xf32, #tpu.memory_space<vmem>>)
      %dma_start3A_443 = arith.constant 1 : i32
      %dma_start3A_444 = arith.constant 1 : i32
      %dma_start3A_445 = arith.constant 0 : i32
      %dma_start3A_446 = arith.constant 0 : i32
      %dma_start3A_447 = tpu.memref_slice %arg9[%dma_start3A_443, %dma_start3A_445, %dma_start3A_446] : memref<5x40x128xf32, #tpu.memory_space<vmem>> -> memref<1x40x128xf32, #tpu.memory_space<vmem>>
      %dma_start3A_448 = tpu.memref_squeeze %dma_start3A_447 : memref<1x40x128xf32, #tpu.memory_space<vmem>> -> memref<40x128xf32, #tpu.memory_space<vmem>>
      %dma_start3A_449 = arith.constant 0 : i32
      %dma_start3A_450 = tpu.memref_slice %arg8[%dma_start3A_444, %dma_start3A_449] : memref<5x40xi32, #tpu.memory_space<vmem>> -> memref<1x40xi32, #tpu.memory_space<vmem>>
      %dma_start3A_451 = tpu.memref_squeeze %dma_start3A_450 : memref<1x40xi32, #tpu.memory_space<vmem>> -> memref<40xi32, #tpu.memory_space<vmem>>
      %dma_start3A_452 = arith.constant 0 : i32
      %dma_start3A_453 = arith.constant 0 : i32
      %dma_start3A_454 = tpu.memref_slice %arg10[%dma_start3A_452, %dma_start3A_453] : memref<10240x128xf32, #tpu.memory_space<vmem_shared>> -> memref<10240x128xf32, #tpu.memory_space<vmem_shared>>
      tpu.enqueue_indirect_dma source(%dma_start3A_448 : memref<40x128xf32, #tpu.memory_space<vmem>>) target(%dma_start3A_454 : memref<10240x128xf32, #tpu.memory_space<vmem_shared>>) offsets(%dma_start3A_451 : memref<40xi32, #tpu.memory_space<vmem>>) semaphore(%arg12 : memref<!tpu.dma_semaphore, #tpu.memory_space<semaphore_mem>>) {add = true}
      %dma_wait3A_455 = arith.constant 2 : i32
      %dma_wait3A_456 = arith.constant 2 : i32
      %dma_wait3A_457 = arith.constant 0 : i32
      %dma_wait3A_458 = arith.constant 0 : i32
      %dma_wait3A_459 = tpu.memref_slice %arg9[%dma_wait3A_456, %dma_wait3A_457, %dma_wait3A_458] : memref<5x40x128xf32, #tpu.memory_space<vmem>> -> memref<1x40x128xf32, #tpu.memory_space<vmem>>
      %dma_wait3A_460 = tpu.memref_squeeze %dma_wait3A_459 : memref<1x40x128xf32, #tpu.memory_space<vmem>> -> memref<40x128xf32, #tpu.memory_space<vmem>>
      %dma_wait3A_461 = arith.constant 0 : i32
      %dma_wait3A_462 = tpu.memref_slice %arg6[%dma_wait3A_455, %dma_wait3A_461] : memref<5x40xi32, #tpu.memory_space<vmem>> -> memref<1x40xi32, #tpu.memory_space<vmem>>
      %dma_wait3A_463 = tpu.memref_squeeze %dma_wait3A_462 : memref<1x40xi32, #tpu.memory_space<vmem>> -> memref<40xi32, #tpu.memory_space<vmem>>
      %dma_wait3A_464 = arith.constant 0 : i32
      %dma_wait3A_465 = arith.constant 0 : i32
      %dma_wait3A_466 = tpu.memref_slice %arg2[%dma_wait3A_464, %dma_wait3A_465] : memref<10000x128xf32, #tpu.memory_space<hbm>> -> memref<10000x128xf32, #tpu.memory_space<hbm>>
      tpu.wait_indirect_dma semaphore(%arg11 : memref<!tpu.dma_semaphore, #tpu.memory_space<semaphore_mem>>) src(%dma_wait3A_466 : memref<10000x128xf32, #tpu.memory_space<hbm>>) dst(%dma_wait3A_460 : memref<40x128xf32, #tpu.memory_space<vmem>>)
      %dma_start3A_467 = arith.constant 2 : i32
      %dma_start3A_468 = arith.constant 2 : i32
      %dma_start3A_469 = arith.constant 0 : i32
      %dma_start3A_470 = arith.constant 0 : i32
      %dma_start3A_471 = tpu.memref_slice %arg9[%dma_start3A_467, %dma_start3A_469, %dma_start3A_470] : memref<5x40x128xf32, #tpu.memory_space<vmem>> -> memref<1x40x128xf32, #tpu.memory_space<vmem>>
      %dma_start3A_472 = tpu.memref_squeeze %dma_start3A_471 : memref<1x40x128xf32, #tpu.memory_space<vmem>> -> memref<40x128xf32, #tpu.memory_space<vmem>>
      %dma_start3A_473 = arith.constant 0 : i32
      %dma_start3A_474 = tpu.memref_slice %arg8[%dma_start3A_468, %dma_start3A_473] : memref<5x40xi32, #tpu.memory_space<vmem>> -> memref<1x40xi32, #tpu.memory_space<vmem>>
      %dma_start3A_475 = tpu.memref_squeeze %dma_start3A_474 : memref<1x40xi32, #tpu.memory_space<vmem>> -> memref<40xi32, #tpu.memory_space<vmem>>
      %dma_start3A_476 = arith.constant 0 : i32
      %dma_start3A_477 = arith.constant 0 : i32
      %dma_start3A_478 = tpu.memref_slice %arg10[%dma_start3A_476, %dma_start3A_477] : memref<10240x128xf32, #tpu.memory_space<vmem_shared>> -> memref<10240x128xf32, #tpu.memory_space<vmem_shared>>
      tpu.enqueue_indirect_dma source(%dma_start3A_472 : memref<40x128xf32, #tpu.memory_space<vmem>>) target(%dma_start3A_478 : memref<10240x128xf32, #tpu.memory_space<vmem_shared>>) offsets(%dma_start3A_475 : memref<40xi32, #tpu.memory_space<vmem>>) semaphore(%arg12 : memref<!tpu.dma_semaphore, #tpu.memory_space<semaphore_mem>>) {add = true}
      %dma_wait3A_479 = arith.constant 3 : i32
      %dma_wait3A_480 = arith.constant 3 : i32
      %dma_wait3A_481 = arith.constant 0 : i32
      %dma_wait3A_482 = arith.constant 0 : i32
      %dma_wait3A_483 = tpu.memref_slice %arg9[%dma_wait3A_480, %dma_wait3A_481, %dma_wait3A_482] : memref<5x40x128xf32, #tpu.memory_space<vmem>> -> memref<1x40x128xf32, #tpu.memory_space<vmem>>
      %dma_wait3A_484 = tpu.memref_squeeze %dma_wait3A_483 : memref<1x40x128xf32, #tpu.memory_space<vmem>> -> memref<40x128xf32, #tpu.memory_space<vmem>>
      %dma_wait3A_485 = arith.constant 0 : i32
      %dma_wait3A_486 = tpu.memref_slice %arg6[%dma_wait3A_479, %dma_wait3A_485] : memref<5x40xi32, #tpu.memory_space<vmem>> -> memref<1x40xi32, #tpu.memory_space<vmem>>
      %dma_wait3A_487 = tpu.memref_squeeze %dma_wait3A_486 : memref<1x40xi32, #tpu.memory_space<vmem>> -> memref<40xi32, #tpu.memory_space<vmem>>
      %dma_wait3A_488 = arith.constant 0 : i32
      %dma_wait3A_489 = arith.constant 0 : i32
      %dma_wait3A_490 = tpu.memref_slice %arg2[%dma_wait3A_488, %dma_wait3A_489] : memref<10000x128xf32, #tpu.memory_space<hbm>> -> memref<10000x128xf32, #tpu.memory_space<hbm>>
      tpu.wait_indirect_dma semaphore(%arg11 : memref<!tpu.dma_semaphore, #tpu.memory_space<semaphore_mem>>) src(%dma_wait3A_490 : memref<10000x128xf32, #tpu.memory_space<hbm>>) dst(%dma_wait3A_484 : memref<40x128xf32, #tpu.memory_space<vmem>>)
      %dma_start3A_491 = arith.constant 3 : i32
      %dma_start3A_492 = arith.constant 3 : i32
      %dma_start3A_493 = arith.constant 0 : i32
      %dma_start3A_494 = arith.constant 0 : i32
      %dma_start3A_495 = tpu.memref_slice %arg9[%dma_start3A_491, %dma_start3A_493, %dma_start3A_494] : memref<5x40x128xf32, #tpu.memory_space<vmem>> -> memref<1x40x128xf32, #tpu.memory_space<vmem>>
      %dma_start3A_496 = tpu.memref_squeeze %dma_start3A_495 : memref<1x40x128xf32, #tpu.memory_space<vmem>> -> memref<40x128xf32, #tpu.memory_space<vmem>>
      %dma_start3A_497 = arith.constant 0 : i32
      %dma_start3A_498 = tpu.memref_slice %arg8[%dma_start3A_492, %dma_start3A_497] : memref<5x40xi32, #tpu.memory_space<vmem>> -> memref<1x40xi32, #tpu.memory_space<vmem>>
      %dma_start3A_499 = tpu.memref_squeeze %dma_start3A_498 : memref<1x40xi32, #tpu.memory_space<vmem>> -> memref<40xi32, #tpu.memory_space<vmem>>
      %dma_start3A_500 = arith.constant 0 : i32
      %dma_start3A_501 = arith.constant 0 : i32
      %dma_start3A_502 = tpu.memref_slice %arg10[%dma_start3A_500, %dma_start3A_501] : memref<10240x128xf32, #tpu.memory_space<vmem_shared>> -> memref<10240x128xf32, #tpu.memory_space<vmem_shared>>
      tpu.enqueue_indirect_dma source(%dma_start3A_496 : memref<40x128xf32, #tpu.memory_space<vmem>>) target(%dma_start3A_502 : memref<10240x128xf32, #tpu.memory_space<vmem_shared>>) offsets(%dma_start3A_499 : memref<40xi32, #tpu.memory_space<vmem>>) semaphore(%arg12 : memref<!tpu.dma_semaphore, #tpu.memory_space<semaphore_mem>>) {add = true}
      %dma_wait3A_503 = arith.constant 4 : i32
      %dma_wait3A_504 = arith.constant 4 : i32
      %dma_wait3A_505 = arith.constant 0 : i32
      %dma_wait3A_506 = arith.constant 0 : i32
      %dma_wait3A_507 = tpu.memref_slice %arg9[%dma_wait3A_504, %dma_wait3A_505, %dma_wait3A_506] : memref<5x40x128xf32, #tpu.memory_space<vmem>> -> memref<1x40x128xf32, #tpu.memory_space<vmem>>
      %dma_wait3A_508 = tpu.memref_squeeze %dma_wait3A_507 : memref<1x40x128xf32, #tpu.memory_space<vmem>> -> memref<40x128xf32, #tpu.memory_space<vmem>>
      %dma_wait3A_509 = arith.constant 0 : i32
      %dma_wait3A_510 = tpu.memref_slice %arg6[%dma_wait3A_503, %dma_wait3A_509] : memref<5x40xi32, #tpu.memory_space<vmem>> -> memref<1x40xi32, #tpu.memory_space<vmem>>
      %dma_wait3A_511 = tpu.memref_squeeze %dma_wait3A_510 : memref<1x40xi32, #tpu.memory_space<vmem>> -> memref<40xi32, #tpu.memory_space<vmem>>
      %dma_wait3A_512 = arith.constant 0 : i32
      %dma_wait3A_513 = arith.constant 0 : i32
      %dma_wait3A_514 = tpu.memref_slice %arg2[%dma_wait3A_512, %dma_wait3A_513] : memref<10000x128xf32, #tpu.memory_space<hbm>> -> memref<10000x128xf32, #tpu.memory_space<hbm>>
      tpu.wait_indirect_dma semaphore(%arg11 : memref<!tpu.dma_semaphore, #tpu.memory_space<semaphore_mem>>) src(%dma_wait3A_514 : memref<10000x128xf32, #tpu.memory_space<hbm>>) dst(%dma_wait3A_508 : memref<40x128xf32, #tpu.memory_space<vmem>>)
      %dma_start3A_515 = arith.constant 4 : i32
      %dma_start3A_516 = arith.constant 4 : i32
      %dma_start3A_517 = arith.constant 0 : i32
      %dma_start3A_518 = arith.constant 0 : i32
      %dma_start3A_519 = tpu.memref_slice %arg9[%dma_start3A_515, %dma_start3A_517, %dma_start3A_518] : memref<5x40x128xf32, #tpu.memory_space<vmem>> -> memref<1x40x128xf32, #tpu.memory_space<vmem>>
      %dma_start3A_520 = tpu.memref_squeeze %dma_start3A_519 : memref<1x40x128xf32, #tpu.memory_space<vmem>> -> memref<40x128xf32, #tpu.memory_space<vmem>>
      %dma_start3A_521 = arith.constant 0 : i32
      %dma_start3A_522 = tpu.memref_slice %arg8[%dma_start3A_516, %dma_start3A_521] : memref<5x40xi32, #tpu.memory_space<vmem>> -> memref<1x40xi32, #tpu.memory_space<vmem>>
      %dma_start3A_523 = tpu.memref_squeeze %dma_start3A_522 : memref<1x40xi32, #tpu.memory_space<vmem>> -> memref<40xi32, #tpu.memory_space<vmem>>
      %dma_start3A_524 = arith.constant 0 : i32
      %dma_start3A_525 = arith.constant 0 : i32
      %dma_start3A_526 = tpu.memref_slice %arg10[%dma_start3A_524, %dma_start3A_525] : memref<10240x128xf32, #tpu.memory_space<vmem_shared>> -> memref<10240x128xf32, #tpu.memory_space<vmem_shared>>
      tpu.enqueue_indirect_dma source(%dma_start3A_520 : memref<40x128xf32, #tpu.memory_space<vmem>>) target(%dma_start3A_526 : memref<10240x128xf32, #tpu.memory_space<vmem_shared>>) offsets(%dma_start3A_523 : memref<40xi32, #tpu.memory_space<vmem>>) semaphore(%arg12 : memref<!tpu.dma_semaphore, #tpu.memory_space<semaphore_mem>>) {add = true}
    }
    %scan3A_20 = arith.constant 25 : i32
    %dma_wait3A = arith.constant 0 : i32
    %dma_wait3A_21 = arith.constant 0 : i32
    %dma_wait3A_22 = arith.constant 0 : i32
    %dma_wait3A_23 = arith.constant 0 : i32
    %dma_wait3A_24 = tpu.memref_slice %arg9[%dma_wait3A, %dma_wait3A_22, %dma_wait3A_23] : memref<5x40x128xf32, #tpu.memory_space<vmem>> -> memref<1x40x128xf32, #tpu.memory_space<vmem>>
    %dma_wait3A_25 = tpu.memref_squeeze %dma_wait3A_24 : memref<1x40x128xf32, #tpu.memory_space<vmem>> -> memref<40x128xf32, #tpu.memory_space<vmem>>
    %dma_wait3A_26 = arith.constant 0 : i32
    %dma_wait3A_27 = tpu.memref_slice %arg8[%dma_wait3A_21, %dma_wait3A_26] : memref<5x40xi32, #tpu.memory_space<vmem>> -> memref<1x40xi32, #tpu.memory_space<vmem>>
    %dma_wait3A_28 = tpu.memref_squeeze %dma_wait3A_27 : memref<1x40xi32, #tpu.memory_space<vmem>> -> memref<40xi32, #tpu.memory_space<vmem>>
    %dma_wait3A_29 = arith.constant 0 : i32
    %dma_wait3A_30 = arith.constant 0 : i32
    %dma_wait3A_31 = tpu.memref_slice %arg10[%dma_wait3A_29, %dma_wait3A_30] : memref<10240x128xf32, #tpu.memory_space<vmem_shared>> -> memref<10240x128xf32, #tpu.memory_space<vmem_shared>>
    tpu.wait_indirect_dma semaphore(%arg12 : memref<!tpu.dma_semaphore, #tpu.memory_space<semaphore_mem>>) src(%dma_wait3A_25 : memref<40x128xf32, #tpu.memory_space<vmem>>) dst(%dma_wait3A_31 : memref<10240x128xf32, #tpu.memory_space<vmem_shared>>)
    %dma_wait3A_32 = arith.constant 1 : i32
    %dma_wait3A_33 = arith.constant 1 : i32
    %dma_wait3A_34 = arith.constant 0 : i32
    %dma_wait3A_35 = arith.constant 0 : i32
    %dma_wait3A_36 = tpu.memref_slice %arg9[%dma_wait3A_32, %dma_wait3A_34, %dma_wait3A_35] : memref<5x40x128xf32, #tpu.memory_space<vmem>> -> memref<1x40x128xf32, #tpu.memory_space<vmem>>
    %dma_wait3A_37 = tpu.memref_squeeze %dma_wait3A_36 : memref<1x40x128xf32, #tpu.memory_space<vmem>> -> memref<40x128xf32, #tpu.memory_space<vmem>>
    %dma_wait3A_38 = arith.constant 0 : i32
    %dma_wait3A_39 = tpu.memref_slice %arg8[%dma_wait3A_33, %dma_wait3A_38] : memref<5x40xi32, #tpu.memory_space<vmem>> -> memref<1x40xi32, #tpu.memory_space<vmem>>
    %dma_wait3A_40 = tpu.memref_squeeze %dma_wait3A_39 : memref<1x40xi32, #tpu.memory_space<vmem>> -> memref<40xi32, #tpu.memory_space<vmem>>
    %dma_wait3A_41 = arith.constant 0 : i32
    %dma_wait3A_42 = arith.constant 0 : i32
    %dma_wait3A_43 = tpu.memref_slice %arg10[%dma_wait3A_41, %dma_wait3A_42] : memref<10240x128xf32, #tpu.memory_space<vmem_shared>> -> memref<10240x128xf32, #tpu.memory_space<vmem_shared>>
    tpu.wait_indirect_dma semaphore(%arg12 : memref<!tpu.dma_semaphore, #tpu.memory_space<semaphore_mem>>) src(%dma_wait3A_37 : memref<40x128xf32, #tpu.memory_space<vmem>>) dst(%dma_wait3A_43 : memref<10240x128xf32, #tpu.memory_space<vmem_shared>>)
    %dma_wait3A_44 = arith.constant 2 : i32
    %dma_wait3A_45 = arith.constant 2 : i32
    %dma_wait3A_46 = arith.constant 0 : i32
    %dma_wait3A_47 = arith.constant 0 : i32
    %dma_wait3A_48 = tpu.memref_slice %arg9[%dma_wait3A_44, %dma_wait3A_46, %dma_wait3A_47] : memref<5x40x128xf32, #tpu.memory_space<vmem>> -> memref<1x40x128xf32, #tpu.memory_space<vmem>>
    %dma_wait3A_49 = tpu.memref_squeeze %dma_wait3A_48 : memref<1x40x128xf32, #tpu.memory_space<vmem>> -> memref<40x128xf32, #tpu.memory_space<vmem>>
    %dma_wait3A_50 = arith.constant 0 : i32
    %dma_wait3A_51 = tpu.memref_slice %arg8[%dma_wait3A_45, %dma_wait3A_50] : memref<5x40xi32, #tpu.memory_space<vmem>> -> memref<1x40xi32, #tpu.memory_space<vmem>>
    %dma_wait3A_52 = tpu.memref_squeeze %dma_wait3A_51 : memref<1x40xi32, #tpu.memory_space<vmem>> -> memref<40xi32, #tpu.memory_space<vmem>>
    %dma_wait3A_53 = arith.constant 0 : i32
    %dma_wait3A_54 = arith.constant 0 : i32
    %dma_wait3A_55 = tpu.memref_slice %arg10[%dma_wait3A_53, %dma_wait3A_54] : memref<10240x128xf32, #tpu.memory_space<vmem_shared>> -> memref<10240x128xf32, #tpu.memory_space<vmem_shared>>
    tpu.wait_indirect_dma semaphore(%arg12 : memref<!tpu.dma_semaphore, #tpu.memory_space<semaphore_mem>>) src(%dma_wait3A_49 : memref<40x128xf32, #tpu.memory_space<vmem>>) dst(%dma_wait3A_55 : memref<10240x128xf32, #tpu.memory_space<vmem_shared>>)
    %dma_wait3A_56 = arith.constant 3 : i32
    %dma_wait3A_57 = arith.constant 3 : i32
    %dma_wait3A_58 = arith.constant 0 : i32
    %dma_wait3A_59 = arith.constant 0 : i32
    %dma_wait3A_60 = tpu.memref_slice %arg9[%dma_wait3A_56, %dma_wait3A_58, %dma_wait3A_59] : memref<5x40x128xf32, #tpu.memory_space<vmem>> -> memref<1x40x128xf32, #tpu.memory_space<vmem>>
    %dma_wait3A_61 = tpu.memref_squeeze %dma_wait3A_60 : memref<1x40x128xf32, #tpu.memory_space<vmem>> -> memref<40x128xf32, #tpu.memory_space<vmem>>
    %dma_wait3A_62 = arith.constant 0 : i32
    %dma_wait3A_63 = tpu.memref_slice %arg8[%dma_wait3A_57, %dma_wait3A_62] : memref<5x40xi32, #tpu.memory_space<vmem>> -> memref<1x40xi32, #tpu.memory_space<vmem>>
    %dma_wait3A_64 = tpu.memref_squeeze %dma_wait3A_63 : memref<1x40xi32, #tpu.memory_space<vmem>> -> memref<40xi32, #tpu.memory_space<vmem>>
    %dma_wait3A_65 = arith.constant 0 : i32
    %dma_wait3A_66 = arith.constant 0 : i32
    %dma_wait3A_67 = tpu.memref_slice %arg10[%dma_wait3A_65, %dma_wait3A_66] : memref<10240x128xf32, #tpu.memory_space<vmem_shared>> -> memref<10240x128xf32, #tpu.memory_space<vmem_shared>>
    tpu.wait_indirect_dma semaphore(%arg12 : memref<!tpu.dma_semaphore, #tpu.memory_space<semaphore_mem>>) src(%dma_wait3A_61 : memref<40x128xf32, #tpu.memory_space<vmem>>) dst(%dma_wait3A_67 : memref<10240x128xf32, #tpu.memory_space<vmem_shared>>)
    %dma_wait3A_68 = arith.constant 4 : i32
    %dma_wait3A_69 = arith.constant 4 : i32
    %dma_wait3A_70 = arith.constant 0 : i32
    %dma_wait3A_71 = arith.constant 0 : i32
    %dma_wait3A_72 = tpu.memref_slice %arg9[%dma_wait3A_68, %dma_wait3A_70, %dma_wait3A_71] : memref<5x40x128xf32, #tpu.memory_space<vmem>> -> memref<1x40x128xf32, #tpu.memory_space<vmem>>
    %dma_wait3A_73 = tpu.memref_squeeze %dma_wait3A_72 : memref<1x40x128xf32, #tpu.memory_space<vmem>> -> memref<40x128xf32, #tpu.memory_space<vmem>>
    %dma_wait3A_74 = arith.constant 0 : i32
    %dma_wait3A_75 = tpu.memref_slice %arg8[%dma_wait3A_69, %dma_wait3A_74] : memref<5x40xi32, #tpu.memory_space<vmem>> -> memref<1x40xi32, #tpu.memory_space<vmem>>
    %dma_wait3A_76 = tpu.memref_squeeze %dma_wait3A_75 : memref<1x40xi32, #tpu.memory_space<vmem>> -> memref<40xi32, #tpu.memory_space<vmem>>
    %dma_wait3A_77 = arith.constant 0 : i32
    %dma_wait3A_78 = arith.constant 0 : i32
    %dma_wait3A_79 = tpu.memref_slice %arg10[%dma_wait3A_77, %dma_wait3A_78] : memref<10240x128xf32, #tpu.memory_space<vmem_shared>> -> memref<10240x128xf32, #tpu.memory_space<vmem_shared>>
    tpu.wait_indirect_dma semaphore(%arg12 : memref<!tpu.dma_semaphore, #tpu.memory_space<semaphore_mem>>) src(%dma_wait3A_73 : memref<40x128xf32, #tpu.memory_space<vmem>>) dst(%dma_wait3A_79 : memref<10240x128xf32, #tpu.memory_space<vmem_shared>>)
    %barrier3A_80 = arith.constant 0 : index
    tpu.barrier barrier_id(%barrier3A_80)
    %scan3A_81 = arith.constant 0 : i32
    %scan3A_82 = arith.constant 0 : i32
    %scan3A_83 = arith.constant 16 : i32
    %scan3A_84 = arith.addi %scan3A_82, %scan3A_83 : i32
    %scan3A_85 = arith.constant 1 : i32
    scf.for %scan3A_87 = %scan3A_82 to %scan3A_84 step %scan3A_85  : i32 {
      %mul3A_88 = arith.constant 40 : i32
      %mul3A_89 = arith.muli %scan3A_87, %mul3A_88 : i32
      %add3A_90 = arith.addi %mul3A_8, %mul3A_89 : i32
      %run_scoped3A = arith.constant 0 : i32
      "tpu.region"() ({
        %run_scoped3A_92 = tpu.sem_alloc : memref<!tpu.dma_semaphore, #tpu.memory_space<semaphore_mem>>
        %dma_start3A = arith.constant 0 : i32
        %dma_start3A_93 = arith.constant 0 : i32
        %dma_start3A_94 = tpu.memref_slice %arg9[%run_scoped3A, %dma_start3A, %dma_start3A_93] : memref<5x40x128xf32, #tpu.memory_space<vmem>> -> memref<1x40x128xf32, #tpu.memory_space<vmem>>
        %dma_start3A_95 = tpu.memref_squeeze %dma_start3A_94 : memref<1x40x128xf32, #tpu.memory_space<vmem>> -> memref<40x128xf32, #tpu.memory_space<vmem>>
        %dma_start3A_96 = arith.constant 0 : i32
        %dma_start3A_97 = tpu.memref_slice %arg10[%add3A_90, %dma_start3A_96] : memref<10240x128xf32, #tpu.memory_space<vmem_shared>> -> memref<40x128xf32, #tpu.memory_space<vmem_shared>>
        %dma_start3A_98 = arith.constant 0 : i32
        %dma_start3A_99 = arith.constant 0 : i32
        %dma_start3A_100 = tpu.memref_slice %arg9[%run_scoped3A, %dma_start3A_98, %dma_start3A_99] : memref<5x40x128xf32, #tpu.memory_space<vmem>> -> memref<1x40x128xf32, #tpu.memory_space<vmem>>
        %dma_start3A_101 = tpu.memref_squeeze %dma_start3A_100 : memref<1x40x128xf32, #tpu.memory_space<vmem>> -> memref<40x128xf32, #tpu.memory_space<vmem>>
        %dma_start3A_102 = arith.constant 0 : i32
        %dma_start3A_103 = tpu.memref_slice %arg10[%add3A_90, %dma_start3A_102] : memref<10240x128xf32, #tpu.memory_space<vmem_shared>> -> memref<40x128xf32, #tpu.memory_space<vmem_shared>>
        tpu.enqueue_dma source(%dma_start3A_103 : memref<40x128xf32, #tpu.memory_space<vmem_shared>>) target(%dma_start3A_101 : memref<40x128xf32, #tpu.memory_space<vmem>>) target_semaphore(%run_scoped3A_92 : memref<!tpu.dma_semaphore, #tpu.memory_space<semaphore_mem>>)
        %dma_wait3A_104 = arith.constant 0 : i32
        %dma_wait3A_105 = arith.constant 0 : i32
        %dma_wait3A_106 = tpu.memref_slice %arg9[%run_scoped3A, %dma_wait3A_104, %dma_wait3A_105] : memref<5x40x128xf32, #tpu.memory_space<vmem>> -> memref<1x40x128xf32, #tpu.memory_space<vmem>>
        %dma_wait3A_107 = tpu.memref_squeeze %dma_wait3A_106 : memref<1x40x128xf32, #tpu.memory_space<vmem>> -> memref<40x128xf32, #tpu.memory_space<vmem>>
        %dma_wait3A_108 = arith.constant 0 : i32
        %dma_wait3A_109 = tpu.memref_slice %arg10[%add3A_90, %dma_wait3A_108] : memref<10240x128xf32, #tpu.memory_space<vmem_shared>> -> memref<40x128xf32, #tpu.memory_space<vmem_shared>>
        %dma_wait3A_110 = arith.constant 0 : i32
        %dma_wait3A_111 = arith.constant 0 : i32
        %dma_wait3A_112 = tpu.memref_slice %arg9[%run_scoped3A, %dma_wait3A_110, %dma_wait3A_111] : memref<5x40x128xf32, #tpu.memory_space<vmem>> -> memref<1x40x128xf32, #tpu.memory_space<vmem>>
        %dma_wait3A_113 = tpu.memref_squeeze %dma_wait3A_112 : memref<1x40x128xf32, #tpu.memory_space<vmem>> -> memref<40x128xf32, #tpu.memory_space<vmem>>
        %dma_wait3A_114 = arith.constant 0 : i32
        %dma_wait3A_115 = tpu.memref_slice %arg10[%add3A_90, %dma_wait3A_114] : memref<10240x128xf32, #tpu.memory_space<vmem_shared>> -> memref<40x128xf32, #tpu.memory_space<vmem_shared>>
        tpu.wait_dma2 semaphore(%run_scoped3A_92 : memref<!tpu.dma_semaphore, #tpu.memory_space<semaphore_mem>>) src(%dma_wait3A_115 : memref<40x128xf32, #tpu.memory_space<vmem_shared>>) dst(%dma_wait3A_113 : memref<40x128xf32, #tpu.memory_space<vmem>>)
        tpu.yield
      }) : () -> ()
      %run_scoped3A_91 = arith.constant 0 : i32
      "tpu.region"() ({
        %run_scoped3A_92 = tpu.sem_alloc : memref<!tpu.dma_semaphore, #tpu.memory_space<semaphore_mem>>
        %dma_start3A = arith.constant 0 : i32
        %dma_start3A_93 = arith.constant 0 : i32
        %dma_start3A_94 = tpu.memref_slice %arg9[%run_scoped3A_91, %dma_start3A, %dma_start3A_93] : memref<5x40x128xf32, #tpu.memory_space<vmem>> -> memref<1x40x128xf32, #tpu.memory_space<vmem>>
        %dma_start3A_95 = tpu.memref_squeeze %dma_start3A_94 : memref<1x40x128xf32, #tpu.memory_space<vmem>> -> memref<40x128xf32, #tpu.memory_space<vmem>>
        %dma_start3A_96 = arith.constant 0 : i32
        %dma_start3A_97 = tpu.memref_slice %arg5[%arg0, %add3A_90, %dma_start3A_96] : memref<2x10240x128xf32, #tpu.memory_space<hbm>> -> memref<1x40x128xf32, #tpu.memory_space<hbm>>
        %dma_start3A_98 = tpu.memref_squeeze %dma_start3A_97 : memref<1x40x128xf32, #tpu.memory_space<hbm>> -> memref<40x128xf32, #tpu.memory_space<hbm>>
        %dma_start3A_99 = arith.constant 0 : i32
        %dma_start3A_100 = tpu.memref_slice %arg5[%arg0, %add3A_90, %dma_start3A_99] : memref<2x10240x128xf32, #tpu.memory_space<hbm>> -> memref<1x40x128xf32, #tpu.memory_space<hbm>>
        %dma_start3A_101 = tpu.memref_squeeze %dma_start3A_100 : memref<1x40x128xf32, #tpu.memory_space<hbm>> -> memref<40x128xf32, #tpu.memory_space<hbm>>
        %dma_start3A_102 = arith.constant 0 : i32
        %dma_start3A_103 = arith.constant 0 : i32
        %dma_start3A_104 = tpu.memref_slice %arg9[%run_scoped3A_91, %dma_start3A_102, %dma_start3A_103] : memref<5x40x128xf32, #tpu.memory_space<vmem>> -> memref<1x40x128xf32, #tpu.memory_space<vmem>>
        %dma_start3A_105 = tpu.memref_squeeze %dma_start3A_104 : memref<1x40x128xf32, #tpu.memory_space<vmem>> -> memref<40x128xf32, #tpu.memory_space<vmem>>
        tpu.enqueue_dma source(%dma_start3A_105 : memref<40x128xf32, #tpu.memory_space<vmem>>) target(%dma_start3A_101 : memref<40x128xf32, #tpu.memory_space<hbm>>) target_semaphore(%run_scoped3A_92 : memref<!tpu.dma_semaphore, #tpu.memory_space<semaphore_mem>>)
        %dma_wait3A_106 = arith.constant 0 : i32
        %dma_wait3A_107 = arith.constant 0 : i32
        %dma_wait3A_108 = tpu.memref_slice %arg9[%run_scoped3A_91, %dma_wait3A_106, %dma_wait3A_107] : memref<5x40x128xf32, #tpu.memory_space<vmem>> -> memref<1x40x128xf32, #tpu.memory_space<vmem>>
        %dma_wait3A_109 = tpu.memref_squeeze %dma_wait3A_108 : memref<1x40x128xf32, #tpu.memory_space<vmem>> -> memref<40x128xf32, #tpu.memory_space<vmem>>
        %dma_wait3A_110 = arith.constant 0 : i32
        %dma_wait3A_111 = tpu.memref_slice %arg5[%arg0, %add3A_90, %dma_wait3A_110] : memref<2x10240x128xf32, #tpu.memory_space<hbm>> -> memref<1x40x128xf32, #tpu.memory_space<hbm>>
        %dma_wait3A_112 = tpu.memref_squeeze %dma_wait3A_111 : memref<1x40x128xf32, #tpu.memory_space<hbm>> -> memref<40x128xf32, #tpu.memory_space<hbm>>
        %dma_wait3A_113 = arith.constant 0 : i32
        %dma_wait3A_114 = tpu.memref_slice %arg5[%arg0, %add3A_90, %dma_wait3A_113] : memref<2x10240x128xf32, #tpu.memory_space<hbm>> -> memref<1x40x128xf32, #tpu.memory_space<hbm>>
        %dma_wait3A_115 = tpu.memref_squeeze %dma_wait3A_114 : memref<1x40x128xf32, #tpu.memory_space<hbm>> -> memref<40x128xf32, #tpu.memory_space<hbm>>
        %dma_wait3A_116 = arith.constant 0 : i32
        %dma_wait3A_117 = arith.constant 0 : i32
        %dma_wait3A_118 = tpu.memref_slice %arg9[%run_scoped3A_91, %dma_wait3A_116, %dma_wait3A_117] : memref<5x40x128xf32, #tpu.memory_space<vmem>> -> memref<1x40x128xf32, #tpu.memory_space<vmem>>
        %dma_wait3A_119 = tpu.memref_squeeze %dma_wait3A_118 : memref<1x40x128xf32, #tpu.memory_space<vmem>> -> memref<40x128xf32, #tpu.memory_space<vmem>>
        tpu.wait_dma2 semaphore(%run_scoped3A_92 : memref<!tpu.dma_semaphore, #tpu.memory_space<semaphore_mem>>) src(%dma_wait3A_119 : memref<40x128xf32, #tpu.memory_space<vmem>>) dst(%dma_wait3A_115 : memref<40x128xf32, #tpu.memory_space<hbm>>)
        tpu.yield
      }) : () -> ()
    }
    %scan3A_86 = arith.constant 16 : i32
    return
  }
}

#map = affine_map<(d0, d1) -> (0, 0)>
#map1 = affine_map<(d0, d1) -> (0, 0, 0, 0)>
#map2 = affine_map<(d0, d1) -> (0, 0, 0)>
module attributes {stable_mosaic.version = 14 : i64} {
  func.func @body(%arg0: i32, %arg1: i32, %arg2: memref<10000x128xf32, #tpu.memory_space<hbm>>, %arg3: memref<32x50x5x40xi32, #tpu.memory_space<hbm>>, %arg4: memref<32x50x5x40xi32, #tpu.memory_space<hbm>>, %arg5: memref<2x10240x128xf32, #tpu.memory_space<hbm>>, %arg6: memref<5x40xi32, #tpu.memory_space<vmem>>, %arg7: memref<5x40xi32, #tpu.memory_space<vmem>>, %arg8: memref<5x40xi32, #tpu.memory_space<vmem>>, %arg9: memref<5x40x128xf32, #tpu.memory_space<vmem>>, %arg10: memref<10240x128xf32, #tpu.memory_space<vmem_shared>>, %arg11: memref<!tpu.dma_semaphore, #tpu.memory_space<semaphore_mem>>, %arg12: memref<!tpu.dma_semaphore, #tpu.memory_space<semaphore_mem>>) attributes {dimension_semantics = [#tpu.dimension_semantics<core_parallel>, #tpu.dimension_semantics<subcore_parallel>], iteration_bounds = array<i64: 2, 16>, scalar_prefetch = 0 : i64, scratch_operands = 7 : i64, tpu.core_type = #tpu.core_type<sc_vector_subcore>, window_params = [{transform_indices = #map}, {transform_indices = #map1}, {transform_indices = #map1}, {transform_indices = #map2}]} {
    %mul3A = arith.constant 16 : i32
    %mul3A_0 = arith.muli %arg0, %mul3A : i32
    %add3A = arith.addi %mul3A_0, %arg1 : i32
    %broadcast_in_dim3A = arith.constant 0.000000e+00 : f32
    %broadcast_in_dim3A_1 = vector.broadcast %broadcast_in_dim3A : f32 to vector<16xf32>
    %scan3A = arith.constant 0 : i32
    %scan3A_2 = arith.constant 0 : i32
    %scan3A_3 = arith.constant 40 : i32
    %scan3A_4 = arith.addi %scan3A_2, %scan3A_3 : i32
    %scan3A_5 = arith.constant 1 : i32
    scf.for %scan3A_87 = %scan3A_2 to %scan3A_4 step %scan3A_5  : i32 {
      %swap3A = arith.constant 0 : i32
      %swap3A_88 = arith.index_cast %swap3A : i32 to index
      %swap3A_89 = arith.index_cast %scan3A_87 : i32 to index
      %swap3A_90 = arith.constant 0 : index
      %swap3A_91 = tpu.vector_load %arg9[%swap3A_88, %swap3A_89, %swap3A_90] {strides = array<i32>} : memref<5x40x128xf32, #tpu.memory_space<vmem>>, vector<1x1x16xf32>,
      %swap3A_92 = vector.shape_cast %swap3A_91 : vector<1x1x16xf32> to vector<16xf32>
      %swap3A_93 = vector.shape_cast %broadcast_in_dim3A_1 : vector<16xf32> to vector<1x1x16xf32>
      tpu.vector_store %arg9[%swap3A_88, %swap3A_89, %swap3A_90], %swap3A_93 {strides = array<i32>} : memref<5x40x128xf32, #tpu.memory_space<vmem>>, vector<1x1x16xf32>,
      %swap3A_94 = arith.constant 0 : i32
      %swap3A_95 = arith.index_cast %swap3A_94 : i32 to index
      %swap3A_96 = arith.index_cast %scan3A_87 : i32 to index
      %swap3A_97 = arith.constant 16 : index
      %swap3A_98 = tpu.vector_load %arg9[%swap3A_95, %swap3A_96, %swap3A_97] {strides = array<i32>} : memref<5x40x128xf32, #tpu.memory_space<vmem>>, vector<1x1x16xf32>,
      %swap3A_99 = vector.shape_cast %swap3A_98 : vector<1x1x16xf32> to vector<16xf32>
      %swap3A_100 = vector.shape_cast %broadcast_in_dim3A_1 : vector<16xf32> to vector<1x1x16xf32>
      tpu.vector_store %arg9[%swap3A_95, %swap3A_96, %swap3A_97], %swap3A_100 {strides = array<i32>} : memref<5x40x128xf32, #tpu.memory_space<vmem>>, vector<1x1x16xf32>,
      %swap3A_101 = arith.constant 0 : i32
      %swap3A_102 = arith.index_cast %swap3A_101 : i32 to index
      %swap3A_103 = arith.index_cast %scan3A_87 : i32 to index
      %swap3A_104 = arith.constant 32 : index
      %swap3A_105 = tpu.vector_load %arg9[%swap3A_102, %swap3A_103, %swap3A_104] {strides = array<i32>} : memref<5x40x128xf32, #tpu.memory_space<vmem>>, vector<1x1x16xf32>,
      %swap3A_106 = vector.shape_cast %swap3A_105 : vector<1x1x16xf32> to vector<16xf32>
      %swap3A_107 = vector.shape_cast %broadcast_in_dim3A_1 : vector<16xf32> to vector<1x1x16xf32>
      tpu.vector_store %arg9[%swap3A_102, %swap3A_103, %swap3A_104], %swap3A_107 {strides = array<i32>} : memref<5x40x128xf32, #tpu.memory_space<vmem>>, vector<1x1x16xf32>,
      %swap3A_108 = arith.constant 0 : i32
      %swap3A_109 = arith.index_cast %swap3A_108 : i32 to index
      %swap3A_110 = arith.index_cast %scan3A_87 : i32 to index
      %swap3A_111 = arith.constant 48 : index
      %swap3A_112 = tpu.vector_load %arg9[%swap3A_109, %swap3A_110, %swap3A_111] {strides = array<i32>} : memref<5x40x128xf32, #tpu.memory_space<vmem>>, vector<1x1x16xf32>,
      %swap3A_113 = vector.shape_cast %swap3A_112 : vector<1x1x16xf32> to vector<16xf32>
      %swap3A_114 = vector.shape_cast %broadcast_in_dim3A_1 : vector<16xf32> to vector<1x1x16xf32>
      tpu.vector_store %arg9[%swap3A_109, %swap3A_110, %swap3A_111], %swap3A_114 {strides = array<i32>} : memref<5x40x128xf32, #tpu.memory_space<vmem>>, vector<1x1x16xf32>,
      %swap3A_115 = arith.constant 0 : i32
      %swap3A_116 = arith.index_cast %swap3A_115 : i32 to index
      %swap3A_117 = arith.index_cast %scan3A_87 : i32 to index
      %swap3A_118 = arith.constant 64 : index
      %swap3A_119 = tpu.vector_load %arg9[%swap3A_116, %swap3A_117, %swap3A_118] {strides = array<i32>} : memref<5x40x128xf32, #tpu.memory_space<vmem>>, vector<1x1x16xf32>,
      %swap3A_120 = vector.shape_cast %swap3A_119 : vector<1x1x16xf32> to vector<16xf32>
      %swap3A_121 = vector.shape_cast %broadcast_in_dim3A_1 : vector<16xf32> to vector<1x1x16xf32>
      tpu.vector_store %arg9[%swap3A_116, %swap3A_117, %swap3A_118], %swap3A_121 {strides = array<i32>} : memref<5x40x128xf32, #tpu.memory_space<vmem>>, vector<1x1x16xf32>,
      %swap3A_122 = arith.constant 0 : i32
      %swap3A_123 = arith.index_cast %swap3A_122 : i32 to index
      %swap3A_124 = arith.index_cast %scan3A_87 : i32 to index
      %swap3A_125 = arith.constant 80 : index
      %swap3A_126 = tpu.vector_load %arg9[%swap3A_123, %swap3A_124, %swap3A_125] {strides = array<i32>} : memref<5x40x128xf32, #tpu.memory_space<vmem>>, vector<1x1x16xf32>,
      %swap3A_127 = vector.shape_cast %swap3A_126 : vector<1x1x16xf32> to vector<16xf32>
      %swap3A_128 = vector.shape_cast %broadcast_in_dim3A_1 : vector<16xf32> to vector<1x1x16xf32>
      tpu.vector_store %arg9[%swap3A_123, %swap3A_124, %swap3A_125], %swap3A_128 {strides = array<i32>} : memref<5x40x128xf32, #tpu.memory_space<vmem>>, vector<1x1x16xf32>,
      %swap3A_129 = arith.constant 0 : i32
      %swap3A_130 = arith.index_cast %swap3A_129 : i32 to index
      %swap3A_131 = arith.index_cast %scan3A_87 : i32 to index
      %swap3A_132 = arith.constant 96 : index
      %swap3A_133 = tpu.vector_load %arg9[%swap3A_130, %swap3A_131, %swap3A_132] {strides = array<i32>} : memref<5x40x128xf32, #tpu.memory_space<vmem>>, vector<1x1x16xf32>,
      %swap3A_134 = vector.shape_cast %swap3A_133 : vector<1x1x16xf32> to vector<16xf32>
      %swap3A_135 = vector.shape_cast %broadcast_in_dim3A_1 : vector<16xf32> to vector<1x1x16xf32>
      tpu.vector_store %arg9[%swap3A_130, %swap3A_131, %swap3A_132], %swap3A_135 {strides = array<i32>} : memref<5x40x128xf32, #tpu.memory_space<vmem>>, vector<1x1x16xf32>,
      %swap3A_136 = arith.constant 0 : i32
      %swap3A_137 = arith.index_cast %swap3A_136 : i32 to index
      %swap3A_138 = arith.index_cast %scan3A_87 : i32 to index
      %swap3A_139 = arith.constant 112 : index
      %swap3A_140 = tpu.vector_load %arg9[%swap3A_137, %swap3A_138, %swap3A_139] {strides = array<i32>} : memref<5x40x128xf32, #tpu.memory_space<vmem>>, vector<1x1x16xf32>,
      %swap3A_141 = vector.shape_cast %swap3A_140 : vector<1x1x16xf32> to vector<16xf32>
      %swap3A_142 = vector.shape_cast %broadcast_in_dim3A_1 : vector<16xf32> to vector<1x1x16xf32>
      tpu.vector_store %arg9[%swap3A_137, %swap3A_138, %swap3A_139], %swap3A_142 {strides = array<i32>} : memref<5x40x128xf32, #tpu.memory_space<vmem>>, vector<1x1x16xf32>,
    }
    %scan3A_6 = arith.constant 40 : i32
    %mul3A_7 = arith.constant 640 : i32
    %mul3A_8 = arith.muli %arg1, %mul3A_7 : i32
    %scan3A_9 = arith.constant 0 : i32
    %scan3A_10 = arith.constant 0 : i32
    %scan3A_11 = arith.constant 16 : i32
    %scan3A_12 = arith.addi %scan3A_10, %scan3A_11 : i32
    %scan3A_13 = arith.constant 1 : i32
    scf.for %scan3A_87 = %scan3A_10 to %scan3A_12 step %scan3A_13  : i32 {
      %mul3A_88 = arith.constant 40 : i32
      %mul3A_89 = arith.muli %scan3A_87, %mul3A_88 : i32
      %add3A_90 = arith.addi %mul3A_8, %mul3A_89 : i32
      %run_scoped3A = arith.constant 0 : i32
      "tpu.region"() ({
        %run_scoped3A_91 = tpu.sem_alloc : memref<!tpu.dma_semaphore, #tpu.memory_space<semaphore_mem>>
        %dma_start3A = arith.constant 0 : i32
        %dma_start3A_92 = arith.constant 0 : i32
        %dma_start3A_93 = tpu.memref_slice %arg9[%run_scoped3A, %dma_start3A, %dma_start3A_92] : memref<5x40x128xf32, #tpu.memory_space<vmem>> -> memref<1x40x128xf32, #tpu.memory_space<vmem>>
        %dma_start3A_94 = tpu.memref_squeeze %dma_start3A_93 : memref<1x40x128xf32, #tpu.memory_space<vmem>> -> memref<40x128xf32, #tpu.memory_space<vmem>>
        %dma_start3A_95 = arith.constant 0 : i32
        %dma_start3A_96 = tpu.memref_slice %arg10[%add3A_90, %dma_start3A_95] : memref<10240x128xf32, #tpu.memory_space<vmem_shared>> -> memref<40x128xf32, #tpu.memory_space<vmem_shared>>
        %dma_start3A_97 = arith.constant 0 : i32
        %dma_start3A_98 = tpu.memref_slice %arg10[%add3A_90, %dma_start3A_97] : memref<10240x128xf32, #tpu.memory_space<vmem_shared>> -> memref<40x128xf32, #tpu.memory_space<vmem_shared>>
        %dma_start3A_99 = arith.constant 0 : i32
        %dma_start3A_100 = arith.constant 0 : i32
        %dma_start3A_101 = tpu.memref_slice %arg9[%run_scoped3A, %dma_start3A_99, %dma_start3A_100] : memref<5x40x128xf32, #tpu.memory_space<vmem>> -> memref<1x40x128xf32, #tpu.memory_space<vmem>>
        %dma_start3A_102 = tpu.memref_squeeze %dma_start3A_101 : memref<1x40x128xf32, #tpu.memory_space<vmem>> -> memref<40x128xf32, #tpu.memory_space<vmem>>
        tpu.enqueue_dma source(%dma_start3A_102 : memref<40x128xf32, #tpu.memory_space<vmem>>) target(%dma_start3A_98 : memref<40x128xf32, #tpu.memory_space<vmem_shared>>) target_semaphore(%run_scoped3A_91 : memref<!tpu.dma_semaphore, #tpu.memory_space<semaphore_mem>>)
        %dma_wait3A_103 = arith.constant 0 : i32
        %dma_wait3A_104 = arith.constant 0 : i32
        %dma_wait3A_105 = tpu.memref_slice %arg9[%run_scoped3A, %dma_wait3A_103, %dma_wait3A_104] : memref<5x40x128xf32, #tpu.memory_space<vmem>> -> memref<1x40x128xf32, #tpu.memory_space<vmem>>
        %dma_wait3A_106 = tpu.memref_squeeze %dma_wait3A_105 : memref<1x40x128xf32, #tpu.memory_space<vmem>> -> memref<40x128xf32, #tpu.memory_space<vmem>>
        %dma_wait3A_107 = arith.constant 0 : i32
        %dma_wait3A_108 = tpu.memref_slice %arg10[%add3A_90, %dma_wait3A_107] : memref<10240x128xf32, #tpu.memory_space<vmem_shared>> -> memref<40x128xf32, #tpu.memory_space<vmem_shared>>
        %dma_wait3A_109 = arith.constant 0 : i32
        %dma_wait3A_110 = tpu.memref_slice %arg10[%add3A_90, %dma_wait3A_109] : memref<10240x128xf32, #tpu.memory_space<vmem_shared>> -> memref<40x128xf32, #tpu.memory_space<vmem_shared>>
        %dma_wait3A_111 = arith.constant 0 : i32
        %dma_wait3A_112 = arith.constant 0 : i32
        %dma_wait3A_113 = tpu.memref_slice %arg9[%run_scoped3A, %dma_wait3A_111, %dma_wait3A_112] : memref<5x40x128xf32, #tpu.memory_space<vmem>> -> memref<1x40x128xf32, #tpu.memory_space<vmem>>
        %dma_wait3A_114 = tpu.memref_squeeze %dma_wait3A_113 : memref<1x40x128xf32, #tpu.memory_space<vmem>> -> memref<40x128xf32, #tpu.memory_space<vmem>>
        tpu.wait_dma2 semaphore(%run_scoped3A_91 : memref<!tpu.dma_semaphore, #tpu.memory_space<semaphore_mem>>) src(%dma_wait3A_114 : memref<40x128xf32, #tpu.memory_space<vmem>>) dst(%dma_wait3A_110 : memref<40x128xf32, #tpu.memory_space<vmem_shared>>)
        tpu.yield
      }) : () -> ()
    }
    %scan3A_14 = arith.constant 16 : i32
    %barrier3A = arith.constant 0 : index
    tpu.barrier barrier_id(%barrier3A)
    %scan3A_15 = arith.constant 0 : i32
    %scan3A_16 = arith.constant 0 : i32
    %scan3A_17 = arith.constant 25 : i32
    %scan3A_18 = arith.addi %scan3A_16, %scan3A_17 : i32
    %scan3A_19 = arith.constant 1 : i32
    scf.for %scan3A_87 = %scan3A_16 to %scan3A_18 step %scan3A_19  : i32 {
      %mul3A_88 = arith.constant 2 : i32
      %mul3A_89 = arith.muli %mul3A_88, %scan3A_87 : i32
      %gt3A = arith.constant 0 : i32
      %gt3A_90 = arith.cmpi sgt, %scan3A_87, %gt3A : i32
      "tpu.region"() ({
        %run_scoped3A = tpu.sem_alloc : memref<!tpu.dma_semaphore, #tpu.memory_space<semaphore_mem>>
        %dma_start3A_527 = arith.constant 0 : i32
        %dma_start3A_528 = arith.constant 0 : i32
        %dma_start3A_529 = tpu.memref_slice %arg3[%add3A, %mul3A_89, %dma_start3A_527, %dma_start3A_528] : memref<32x50x5x40xi32, #tpu.memory_space<hbm>> -> memref<1x1x5x40xi32, #tpu.memory_space<hbm>>
        %dma_start3A_530 = tpu.memref_squeeze %dma_start3A_529 : memref<1x1x5x40xi32, #tpu.memory_space<hbm>> -> memref<5x40xi32, #tpu.memory_space<hbm>>
        %dma_start3A_531 = arith.constant 0 : i32
        %dma_start3A_532 = arith.constant 0 : i32
        %dma_start3A_533 = tpu.memref_slice %arg3[%add3A, %mul3A_89, %dma_start3A_531, %dma_start3A_532] : memref<32x50x5x40xi32, #tpu.memory_space<hbm>> -> memref<1x1x5x40xi32, #tpu.memory_space<hbm>>
        %dma_start3A_534 = tpu.memref_squeeze %dma_start3A_533 : memref<1x1x5x40xi32, #tpu.memory_space<hbm>> -> memref<5x40xi32, #tpu.memory_space<hbm>>
        tpu.enqueue_dma source(%dma_start3A_534 : memref<5x40xi32, #tpu.memory_space<hbm>>) target(%arg6 : memref<5x40xi32, #tpu.memory_space<vmem>>) target_semaphore(%run_scoped3A : memref<!tpu.dma_semaphore, #tpu.memory_space<semaphore_mem>>)
        %dma_wait3A_535 = arith.constant 0 : i32
        %dma_wait3A_536 = arith.constant 0 : i32
        %dma_wait3A_537 = tpu.memref_slice %arg3[%add3A, %mul3A_89, %dma_wait3A_535, %dma_wait3A_536] : memref<32x50x5x40xi32, #tpu.memory_space<hbm>> -> memref<1x1x5x40xi32, #tpu.memory_space<hbm>>
        %dma_wait3A_538 = tpu.memref_squeeze %dma_wait3A_537 : memref<1x1x5x40xi32, #tpu.memory_space<hbm>> -> memref<5x40xi32, #tpu.memory_space<hbm>>
        %dma_wait3A_539 = arith.constant 0 : i32
        %dma_wait3A_540 = arith.constant 0 : i32
        %dma_wait3A_541 = tpu.memref_slice %arg3[%add3A, %mul3A_89, %dma_wait3A_539, %dma_wait3A_540] : memref<32x50x5x40xi32, #tpu.memory_space<hbm>> -> memref<1x1x5x40xi32, #tpu.memory_space<hbm>>
        %dma_wait3A_542 = tpu.memref_squeeze %dma_wait3A_541 : memref<1x1x5x40xi32, #tpu.memory_space<hbm>> -> memref<5x40xi32, #tpu.memory_space<hbm>>
        tpu.wait_dma2 semaphore(%run_scoped3A : memref<!tpu.dma_semaphore, #tpu.memory_space<semaphore_mem>>) src(%dma_wait3A_542 : memref<5x40xi32, #tpu.memory_space<hbm>>) dst(%arg6 : memref<5x40xi32, #tpu.memory_space<vmem>>)
        tpu.yield
      }) : () -> ()
      "tpu.region"() ({
        %run_scoped3A = tpu.sem_alloc : memref<!tpu.dma_semaphore, #tpu.memory_space<semaphore_mem>>
        %dma_start3A_527 = arith.constant 0 : i32
        %dma_start3A_528 = arith.constant 0 : i32
        %dma_start3A_529 = tpu.memref_slice %arg4[%add3A, %mul3A_89, %dma_start3A_527, %dma_start3A_528] : memref<32x50x5x40xi32, #tpu.memory_space<hbm>> -> memref<1x1x5x40xi32, #tpu.memory_space<hbm>>
        %dma_start3A_530 = tpu.memref_squeeze %dma_start3A_529 : memref<1x1x5x40xi32, #tpu.memory_space<hbm>> -> memref<5x40xi32, #tpu.memory_space<hbm>>
        %dma_start3A_531 = arith.constant 0 : i32
        %dma_start3A_532 = arith.constant 0 : i32
        %dma_start3A_533 = tpu.memref_slice %arg4[%add3A, %mul3A_89, %dma_start3A_531, %dma_start3A_532] : memref<32x50x5x40xi32, #tpu.memory_space<hbm>> -> memref<1x1x5x40xi32, #tpu.memory_space<hbm>>
        %dma_start3A_534 = tpu.memref_squeeze %dma_start3A_533 : memref<1x1x5x40xi32, #tpu.memory_space<hbm>> -> memref<5x40xi32, #tpu.memory_space<hbm>>
        tpu.enqueue_dma source(%dma_start3A_534 : memref<5x40xi32, #tpu.memory_space<hbm>>) target(%arg7 : memref<5x40xi32, #tpu.memory_space<vmem>>) target_semaphore(%run_scoped3A : memref<!tpu.dma_semaphore, #tpu.memory_space<semaphore_mem>>)
        %dma_wait3A_535 = arith.constant 0 : i32
        %dma_wait3A_536 = arith.constant 0 : i32
        %dma_wait3A_537 = tpu.memref_slice %arg4[%add3A, %mul3A_89, %dma_wait3A_535, %dma_wait3A_536] : memref<32x50x5x40xi32, #tpu.memory_space<hbm>> -> memref<1x1x5x40xi32, #tpu.memory_space<hbm>>
        %dma_wait3A_538 = tpu.memref_squeeze %dma_wait3A_537 : memref<1x1x5x40xi32, #tpu.memory_space<hbm>> -> memref<5x40xi32, #tpu.memory_space<hbm>>
        %dma_wait3A_539 = arith.constant 0 : i32
        %dma_wait3A_540 = arith.constant 0 : i32
        %dma_wait3A_541 = tpu.memref_slice %arg4[%add3A, %mul3A_89, %dma_wait3A_539, %dma_wait3A_540] : memref<32x50x5x40xi32, #tpu.memory_space<hbm>> -> memref<1x1x5x40xi32, #tpu.memory_space<hbm>>
        %dma_wait3A_542 = tpu.memref_squeeze %dma_wait3A_541 : memref<1x1x5x40xi32, #tpu.memory_space<hbm>> -> memref<5x40xi32, #tpu.memory_space<hbm>>
        tpu.wait_dma2 semaphore(%run_scoped3A : memref<!tpu.dma_semaphore, #tpu.memory_space<semaphore_mem>>) src(%dma_wait3A_542 : memref<5x40xi32, #tpu.memory_space<hbm>>) dst(%arg7 : memref<5x40xi32, #tpu.memory_space<vmem>>)
        tpu.yield
      }) : () -> ()
      %convert_element_type3A = arith.extui %gt3A_90 : i1 to i32
      %cond3A = arith.constant 0 : i32
      %cond3A_91 = arith.cmpi ne, %convert_element_type3A, %cond3A : i32
      scf.if %cond3A_91 {
        %dma_wait3A_527 = arith.constant 0 : i32
        %dma_wait3A_528 = arith.constant 0 : i32
        %dma_wait3A_529 = arith.constant 0 : i32
        %dma_wait3A_530 = arith.constant 0 : i32
        %dma_wait3A_531 = tpu.memref_slice %arg9[%dma_wait3A_527, %dma_wait3A_529, %dma_wait3A_530] : memref<5x40x128xf32, #tpu.memory_space<vmem>> -> memref<1x40x128xf32, #tpu.memory_space<vmem>>
        %dma_wait3A_532 = tpu.memref_squeeze %dma_wait3A_531 : memref<1x40x128xf32, #tpu.memory_space<vmem>> -> memref<40x128xf32, #tpu.memory_space<vmem>>
        %dma_wait3A_533 = arith.constant 0 : i32
        %dma_wait3A_534 = tpu.memref_slice %arg7[%dma_wait3A_528, %dma_wait3A_533] : memref<5x40xi32, #tpu.memory_space<vmem>> -> memref<1x40xi32, #tpu.memory_space<vmem>>
        %dma_wait3A_535 = tpu.memref_squeeze %dma_wait3A_534 : memref<1x40xi32, #tpu.memory_space<vmem>> -> memref<40xi32, #tpu.memory_space<vmem>>
        %dma_wait3A_536 = arith.constant 0 : i32
        %dma_wait3A_537 = arith.constant 0 : i32
        %dma_wait3A_538 = tpu.memref_slice %arg10[%dma_wait3A_536, %dma_wait3A_537] : memref<10240x128xf32, #tpu.memory_space<vmem_shared>> -> memref<10240x128xf32, #tpu.memory_space<vmem_shared>>
        tpu.wait_indirect_dma semaphore(%arg12 : memref<!tpu.dma_semaphore, #tpu.memory_space<semaphore_mem>>) src(%dma_wait3A_532 : memref<40x128xf32, #tpu.memory_space<vmem>>) dst(%dma_wait3A_538 : memref<10240x128xf32, #tpu.memory_space<vmem_shared>>)
      } else {
      }
      %dma_start3A = arith.constant 0 : i32
      %dma_start3A_92 = arith.constant 0 : i32
      %dma_start3A_93 = arith.constant 0 : i32
      %dma_start3A_94 = arith.constant 0 : i32
      %dma_start3A_95 = tpu.memref_slice %arg9[%dma_start3A_92, %dma_start3A_93, %dma_start3A_94] : memref<5x40x128xf32, #tpu.memory_space<vmem>> -> memref<1x40x128xf32, #tpu.memory_space<vmem>>
      %dma_start3A_96 = tpu.memref_squeeze %dma_start3A_95 : memref<1x40x128xf32, #tpu.memory_space<vmem>> -> memref<40x128xf32, #tpu.memory_space<vmem>>
      %dma_start3A_97 = arith.constant 0 : i32
      %dma_start3A_98 = tpu.memref_slice %arg6[%dma_start3A, %dma_start3A_97] : memref<5x40xi32, #tpu.memory_space<vmem>> -> memref<1x40xi32, #tpu.memory_space<vmem>>
      %dma_start3A_99 = tpu.memref_squeeze %dma_start3A_98 : memref<1x40xi32, #tpu.memory_space<vmem>> -> memref<40xi32, #tpu.memory_space<vmem>>
      %dma_start3A_100 = arith.constant 0 : i32
      %dma_start3A_101 = arith.constant 0 : i32
      %dma_start3A_102 = tpu.memref_slice %arg2[%dma_start3A_100, %dma_start3A_101] : memref<10000x128xf32, #tpu.memory_space<hbm>> -> memref<10000x128xf32, #tpu.memory_space<hbm>>
      tpu.enqueue_indirect_dma source(%dma_start3A_102 : memref<10000x128xf32, #tpu.memory_space<hbm>>) target(%dma_start3A_96 : memref<40x128xf32, #tpu.memory_space<vmem>>) offsets(%dma_start3A_99 : memref<40xi32, #tpu.memory_space<vmem>>) semaphore(%arg11 : memref<!tpu.dma_semaphore, #tpu.memory_space<semaphore_mem>>)
      %convert_element_type3A_103 = arith.extui %gt3A_90 : i1 to i32
      %cond3A_104 = arith.constant 0 : i32
      %cond3A_105 = arith.cmpi ne, %convert_element_type3A_103, %cond3A_104 : i32
      scf.if %cond3A_105 {
        %dma_wait3A_527 = arith.constant 1 : i32
        %dma_wait3A_528 = arith.constant 1 : i32
        %dma_wait3A_529 = arith.constant 0 : i32
        %dma_wait3A_530 = arith.constant 0 : i32
        %dma_wait3A_531 = tpu.memref_slice %arg9[%dma_wait3A_527, %dma_wait3A_529, %dma_wait3A_530] : memref<5x40x128xf32, #tpu.memory_space<vmem>> -> memref<1x40x128xf32, #tpu.memory_space<vmem>>
        %dma_wait3A_532 = tpu.memref_squeeze %dma_wait3A_531 : memref<1x40x128xf32, #tpu.memory_space<vmem>> -> memref<40x128xf32, #tpu.memory_space<vmem>>
        %dma_wait3A_533 = arith.constant 0 : i32
        %dma_wait3A_534 = tpu.memref_slice %arg7[%dma_wait3A_528, %dma_wait3A_533] : memref<5x40xi32, #tpu.memory_space<vmem>> -> memref<1x40xi32, #tpu.memory_space<vmem>>
        %dma_wait3A_535 = tpu.memref_squeeze %dma_wait3A_534 : memref<1x40xi32, #tpu.memory_space<vmem>> -> memref<40xi32, #tpu.memory_space<vmem>>
        %dma_wait3A_536 = arith.constant 0 : i32
        %dma_wait3A_537 = arith.constant 0 : i32
        %dma_wait3A_538 = tpu.memref_slice %arg10[%dma_wait3A_536, %dma_wait3A_537] : memref<10240x128xf32, #tpu.memory_space<vmem_shared>> -> memref<10240x128xf32, #tpu.memory_space<vmem_shared>>
        tpu.wait_indirect_dma semaphore(%arg12 : memref<!tpu.dma_semaphore, #tpu.memory_space<semaphore_mem>>) src(%dma_wait3A_532 : memref<40x128xf32, #tpu.memory_space<vmem>>) dst(%dma_wait3A_538 : memref<10240x128xf32, #tpu.memory_space<vmem_shared>>)
      } else {
      }
      %dma_start3A_106 = arith.constant 1 : i32
      %dma_start3A_107 = arith.constant 1 : i32
      %dma_start3A_108 = arith.constant 0 : i32
      %dma_start3A_109 = arith.constant 0 : i32
      %dma_start3A_110 = tpu.memref_slice %arg9[%dma_start3A_107, %dma_start3A_108, %dma_start3A_109] : memref<5x40x128xf32, #tpu.memory_space<vmem>> -> memref<1x40x128xf32, #tpu.memory_space<vmem>>
      %dma_start3A_111 = tpu.memref_squeeze %dma_start3A_110 : memref<1x40x128xf32, #tpu.memory_space<vmem>> -> memref<40x128xf32, #tpu.memory_space<vmem>>
      %dma_start3A_112 = arith.constant 0 : i32
      %dma_start3A_113 = tpu.memref_slice %arg6[%dma_start3A_106, %dma_start3A_112] : memref<5x40xi32, #tpu.memory_space<vmem>> -> memref<1x40xi32, #tpu.memory_space<vmem>>
      %dma_start3A_114 = tpu.memref_squeeze %dma_start3A_113 : memref<1x40xi32, #tpu.memory_space<vmem>> -> memref<40xi32, #tpu.memory_space<vmem>>
      %dma_start3A_115 = arith.constant 0 : i32
      %dma_start3A_116 = arith.constant 0 : i32
      %dma_start3A_117 = tpu.memref_slice %arg2[%dma_start3A_115, %dma_start3A_116] : memref<10000x128xf32, #tpu.memory_space<hbm>> -> memref<10000x128xf32, #tpu.memory_space<hbm>>
      tpu.enqueue_indirect_dma source(%dma_start3A_117 : memref<10000x128xf32, #tpu.memory_space<hbm>>) target(%dma_start3A_111 : memref<40x128xf32, #tpu.memory_space<vmem>>) offsets(%dma_start3A_114 : memref<40xi32, #tpu.memory_space<vmem>>) semaphore(%arg11 : memref<!tpu.dma_semaphore, #tpu.memory_space<semaphore_mem>>)
      %convert_element_type3A_118 = arith.extui %gt3A_90 : i1 to i32
      %cond3A_119 = arith.constant 0 : i32
      %cond3A_120 = arith.cmpi ne, %convert_element_type3A_118, %cond3A_119 : i32
      scf.if %cond3A_120 {
        %dma_wait3A_527 = arith.constant 2 : i32
        %dma_wait3A_528 = arith.constant 2 : i32
        %dma_wait3A_529 = arith.constant 0 : i32
        %dma_wait3A_530 = arith.constant 0 : i32
        %dma_wait3A_531 = tpu.memref_slice %arg9[%dma_wait3A_527, %dma_wait3A_529, %dma_wait3A_530] : memref<5x40x128xf32, #tpu.memory_space<vmem>> -> memref<1x40x128xf32, #tpu.memory_space<vmem>>
        %dma_wait3A_532 = tpu.memref_squeeze %dma_wait3A_531 : memref<1x40x128xf32, #tpu.memory_space<vmem>> -> memref<40x128xf32, #tpu.memory_space<vmem>>
        %dma_wait3A_533 = arith.constant 0 : i32
        %dma_wait3A_534 = tpu.memref_slice %arg7[%dma_wait3A_528, %dma_wait3A_533] : memref<5x40xi32, #tpu.memory_space<vmem>> -> memref<1x40xi32, #tpu.memory_space<vmem>>
        %dma_wait3A_535 = tpu.memref_squeeze %dma_wait3A_534 : memref<1x40xi32, #tpu.memory_space<vmem>> -> memref<40xi32, #tpu.memory_space<vmem>>
        %dma_wait3A_536 = arith.constant 0 : i32
        %dma_wait3A_537 = arith.constant 0 : i32
        %dma_wait3A_538 = tpu.memref_slice %arg10[%dma_wait3A_536, %dma_wait3A_537] : memref<10240x128xf32, #tpu.memory_space<vmem_shared>> -> memref<10240x128xf32, #tpu.memory_space<vmem_shared>>
        tpu.wait_indirect_dma semaphore(%arg12 : memref<!tpu.dma_semaphore, #tpu.memory_space<semaphore_mem>>) src(%dma_wait3A_532 : memref<40x128xf32, #tpu.memory_space<vmem>>) dst(%dma_wait3A_538 : memref<10240x128xf32, #tpu.memory_space<vmem_shared>>)
      } else {
      }
      %dma_start3A_121 = arith.constant 2 : i32
      %dma_start3A_122 = arith.constant 2 : i32
      %dma_start3A_123 = arith.constant 0 : i32
      %dma_start3A_124 = arith.constant 0 : i32
      %dma_start3A_125 = tpu.memref_slice %arg9[%dma_start3A_122, %dma_start3A_123, %dma_start3A_124] : memref<5x40x128xf32, #tpu.memory_space<vmem>> -> memref<1x40x128xf32, #tpu.memory_space<vmem>>
      %dma_start3A_126 = tpu.memref_squeeze %dma_start3A_125 : memref<1x40x128xf32, #tpu.memory_space<vmem>> -> memref<40x128xf32, #tpu.memory_space<vmem>>
      %dma_start3A_127 = arith.constant 0 : i32
      %dma_start3A_128 = tpu.memref_slice %arg6[%dma_start3A_121, %dma_start3A_127] : memref<5x40xi32, #tpu.memory_space<vmem>> -> memref<1x40xi32, #tpu.memory_space<vmem>>
      %dma_start3A_129 = tpu.memref_squeeze %dma_start3A_128 : memref<1x40xi32, #tpu.memory_space<vmem>> -> memref<40xi32, #tpu.memory_space<vmem>>
      %dma_start3A_130 = arith.constant 0 : i32
      %dma_start3A_131 = arith.constant 0 : i32
      %dma_start3A_132 = tpu.memref_slice %arg2[%dma_start3A_130, %dma_start3A_131] : memref<10000x128xf32, #tpu.memory_space<hbm>> -> memref<10000x128xf32, #tpu.memory_space<hbm>>
      tpu.enqueue_indirect_dma source(%dma_start3A_132 : memref<10000x128xf32, #tpu.memory_space<hbm>>) target(%dma_start3A_126 : memref<40x128xf32, #tpu.memory_space<vmem>>) offsets(%dma_start3A_129 : memref<40xi32, #tpu.memory_space<vmem>>) semaphore(%arg11 : memref<!tpu.dma_semaphore, #tpu.memory_space<semaphore_mem>>)
      %convert_element_type3A_133 = arith.extui %gt3A_90 : i1 to i32
      %cond3A_134 = arith.constant 0 : i32
      %cond3A_135 = arith.cmpi ne, %convert_element_type3A_133, %cond3A_134 : i32
      scf.if %cond3A_135 {
        %dma_wait3A_527 = arith.constant 3 : i32
        %dma_wait3A_528 = arith.constant 3 : i32
        %dma_wait3A_529 = arith.constant 0 : i32
        %dma_wait3A_530 = arith.constant 0 : i32
        %dma_wait3A_531 = tpu.memref_slice %arg9[%dma_wait3A_527, %dma_wait3A_529, %dma_wait3A_530] : memref<5x40x128xf32, #tpu.memory_space<vmem>> -> memref<1x40x128xf32, #tpu.memory_space<vmem>>
        %dma_wait3A_532 = tpu.memref_squeeze %dma_wait3A_531 : memref<1x40x128xf32, #tpu.memory_space<vmem>> -> memref<40x128xf32, #tpu.memory_space<vmem>>
        %dma_wait3A_533 = arith.constant 0 : i32
        %dma_wait3A_534 = tpu.memref_slice %arg7[%dma_wait3A_528, %dma_wait3A_533] : memref<5x40xi32, #tpu.memory_space<vmem>> -> memref<1x40xi32, #tpu.memory_space<vmem>>
        %dma_wait3A_535 = tpu.memref_squeeze %dma_wait3A_534 : memref<1x40xi32, #tpu.memory_space<vmem>> -> memref<40xi32, #tpu.memory_space<vmem>>
        %dma_wait3A_536 = arith.constant 0 : i32
        %dma_wait3A_537 = arith.constant 0 : i32
        %dma_wait3A_538 = tpu.memref_slice %arg10[%dma_wait3A_536, %dma_wait3A_537] : memref<10240x128xf32, #tpu.memory_space<vmem_shared>> -> memref<10240x128xf32, #tpu.memory_space<vmem_shared>>
        tpu.wait_indirect_dma semaphore(%arg12 : memref<!tpu.dma_semaphore, #tpu.memory_space<semaphore_mem>>) src(%dma_wait3A_532 : memref<40x128xf32, #tpu.memory_space<vmem>>) dst(%dma_wait3A_538 : memref<10240x128xf32, #tpu.memory_space<vmem_shared>>)
      } else {
      }
      %dma_start3A_136 = arith.constant 3 : i32
      %dma_start3A_137 = arith.constant 3 : i32
      %dma_start3A_138 = arith.constant 0 : i32
      %dma_start3A_139 = arith.constant 0 : i32
      %dma_start3A_140 = tpu.memref_slice %arg9[%dma_start3A_137, %dma_start3A_138, %dma_start3A_139] : memref<5x40x128xf32, #tpu.memory_space<vmem>> -> memref<1x40x128xf32, #tpu.memory_space<vmem>>
      %dma_start3A_141 = tpu.memref_squeeze %dma_start3A_140 : memref<1x40x128xf32, #tpu.memory_space<vmem>> -> memref<40x128xf32, #tpu.memory_space<vmem>>
      %dma_start3A_142 = arith.constant 0 : i32
      %dma_start3A_143 = tpu.memref_slice %arg6[%dma_start3A_136, %dma_start3A_142] : memref<5x40xi32, #tpu.memory_space<vmem>> -> memref<1x40xi32, #tpu.memory_space<vmem>>
      %dma_start3A_144 = tpu.memref_squeeze %dma_start3A_143 : memref<1x40xi32, #tpu.memory_space<vmem>> -> memref<40xi32, #tpu.memory_space<vmem>>
      %dma_start3A_145 = arith.constant 0 : i32
      %dma_start3A_146 = arith.constant 0 : i32
      %dma_start3A_147 = tpu.memref_slice %arg2[%dma_start3A_145, %dma_start3A_146] : memref<10000x128xf32, #tpu.memory_space<hbm>> -> memref<10000x128xf32, #tpu.memory_space<hbm>>
      tpu.enqueue_indirect_dma source(%dma_start3A_147 : memref<10000x128xf32, #tpu.memory_space<hbm>>) target(%dma_start3A_141 : memref<40x128xf32, #tpu.memory_space<vmem>>) offsets(%dma_start3A_144 : memref<40xi32, #tpu.memory_space<vmem>>) semaphore(%arg11 : memref<!tpu.dma_semaphore, #tpu.memory_space<semaphore_mem>>)
      %convert_element_type3A_148 = arith.extui %gt3A_90 : i1 to i32
      %cond3A_149 = arith.constant 0 : i32
      %cond3A_150 = arith.cmpi ne, %convert_element_type3A_148, %cond3A_149 : i32
      scf.if %cond3A_150 {
        %dma_wait3A_527 = arith.constant 4 : i32
        %dma_wait3A_528 = arith.constant 4 : i32
        %dma_wait3A_529 = arith.constant 0 : i32
        %dma_wait3A_530 = arith.constant 0 : i32
        %dma_wait3A_531 = tpu.memref_slice %arg9[%dma_wait3A_527, %dma_wait3A_529, %dma_wait3A_530] : memref<5x40x128xf32, #tpu.memory_space<vmem>> -> memref<1x40x128xf32, #tpu.memory_space<vmem>>
        %dma_wait3A_532 = tpu.memref_squeeze %dma_wait3A_531 : memref<1x40x128xf32, #tpu.memory_space<vmem>> -> memref<40x128xf32, #tpu.memory_space<vmem>>
        %dma_wait3A_533 = arith.constant 0 : i32
        %dma_wait3A_534 = tpu.memref_slice %arg7[%dma_wait3A_528, %dma_wait3A_533] : memref<5x40xi32, #tpu.memory_space<vmem>> -> memref<1x40xi32, #tpu.memory_space<vmem>>
        %dma_wait3A_535 = tpu.memref_squeeze %dma_wait3A_534 : memref<1x40xi32, #tpu.memory_space<vmem>> -> memref<40xi32, #tpu.memory_space<vmem>>
        %dma_wait3A_536 = arith.constant 0 : i32
        %dma_wait3A_537 = arith.constant 0 : i32
        %dma_wait3A_538 = tpu.memref_slice %arg10[%dma_wait3A_536, %dma_wait3A_537] : memref<10240x128xf32, #tpu.memory_space<vmem_shared>> -> memref<10240x128xf32, #tpu.memory_space<vmem_shared>>
        tpu.wait_indirect_dma semaphore(%arg12 : memref<!tpu.dma_semaphore, #tpu.memory_space<semaphore_mem>>) src(%dma_wait3A_532 : memref<40x128xf32, #tpu.memory_space<vmem>>) dst(%dma_wait3A_538 : memref<10240x128xf32, #tpu.memory_space<vmem_shared>>)
      } else {
      }
      %dma_start3A_151 = arith.constant 4 : i32
      %dma_start3A_152 = arith.constant 4 : i32
      %dma_start3A_153 = arith.constant 0 : i32
      %dma_start3A_154 = arith.constant 0 : i32
      %dma_start3A_155 = tpu.memref_slice %arg9[%dma_start3A_152, %dma_start3A_153, %dma_start3A_154] : memref<5x40x128xf32, #tpu.memory_space<vmem>> -> memref<1x40x128xf32, #tpu.memory_space<vmem>>
      %dma_start3A_156 = tpu.memref_squeeze %dma_start3A_155 : memref<1x40x128xf32, #tpu.memory_space<vmem>> -> memref<40x128xf32, #tpu.memory_space<vmem>>
      %dma_start3A_157 = arith.constant 0 : i32
      %dma_start3A_158 = tpu.memref_slice %arg6[%dma_start3A_151, %dma_start3A_157] : memref<5x40xi32, #tpu.memory_space<vmem>> -> memref<1x40xi32, #tpu.memory_space<vmem>>
      %dma_start3A_159 = tpu.memref_squeeze %dma_start3A_158 : memref<1x40xi32, #tpu.memory_space<vmem>> -> memref<40xi32, #tpu.memory_space<vmem>>
      %dma_start3A_160 = arith.constant 0 : i32
      %dma_start3A_161 = arith.constant 0 : i32
      %dma_start3A_162 = tpu.memref_slice %arg2[%dma_start3A_160, %dma_start3A_161] : memref<10000x128xf32, #tpu.memory_space<hbm>> -> memref<10000x128xf32, #tpu.memory_space<hbm>>
      tpu.enqueue_indirect_dma source(%dma_start3A_162 : memref<10000x128xf32, #tpu.memory_space<hbm>>) target(%dma_start3A_156 : memref<40x128xf32, #tpu.memory_space<vmem>>) offsets(%dma_start3A_159 : memref<40xi32, #tpu.memory_space<vmem>>) semaphore(%arg11 : memref<!tpu.dma_semaphore, #tpu.memory_space<semaphore_mem>>)
      %dma_wait3A_163 = arith.constant 0 : i32
      %dma_wait3A_164 = arith.constant 0 : i32
      %dma_wait3A_165 = arith.constant 0 : i32
      %dma_wait3A_166 = arith.constant 0 : i32
      %dma_wait3A_167 = tpu.memref_slice %arg9[%dma_wait3A_164, %dma_wait3A_165, %dma_wait3A_166] : memref<5x40x128xf32, #tpu.memory_space<vmem>> -> memref<1x40x128xf32, #tpu.memory_space<vmem>>
      %dma_wait3A_168 = tpu.memref_squeeze %dma_wait3A_167 : memref<1x40x128xf32, #tpu.memory_space<vmem>> -> memref<40x128xf32, #tpu.memory_space<vmem>>
      %dma_wait3A_169 = arith.constant 0 : i32
      %dma_wait3A_170 = tpu.memref_slice %arg6[%dma_wait3A_163, %dma_wait3A_169] : memref<5x40xi32, #tpu.memory_space<vmem>> -> memref<1x40xi32, #tpu.memory_space<vmem>>
      %dma_wait3A_171 = tpu.memref_squeeze %dma_wait3A_170 : memref<1x40xi32, #tpu.memory_space<vmem>> -> memref<40xi32, #tpu.memory_space<vmem>>
      %dma_wait3A_172 = arith.constant 0 : i32
      %dma_wait3A_173 = arith.constant 0 : i32
      %dma_wait3A_174 = tpu.memref_slice %arg2[%dma_wait3A_172, %dma_wait3A_173] : memref<10000x128xf32, #tpu.memory_space<hbm>> -> memref<10000x128xf32, #tpu.memory_space<hbm>>
      tpu.wait_indirect_dma semaphore(%arg11 : memref<!tpu.dma_semaphore, #tpu.memory_space<semaphore_mem>>) src(%dma_wait3A_174 : memref<10000x128xf32, #tpu.memory_space<hbm>>) dst(%dma_wait3A_168 : memref<40x128xf32, #tpu.memory_space<vmem>>)
      %dma_start3A_175 = arith.constant 0 : i32
      %dma_start3A_176 = arith.constant 0 : i32
      %dma_start3A_177 = arith.constant 0 : i32
      %dma_start3A_178 = arith.constant 0 : i32
      %dma_start3A_179 = tpu.memref_slice %arg9[%dma_start3A_175, %dma_start3A_177, %dma_start3A_178] : memref<5x40x128xf32, #tpu.memory_space<vmem>> -> memref<1x40x128xf32, #tpu.memory_space<vmem>>
      %dma_start3A_180 = tpu.memref_squeeze %dma_start3A_179 : memref<1x40x128xf32, #tpu.memory_space<vmem>> -> memref<40x128xf32, #tpu.memory_space<vmem>>
      %dma_start3A_181 = arith.constant 0 : i32
      %dma_start3A_182 = tpu.memref_slice %arg7[%dma_start3A_176, %dma_start3A_181] : memref<5x40xi32, #tpu.memory_space<vmem>> -> memref<1x40xi32, #tpu.memory_space<vmem>>
      %dma_start3A_183 = tpu.memref_squeeze %dma_start3A_182 : memref<1x40xi32, #tpu.memory_space<vmem>> -> memref<40xi32, #tpu.memory_space<vmem>>
      %dma_start3A_184 = arith.constant 0 : i32
      %dma_start3A_185 = arith.constant 0 : i32
      %dma_start3A_186 = tpu.memref_slice %arg10[%dma_start3A_184, %dma_start3A_185] : memref<10240x128xf32, #tpu.memory_space<vmem_shared>> -> memref<10240x128xf32, #tpu.memory_space<vmem_shared>>
      tpu.enqueue_indirect_dma source(%dma_start3A_180 : memref<40x128xf32, #tpu.memory_space<vmem>>) target(%dma_start3A_186 : memref<10240x128xf32, #tpu.memory_space<vmem_shared>>) offsets(%dma_start3A_183 : memref<40xi32, #tpu.memory_space<vmem>>) semaphore(%arg12 : memref<!tpu.dma_semaphore, #tpu.memory_space<semaphore_mem>>) {add = true}
      %dma_wait3A_187 = arith.constant 1 : i32
      %dma_wait3A_188 = arith.constant 1 : i32
      %dma_wait3A_189 = arith.constant 0 : i32
      %dma_wait3A_190 = arith.constant 0 : i32
      %dma_wait3A_191 = tpu.memref_slice %arg9[%dma_wait3A_188, %dma_wait3A_189, %dma_wait3A_190] : memref<5x40x128xf32, #tpu.memory_space<vmem>> -> memref<1x40x128xf32, #tpu.memory_space<vmem>>
      %dma_wait3A_192 = tpu.memref_squeeze %dma_wait3A_191 : memref<1x40x128xf32, #tpu.memory_space<vmem>> -> memref<40x128xf32, #tpu.memory_space<vmem>>
      %dma_wait3A_193 = arith.constant 0 : i32
      %dma_wait3A_194 = tpu.memref_slice %arg6[%dma_wait3A_187, %dma_wait3A_193] : memref<5x40xi32, #tpu.memory_space<vmem>> -> memref<1x40xi32, #tpu.memory_space<vmem>>
      %dma_wait3A_195 = tpu.memref_squeeze %dma_wait3A_194 : memref<1x40xi32, #tpu.memory_space<vmem>> -> memref<40xi32, #tpu.memory_space<vmem>>
      %dma_wait3A_196 = arith.constant 0 : i32
      %dma_wait3A_197 = arith.constant 0 : i32
      %dma_wait3A_198 = tpu.memref_slice %arg2[%dma_wait3A_196, %dma_wait3A_197] : memref<10000x128xf32, #tpu.memory_space<hbm>> -> memref<10000x128xf32, #tpu.memory_space<hbm>>
      tpu.wait_indirect_dma semaphore(%arg11 : memref<!tpu.dma_semaphore, #tpu.memory_space<semaphore_mem>>) src(%dma_wait3A_198 : memref<10000x128xf32, #tpu.memory_space<hbm>>) dst(%dma_wait3A_192 : memref<40x128xf32, #tpu.memory_space<vmem>>)
      %dma_start3A_199 = arith.constant 1 : i32
      %dma_start3A_200 = arith.constant 1 : i32
      %dma_start3A_201 = arith.constant 0 : i32
      %dma_start3A_202 = arith.constant 0 : i32
      %dma_start3A_203 = tpu.memref_slice %arg9[%dma_start3A_199, %dma_start3A_201, %dma_start3A_202] : memref<5x40x128xf32, #tpu.memory_space<vmem>> -> memref<1x40x128xf32, #tpu.memory_space<vmem>>
      %dma_start3A_204 = tpu.memref_squeeze %dma_start3A_203 : memref<1x40x128xf32, #tpu.memory_space<vmem>> -> memref<40x128xf32, #tpu.memory_space<vmem>>
      %dma_start3A_205 = arith.constant 0 : i32
      %dma_start3A_206 = tpu.memref_slice %arg7[%dma_start3A_200, %dma_start3A_205] : memref<5x40xi32, #tpu.memory_space<vmem>> -> memref<1x40xi32, #tpu.memory_space<vmem>>
      %dma_start3A_207 = tpu.memref_squeeze %dma_start3A_206 : memref<1x40xi32, #tpu.memory_space<vmem>> -> memref<40xi32, #tpu.memory_space<vmem>>
      %dma_start3A_208 = arith.constant 0 : i32
      %dma_start3A_209 = arith.constant 0 : i32
      %dma_start3A_210 = tpu.memref_slice %arg10[%dma_start3A_208, %dma_start3A_209] : memref<10240x128xf32, #tpu.memory_space<vmem_shared>> -> memref<10240x128xf32, #tpu.memory_space<vmem_shared>>
      tpu.enqueue_indirect_dma source(%dma_start3A_204 : memref<40x128xf32, #tpu.memory_space<vmem>>) target(%dma_start3A_210 : memref<10240x128xf32, #tpu.memory_space<vmem_shared>>) offsets(%dma_start3A_207 : memref<40xi32, #tpu.memory_space<vmem>>) semaphore(%arg12 : memref<!tpu.dma_semaphore, #tpu.memory_space<semaphore_mem>>) {add = true}
      %dma_wait3A_211 = arith.constant 2 : i32
      %dma_wait3A_212 = arith.constant 2 : i32
      %dma_wait3A_213 = arith.constant 0 : i32
      %dma_wait3A_214 = arith.constant 0 : i32
      %dma_wait3A_215 = tpu.memref_slice %arg9[%dma_wait3A_212, %dma_wait3A_213, %dma_wait3A_214] : memref<5x40x128xf32, #tpu.memory_space<vmem>> -> memref<1x40x128xf32, #tpu.memory_space<vmem>>
      %dma_wait3A_216 = tpu.memref_squeeze %dma_wait3A_215 : memref<1x40x128xf32, #tpu.memory_space<vmem>> -> memref<40x128xf32, #tpu.memory_space<vmem>>
      %dma_wait3A_217 = arith.constant 0 : i32
      %dma_wait3A_218 = tpu.memref_slice %arg6[%dma_wait3A_211, %dma_wait3A_217] : memref<5x40xi32, #tpu.memory_space<vmem>> -> memref<1x40xi32, #tpu.memory_space<vmem>>
      %dma_wait3A_219 = tpu.memref_squeeze %dma_wait3A_218 : memref<1x40xi32, #tpu.memory_space<vmem>> -> memref<40xi32, #tpu.memory_space<vmem>>
      %dma_wait3A_220 = arith.constant 0 : i32
      %dma_wait3A_221 = arith.constant 0 : i32
      %dma_wait3A_222 = tpu.memref_slice %arg2[%dma_wait3A_220, %dma_wait3A_221] : memref<10000x128xf32, #tpu.memory_space<hbm>> -> memref<10000x128xf32, #tpu.memory_space<hbm>>
      tpu.wait_indirect_dma semaphore(%arg11 : memref<!tpu.dma_semaphore, #tpu.memory_space<semaphore_mem>>) src(%dma_wait3A_222 : memref<10000x128xf32, #tpu.memory_space<hbm>>) dst(%dma_wait3A_216 : memref<40x128xf32, #tpu.memory_space<vmem>>)
      %dma_start3A_223 = arith.constant 2 : i32
      %dma_start3A_224 = arith.constant 2 : i32
      %dma_start3A_225 = arith.constant 0 : i32
      %dma_start3A_226 = arith.constant 0 : i32
      %dma_start3A_227 = tpu.memref_slice %arg9[%dma_start3A_223, %dma_start3A_225, %dma_start3A_226] : memref<5x40x128xf32, #tpu.memory_space<vmem>> -> memref<1x40x128xf32, #tpu.memory_space<vmem>>
      %dma_start3A_228 = tpu.memref_squeeze %dma_start3A_227 : memref<1x40x128xf32, #tpu.memory_space<vmem>> -> memref<40x128xf32, #tpu.memory_space<vmem>>
      %dma_start3A_229 = arith.constant 0 : i32
      %dma_start3A_230 = tpu.memref_slice %arg7[%dma_start3A_224, %dma_start3A_229] : memref<5x40xi32, #tpu.memory_space<vmem>> -> memref<1x40xi32, #tpu.memory_space<vmem>>
      %dma_start3A_231 = tpu.memref_squeeze %dma_start3A_230 : memref<1x40xi32, #tpu.memory_space<vmem>> -> memref<40xi32, #tpu.memory_space<vmem>>
      %dma_start3A_232 = arith.constant 0 : i32
      %dma_start3A_233 = arith.constant 0 : i32
      %dma_start3A_234 = tpu.memref_slice %arg10[%dma_start3A_232, %dma_start3A_233] : memref<10240x128xf32, #tpu.memory_space<vmem_shared>> -> memref<10240x128xf32, #tpu.memory_space<vmem_shared>>
      tpu.enqueue_indirect_dma source(%dma_start3A_228 : memref<40x128xf32, #tpu.memory_space<vmem>>) target(%dma_start3A_234 : memref<10240x128xf32, #tpu.memory_space<vmem_shared>>) offsets(%dma_start3A_231 : memref<40xi32, #tpu.memory_space<vmem>>) semaphore(%arg12 : memref<!tpu.dma_semaphore, #tpu.memory_space<semaphore_mem>>) {add = true}
      %dma_wait3A_235 = arith.constant 3 : i32
      %dma_wait3A_236 = arith.constant 3 : i32
      %dma_wait3A_237 = arith.constant 0 : i32
      %dma_wait3A_238 = arith.constant 0 : i32
      %dma_wait3A_239 = tpu.memref_slice %arg9[%dma_wait3A_236, %dma_wait3A_237, %dma_wait3A_238] : memref<5x40x128xf32, #tpu.memory_space<vmem>> -> memref<1x40x128xf32, #tpu.memory_space<vmem>>
      %dma_wait3A_240 = tpu.memref_squeeze %dma_wait3A_239 : memref<1x40x128xf32, #tpu.memory_space<vmem>> -> memref<40x128xf32, #tpu.memory_space<vmem>>
      %dma_wait3A_241 = arith.constant 0 : i32
      %dma_wait3A_242 = tpu.memref_slice %arg6[%dma_wait3A_235, %dma_wait3A_241] : memref<5x40xi32, #tpu.memory_space<vmem>> -> memref<1x40xi32, #tpu.memory_space<vmem>>
      %dma_wait3A_243 = tpu.memref_squeeze %dma_wait3A_242 : memref<1x40xi32, #tpu.memory_space<vmem>> -> memref<40xi32, #tpu.memory_space<vmem>>
      %dma_wait3A_244 = arith.constant 0 : i32
      %dma_wait3A_245 = arith.constant 0 : i32
      %dma_wait3A_246 = tpu.memref_slice %arg2[%dma_wait3A_244, %dma_wait3A_245] : memref<10000x128xf32, #tpu.memory_space<hbm>> -> memref<10000x128xf32, #tpu.memory_space<hbm>>
      tpu.wait_indirect_dma semaphore(%arg11 : memref<!tpu.dma_semaphore, #tpu.memory_space<semaphore_mem>>) src(%dma_wait3A_246 : memref<10000x128xf32, #tpu.memory_space<hbm>>) dst(%dma_wait3A_240 : memref<40x128xf32, #tpu.memory_space<vmem>>)
      %dma_start3A_247 = arith.constant 3 : i32
      %dma_start3A_248 = arith.constant 3 : i32
      %dma_start3A_249 = arith.constant 0 : i32
      %dma_start3A_250 = arith.constant 0 : i32
      %dma_start3A_251 = tpu.memref_slice %arg9[%dma_start3A_247, %dma_start3A_249, %dma_start3A_250] : memref<5x40x128xf32, #tpu.memory_space<vmem>> -> memref<1x40x128xf32, #tpu.memory_space<vmem>>
      %dma_start3A_252 = tpu.memref_squeeze %dma_start3A_251 : memref<1x40x128xf32, #tpu.memory_space<vmem>> -> memref<40x128xf32, #tpu.memory_space<vmem>>
      %dma_start3A_253 = arith.constant 0 : i32
      %dma_start3A_254 = tpu.memref_slice %arg7[%dma_start3A_248, %dma_start3A_253] : memref<5x40xi32, #tpu.memory_space<vmem>> -> memref<1x40xi32, #tpu.memory_space<vmem>>
      %dma_start3A_255 = tpu.memref_squeeze %dma_start3A_254 : memref<1x40xi32, #tpu.memory_space<vmem>> -> memref<40xi32, #tpu.memory_space<vmem>>
      %dma_start3A_256 = arith.constant 0 : i32
      %dma_start3A_257 = arith.constant 0 : i32
      %dma_start3A_258 = tpu.memref_slice %arg10[%dma_start3A_256, %dma_start3A_257] : memref<10240x128xf32, #tpu.memory_space<vmem_shared>> -> memref<10240x128xf32, #tpu.memory_space<vmem_shared>>
      tpu.enqueue_indirect_dma source(%dma_start3A_252 : memref<40x128xf32, #tpu.memory_space<vmem>>) target(%dma_start3A_258 : memref<10240x128xf32, #tpu.memory_space<vmem_shared>>) offsets(%dma_start3A_255 : memref<40xi32, #tpu.memory_space<vmem>>) semaphore(%arg12 : memref<!tpu.dma_semaphore, #tpu.memory_space<semaphore_mem>>) {add = true}
      %dma_wait3A_259 = arith.constant 4 : i32
      %dma_wait3A_260 = arith.constant 4 : i32
      %dma_wait3A_261 = arith.constant 0 : i32
      %dma_wait3A_262 = arith.constant 0 : i32
      %dma_wait3A_263 = tpu.memref_slice %arg9[%dma_wait3A_260, %dma_wait3A_261, %dma_wait3A_262] : memref<5x40x128xf32, #tpu.memory_space<vmem>> -> memref<1x40x128xf32, #tpu.memory_space<vmem>>
      %dma_wait3A_264 = tpu.memref_squeeze %dma_wait3A_263 : memref<1x40x128xf32, #tpu.memory_space<vmem>> -> memref<40x128xf32, #tpu.memory_space<vmem>>
      %dma_wait3A_265 = arith.constant 0 : i32
      %dma_wait3A_266 = tpu.memref_slice %arg6[%dma_wait3A_259, %dma_wait3A_265] : memref<5x40xi32, #tpu.memory_space<vmem>> -> memref<1x40xi32, #tpu.memory_space<vmem>>
      %dma_wait3A_267 = tpu.memref_squeeze %dma_wait3A_266 : memref<1x40xi32, #tpu.memory_space<vmem>> -> memref<40xi32, #tpu.memory_space<vmem>>
      %dma_wait3A_268 = arith.constant 0 : i32
      %dma_wait3A_269 = arith.constant 0 : i32
      %dma_wait3A_270 = tpu.memref_slice %arg2[%dma_wait3A_268, %dma_wait3A_269] : memref<10000x128xf32, #tpu.memory_space<hbm>> -> memref<10000x128xf32, #tpu.memory_space<hbm>>
      tpu.wait_indirect_dma semaphore(%arg11 : memref<!tpu.dma_semaphore, #tpu.memory_space<semaphore_mem>>) src(%dma_wait3A_270 : memref<10000x128xf32, #tpu.memory_space<hbm>>) dst(%dma_wait3A_264 : memref<40x128xf32, #tpu.memory_space<vmem>>)
      %dma_start3A_271 = arith.constant 4 : i32
      %dma_start3A_272 = arith.constant 4 : i32
      %dma_start3A_273 = arith.constant 0 : i32
      %dma_start3A_274 = arith.constant 0 : i32
      %dma_start3A_275 = tpu.memref_slice %arg9[%dma_start3A_271, %dma_start3A_273, %dma_start3A_274] : memref<5x40x128xf32, #tpu.memory_space<vmem>> -> memref<1x40x128xf32, #tpu.memory_space<vmem>>
      %dma_start3A_276 = tpu.memref_squeeze %dma_start3A_275 : memref<1x40x128xf32, #tpu.memory_space<vmem>> -> memref<40x128xf32, #tpu.memory_space<vmem>>
      %dma_start3A_277 = arith.constant 0 : i32
      %dma_start3A_278 = tpu.memref_slice %arg7[%dma_start3A_272, %dma_start3A_277] : memref<5x40xi32, #tpu.memory_space<vmem>> -> memref<1x40xi32, #tpu.memory_space<vmem>>
      %dma_start3A_279 = tpu.memref_squeeze %dma_start3A_278 : memref<1x40xi32, #tpu.memory_space<vmem>> -> memref<40xi32, #tpu.memory_space<vmem>>
      %dma_start3A_280 = arith.constant 0 : i32
      %dma_start3A_281 = arith.constant 0 : i32
      %dma_start3A_282 = tpu.memref_slice %arg10[%dma_start3A_280, %dma_start3A_281] : memref<10240x128xf32, #tpu.memory_space<vmem_shared>> -> memref<10240x128xf32, #tpu.memory_space<vmem_shared>>
      tpu.enqueue_indirect_dma source(%dma_start3A_276 : memref<40x128xf32, #tpu.memory_space<vmem>>) target(%dma_start3A_282 : memref<10240x128xf32, #tpu.memory_space<vmem_shared>>) offsets(%dma_start3A_279 : memref<40xi32, #tpu.memory_space<vmem>>) semaphore(%arg12 : memref<!tpu.dma_semaphore, #tpu.memory_space<semaphore_mem>>) {add = true}
      %mul3A_283 = arith.constant 2 : i32
      %mul3A_284 = arith.muli %mul3A_283, %scan3A_87 : i32
      %add3A_285 = arith.constant 1 : i32
      %add3A_286 = arith.addi %mul3A_284, %add3A_285 : i32
      "tpu.region"() ({
        %run_scoped3A = tpu.sem_alloc : memref<!tpu.dma_semaphore, #tpu.memory_space<semaphore_mem>>
        %dma_start3A_527 = arith.constant 0 : i32
        %dma_start3A_528 = arith.constant 0 : i32
        %dma_start3A_529 = tpu.memref_slice %arg3[%add3A, %add3A_286, %dma_start3A_527, %dma_start3A_528] : memref<32x50x5x40xi32, #tpu.memory_space<hbm>> -> memref<1x1x5x40xi32, #tpu.memory_space<hbm>>
        %dma_start3A_530 = tpu.memref_squeeze %dma_start3A_529 : memref<1x1x5x40xi32, #tpu.memory_space<hbm>> -> memref<5x40xi32, #tpu.memory_space<hbm>>
        %dma_start3A_531 = arith.constant 0 : i32
        %dma_start3A_532 = arith.constant 0 : i32
        %dma_start3A_533 = tpu.memref_slice %arg3[%add3A, %add3A_286, %dma_start3A_531, %dma_start3A_532] : memref<32x50x5x40xi32, #tpu.memory_space<hbm>> -> memref<1x1x5x40xi32, #tpu.memory_space<hbm>>
        %dma_start3A_534 = tpu.memref_squeeze %dma_start3A_533 : memref<1x1x5x40xi32, #tpu.memory_space<hbm>> -> memref<5x40xi32, #tpu.memory_space<hbm>>
        tpu.enqueue_dma source(%dma_start3A_534 : memref<5x40xi32, #tpu.memory_space<hbm>>) target(%arg6 : memref<5x40xi32, #tpu.memory_space<vmem>>) target_semaphore(%run_scoped3A : memref<!tpu.dma_semaphore, #tpu.memory_space<semaphore_mem>>)
        %dma_wait3A_535 = arith.constant 0 : i32
        %dma_wait3A_536 = arith.constant 0 : i32
        %dma_wait3A_537 = tpu.memref_slice %arg3[%add3A, %add3A_286, %dma_wait3A_535, %dma_wait3A_536] : memref<32x50x5x40xi32, #tpu.memory_space<hbm>> -> memref<1x1x5x40xi32, #tpu.memory_space<hbm>>
        %dma_wait3A_538 = tpu.memref_squeeze %dma_wait3A_537 : memref<1x1x5x40xi32, #tpu.memory_space<hbm>> -> memref<5x40xi32, #tpu.memory_space<hbm>>
        %dma_wait3A_539 = arith.constant 0 : i32
        %dma_wait3A_540 = arith.constant 0 : i32
        %dma_wait3A_541 = tpu.memref_slice %arg3[%add3A, %add3A_286, %dma_wait3A_539, %dma_wait3A_540] : memref<32x50x5x40xi32, #tpu.memory_space<hbm>> -> memref<1x1x5x40xi32, #tpu.memory_space<hbm>>
        %dma_wait3A_542 = tpu.memref_squeeze %dma_wait3A_541 : memref<1x1x5x40xi32, #tpu.memory_space<hbm>> -> memref<5x40xi32, #tpu.memory_space<hbm>>
        tpu.wait_dma2 semaphore(%run_scoped3A : memref<!tpu.dma_semaphore, #tpu.memory_space<semaphore_mem>>) src(%dma_wait3A_542 : memref<5x40xi32, #tpu.memory_space<hbm>>) dst(%arg6 : memref<5x40xi32, #tpu.memory_space<vmem>>)
        tpu.yield
      }) : () -> ()
      "tpu.region"() ({
        %run_scoped3A = tpu.sem_alloc : memref<!tpu.dma_semaphore, #tpu.memory_space<semaphore_mem>>
        %dma_start3A_527 = arith.constant 0 : i32
        %dma_start3A_528 = arith.constant 0 : i32
        %dma_start3A_529 = tpu.memref_slice %arg4[%add3A, %add3A_286, %dma_start3A_527, %dma_start3A_528] : memref<32x50x5x40xi32, #tpu.memory_space<hbm>> -> memref<1x1x5x40xi32, #tpu.memory_space<hbm>>
        %dma_start3A_530 = tpu.memref_squeeze %dma_start3A_529 : memref<1x1x5x40xi32, #tpu.memory_space<hbm>> -> memref<5x40xi32, #tpu.memory_space<hbm>>
        %dma_start3A_531 = arith.constant 0 : i32
        %dma_start3A_532 = arith.constant 0 : i32
        %dma_start3A_533 = tpu.memref_slice %arg4[%add3A, %add3A_286, %dma_start3A_531, %dma_start3A_532] : memref<32x50x5x40xi32, #tpu.memory_space<hbm>> -> memref<1x1x5x40xi32, #tpu.memory_space<hbm>>
        %dma_start3A_534 = tpu.memref_squeeze %dma_start3A_533 : memref<1x1x5x40xi32, #tpu.memory_space<hbm>> -> memref<5x40xi32, #tpu.memory_space<hbm>>
        tpu.enqueue_dma source(%dma_start3A_534 : memref<5x40xi32, #tpu.memory_space<hbm>>) target(%arg8 : memref<5x40xi32, #tpu.memory_space<vmem>>) target_semaphore(%run_scoped3A : memref<!tpu.dma_semaphore, #tpu.memory_space<semaphore_mem>>)
        %dma_wait3A_535 = arith.constant 0 : i32
        %dma_wait3A_536 = arith.constant 0 : i32
        %dma_wait3A_537 = tpu.memref_slice %arg4[%add3A, %add3A_286, %dma_wait3A_535, %dma_wait3A_536] : memref<32x50x5x40xi32, #tpu.memory_space<hbm>> -> memref<1x1x5x40xi32, #tpu.memory_space<hbm>>
        %dma_wait3A_538 = tpu.memref_squeeze %dma_wait3A_537 : memref<1x1x5x40xi32, #tpu.memory_space<hbm>> -> memref<5x40xi32, #tpu.memory_space<hbm>>
        %dma_wait3A_539 = arith.constant 0 : i32
        %dma_wait3A_540 = arith.constant 0 : i32
        %dma_wait3A_541 = tpu.memref_slice %arg4[%add3A, %add3A_286, %dma_wait3A_539, %dma_wait3A_540] : memref<32x50x5x40xi32, #tpu.memory_space<hbm>> -> memref<1x1x5x40xi32, #tpu.memory_space<hbm>>
        %dma_wait3A_542 = tpu.memref_squeeze %dma_wait3A_541 : memref<1x1x5x40xi32, #tpu.memory_space<hbm>> -> memref<5x40xi32, #tpu.memory_space<hbm>>
        tpu.wait_dma2 semaphore(%run_scoped3A : memref<!tpu.dma_semaphore, #tpu.memory_space<semaphore_mem>>) src(%dma_wait3A_542 : memref<5x40xi32, #tpu.memory_space<hbm>>) dst(%arg8 : memref<5x40xi32, #tpu.memory_space<vmem>>)
        tpu.yield
      }) : () -> ()
      %dma_wait3A_287 = arith.constant 0 : i32
      %dma_wait3A_288 = arith.constant 0 : i32
      %dma_wait3A_289 = arith.constant 0 : i32
      %dma_wait3A_290 = arith.constant 0 : i32
      %dma_wait3A_291 = tpu.memref_slice %arg9[%dma_wait3A_287, %dma_wait3A_289, %dma_wait3A_290] : memref<5x40x128xf32, #tpu.memory_space<vmem>> -> memref<1x40x128xf32, #tpu.memory_space<vmem>>
      %dma_wait3A_292 = tpu.memref_squeeze %dma_wait3A_291 : memref<1x40x128xf32, #tpu.memory_space<vmem>> -> memref<40x128xf32, #tpu.memory_space<vmem>>
      %dma_wait3A_293 = arith.constant 0 : i32
      %dma_wait3A_294 = tpu.memref_slice %arg8[%dma_wait3A_288, %dma_wait3A_293] : memref<5x40xi32, #tpu.memory_space<vmem>> -> memref<1x40xi32, #tpu.memory_space<vmem>>
      %dma_wait3A_295 = tpu.memref_squeeze %dma_wait3A_294 : memref<1x40xi32, #tpu.memory_space<vmem>> -> memref<40xi32, #tpu.memory_space<vmem>>
      %dma_wait3A_296 = arith.constant 0 : i32
      %dma_wait3A_297 = arith.constant 0 : i32
      %dma_wait3A_298 = tpu.memref_slice %arg10[%dma_wait3A_296, %dma_wait3A_297] : memref<10240x128xf32, #tpu.memory_space<vmem_shared>> -> memref<10240x128xf32, #tpu.memory_space<vmem_shared>>
      tpu.wait_indirect_dma semaphore(%arg12 : memref<!tpu.dma_semaphore, #tpu.memory_space<semaphore_mem>>) src(%dma_wait3A_292 : memref<40x128xf32, #tpu.memory_space<vmem>>) dst(%dma_wait3A_298 : memref<10240x128xf32, #tpu.memory_space<vmem_shared>>)
      %dma_start3A_299 = arith.constant 0 : i32
      %dma_start3A_300 = arith.constant 0 : i32
      %dma_start3A_301 = arith.constant 0 : i32
      %dma_start3A_302 = arith.constant 0 : i32
      %dma_start3A_303 = tpu.memref_slice %arg9[%dma_start3A_300, %dma_start3A_301, %dma_start3A_302] : memref<5x40x128xf32, #tpu.memory_space<vmem>> -> memref<1x40x128xf32, #tpu.memory_space<vmem>>
      %dma_start3A_304 = tpu.memref_squeeze %dma_start3A_303 : memref<1x40x128xf32, #tpu.memory_space<vmem>> -> memref<40x128xf32, #tpu.memory_space<vmem>>
      %dma_start3A_305 = arith.constant 0 : i32
      %dma_start3A_306 = tpu.memref_slice %arg6[%dma_start3A_299, %dma_start3A_305] : memref<5x40xi32, #tpu.memory_space<vmem>> -> memref<1x40xi32, #tpu.memory_space<vmem>>
      %dma_start3A_307 = tpu.memref_squeeze %dma_start3A_306 : memref<1x40xi32, #tpu.memory_space<vmem>> -> memref<40xi32, #tpu.memory_space<vmem>>
      %dma_start3A_308 = arith.constant 0 : i32
      %dma_start3A_309 = arith.constant 0 : i32
      %dma_start3A_310 = tpu.memref_slice %arg2[%dma_start3A_308, %dma_start3A_309] : memref<10000x128xf32, #tpu.memory_space<hbm>> -> memref<10000x128xf32, #tpu.memory_space<hbm>>
      tpu.enqueue_indirect_dma source(%dma_start3A_310 : memref<10000x128xf32, #tpu.memory_space<hbm>>) target(%dma_start3A_304 : memref<40x128xf32, #tpu.memory_space<vmem>>) offsets(%dma_start3A_307 : memref<40xi32, #tpu.memory_space<vmem>>) semaphore(%arg11 : memref<!tpu.dma_semaphore, #tpu.memory_space<semaphore_mem>>)
      %dma_wait3A_311 = arith.constant 1 : i32
      %dma_wait3A_312 = arith.constant 1 : i32
      %dma_wait3A_313 = arith.constant 0 : i32
      %dma_wait3A_314 = arith.constant 0 : i32
      %dma_wait3A_315 = tpu.memref_slice %arg9[%dma_wait3A_311, %dma_wait3A_313, %dma_wait3A_314] : memref<5x40x128xf32, #tpu.memory_space<vmem>> -> memref<1x40x128xf32, #tpu.memory_space<vmem>>
      %dma_wait3A_316 = tpu.memref_squeeze %dma_wait3A_315 : memref<1x40x128xf32, #tpu.memory_space<vmem>> -> memref<40x128xf32, #tpu.memory_space<vmem>>
      %dma_wait3A_317 = arith.constant 0 : i32
      %dma_wait3A_318 = tpu.memref_slice %arg8[%dma_wait3A_312, %dma_wait3A_317] : memref<5x40xi32, #tpu.memory_space<vmem>> -> memref<1x40xi32, #tpu.memory_space<vmem>>
      %dma_wait3A_319 = tpu.memref_squeeze %dma_wait3A_318 : memref<1x40xi32, #tpu.memory_space<vmem>> -> memref<40xi32, #tpu.memory_space<vmem>>
      %dma_wait3A_320 = arith.constant 0 : i32
      %dma_wait3A_321 = arith.constant 0 : i32
      %dma_wait3A_322 = tpu.memref_slice %arg10[%dma_wait3A_320, %dma_wait3A_321] : memref<10240x128xf32, #tpu.memory_space<vmem_shared>> -> memref<10240x128xf32, #tpu.memory_space<vmem_shared>>
      tpu.wait_indirect_dma semaphore(%arg12 : memref<!tpu.dma_semaphore, #tpu.memory_space<semaphore_mem>>) src(%dma_wait3A_316 : memref<40x128xf32, #tpu.memory_space<vmem>>) dst(%dma_wait3A_322 : memref<10240x128xf32, #tpu.memory_space<vmem_shared>>)
      %dma_start3A_323 = arith.constant 1 : i32
      %dma_start3A_324 = arith.constant 1 : i32
      %dma_start3A_325 = arith.constant 0 : i32
      %dma_start3A_326 = arith.constant 0 : i32
      %dma_start3A_327 = tpu.memref_slice %arg9[%dma_start3A_324, %dma_start3A_325, %dma_start3A_326] : memref<5x40x128xf32, #tpu.memory_space<vmem>> -> memref<1x40x128xf32, #tpu.memory_space<vmem>>
      %dma_start3A_328 = tpu.memref_squeeze %dma_start3A_327 : memref<1x40x128xf32, #tpu.memory_space<vmem>> -> memref<40x128xf32, #tpu.memory_space<vmem>>
      %dma_start3A_329 = arith.constant 0 : i32
      %dma_start3A_330 = tpu.memref_slice %arg6[%dma_start3A_323, %dma_start3A_329] : memref<5x40xi32, #tpu.memory_space<vmem>> -> memref<1x40xi32, #tpu.memory_space<vmem>>
      %dma_start3A_331 = tpu.memref_squeeze %dma_start3A_330 : memref<1x40xi32, #tpu.memory_space<vmem>> -> memref<40xi32, #tpu.memory_space<vmem>>
      %dma_start3A_332 = arith.constant 0 : i32
      %dma_start3A_333 = arith.constant 0 : i32
      %dma_start3A_334 = tpu.memref_slice %arg2[%dma_start3A_332, %dma_start3A_333] : memref<10000x128xf32, #tpu.memory_space<hbm>> -> memref<10000x128xf32, #tpu.memory_space<hbm>>
      tpu.enqueue_indirect_dma source(%dma_start3A_334 : memref<10000x128xf32, #tpu.memory_space<hbm>>) target(%dma_start3A_328 : memref<40x128xf32, #tpu.memory_space<vmem>>) offsets(%dma_start3A_331 : memref<40xi32, #tpu.memory_space<vmem>>) semaphore(%arg11 : memref<!tpu.dma_semaphore, #tpu.memory_space<semaphore_mem>>)
      %dma_wait3A_335 = arith.constant 2 : i32
      %dma_wait3A_336 = arith.constant 2 : i32
      %dma_wait3A_337 = arith.constant 0 : i32
      %dma_wait3A_338 = arith.constant 0 : i32
      %dma_wait3A_339 = tpu.memref_slice %arg9[%dma_wait3A_335, %dma_wait3A_337, %dma_wait3A_338] : memref<5x40x128xf32, #tpu.memory_space<vmem>> -> memref<1x40x128xf32, #tpu.memory_space<vmem>>
      %dma_wait3A_340 = tpu.memref_squeeze %dma_wait3A_339 : memref<1x40x128xf32, #tpu.memory_space<vmem>> -> memref<40x128xf32, #tpu.memory_space<vmem>>
      %dma_wait3A_341 = arith.constant 0 : i32
      %dma_wait3A_342 = tpu.memref_slice %arg8[%dma_wait3A_336, %dma_wait3A_341] : memref<5x40xi32, #tpu.memory_space<vmem>> -> memref<1x40xi32, #tpu.memory_space<vmem>>
      %dma_wait3A_343 = tpu.memref_squeeze %dma_wait3A_342 : memref<1x40xi32, #tpu.memory_space<vmem>> -> memref<40xi32, #tpu.memory_space<vmem>>
      %dma_wait3A_344 = arith.constant 0 : i32
      %dma_wait3A_345 = arith.constant 0 : i32
      %dma_wait3A_346 = tpu.memref_slice %arg10[%dma_wait3A_344, %dma_wait3A_345] : memref<10240x128xf32, #tpu.memory_space<vmem_shared>> -> memref<10240x128xf32, #tpu.memory_space<vmem_shared>>
      tpu.wait_indirect_dma semaphore(%arg12 : memref<!tpu.dma_semaphore, #tpu.memory_space<semaphore_mem>>) src(%dma_wait3A_340 : memref<40x128xf32, #tpu.memory_space<vmem>>) dst(%dma_wait3A_346 : memref<10240x128xf32, #tpu.memory_space<vmem_shared>>)
      %dma_start3A_347 = arith.constant 2 : i32
      %dma_start3A_348 = arith.constant 2 : i32
      %dma_start3A_349 = arith.constant 0 : i32
      %dma_start3A_350 = arith.constant 0 : i32
      %dma_start3A_351 = tpu.memref_slice %arg9[%dma_start3A_348, %dma_start3A_349, %dma_start3A_350] : memref<5x40x128xf32, #tpu.memory_space<vmem>> -> memref<1x40x128xf32, #tpu.memory_space<vmem>>
      %dma_start3A_352 = tpu.memref_squeeze %dma_start3A_351 : memref<1x40x128xf32, #tpu.memory_space<vmem>> -> memref<40x128xf32, #tpu.memory_space<vmem>>
      %dma_start3A_353 = arith.constant 0 : i32
      %dma_start3A_354 = tpu.memref_slice %arg6[%dma_start3A_347, %dma_start3A_353] : memref<5x40xi32, #tpu.memory_space<vmem>> -> memref<1x40xi32, #tpu.memory_space<vmem>>
      %dma_start3A_355 = tpu.memref_squeeze %dma_start3A_354 : memref<1x40xi32, #tpu.memory_space<vmem>> -> memref<40xi32, #tpu.memory_space<vmem>>
      %dma_start3A_356 = arith.constant 0 : i32
      %dma_start3A_357 = arith.constant 0 : i32
      %dma_start3A_358 = tpu.memref_slice %arg2[%dma_start3A_356, %dma_start3A_357] : memref<10000x128xf32, #tpu.memory_space<hbm>> -> memref<10000x128xf32, #tpu.memory_space<hbm>>
      tpu.enqueue_indirect_dma source(%dma_start3A_358 : memref<10000x128xf32, #tpu.memory_space<hbm>>) target(%dma_start3A_352 : memref<40x128xf32, #tpu.memory_space<vmem>>) offsets(%dma_start3A_355 : memref<40xi32, #tpu.memory_space<vmem>>) semaphore(%arg11 : memref<!tpu.dma_semaphore, #tpu.memory_space<semaphore_mem>>)
      %dma_wait3A_359 = arith.constant 3 : i32
      %dma_wait3A_360 = arith.constant 3 : i32
      %dma_wait3A_361 = arith.constant 0 : i32
      %dma_wait3A_362 = arith.constant 0 : i32
      %dma_wait3A_363 = tpu.memref_slice %arg9[%dma_wait3A_359, %dma_wait3A_361, %dma_wait3A_362] : memref<5x40x128xf32, #tpu.memory_space<vmem>> -> memref<1x40x128xf32, #tpu.memory_space<vmem>>
      %dma_wait3A_364 = tpu.memref_squeeze %dma_wait3A_363 : memref<1x40x128xf32, #tpu.memory_space<vmem>> -> memref<40x128xf32, #tpu.memory_space<vmem>>
      %dma_wait3A_365 = arith.constant 0 : i32
      %dma_wait3A_366 = tpu.memref_slice %arg8[%dma_wait3A_360, %dma_wait3A_365] : memref<5x40xi32, #tpu.memory_space<vmem>> -> memref<1x40xi32, #tpu.memory_space<vmem>>
      %dma_wait3A_367 = tpu.memref_squeeze %dma_wait3A_366 : memref<1x40xi32, #tpu.memory_space<vmem>> -> memref<40xi32, #tpu.memory_space<vmem>>
      %dma_wait3A_368 = arith.constant 0 : i32
      %dma_wait3A_369 = arith.constant 0 : i32
      %dma_wait3A_370 = tpu.memref_slice %arg10[%dma_wait3A_368, %dma_wait3A_369] : memref<10240x128xf32, #tpu.memory_space<vmem_shared>> -> memref<10240x128xf32, #tpu.memory_space<vmem_shared>>
      tpu.wait_indirect_dma semaphore(%arg12 : memref<!tpu.dma_semaphore, #tpu.memory_space<semaphore_mem>>) src(%dma_wait3A_364 : memref<40x128xf32, #tpu.memory_space<vmem>>) dst(%dma_wait3A_370 : memref<10240x128xf32, #tpu.memory_space<vmem_shared>>)
      %dma_start3A_371 = arith.constant 3 : i32
      %dma_start3A_372 = arith.constant 3 : i32
      %dma_start3A_373 = arith.constant 0 : i32
      %dma_start3A_374 = arith.constant 0 : i32
      %dma_start3A_375 = tpu.memref_slice %arg9[%dma_start3A_372, %dma_start3A_373, %dma_start3A_374] : memref<5x40x128xf32, #tpu.memory_space<vmem>> -> memref<1x40x128xf32, #tpu.memory_space<vmem>>
      %dma_start3A_376 = tpu.memref_squeeze %dma_start3A_375 : memref<1x40x128xf32, #tpu.memory_space<vmem>> -> memref<40x128xf32, #tpu.memory_space<vmem>>
      %dma_start3A_377 = arith.constant 0 : i32
      %dma_start3A_378 = tpu.memref_slice %arg6[%dma_start3A_371, %dma_start3A_377] : memref<5x40xi32, #tpu.memory_space<vmem>> -> memref<1x40xi32, #tpu.memory_space<vmem>>
      %dma_start3A_379 = tpu.memref_squeeze %dma_start3A_378 : memref<1x40xi32, #tpu.memory_space<vmem>> -> memref<40xi32, #tpu.memory_space<vmem>>
      %dma_start3A_380 = arith.constant 0 : i32
      %dma_start3A_381 = arith.constant 0 : i32
      %dma_start3A_382 = tpu.memref_slice %arg2[%dma_start3A_380, %dma_start3A_381] : memref<10000x128xf32, #tpu.memory_space<hbm>> -> memref<10000x128xf32, #tpu.memory_space<hbm>>
      tpu.enqueue_indirect_dma source(%dma_start3A_382 : memref<10000x128xf32, #tpu.memory_space<hbm>>) target(%dma_start3A_376 : memref<40x128xf32, #tpu.memory_space<vmem>>) offsets(%dma_start3A_379 : memref<40xi32, #tpu.memory_space<vmem>>) semaphore(%arg11 : memref<!tpu.dma_semaphore, #tpu.memory_space<semaphore_mem>>)
      %dma_wait3A_383 = arith.constant 4 : i32
      %dma_wait3A_384 = arith.constant 4 : i32
      %dma_wait3A_385 = arith.constant 0 : i32
      %dma_wait3A_386 = arith.constant 0 : i32
      %dma_wait3A_387 = tpu.memref_slice %arg9[%dma_wait3A_383, %dma_wait3A_385, %dma_wait3A_386] : memref<5x40x128xf32, #tpu.memory_space<vmem>> -> memref<1x40x128xf32, #tpu.memory_space<vmem>>
      %dma_wait3A_388 = tpu.memref_squeeze %dma_wait3A_387 : memref<1x40x128xf32, #tpu.memory_space<vmem>> -> memref<40x128xf32, #tpu.memory_space<vmem>>
      %dma_wait3A_389 = arith.constant 0 : i32
      %dma_wait3A_390 = tpu.memref_slice %arg8[%dma_wait3A_384, %dma_wait3A_389] : memref<5x40xi32, #tpu.memory_space<vmem>> -> memref<1x40xi32, #tpu.memory_space<vmem>>
      %dma_wait3A_391 = tpu.memref_squeeze %dma_wait3A_390 : memref<1x40xi32, #tpu.memory_space<vmem>> -> memref<40xi32, #tpu.memory_space<vmem>>
      %dma_wait3A_392 = arith.constant 0 : i32
      %dma_wait3A_393 = arith.constant 0 : i32
      %dma_wait3A_394 = tpu.memref_slice %arg10[%dma_wait3A_392, %dma_wait3A_393] : memref<10240x128xf32, #tpu.memory_space<vmem_shared>> -> memref<10240x128xf32, #tpu.memory_space<vmem_shared>>
      tpu.wait_indirect_dma semaphore(%arg12 : memref<!tpu.dma_semaphore, #tpu.memory_space<semaphore_mem>>) src(%dma_wait3A_388 : memref<40x128xf32, #tpu.memory_space<vmem>>) dst(%dma_wait3A_394 : memref<10240x128xf32, #tpu.memory_space<vmem_shared>>)
      %dma_start3A_395 = arith.constant 4 : i32
      %dma_start3A_396 = arith.constant 4 : i32
      %dma_start3A_397 = arith.constant 0 : i32
      %dma_start3A_398 = arith.constant 0 : i32
      %dma_start3A_399 = tpu.memref_slice %arg9[%dma_start3A_396, %dma_start3A_397, %dma_start3A_398] : memref<5x40x128xf32, #tpu.memory_space<vmem>> -> memref<1x40x128xf32, #tpu.memory_space<vmem>>
      %dma_start3A_400 = tpu.memref_squeeze %dma_start3A_399 : memref<1x40x128xf32, #tpu.memory_space<vmem>> -> memref<40x128xf32, #tpu.memory_space<vmem>>
      %dma_start3A_401 = arith.constant 0 : i32
      %dma_start3A_402 = tpu.memref_slice %arg6[%dma_start3A_395, %dma_start3A_401] : memref<5x40xi32, #tpu.memory_space<vmem>> -> memref<1x40xi32, #tpu.memory_space<vmem>>
      %dma_start3A_403 = tpu.memref_squeeze %dma_start3A_402 : memref<1x40xi32, #tpu.memory_space<vmem>> -> memref<40xi32, #tpu.memory_space<vmem>>
      %dma_start3A_404 = arith.constant 0 : i32
      %dma_start3A_405 = arith.constant 0 : i32
      %dma_start3A_406 = tpu.memref_slice %arg2[%dma_start3A_404, %dma_start3A_405] : memref<10000x128xf32, #tpu.memory_space<hbm>> -> memref<10000x128xf32, #tpu.memory_space<hbm>>
      tpu.enqueue_indirect_dma source(%dma_start3A_406 : memref<10000x128xf32, #tpu.memory_space<hbm>>) target(%dma_start3A_400 : memref<40x128xf32, #tpu.memory_space<vmem>>) offsets(%dma_start3A_403 : memref<40xi32, #tpu.memory_space<vmem>>) semaphore(%arg11 : memref<!tpu.dma_semaphore, #tpu.memory_space<semaphore_mem>>)
      %dma_wait3A_407 = arith.constant 0 : i32
      %dma_wait3A_408 = arith.constant 0 : i32
      %dma_wait3A_409 = arith.constant 0 : i32
      %dma_wait3A_410 = arith.constant 0 : i32
      %dma_wait3A_411 = tpu.memref_slice %arg9[%dma_wait3A_408, %dma_wait3A_409, %dma_wait3A_410] : memref<5x40x128xf32, #tpu.memory_space<vmem>> -> memref<1x40x128xf32, #tpu.memory_space<vmem>>
      %dma_wait3A_412 = tpu.memref_squeeze %dma_wait3A_411 : memref<1x40x128xf32, #tpu.memory_space<vmem>> -> memref<40x128xf32, #tpu.memory_space<vmem>>
      %dma_wait3A_413 = arith.constant 0 : i32
      %dma_wait3A_414 = tpu.memref_slice %arg6[%dma_wait3A_407, %dma_wait3A_413] : memref<5x40xi32, #tpu.memory_space<vmem>> -> memref<1x40xi32, #tpu.memory_space<vmem>>
      %dma_wait3A_415 = tpu.memref_squeeze %dma_wait3A_414 : memref<1x40xi32, #tpu.memory_space<vmem>> -> memref<40xi32, #tpu.memory_space<vmem>>
      %dma_wait3A_416 = arith.constant 0 : i32
      %dma_wait3A_417 = arith.constant 0 : i32
      %dma_wait3A_418 = tpu.memref_slice %arg2[%dma_wait3A_416, %dma_wait3A_417] : memref<10000x128xf32, #tpu.memory_space<hbm>> -> memref<10000x128xf32, #tpu.memory_space<hbm>>
      tpu.wait_indirect_dma semaphore(%arg11 : memref<!tpu.dma_semaphore, #tpu.memory_space<semaphore_mem>>) src(%dma_wait3A_418 : memref<10000x128xf32, #tpu.memory_space<hbm>>) dst(%dma_wait3A_412 : memref<40x128xf32, #tpu.memory_space<vmem>>)
      %dma_start3A_419 = arith.constant 0 : i32
      %dma_start3A_420 = arith.constant 0 : i32
      %dma_start3A_421 = arith.constant 0 : i32
      %dma_start3A_422 = arith.constant 0 : i32
      %dma_start3A_423 = tpu.memref_slice %arg9[%dma_start3A_419, %dma_start3A_421, %dma_start3A_422] : memref<5x40x128xf32, #tpu.memory_space<vmem>> -> memref<1x40x128xf32, #tpu.memory_space<vmem>>
      %dma_start3A_424 = tpu.memref_squeeze %dma_start3A_423 : memref<1x40x128xf32, #tpu.memory_space<vmem>> -> memref<40x128xf32, #tpu.memory_space<vmem>>
      %dma_start3A_425 = arith.constant 0 : i32
      %dma_start3A_426 = tpu.memref_slice %arg8[%dma_start3A_420, %dma_start3A_425] : memref<5x40xi32, #tpu.memory_space<vmem>> -> memref<1x40xi32, #tpu.memory_space<vmem>>
      %dma_start3A_427 = tpu.memref_squeeze %dma_start3A_426 : memref<1x40xi32, #tpu.memory_space<vmem>> -> memref<40xi32, #tpu.memory_space<vmem>>
      %dma_start3A_428 = arith.constant 0 : i32
      %dma_start3A_429 = arith.constant 0 : i32
      %dma_start3A_430 = tpu.memref_slice %arg10[%dma_start3A_428, %dma_start3A_429] : memref<10240x128xf32, #tpu.memory_space<vmem_shared>> -> memref<10240x128xf32, #tpu.memory_space<vmem_shared>>
      tpu.enqueue_indirect_dma source(%dma_start3A_424 : memref<40x128xf32, #tpu.memory_space<vmem>>) target(%dma_start3A_430 : memref<10240x128xf32, #tpu.memory_space<vmem_shared>>) offsets(%dma_start3A_427 : memref<40xi32, #tpu.memory_space<vmem>>) semaphore(%arg12 : memref<!tpu.dma_semaphore, #tpu.memory_space<semaphore_mem>>) {add = true}
      %dma_wait3A_431 = arith.constant 1 : i32
      %dma_wait3A_432 = arith.constant 1 : i32
      %dma_wait3A_433 = arith.constant 0 : i32
      %dma_wait3A_434 = arith.constant 0 : i32
      %dma_wait3A_435 = tpu.memref_slice %arg9[%dma_wait3A_432, %dma_wait3A_433, %dma_wait3A_434] : memref<5x40x128xf32, #tpu.memory_space<vmem>> -> memref<1x40x128xf32, #tpu.memory_space<vmem>>
      %dma_wait3A_436 = tpu.memref_squeeze %dma_wait3A_435 : memref<1x40x128xf32, #tpu.memory_space<vmem>> -> memref<40x128xf32, #tpu.memory_space<vmem>>
      %dma_wait3A_437 = arith.constant 0 : i32
      %dma_wait3A_438 = tpu.memref_slice %arg6[%dma_wait3A_431, %dma_wait3A_437] : memref<5x40xi32, #tpu.memory_space<vmem>> -> memref<1x40xi32, #tpu.memory_space<vmem>>
      %dma_wait3A_439 = tpu.memref_squeeze %dma_wait3A_438 : memref<1x40xi32, #tpu.memory_space<vmem>> -> memref<40xi32, #tpu.memory_space<vmem>>
      %dma_wait3A_440 = arith.constant 0 : i32
      %dma_wait3A_441 = arith.constant 0 : i32
      %dma_wait3A_442 = tpu.memref_slice %arg2[%dma_wait3A_440, %dma_wait3A_441] : memref<10000x128xf32, #tpu.memory_space<hbm>> -> memref<10000x128xf32, #tpu.memory_space<hbm>>
      tpu.wait_indirect_dma semaphore(%arg11 : memref<!tpu.dma_semaphore, #tpu.memory_space<semaphore_mem>>) src(%dma_wait3A_442 : memref<10000x128xf32, #tpu.memory_space<hbm>>) dst(%dma_wait3A_436 : memref<40x128xf32, #tpu.memory_space<vmem>>)
      %dma_start3A_443 = arith.constant 1 : i32
      %dma_start3A_444 = arith.constant 1 : i32
      %dma_start3A_445 = arith.constant 0 : i32
      %dma_start3A_446 = arith.constant 0 : i32
      %dma_start3A_447 = tpu.memref_slice %arg9[%dma_start3A_443, %dma_start3A_445, %dma_start3A_446] : memref<5x40x128xf32, #tpu.memory_space<vmem>> -> memref<1x40x128xf32, #tpu.memory_space<vmem>>
      %dma_start3A_448 = tpu.memref_squeeze %dma_start3A_447 : memref<1x40x128xf32, #tpu.memory_space<vmem>> -> memref<40x128xf32, #tpu.memory_space<vmem>>
      %dma_start3A_449 = arith.constant 0 : i32
      %dma_start3A_450 = tpu.memref_slice %arg8[%dma_start3A_444, %dma_start3A_449] : memref<5x40xi32, #tpu.memory_space<vmem>> -> memref<1x40xi32, #tpu.memory_space<vmem>>
      %dma_start3A_451 = tpu.memref_squeeze %dma_start3A_450 : memref<1x40xi32, #tpu.memory_space<vmem>> -> memref<40xi32, #tpu.memory_space<vmem>>
      %dma_start3A_452 = arith.constant 0 : i32
      %dma_start3A_453 = arith.constant 0 : i32
      %dma_start3A_454 = tpu.memref_slice %arg10[%dma_start3A_452, %dma_start3A_453] : memref<10240x128xf32, #tpu.memory_space<vmem_shared>> -> memref<10240x128xf32, #tpu.memory_space<vmem_shared>>
      tpu.enqueue_indirect_dma source(%dma_start3A_448 : memref<40x128xf32, #tpu.memory_space<vmem>>) target(%dma_start3A_454 : memref<10240x128xf32, #tpu.memory_space<vmem_shared>>) offsets(%dma_start3A_451 : memref<40xi32, #tpu.memory_space<vmem>>) semaphore(%arg12 : memref<!tpu.dma_semaphore, #tpu.memory_space<semaphore_mem>>) {add = true}
      %dma_wait3A_455 = arith.constant 2 : i32
      %dma_wait3A_456 = arith.constant 2 : i32
      %dma_wait3A_457 = arith.constant 0 : i32
      %dma_wait3A_458 = arith.constant 0 : i32
      %dma_wait3A_459 = tpu.memref_slice %arg9[%dma_wait3A_456, %dma_wait3A_457, %dma_wait3A_458] : memref<5x40x128xf32, #tpu.memory_space<vmem>> -> memref<1x40x128xf32, #tpu.memory_space<vmem>>
      %dma_wait3A_460 = tpu.memref_squeeze %dma_wait3A_459 : memref<1x40x128xf32, #tpu.memory_space<vmem>> -> memref<40x128xf32, #tpu.memory_space<vmem>>
      %dma_wait3A_461 = arith.constant 0 : i32
      %dma_wait3A_462 = tpu.memref_slice %arg6[%dma_wait3A_455, %dma_wait3A_461] : memref<5x40xi32, #tpu.memory_space<vmem>> -> memref<1x40xi32, #tpu.memory_space<vmem>>
      %dma_wait3A_463 = tpu.memref_squeeze %dma_wait3A_462 : memref<1x40xi32, #tpu.memory_space<vmem>> -> memref<40xi32, #tpu.memory_space<vmem>>
      %dma_wait3A_464 = arith.constant 0 : i32
      %dma_wait3A_465 = arith.constant 0 : i32
      %dma_wait3A_466 = tpu.memref_slice %arg2[%dma_wait3A_464, %dma_wait3A_465] : memref<10000x128xf32, #tpu.memory_space<hbm>> -> memref<10000x128xf32, #tpu.memory_space<hbm>>
      tpu.wait_indirect_dma semaphore(%arg11 : memref<!tpu.dma_semaphore, #tpu.memory_space<semaphore_mem>>) src(%dma_wait3A_466 : memref<10000x128xf32, #tpu.memory_space<hbm>>) dst(%dma_wait3A_460 : memref<40x128xf32, #tpu.memory_space<vmem>>)
      %dma_start3A_467 = arith.constant 2 : i32
      %dma_start3A_468 = arith.constant 2 : i32
      %dma_start3A_469 = arith.constant 0 : i32
      %dma_start3A_470 = arith.constant 0 : i32
      %dma_start3A_471 = tpu.memref_slice %arg9[%dma_start3A_467, %dma_start3A_469, %dma_start3A_470] : memref<5x40x128xf32, #tpu.memory_space<vmem>> -> memref<1x40x128xf32, #tpu.memory_space<vmem>>
      %dma_start3A_472 = tpu.memref_squeeze %dma_start3A_471 : memref<1x40x128xf32, #tpu.memory_space<vmem>> -> memref<40x128xf32, #tpu.memory_space<vmem>>
      %dma_start3A_473 = arith.constant 0 : i32
      %dma_start3A_474 = tpu.memref_slice %arg8[%dma_start3A_468, %dma_start3A_473] : memref<5x40xi32, #tpu.memory_space<vmem>> -> memref<1x40xi32, #tpu.memory_space<vmem>>
      %dma_start3A_475 = tpu.memref_squeeze %dma_start3A_474 : memref<1x40xi32, #tpu.memory_space<vmem>> -> memref<40xi32, #tpu.memory_space<vmem>>
      %dma_start3A_476 = arith.constant 0 : i32
      %dma_start3A_477 = arith.constant 0 : i32
      %dma_start3A_478 = tpu.memref_slice %arg10[%dma_start3A_476, %dma_start3A_477] : memref<10240x128xf32, #tpu.memory_space<vmem_shared>> -> memref<10240x128xf32, #tpu.memory_space<vmem_shared>>
      tpu.enqueue_indirect_dma source(%dma_start3A_472 : memref<40x128xf32, #tpu.memory_space<vmem>>) target(%dma_start3A_478 : memref<10240x128xf32, #tpu.memory_space<vmem_shared>>) offsets(%dma_start3A_475 : memref<40xi32, #tpu.memory_space<vmem>>) semaphore(%arg12 : memref<!tpu.dma_semaphore, #tpu.memory_space<semaphore_mem>>) {add = true}
      %dma_wait3A_479 = arith.constant 3 : i32
      %dma_wait3A_480 = arith.constant 3 : i32
      %dma_wait3A_481 = arith.constant 0 : i32
      %dma_wait3A_482 = arith.constant 0 : i32
      %dma_wait3A_483 = tpu.memref_slice %arg9[%dma_wait3A_480, %dma_wait3A_481, %dma_wait3A_482] : memref<5x40x128xf32, #tpu.memory_space<vmem>> -> memref<1x40x128xf32, #tpu.memory_space<vmem>>
      %dma_wait3A_484 = tpu.memref_squeeze %dma_wait3A_483 : memref<1x40x128xf32, #tpu.memory_space<vmem>> -> memref<40x128xf32, #tpu.memory_space<vmem>>
      %dma_wait3A_485 = arith.constant 0 : i32
      %dma_wait3A_486 = tpu.memref_slice %arg6[%dma_wait3A_479, %dma_wait3A_485] : memref<5x40xi32, #tpu.memory_space<vmem>> -> memref<1x40xi32, #tpu.memory_space<vmem>>
      %dma_wait3A_487 = tpu.memref_squeeze %dma_wait3A_486 : memref<1x40xi32, #tpu.memory_space<vmem>> -> memref<40xi32, #tpu.memory_space<vmem>>
      %dma_wait3A_488 = arith.constant 0 : i32
      %dma_wait3A_489 = arith.constant 0 : i32
      %dma_wait3A_490 = tpu.memref_slice %arg2[%dma_wait3A_488, %dma_wait3A_489] : memref<10000x128xf32, #tpu.memory_space<hbm>> -> memref<10000x128xf32, #tpu.memory_space<hbm>>
      tpu.wait_indirect_dma semaphore(%arg11 : memref<!tpu.dma_semaphore, #tpu.memory_space<semaphore_mem>>) src(%dma_wait3A_490 : memref<10000x128xf32, #tpu.memory_space<hbm>>) dst(%dma_wait3A_484 : memref<40x128xf32, #tpu.memory_space<vmem>>)
      %dma_start3A_491 = arith.constant 3 : i32
      %dma_start3A_492 = arith.constant 3 : i32
      %dma_start3A_493 = arith.constant 0 : i32
      %dma_start3A_494 = arith.constant 0 : i32
      %dma_start3A_495 = tpu.memref_slice %arg9[%dma_start3A_491, %dma_start3A_493, %dma_start3A_494] : memref<5x40x128xf32, #tpu.memory_space<vmem>> -> memref<1x40x128xf32, #tpu.memory_space<vmem>>
      %dma_start3A_496 = tpu.memref_squeeze %dma_start3A_495 : memref<1x40x128xf32, #tpu.memory_space<vmem>> -> memref<40x128xf32, #tpu.memory_space<vmem>>
      %dma_start3A_497 = arith.constant 0 : i32
      %dma_start3A_498 = tpu.memref_slice %arg8[%dma_start3A_492, %dma_start3A_497] : memref<5x40xi32, #tpu.memory_space<vmem>> -> memref<1x40xi32, #tpu.memory_space<vmem>>
      %dma_start3A_499 = tpu.memref_squeeze %dma_start3A_498 : memref<1x40xi32, #tpu.memory_space<vmem>> -> memref<40xi32, #tpu.memory_space<vmem>>
      %dma_start3A_500 = arith.constant 0 : i32
      %dma_start3A_501 = arith.constant 0 : i32
      %dma_start3A_502 = tpu.memref_slice %arg10[%dma_start3A_500, %dma_start3A_501] : memref<10240x128xf32, #tpu.memory_space<vmem_shared>> -> memref<10240x128xf32, #tpu.memory_space<vmem_shared>>
      tpu.enqueue_indirect_dma source(%dma_start3A_496 : memref<40x128xf32, #tpu.memory_space<vmem>>) target(%dma_start3A_502 : memref<10240x128xf32, #tpu.memory_space<vmem_shared>>) offsets(%dma_start3A_499 : memref<40xi32, #tpu.memory_space<vmem>>) semaphore(%arg12 : memref<!tpu.dma_semaphore, #tpu.memory_space<semaphore_mem>>) {add = true}
      %dma_wait3A_503 = arith.constant 4 : i32
      %dma_wait3A_504 = arith.constant 4 : i32
      %dma_wait3A_505 = arith.constant 0 : i32
      %dma_wait3A_506 = arith.constant 0 : i32
      %dma_wait3A_507 = tpu.memref_slice %arg9[%dma_wait3A_504, %dma_wait3A_505, %dma_wait3A_506] : memref<5x40x128xf32, #tpu.memory_space<vmem>> -> memref<1x40x128xf32, #tpu.memory_space<vmem>>
      %dma_wait3A_508 = tpu.memref_squeeze %dma_wait3A_507 : memref<1x40x128xf32, #tpu.memory_space<vmem>> -> memref<40x128xf32, #tpu.memory_space<vmem>>
      %dma_wait3A_509 = arith.constant 0 : i32
      %dma_wait3A_510 = tpu.memref_slice %arg6[%dma_wait3A_503, %dma_wait3A_509] : memref<5x40xi32, #tpu.memory_space<vmem>> -> memref<1x40xi32, #tpu.memory_space<vmem>>
      %dma_wait3A_511 = tpu.memref_squeeze %dma_wait3A_510 : memref<1x40xi32, #tpu.memory_space<vmem>> -> memref<40xi32, #tpu.memory_space<vmem>>
      %dma_wait3A_512 = arith.constant 0 : i32
      %dma_wait3A_513 = arith.constant 0 : i32
      %dma_wait3A_514 = tpu.memref_slice %arg2[%dma_wait3A_512, %dma_wait3A_513] : memref<10000x128xf32, #tpu.memory_space<hbm>> -> memref<10000x128xf32, #tpu.memory_space<hbm>>
      tpu.wait_indirect_dma semaphore(%arg11 : memref<!tpu.dma_semaphore, #tpu.memory_space<semaphore_mem>>) src(%dma_wait3A_514 : memref<10000x128xf32, #tpu.memory_space<hbm>>) dst(%dma_wait3A_508 : memref<40x128xf32, #tpu.memory_space<vmem>>)
      %dma_start3A_515 = arith.constant 4 : i32
      %dma_start3A_516 = arith.constant 4 : i32
      %dma_start3A_517 = arith.constant 0 : i32
      %dma_start3A_518 = arith.constant 0 : i32
      %dma_start3A_519 = tpu.memref_slice %arg9[%dma_start3A_515, %dma_start3A_517, %dma_start3A_518] : memref<5x40x128xf32, #tpu.memory_space<vmem>> -> memref<1x40x128xf32, #tpu.memory_space<vmem>>
      %dma_start3A_520 = tpu.memref_squeeze %dma_start3A_519 : memref<1x40x128xf32, #tpu.memory_space<vmem>> -> memref<40x128xf32, #tpu.memory_space<vmem>>
      %dma_start3A_521 = arith.constant 0 : i32
      %dma_start3A_522 = tpu.memref_slice %arg8[%dma_start3A_516, %dma_start3A_521] : memref<5x40xi32, #tpu.memory_space<vmem>> -> memref<1x40xi32, #tpu.memory_space<vmem>>
      %dma_start3A_523 = tpu.memref_squeeze %dma_start3A_522 : memref<1x40xi32, #tpu.memory_space<vmem>> -> memref<40xi32, #tpu.memory_space<vmem>>
      %dma_start3A_524 = arith.constant 0 : i32
      %dma_start3A_525 = arith.constant 0 : i32
      %dma_start3A_526 = tpu.memref_slice %arg10[%dma_start3A_524, %dma_start3A_525] : memref<10240x128xf32, #tpu.memory_space<vmem_shared>> -> memref<10240x128xf32, #tpu.memory_space<vmem_shared>>
      tpu.enqueue_indirect_dma source(%dma_start3A_520 : memref<40x128xf32, #tpu.memory_space<vmem>>) target(%dma_start3A_526 : memref<10240x128xf32, #tpu.memory_space<vmem_shared>>) offsets(%dma_start3A_523 : memref<40xi32, #tpu.memory_space<vmem>>) semaphore(%arg12 : memref<!tpu.dma_semaphore, #tpu.memory_space<semaphore_mem>>) {add = true}
    }
    %scan3A_20 = arith.constant 25 : i32
    %dma_wait3A = arith.constant 0 : i32
    %dma_wait3A_21 = arith.constant 0 : i32
    %dma_wait3A_22 = arith.constant 0 : i32
    %dma_wait3A_23 = arith.constant 0 : i32
    %dma_wait3A_24 = tpu.memref_slice %arg9[%dma_wait3A, %dma_wait3A_22, %dma_wait3A_23] : memref<5x40x128xf32, #tpu.memory_space<vmem>> -> memref<1x40x128xf32, #tpu.memory_space<vmem>>
    %dma_wait3A_25 = tpu.memref_squeeze %dma_wait3A_24 : memref<1x40x128xf32, #tpu.memory_space<vmem>> -> memref<40x128xf32, #tpu.memory_space<vmem>>
    %dma_wait3A_26 = arith.constant 0 : i32
    %dma_wait3A_27 = tpu.memref_slice %arg8[%dma_wait3A_21, %dma_wait3A_26] : memref<5x40xi32, #tpu.memory_space<vmem>> -> memref<1x40xi32, #tpu.memory_space<vmem>>
    %dma_wait3A_28 = tpu.memref_squeeze %dma_wait3A_27 : memref<1x40xi32, #tpu.memory_space<vmem>> -> memref<40xi32, #tpu.memory_space<vmem>>
    %dma_wait3A_29 = arith.constant 0 : i32
    %dma_wait3A_30 = arith.constant 0 : i32
    %dma_wait3A_31 = tpu.memref_slice %arg10[%dma_wait3A_29, %dma_wait3A_30] : memref<10240x128xf32, #tpu.memory_space<vmem_shared>> -> memref<10240x128xf32, #tpu.memory_space<vmem_shared>>
    tpu.wait_indirect_dma semaphore(%arg12 : memref<!tpu.dma_semaphore, #tpu.memory_space<semaphore_mem>>) src(%dma_wait3A_25 : memref<40x128xf32, #tpu.memory_space<vmem>>) dst(%dma_wait3A_31 : memref<10240x128xf32, #tpu.memory_space<vmem_shared>>)
    %dma_wait3A_32 = arith.constant 1 : i32
    %dma_wait3A_33 = arith.constant 1 : i32
    %dma_wait3A_34 = arith.constant 0 : i32
    %dma_wait3A_35 = arith.constant 0 : i32
    %dma_wait3A_36 = tpu.memref_slice %arg9[%dma_wait3A_32, %dma_wait3A_34, %dma_wait3A_35] : memref<5x40x128xf32, #tpu.memory_space<vmem>> -> memref<1x40x128xf32, #tpu.memory_space<vmem>>
    %dma_wait3A_37 = tpu.memref_squeeze %dma_wait3A_36 : memref<1x40x128xf32, #tpu.memory_space<vmem>> -> memref<40x128xf32, #tpu.memory_space<vmem>>
    %dma_wait3A_38 = arith.constant 0 : i32
    %dma_wait3A_39 = tpu.memref_slice %arg8[%dma_wait3A_33, %dma_wait3A_38] : memref<5x40xi32, #tpu.memory_space<vmem>> -> memref<1x40xi32, #tpu.memory_space<vmem>>
    %dma_wait3A_40 = tpu.memref_squeeze %dma_wait3A_39 : memref<1x40xi32, #tpu.memory_space<vmem>> -> memref<40xi32, #tpu.memory_space<vmem>>
    %dma_wait3A_41 = arith.constant 0 : i32
    %dma_wait3A_42 = arith.constant 0 : i32
    %dma_wait3A_43 = tpu.memref_slice %arg10[%dma_wait3A_41, %dma_wait3A_42] : memref<10240x128xf32, #tpu.memory_space<vmem_shared>> -> memref<10240x128xf32, #tpu.memory_space<vmem_shared>>
    tpu.wait_indirect_dma semaphore(%arg12 : memref<!tpu.dma_semaphore, #tpu.memory_space<semaphore_mem>>) src(%dma_wait3A_37 : memref<40x128xf32, #tpu.memory_space<vmem>>) dst(%dma_wait3A_43 : memref<10240x128xf32, #tpu.memory_space<vmem_shared>>)
    %dma_wait3A_44 = arith.constant 2 : i32
    %dma_wait3A_45 = arith.constant 2 : i32
    %dma_wait3A_46 = arith.constant 0 : i32
    %dma_wait3A_47 = arith.constant 0 : i32
    %dma_wait3A_48 = tpu.memref_slice %arg9[%dma_wait3A_44, %dma_wait3A_46, %dma_wait3A_47] : memref<5x40x128xf32, #tpu.memory_space<vmem>> -> memref<1x40x128xf32, #tpu.memory_space<vmem>>
    %dma_wait3A_49 = tpu.memref_squeeze %dma_wait3A_48 : memref<1x40x128xf32, #tpu.memory_space<vmem>> -> memref<40x128xf32, #tpu.memory_space<vmem>>
    %dma_wait3A_50 = arith.constant 0 : i32
    %dma_wait3A_51 = tpu.memref_slice %arg8[%dma_wait3A_45, %dma_wait3A_50] : memref<5x40xi32, #tpu.memory_space<vmem>> -> memref<1x40xi32, #tpu.memory_space<vmem>>
    %dma_wait3A_52 = tpu.memref_squeeze %dma_wait3A_51 : memref<1x40xi32, #tpu.memory_space<vmem>> -> memref<40xi32, #tpu.memory_space<vmem>>
    %dma_wait3A_53 = arith.constant 0 : i32
    %dma_wait3A_54 = arith.constant 0 : i32
    %dma_wait3A_55 = tpu.memref_slice %arg10[%dma_wait3A_53, %dma_wait3A_54] : memref<10240x128xf32, #tpu.memory_space<vmem_shared>> -> memref<10240x128xf32, #tpu.memory_space<vmem_shared>>
    tpu.wait_indirect_dma semaphore(%arg12 : memref<!tpu.dma_semaphore, #tpu.memory_space<semaphore_mem>>) src(%dma_wait3A_49 : memref<40x128xf32, #tpu.memory_space<vmem>>) dst(%dma_wait3A_55 : memref<10240x128xf32, #tpu.memory_space<vmem_shared>>)
    %dma_wait3A_56 = arith.constant 3 : i32
    %dma_wait3A_57 = arith.constant 3 : i32
    %dma_wait3A_58 = arith.constant 0 : i32
    %dma_wait3A_59 = arith.constant 0 : i32
    %dma_wait3A_60 = tpu.memref_slice %arg9[%dma_wait3A_56, %dma_wait3A_58, %dma_wait3A_59] : memref<5x40x128xf32, #tpu.memory_space<vmem>> -> memref<1x40x128xf32, #tpu.memory_space<vmem>>
    %dma_wait3A_61 = tpu.memref_squeeze %dma_wait3A_60 : memref<1x40x128xf32, #tpu.memory_space<vmem>> -> memref<40x128xf32, #tpu.memory_space<vmem>>
    %dma_wait3A_62 = arith.constant 0 : i32
    %dma_wait3A_63 = tpu.memref_slice %arg8[%dma_wait3A_57, %dma_wait3A_62] : memref<5x40xi32, #tpu.memory_space<vmem>> -> memref<1x40xi32, #tpu.memory_space<vmem>>
    %dma_wait3A_64 = tpu.memref_squeeze %dma_wait3A_63 : memref<1x40xi32, #tpu.memory_space<vmem>> -> memref<40xi32, #tpu.memory_space<vmem>>
    %dma_wait3A_65 = arith.constant 0 : i32
    %dma_wait3A_66 = arith.constant 0 : i32
    %dma_wait3A_67 = tpu.memref_slice %arg10[%dma_wait3A_65, %dma_wait3A_66] : memref<10240x128xf32, #tpu.memory_space<vmem_shared>> -> memref<10240x128xf32, #tpu.memory_space<vmem_shared>>
    tpu.wait_indirect_dma semaphore(%arg12 : memref<!tpu.dma_semaphore, #tpu.memory_space<semaphore_mem>>) src(%dma_wait3A_61 : memref<40x128xf32, #tpu.memory_space<vmem>>) dst(%dma_wait3A_67 : memref<10240x128xf32, #tpu.memory_space<vmem_shared>>)
    %dma_wait3A_68 = arith.constant 4 : i32
    %dma_wait3A_69 = arith.constant 4 : i32
    %dma_wait3A_70 = arith.constant 0 : i32
    %dma_wait3A_71 = arith.constant 0 : i32
    %dma_wait3A_72 = tpu.memref_slice %arg9[%dma_wait3A_68, %dma_wait3A_70, %dma_wait3A_71] : memref<5x40x128xf32, #tpu.memory_space<vmem>> -> memref<1x40x128xf32, #tpu.memory_space<vmem>>
    %dma_wait3A_73 = tpu.memref_squeeze %dma_wait3A_72 : memref<1x40x128xf32, #tpu.memory_space<vmem>> -> memref<40x128xf32, #tpu.memory_space<vmem>>
    %dma_wait3A_74 = arith.constant 0 : i32
    %dma_wait3A_75 = tpu.memref_slice %arg8[%dma_wait3A_69, %dma_wait3A_74] : memref<5x40xi32, #tpu.memory_space<vmem>> -> memref<1x40xi32, #tpu.memory_space<vmem>>
    %dma_wait3A_76 = tpu.memref_squeeze %dma_wait3A_75 : memref<1x40xi32, #tpu.memory_space<vmem>> -> memref<40xi32, #tpu.memory_space<vmem>>
    %dma_wait3A_77 = arith.constant 0 : i32
    %dma_wait3A_78 = arith.constant 0 : i32
    %dma_wait3A_79 = tpu.memref_slice %arg10[%dma_wait3A_77, %dma_wait3A_78] : memref<10240x128xf32, #tpu.memory_space<vmem_shared>> -> memref<10240x128xf32, #tpu.memory_space<vmem_shared>>
    tpu.wait_indirect_dma semaphore(%arg12 : memref<!tpu.dma_semaphore, #tpu.memory_space<semaphore_mem>>) src(%dma_wait3A_73 : memref<40x128xf32, #tpu.memory_space<vmem>>) dst(%dma_wait3A_79 : memref<10240x128xf32, #tpu.memory_space<vmem_shared>>)
    %barrier3A_80 = arith.constant 0 : index
    tpu.barrier barrier_id(%barrier3A_80)
    %scan3A_81 = arith.constant 0 : i32
    %scan3A_82 = arith.constant 0 : i32
    %scan3A_83 = arith.constant 16 : i32
    %scan3A_84 = arith.addi %scan3A_82, %scan3A_83 : i32
    %scan3A_85 = arith.constant 1 : i32
    scf.for %scan3A_87 = %scan3A_82 to %scan3A_84 step %scan3A_85  : i32 {
      %mul3A_88 = arith.constant 40 : i32
      %mul3A_89 = arith.muli %scan3A_87, %mul3A_88 : i32
      %add3A_90 = arith.addi %mul3A_8, %mul3A_89 : i32
      %run_scoped3A = arith.constant 0 : i32
      "tpu.region"() ({
        %run_scoped3A_92 = tpu.sem_alloc : memref<!tpu.dma_semaphore, #tpu.memory_space<semaphore_mem>>
        %dma_start3A = arith.constant 0 : i32
        %dma_start3A_93 = arith.constant 0 : i32
        %dma_start3A_94 = tpu.memref_slice %arg9[%run_scoped3A, %dma_start3A, %dma_start3A_93] : memref<5x40x128xf32, #tpu.memory_space<vmem>> -> memref<1x40x128xf32, #tpu.memory_space<vmem>>
        %dma_start3A_95 = tpu.memref_squeeze %dma_start3A_94 : memref<1x40x128xf32, #tpu.memory_space<vmem>> -> memref<40x128xf32, #tpu.memory_space<vmem>>
        %dma_start3A_96 = arith.constant 0 : i32
        %dma_start3A_97 = tpu.memref_slice %arg10[%add3A_90, %dma_start3A_96] : memref<10240x128xf32, #tpu.memory_space<vmem_shared>> -> memref<40x128xf32, #tpu.memory_space<vmem_shared>>
        %dma_start3A_98 = arith.constant 0 : i32
        %dma_start3A_99 = arith.constant 0 : i32
        %dma_start3A_100 = tpu.memref_slice %arg9[%run_scoped3A, %dma_start3A_98, %dma_start3A_99] : memref<5x40x128xf32, #tpu.memory_space<vmem>> -> memref<1x40x128xf32, #tpu.memory_space<vmem>>
        %dma_start3A_101 = tpu.memref_squeeze %dma_start3A_100 : memref<1x40x128xf32, #tpu.memory_space<vmem>> -> memref<40x128xf32, #tpu.memory_space<vmem>>
        %dma_start3A_102 = arith.constant 0 : i32
        %dma_start3A_103 = tpu.memref_slice %arg10[%add3A_90, %dma_start3A_102] : memref<10240x128xf32, #tpu.memory_space<vmem_shared>> -> memref<40x128xf32, #tpu.memory_space<vmem_shared>>
        tpu.enqueue_dma source(%dma_start3A_103 : memref<40x128xf32, #tpu.memory_space<vmem_shared>>) target(%dma_start3A_101 : memref<40x128xf32, #tpu.memory_space<vmem>>) target_semaphore(%run_scoped3A_92 : memref<!tpu.dma_semaphore, #tpu.memory_space<semaphore_mem>>)
        %dma_wait3A_104 = arith.constant 0 : i32
        %dma_wait3A_105 = arith.constant 0 : i32
        %dma_wait3A_106 = tpu.memref_slice %arg9[%run_scoped3A, %dma_wait3A_104, %dma_wait3A_105] : memref<5x40x128xf32, #tpu.memory_space<vmem>> -> memref<1x40x128xf32, #tpu.memory_space<vmem>>
        %dma_wait3A_107 = tpu.memref_squeeze %dma_wait3A_106 : memref<1x40x128xf32, #tpu.memory_space<vmem>> -> memref<40x128xf32, #tpu.memory_space<vmem>>
        %dma_wait3A_108 = arith.constant 0 : i32
        %dma_wait3A_109 = tpu.memref_slice %arg10[%add3A_90, %dma_wait3A_108] : memref<10240x128xf32, #tpu.memory_space<vmem_shared>> -> memref<40x128xf32, #tpu.memory_space<vmem_shared>>
        %dma_wait3A_110 = arith.constant 0 : i32
        %dma_wait3A_111 = arith.constant 0 : i32
        %dma_wait3A_112 = tpu.memref_slice %arg9[%run_scoped3A, %dma_wait3A_110, %dma_wait3A_111] : memref<5x40x128xf32, #tpu.memory_space<vmem>> -> memref<1x40x128xf32, #tpu.memory_space<vmem>>
        %dma_wait3A_113 = tpu.memref_squeeze %dma_wait3A_112 : memref<1x40x128xf32, #tpu.memory_space<vmem>> -> memref<40x128xf32, #tpu.memory_space<vmem>>
        %dma_wait3A_114 = arith.constant 0 : i32
        %dma_wait3A_115 = tpu.memref_slice %arg10[%add3A_90, %dma_wait3A_114] : memref<10240x128xf32, #tpu.memory_space<vmem_shared>> -> memref<40x128xf32, #tpu.memory_space<vmem_shared>>
        tpu.wait_dma2 semaphore(%run_scoped3A_92 : memref<!tpu.dma_semaphore, #tpu.memory_space<semaphore_mem>>) src(%dma_wait3A_115 : memref<40x128xf32, #tpu.memory_space<vmem_shared>>) dst(%dma_wait3A_113 : memref<40x128xf32, #tpu.memory_space<vmem>>)
        tpu.yield
      }) : () -> ()
      %run_scoped3A_91 = arith.constant 0 : i32
      "tpu.region"() ({
        %run_scoped3A_92 = tpu.sem_alloc : memref<!tpu.dma_semaphore, #tpu.memory_space<semaphore_mem>>
        %dma_start3A = arith.constant 0 : i32
        %dma_start3A_93 = arith.constant 0 : i32
        %dma_start3A_94 = tpu.memref_slice %arg9[%run_scoped3A_91, %dma_start3A, %dma_start3A_93] : memref<5x40x128xf32, #tpu.memory_space<vmem>> -> memref<1x40x128xf32, #tpu.memory_space<vmem>>
        %dma_start3A_95 = tpu.memref_squeeze %dma_start3A_94 : memref<1x40x128xf32, #tpu.memory_space<vmem>> -> memref<40x128xf32, #tpu.memory_space<vmem>>
        %dma_start3A_96 = arith.constant 0 : i32
        %dma_start3A_97 = tpu.memref_slice %arg5[%arg0, %add3A_90, %dma_start3A_96] : memref<2x10240x128xf32, #tpu.memory_space<hbm>> -> memref<1x40x128xf32, #tpu.memory_space<hbm>>
        %dma_start3A_98 = tpu.memref_squeeze %dma_start3A_97 : memref<1x40x128xf32, #tpu.memory_space<hbm>> -> memref<40x128xf32, #tpu.memory_space<hbm>>
        %dma_start3A_99 = arith.constant 0 : i32
        %dma_start3A_100 = tpu.memref_slice %arg5[%arg0, %add3A_90, %dma_start3A_99] : memref<2x10240x128xf32, #tpu.memory_space<hbm>> -> memref<1x40x128xf32, #tpu.memory_space<hbm>>
        %dma_start3A_101 = tpu.memref_squeeze %dma_start3A_100 : memref<1x40x128xf32, #tpu.memory_space<hbm>> -> memref<40x128xf32, #tpu.memory_space<hbm>>
        %dma_start3A_102 = arith.constant 0 : i32
        %dma_start3A_103 = arith.constant 0 : i32
        %dma_start3A_104 = tpu.memref_slice %arg9[%run_scoped3A_91, %dma_start3A_102, %dma_start3A_103] : memref<5x40x128xf32, #tpu.memory_space<vmem>> -> memref<1x40x128xf32, #tpu.memory_space<vmem>>
        %dma_start3A_105 = tpu.memref_squeeze %dma_start3A_104 : memref<1x40x128xf32, #tpu.memory_space<vmem>> -> memref<40x128xf32, #tpu.memory_space<vmem>>
        tpu.enqueue_dma source(%dma_start3A_105 : memref<40x128xf32, #tpu.memory_space<vmem>>) target(%dma_start3A_101 : memref<40x128xf32, #tpu.memory_space<hbm>>) target_semaphore(%run_scoped3A_92 : memref<!tpu.dma_semaphore, #tpu.memory_space<semaphore_mem>>)
        %dma_wait3A_106 = arith.constant 0 : i32
        %dma_wait3A_107 = arith.constant 0 : i32
        %dma_wait3A_108 = tpu.memref_slice %arg9[%run_scoped3A_91, %dma_wait3A_106, %dma_wait3A_107] : memref<5x40x128xf32, #tpu.memory_space<vmem>> -> memref<1x40x128xf32, #tpu.memory_space<vmem>>
        %dma_wait3A_109 = tpu.memref_squeeze %dma_wait3A_108 : memref<1x40x128xf32, #tpu.memory_space<vmem>> -> memref<40x128xf32, #tpu.memory_space<vmem>>
        %dma_wait3A_110 = arith.constant 0 : i32
        %dma_wait3A_111 = tpu.memref_slice %arg5[%arg0, %add3A_90, %dma_wait3A_110] : memref<2x10240x128xf32, #tpu.memory_space<hbm>> -> memref<1x40x128xf32, #tpu.memory_space<hbm>>
        %dma_wait3A_112 = tpu.memref_squeeze %dma_wait3A_111 : memref<1x40x128xf32, #tpu.memory_space<hbm>> -> memref<40x128xf32, #tpu.memory_space<hbm>>
        %dma_wait3A_113 = arith.constant 0 : i32
        %dma_wait3A_114 = tpu.memref_slice %arg5[%arg0, %add3A_90, %dma_wait3A_113] : memref<2x10240x128xf32, #tpu.memory_space<hbm>> -> memref<1x40x128xf32, #tpu.memory_space<hbm>>
        %dma_wait3A_115 = tpu.memref_squeeze %dma_wait3A_114 : memref<1x40x128xf32, #tpu.memory_space<hbm>> -> memref<40x128xf32, #tpu.memory_space<hbm>>
        %dma_wait3A_116 = arith.constant 0 : i32
        %dma_wait3A_117 = arith.constant 0 : i32
        %dma_wait3A_118 = tpu.memref_slice %arg9[%run_scoped3A_91, %dma_wait3A_116, %dma_wait3A_117] : memref<5x40x128xf32, #tpu.memory_space<vmem>> -> memref<1x40x128xf32, #tpu.memory_space<vmem>>
        %dma_wait3A_119 = tpu.memref_squeeze %dma_wait3A_118 : memref<1x40x128xf32, #tpu.memory_space<vmem>> -> memref<40x128xf32, #tpu.memory_space<vmem>>
        tpu.wait_dma2 semaphore(%run_scoped3A_92 : memref<!tpu.dma_semaphore, #tpu.memory_space<semaphore_mem>>) src(%dma_wait3A_119 : memref<40x128xf32, #tpu.memory_space<vmem>>) dst(%dma_wait3A_115 : memref<40x128xf32, #tpu.memory_space<hbm>>)
        tpu.yield
      }) : () -> ()
    }
    %scan3A_86 = arith.constant 16 : i32
    return
  }
}

#map = affine_map<(d0, d1) -> (0, 0)>
#map1 = affine_map<(d0, d1) -> (0, 0, 0, 0)>
#map2 = affine_map<(d0, d1) -> (0, 0, 0)>
module attributes {stable_mosaic.version = 14 : i64} {
  func.func @body(%arg0: i32, %arg1: i32, %arg2: memref<10000x128xf32, #tpu.memory_space<hbm>>, %arg3: memref<32x50x5x40xi32, #tpu.memory_space<hbm>>, %arg4: memref<32x50x5x40xi32, #tpu.memory_space<hbm>>, %arg5: memref<2x10240x128xf32, #tpu.memory_space<hbm>>, %arg6: memref<5x40xi32, #tpu.memory_space<vmem>>, %arg7: memref<5x40xi32, #tpu.memory_space<vmem>>, %arg8: memref<5x40xi32, #tpu.memory_space<vmem>>, %arg9: memref<5x40x128xf32, #tpu.memory_space<vmem>>, %arg10: memref<10240x128xf32, #tpu.memory_space<vmem_shared>>, %arg11: memref<!tpu.dma_semaphore, #tpu.memory_space<semaphore_mem>>, %arg12: memref<!tpu.dma_semaphore, #tpu.memory_space<semaphore_mem>>) attributes {dimension_semantics = [#tpu.dimension_semantics<core_parallel>, #tpu.dimension_semantics<subcore_parallel>], iteration_bounds = array<i64: 2, 16>, scalar_prefetch = 0 : i64, scratch_operands = 7 : i64, tpu.core_type = #tpu.core_type<sc_vector_subcore>, window_params = [{transform_indices = #map}, {transform_indices = #map1}, {transform_indices = #map1}, {transform_indices = #map2}]} {
    %mul3A = arith.constant 16 : i32
    %mul3A_0 = arith.muli %arg0, %mul3A : i32
    %add3A = arith.addi %mul3A_0, %arg1 : i32
    %broadcast_in_dim3A = arith.constant 0.000000e+00 : f32
    %broadcast_in_dim3A_1 = vector.broadcast %broadcast_in_dim3A : f32 to vector<16xf32>
    %scan3A = arith.constant 0 : i32
    %scan3A_2 = arith.constant 0 : i32
    %scan3A_3 = arith.constant 40 : i32
    %scan3A_4 = arith.addi %scan3A_2, %scan3A_3 : i32
    %scan3A_5 = arith.constant 1 : i32
    scf.for %scan3A_87 = %scan3A_2 to %scan3A_4 step %scan3A_5  : i32 {
      %swap3A = arith.constant 0 : i32
      %swap3A_88 = arith.index_cast %swap3A : i32 to index
      %swap3A_89 = arith.index_cast %scan3A_87 : i32 to index
      %swap3A_90 = arith.constant 0 : index
      %swap3A_91 = tpu.vector_load %arg9[%swap3A_88, %swap3A_89, %swap3A_90] {strides = array<i32>} : memref<5x40x128xf32, #tpu.memory_space<vmem>>, vector<1x1x16xf32>,
      %swap3A_92 = vector.shape_cast %swap3A_91 : vector<1x1x16xf32> to vector<16xf32>
      %swap3A_93 = vector.shape_cast %broadcast_in_dim3A_1 : vector<16xf32> to vector<1x1x16xf32>
      tpu.vector_store %arg9[%swap3A_88, %swap3A_89, %swap3A_90], %swap3A_93 {strides = array<i32>} : memref<5x40x128xf32, #tpu.memory_space<vmem>>, vector<1x1x16xf32>,
      %swap3A_94 = arith.constant 0 : i32
      %swap3A_95 = arith.index_cast %swap3A_94 : i32 to index
      %swap3A_96 = arith.index_cast %scan3A_87 : i32 to index
      %swap3A_97 = arith.constant 16 : index
      %swap3A_98 = tpu.vector_load %arg9[%swap3A_95, %swap3A_96, %swap3A_97] {strides = array<i32>} : memref<5x40x128xf32, #tpu.memory_space<vmem>>, vector<1x1x16xf32>,
      %swap3A_99 = vector.shape_cast %swap3A_98 : vector<1x1x16xf32> to vector<16xf32>
      %swap3A_100 = vector.shape_cast %broadcast_in_dim3A_1 : vector<16xf32> to vector<1x1x16xf32>
      tpu.vector_store %arg9[%swap3A_95, %swap3A_96, %swap3A_97], %swap3A_100 {strides = array<i32>} : memref<5x40x128xf32, #tpu.memory_space<vmem>>, vector<1x1x16xf32>,
      %swap3A_101 = arith.constant 0 : i32
      %swap3A_102 = arith.index_cast %swap3A_101 : i32 to index
      %swap3A_103 = arith.index_cast %scan3A_87 : i32 to index
      %swap3A_104 = arith.constant 32 : index
      %swap3A_105 = tpu.vector_load %arg9[%swap3A_102, %swap3A_103, %swap3A_104] {strides = array<i32>} : memref<5x40x128xf32, #tpu.memory_space<vmem>>, vector<1x1x16xf32>,
      %swap3A_106 = vector.shape_cast %swap3A_105 : vector<1x1x16xf32> to vector<16xf32>
      %swap3A_107 = vector.shape_cast %broadcast_in_dim3A_1 : vector<16xf32> to vector<1x1x16xf32>
      tpu.vector_store %arg9[%swap3A_102, %swap3A_103, %swap3A_104], %swap3A_107 {strides = array<i32>} : memref<5x40x128xf32, #tpu.memory_space<vmem>>, vector<1x1x16xf32>,
      %swap3A_108 = arith.constant 0 : i32
      %swap3A_109 = arith.index_cast %swap3A_108 : i32 to index
      %swap3A_110 = arith.index_cast %scan3A_87 : i32 to index
      %swap3A_111 = arith.constant 48 : index
      %swap3A_112 = tpu.vector_load %arg9[%swap3A_109, %swap3A_110, %swap3A_111] {strides = array<i32>} : memref<5x40x128xf32, #tpu.memory_space<vmem>>, vector<1x1x16xf32>,
      %swap3A_113 = vector.shape_cast %swap3A_112 : vector<1x1x16xf32> to vector<16xf32>
      %swap3A_114 = vector.shape_cast %broadcast_in_dim3A_1 : vector<16xf32> to vector<1x1x16xf32>
      tpu.vector_store %arg9[%swap3A_109, %swap3A_110, %swap3A_111], %swap3A_114 {strides = array<i32>} : memref<5x40x128xf32, #tpu.memory_space<vmem>>, vector<1x1x16xf32>,
      %swap3A_115 = arith.constant 0 : i32
      %swap3A_116 = arith.index_cast %swap3A_115 : i32 to index
      %swap3A_117 = arith.index_cast %scan3A_87 : i32 to index
      %swap3A_118 = arith.constant 64 : index
      %swap3A_119 = tpu.vector_load %arg9[%swap3A_116, %swap3A_117, %swap3A_118] {strides = array<i32>} : memref<5x40x128xf32, #tpu.memory_space<vmem>>, vector<1x1x16xf32>,
      %swap3A_120 = vector.shape_cast %swap3A_119 : vector<1x1x16xf32> to vector<16xf32>
      %swap3A_121 = vector.shape_cast %broadcast_in_dim3A_1 : vector<16xf32> to vector<1x1x16xf32>
      tpu.vector_store %arg9[%swap3A_116, %swap3A_117, %swap3A_118], %swap3A_121 {strides = array<i32>} : memref<5x40x128xf32, #tpu.memory_space<vmem>>, vector<1x1x16xf32>,
      %swap3A_122 = arith.constant 0 : i32
      %swap3A_123 = arith.index_cast %swap3A_122 : i32 to index
      %swap3A_124 = arith.index_cast %scan3A_87 : i32 to index
      %swap3A_125 = arith.constant 80 : index
      %swap3A_126 = tpu.vector_load %arg9[%swap3A_123, %swap3A_124, %swap3A_125] {strides = array<i32>} : memref<5x40x128xf32, #tpu.memory_space<vmem>>, vector<1x1x16xf32>,
      %swap3A_127 = vector.shape_cast %swap3A_126 : vector<1x1x16xf32> to vector<16xf32>
      %swap3A_128 = vector.shape_cast %broadcast_in_dim3A_1 : vector<16xf32> to vector<1x1x16xf32>
      tpu.vector_store %arg9[%swap3A_123, %swap3A_124, %swap3A_125], %swap3A_128 {strides = array<i32>} : memref<5x40x128xf32, #tpu.memory_space<vmem>>, vector<1x1x16xf32>,
      %swap3A_129 = arith.constant 0 : i32
      %swap3A_130 = arith.index_cast %swap3A_129 : i32 to index
      %swap3A_131 = arith.index_cast %scan3A_87 : i32 to index
      %swap3A_132 = arith.constant 96 : index
      %swap3A_133 = tpu.vector_load %arg9[%swap3A_130, %swap3A_131, %swap3A_132] {strides = array<i32>} : memref<5x40x128xf32, #tpu.memory_space<vmem>>, vector<1x1x16xf32>,
      %swap3A_134 = vector.shape_cast %swap3A_133 : vector<1x1x16xf32> to vector<16xf32>
      %swap3A_135 = vector.shape_cast %broadcast_in_dim3A_1 : vector<16xf32> to vector<1x1x16xf32>
      tpu.vector_store %arg9[%swap3A_130, %swap3A_131, %swap3A_132], %swap3A_135 {strides = array<i32>} : memref<5x40x128xf32, #tpu.memory_space<vmem>>, vector<1x1x16xf32>,
      %swap3A_136 = arith.constant 0 : i32
      %swap3A_137 = arith.index_cast %swap3A_136 : i32 to index
      %swap3A_138 = arith.index_cast %scan3A_87 : i32 to index
      %swap3A_139 = arith.constant 112 : index
      %swap3A_140 = tpu.vector_load %arg9[%swap3A_137, %swap3A_138, %swap3A_139] {strides = array<i32>} : memref<5x40x128xf32, #tpu.memory_space<vmem>>, vector<1x1x16xf32>,
      %swap3A_141 = vector.shape_cast %swap3A_140 : vector<1x1x16xf32> to vector<16xf32>
      %swap3A_142 = vector.shape_cast %broadcast_in_dim3A_1 : vector<16xf32> to vector<1x1x16xf32>
      tpu.vector_store %arg9[%swap3A_137, %swap3A_138, %swap3A_139], %swap3A_142 {strides = array<i32>} : memref<5x40x128xf32, #tpu.memory_space<vmem>>, vector<1x1x16xf32>,
    }
    %scan3A_6 = arith.constant 40 : i32
    %mul3A_7 = arith.constant 640 : i32
    %mul3A_8 = arith.muli %arg1, %mul3A_7 : i32
    %scan3A_9 = arith.constant 0 : i32
    %scan3A_10 = arith.constant 0 : i32
    %scan3A_11 = arith.constant 16 : i32
    %scan3A_12 = arith.addi %scan3A_10, %scan3A_11 : i32
    %scan3A_13 = arith.constant 1 : i32
    scf.for %scan3A_87 = %scan3A_10 to %scan3A_12 step %scan3A_13  : i32 {
      %mul3A_88 = arith.constant 40 : i32
      %mul3A_89 = arith.muli %scan3A_87, %mul3A_88 : i32
      %add3A_90 = arith.addi %mul3A_8, %mul3A_89 : i32
      %run_scoped3A = arith.constant 0 : i32
      "tpu.region"() ({
        %run_scoped3A_91 = tpu.sem_alloc : memref<!tpu.dma_semaphore, #tpu.memory_space<semaphore_mem>>
        %dma_start3A = arith.constant 0 : i32
        %dma_start3A_92 = arith.constant 0 : i32
        %dma_start3A_93 = tpu.memref_slice %arg9[%run_scoped3A, %dma_start3A, %dma_start3A_92] : memref<5x40x128xf32, #tpu.memory_space<vmem>> -> memref<1x40x128xf32, #tpu.memory_space<vmem>>
        %dma_start3A_94 = tpu.memref_squeeze %dma_start3A_93 : memref<1x40x128xf32, #tpu.memory_space<vmem>> -> memref<40x128xf32, #tpu.memory_space<vmem>>
        %dma_start3A_95 = arith.constant 0 : i32
        %dma_start3A_96 = tpu.memref_slice %arg10[%add3A_90, %dma_start3A_95] : memref<10240x128xf32, #tpu.memory_space<vmem_shared>> -> memref<40x128xf32, #tpu.memory_space<vmem_shared>>
        %dma_start3A_97 = arith.constant 0 : i32
        %dma_start3A_98 = tpu.memref_slice %arg10[%add3A_90, %dma_start3A_97] : memref<10240x128xf32, #tpu.memory_space<vmem_shared>> -> memref<40x128xf32, #tpu.memory_space<vmem_shared>>
        %dma_start3A_99 = arith.constant 0 : i32
        %dma_start3A_100 = arith.constant 0 : i32
        %dma_start3A_101 = tpu.memref_slice %arg9[%run_scoped3A, %dma_start3A_99, %dma_start3A_100] : memref<5x40x128xf32, #tpu.memory_space<vmem>> -> memref<1x40x128xf32, #tpu.memory_space<vmem>>
        %dma_start3A_102 = tpu.memref_squeeze %dma_start3A_101 : memref<1x40x128xf32, #tpu.memory_space<vmem>> -> memref<40x128xf32, #tpu.memory_space<vmem>>
        tpu.enqueue_dma source(%dma_start3A_102 : memref<40x128xf32, #tpu.memory_space<vmem>>) target(%dma_start3A_98 : memref<40x128xf32, #tpu.memory_space<vmem_shared>>) target_semaphore(%run_scoped3A_91 : memref<!tpu.dma_semaphore, #tpu.memory_space<semaphore_mem>>)
        %dma_wait3A_103 = arith.constant 0 : i32
        %dma_wait3A_104 = arith.constant 0 : i32
        %dma_wait3A_105 = tpu.memref_slice %arg9[%run_scoped3A, %dma_wait3A_103, %dma_wait3A_104] : memref<5x40x128xf32, #tpu.memory_space<vmem>> -> memref<1x40x128xf32, #tpu.memory_space<vmem>>
        %dma_wait3A_106 = tpu.memref_squeeze %dma_wait3A_105 : memref<1x40x128xf32, #tpu.memory_space<vmem>> -> memref<40x128xf32, #tpu.memory_space<vmem>>
        %dma_wait3A_107 = arith.constant 0 : i32
        %dma_wait3A_108 = tpu.memref_slice %arg10[%add3A_90, %dma_wait3A_107] : memref<10240x128xf32, #tpu.memory_space<vmem_shared>> -> memref<40x128xf32, #tpu.memory_space<vmem_shared>>
        %dma_wait3A_109 = arith.constant 0 : i32
        %dma_wait3A_110 = tpu.memref_slice %arg10[%add3A_90, %dma_wait3A_109] : memref<10240x128xf32, #tpu.memory_space<vmem_shared>> -> memref<40x128xf32, #tpu.memory_space<vmem_shared>>
        %dma_wait3A_111 = arith.constant 0 : i32
        %dma_wait3A_112 = arith.constant 0 : i32
        %dma_wait3A_113 = tpu.memref_slice %arg9[%run_scoped3A, %dma_wait3A_111, %dma_wait3A_112] : memref<5x40x128xf32, #tpu.memory_space<vmem>> -> memref<1x40x128xf32, #tpu.memory_space<vmem>>
        %dma_wait3A_114 = tpu.memref_squeeze %dma_wait3A_113 : memref<1x40x128xf32, #tpu.memory_space<vmem>> -> memref<40x128xf32, #tpu.memory_space<vmem>>
        tpu.wait_dma2 semaphore(%run_scoped3A_91 : memref<!tpu.dma_semaphore, #tpu.memory_space<semaphore_mem>>) src(%dma_wait3A_114 : memref<40x128xf32, #tpu.memory_space<vmem>>) dst(%dma_wait3A_110 : memref<40x128xf32, #tpu.memory_space<vmem_shared>>)
        tpu.yield
      }) : () -> ()
    }
    %scan3A_14 = arith.constant 16 : i32
    %barrier3A = arith.constant 0 : index
    tpu.barrier barrier_id(%barrier3A)
    %scan3A_15 = arith.constant 0 : i32
    %scan3A_16 = arith.constant 0 : i32
    %scan3A_17 = arith.constant 25 : i32
    %scan3A_18 = arith.addi %scan3A_16, %scan3A_17 : i32
    %scan3A_19 = arith.constant 1 : i32
    scf.for %scan3A_87 = %scan3A_16 to %scan3A_18 step %scan3A_19  : i32 {
      %mul3A_88 = arith.constant 2 : i32
      %mul3A_89 = arith.muli %mul3A_88, %scan3A_87 : i32
      %gt3A = arith.constant 0 : i32
      %gt3A_90 = arith.cmpi sgt, %scan3A_87, %gt3A : i32
      "tpu.region"() ({
        %run_scoped3A = tpu.sem_alloc : memref<!tpu.dma_semaphore, #tpu.memory_space<semaphore_mem>>
        %dma_start3A_527 = arith.constant 0 : i32
        %dma_start3A_528 = arith.constant 0 : i32
        %dma_start3A_529 = tpu.memref_slice %arg3[%add3A, %mul3A_89, %dma_start3A_527, %dma_start3A_528] : memref<32x50x5x40xi32, #tpu.memory_space<hbm>> -> memref<1x1x5x40xi32, #tpu.memory_space<hbm>>
        %dma_start3A_530 = tpu.memref_squeeze %dma_start3A_529 : memref<1x1x5x40xi32, #tpu.memory_space<hbm>> -> memref<5x40xi32, #tpu.memory_space<hbm>>
        %dma_start3A_531 = arith.constant 0 : i32
        %dma_start3A_532 = arith.constant 0 : i32
        %dma_start3A_533 = tpu.memref_slice %arg3[%add3A, %mul3A_89, %dma_start3A_531, %dma_start3A_532] : memref<32x50x5x40xi32, #tpu.memory_space<hbm>> -> memref<1x1x5x40xi32, #tpu.memory_space<hbm>>
        %dma_start3A_534 = tpu.memref_squeeze %dma_start3A_533 : memref<1x1x5x40xi32, #tpu.memory_space<hbm>> -> memref<5x40xi32, #tpu.memory_space<hbm>>
        tpu.enqueue_dma source(%dma_start3A_534 : memref<5x40xi32, #tpu.memory_space<hbm>>) target(%arg6 : memref<5x40xi32, #tpu.memory_space<vmem>>) target_semaphore(%run_scoped3A : memref<!tpu.dma_semaphore, #tpu.memory_space<semaphore_mem>>)
        %dma_wait3A_535 = arith.constant 0 : i32
        %dma_wait3A_536 = arith.constant 0 : i32
        %dma_wait3A_537 = tpu.memref_slice %arg3[%add3A, %mul3A_89, %dma_wait3A_535, %dma_wait3A_536] : memref<32x50x5x40xi32, #tpu.memory_space<hbm>> -> memref<1x1x5x40xi32, #tpu.memory_space<hbm>>
        %dma_wait3A_538 = tpu.memref_squeeze %dma_wait3A_537 : memref<1x1x5x40xi32, #tpu.memory_space<hbm>> -> memref<5x40xi32, #tpu.memory_space<hbm>>
        %dma_wait3A_539 = arith.constant 0 : i32
        %dma_wait3A_540 = arith.constant 0 : i32
        %dma_wait3A_541 = tpu.memref_slice %arg3[%add3A, %mul3A_89, %dma_wait3A_539, %dma_wait3A_540] : memref<32x50x5x40xi32, #tpu.memory_space<hbm>> -> memref<1x1x5x40xi32, #tpu.memory_space<hbm>>
        %dma_wait3A_542 = tpu.memref_squeeze %dma_wait3A_541 : memref<1x1x5x40xi32, #tpu.memory_space<hbm>> -> memref<5x40xi32, #tpu.memory_space<hbm>>
        tpu.wait_dma2 semaphore(%run_scoped3A : memref<!tpu.dma_semaphore, #tpu.memory_space<semaphore_mem>>) src(%dma_wait3A_542 : memref<5x40xi32, #tpu.memory_space<hbm>>) dst(%arg6 : memref<5x40xi32, #tpu.memory_space<vmem>>)
        tpu.yield
      }) : () -> ()
      "tpu.region"() ({
        %run_scoped3A = tpu.sem_alloc : memref<!tpu.dma_semaphore, #tpu.memory_space<semaphore_mem>>
        %dma_start3A_527 = arith.constant 0 : i32
        %dma_start3A_528 = arith.constant 0 : i32
        %dma_start3A_529 = tpu.memref_slice %arg4[%add3A, %mul3A_89, %dma_start3A_527, %dma_start3A_528] : memref<32x50x5x40xi32, #tpu.memory_space<hbm>> -> memref<1x1x5x40xi32, #tpu.memory_space<hbm>>
        %dma_start3A_530 = tpu.memref_squeeze %dma_start3A_529 : memref<1x1x5x40xi32, #tpu.memory_space<hbm>> -> memref<5x40xi32, #tpu.memory_space<hbm>>
        %dma_start3A_531 = arith.constant 0 : i32
        %dma_start3A_532 = arith.constant 0 : i32
        %dma_start3A_533 = tpu.memref_slice %arg4[%add3A, %mul3A_89, %dma_start3A_531, %dma_start3A_532] : memref<32x50x5x40xi32, #tpu.memory_space<hbm>> -> memref<1x1x5x40xi32, #tpu.memory_space<hbm>>
        %dma_start3A_534 = tpu.memref_squeeze %dma_start3A_533 : memref<1x1x5x40xi32, #tpu.memory_space<hbm>> -> memref<5x40xi32, #tpu.memory_space<hbm>>
        tpu.enqueue_dma source(%dma_start3A_534 : memref<5x40xi32, #tpu.memory_space<hbm>>) target(%arg7 : memref<5x40xi32, #tpu.memory_space<vmem>>) target_semaphore(%run_scoped3A : memref<!tpu.dma_semaphore, #tpu.memory_space<semaphore_mem>>)
        %dma_wait3A_535 = arith.constant 0 : i32
        %dma_wait3A_536 = arith.constant 0 : i32
        %dma_wait3A_537 = tpu.memref_slice %arg4[%add3A, %mul3A_89, %dma_wait3A_535, %dma_wait3A_536] : memref<32x50x5x40xi32, #tpu.memory_space<hbm>> -> memref<1x1x5x40xi32, #tpu.memory_space<hbm>>
        %dma_wait3A_538 = tpu.memref_squeeze %dma_wait3A_537 : memref<1x1x5x40xi32, #tpu.memory_space<hbm>> -> memref<5x40xi32, #tpu.memory_space<hbm>>
        %dma_wait3A_539 = arith.constant 0 : i32
        %dma_wait3A_540 = arith.constant 0 : i32
        %dma_wait3A_541 = tpu.memref_slice %arg4[%add3A, %mul3A_89, %dma_wait3A_539, %dma_wait3A_540] : memref<32x50x5x40xi32, #tpu.memory_space<hbm>> -> memref<1x1x5x40xi32, #tpu.memory_space<hbm>>
        %dma_wait3A_542 = tpu.memref_squeeze %dma_wait3A_541 : memref<1x1x5x40xi32, #tpu.memory_space<hbm>> -> memref<5x40xi32, #tpu.memory_space<hbm>>
        tpu.wait_dma2 semaphore(%run_scoped3A : memref<!tpu.dma_semaphore, #tpu.memory_space<semaphore_mem>>) src(%dma_wait3A_542 : memref<5x40xi32, #tpu.memory_space<hbm>>) dst(%arg7 : memref<5x40xi32, #tpu.memory_space<vmem>>)
        tpu.yield
      }) : () -> ()
      %convert_element_type3A = arith.extui %gt3A_90 : i1 to i32
      %cond3A = arith.constant 0 : i32
      %cond3A_91 = arith.cmpi ne, %convert_element_type3A, %cond3A : i32
      scf.if %cond3A_91 {
        %dma_wait3A_527 = arith.constant 0 : i32
        %dma_wait3A_528 = arith.constant 0 : i32
        %dma_wait3A_529 = arith.constant 0 : i32
        %dma_wait3A_530 = arith.constant 0 : i32
        %dma_wait3A_531 = tpu.memref_slice %arg9[%dma_wait3A_527, %dma_wait3A_529, %dma_wait3A_530] : memref<5x40x128xf32, #tpu.memory_space<vmem>> -> memref<1x40x128xf32, #tpu.memory_space<vmem>>
        %dma_wait3A_532 = tpu.memref_squeeze %dma_wait3A_531 : memref<1x40x128xf32, #tpu.memory_space<vmem>> -> memref<40x128xf32, #tpu.memory_space<vmem>>
        %dma_wait3A_533 = arith.constant 0 : i32
        %dma_wait3A_534 = tpu.memref_slice %arg7[%dma_wait3A_528, %dma_wait3A_533] : memref<5x40xi32, #tpu.memory_space<vmem>> -> memref<1x40xi32, #tpu.memory_space<vmem>>
        %dma_wait3A_535 = tpu.memref_squeeze %dma_wait3A_534 : memref<1x40xi32, #tpu.memory_space<vmem>> -> memref<40xi32, #tpu.memory_space<vmem>>
        %dma_wait3A_536 = arith.constant 0 : i32
        %dma_wait3A_537 = arith.constant 0 : i32
        %dma_wait3A_538 = tpu.memref_slice %arg10[%dma_wait3A_536, %dma_wait3A_537] : memref<10240x128xf32, #tpu.memory_space<vmem_shared>> -> memref<10240x128xf32, #tpu.memory_space<vmem_shared>>
        tpu.wait_indirect_dma semaphore(%arg12 : memref<!tpu.dma_semaphore, #tpu.memory_space<semaphore_mem>>) src(%dma_wait3A_532 : memref<40x128xf32, #tpu.memory_space<vmem>>) dst(%dma_wait3A_538 : memref<10240x128xf32, #tpu.memory_space<vmem_shared>>)
      } else {
      }
      %dma_start3A = arith.constant 0 : i32
      %dma_start3A_92 = arith.constant 0 : i32
      %dma_start3A_93 = arith.constant 0 : i32
      %dma_start3A_94 = arith.constant 0 : i32
      %dma_start3A_95 = tpu.memref_slice %arg9[%dma_start3A_92, %dma_start3A_93, %dma_start3A_94] : memref<5x40x128xf32, #tpu.memory_space<vmem>> -> memref<1x40x128xf32, #tpu.memory_space<vmem>>
      %dma_start3A_96 = tpu.memref_squeeze %dma_start3A_95 : memref<1x40x128xf32, #tpu.memory_space<vmem>> -> memref<40x128xf32, #tpu.memory_space<vmem>>
      %dma_start3A_97 = arith.constant 0 : i32
      %dma_start3A_98 = tpu.memref_slice %arg6[%dma_start3A, %dma_start3A_97] : memref<5x40xi32, #tpu.memory_space<vmem>> -> memref<1x40xi32, #tpu.memory_space<vmem>>
      %dma_start3A_99 = tpu.memref_squeeze %dma_start3A_98 : memref<1x40xi32, #tpu.memory_space<vmem>> -> memref<40xi32, #tpu.memory_space<vmem>>
      %dma_start3A_100 = arith.constant 0 : i32
      %dma_start3A_101 = arith.constant 0 : i32
      %dma_start3A_102 = tpu.memref_slice %arg2[%dma_start3A_100, %dma_start3A_101] : memref<10000x128xf32, #tpu.memory_space<hbm>> -> memref<10000x128xf32, #tpu.memory_space<hbm>>
      tpu.enqueue_indirect_dma source(%dma_start3A_102 : memref<10000x128xf32, #tpu.memory_space<hbm>>) target(%dma_start3A_96 : memref<40x128xf32, #tpu.memory_space<vmem>>) offsets(%dma_start3A_99 : memref<40xi32, #tpu.memory_space<vmem>>) semaphore(%arg11 : memref<!tpu.dma_semaphore, #tpu.memory_space<semaphore_mem>>)
      %convert_element_type3A_103 = arith.extui %gt3A_90 : i1 to i32
      %cond3A_104 = arith.constant 0 : i32
      %cond3A_105 = arith.cmpi ne, %convert_element_type3A_103, %cond3A_104 : i32
      scf.if %cond3A_105 {
        %dma_wait3A_527 = arith.constant 1 : i32
        %dma_wait3A_528 = arith.constant 1 : i32
        %dma_wait3A_529 = arith.constant 0 : i32
        %dma_wait3A_530 = arith.constant 0 : i32
        %dma_wait3A_531 = tpu.memref_slice %arg9[%dma_wait3A_527, %dma_wait3A_529, %dma_wait3A_530] : memref<5x40x128xf32, #tpu.memory_space<vmem>> -> memref<1x40x128xf32, #tpu.memory_space<vmem>>
        %dma_wait3A_532 = tpu.memref_squeeze %dma_wait3A_531 : memref<1x40x128xf32, #tpu.memory_space<vmem>> -> memref<40x128xf32, #tpu.memory_space<vmem>>
        %dma_wait3A_533 = arith.constant 0 : i32
        %dma_wait3A_534 = tpu.memref_slice %arg7[%dma_wait3A_528, %dma_wait3A_533] : memref<5x40xi32, #tpu.memory_space<vmem>> -> memref<1x40xi32, #tpu.memory_space<vmem>>
        %dma_wait3A_535 = tpu.memref_squeeze %dma_wait3A_534 : memref<1x40xi32, #tpu.memory_space<vmem>> -> memref<40xi32, #tpu.memory_space<vmem>>
        %dma_wait3A_536 = arith.constant 0 : i32
        %dma_wait3A_537 = arith.constant 0 : i32
        %dma_wait3A_538 = tpu.memref_slice %arg10[%dma_wait3A_536, %dma_wait3A_537] : memref<10240x128xf32, #tpu.memory_space<vmem_shared>> -> memref<10240x128xf32, #tpu.memory_space<vmem_shared>>
        tpu.wait_indirect_dma semaphore(%arg12 : memref<!tpu.dma_semaphore, #tpu.memory_space<semaphore_mem>>) src(%dma_wait3A_532 : memref<40x128xf32, #tpu.memory_space<vmem>>) dst(%dma_wait3A_538 : memref<10240x128xf32, #tpu.memory_space<vmem_shared>>)
      } else {
      }
      %dma_start3A_106 = arith.constant 1 : i32
      %dma_start3A_107 = arith.constant 1 : i32
      %dma_start3A_108 = arith.constant 0 : i32
      %dma_start3A_109 = arith.constant 0 : i32
      %dma_start3A_110 = tpu.memref_slice %arg9[%dma_start3A_107, %dma_start3A_108, %dma_start3A_109] : memref<5x40x128xf32, #tpu.memory_space<vmem>> -> memref<1x40x128xf32, #tpu.memory_space<vmem>>
      %dma_start3A_111 = tpu.memref_squeeze %dma_start3A_110 : memref<1x40x128xf32, #tpu.memory_space<vmem>> -> memref<40x128xf32, #tpu.memory_space<vmem>>
      %dma_start3A_112 = arith.constant 0 : i32
      %dma_start3A_113 = tpu.memref_slice %arg6[%dma_start3A_106, %dma_start3A_112] : memref<5x40xi32, #tpu.memory_space<vmem>> -> memref<1x40xi32, #tpu.memory_space<vmem>>
      %dma_start3A_114 = tpu.memref_squeeze %dma_start3A_113 : memref<1x40xi32, #tpu.memory_space<vmem>> -> memref<40xi32, #tpu.memory_space<vmem>>
      %dma_start3A_115 = arith.constant 0 : i32
      %dma_start3A_116 = arith.constant 0 : i32
      %dma_start3A_117 = tpu.memref_slice %arg2[%dma_start3A_115, %dma_start3A_116] : memref<10000x128xf32, #tpu.memory_space<hbm>> -> memref<10000x128xf32, #tpu.memory_space<hbm>>
      tpu.enqueue_indirect_dma source(%dma_start3A_117 : memref<10000x128xf32, #tpu.memory_space<hbm>>) target(%dma_start3A_111 : memref<40x128xf32, #tpu.memory_space<vmem>>) offsets(%dma_start3A_114 : memref<40xi32, #tpu.memory_space<vmem>>) semaphore(%arg11 : memref<!tpu.dma_semaphore, #tpu.memory_space<semaphore_mem>>)
      %convert_element_type3A_118 = arith.extui %gt3A_90 : i1 to i32
      %cond3A_119 = arith.constant 0 : i32
      %cond3A_120 = arith.cmpi ne, %convert_element_type3A_118, %cond3A_119 : i32
      scf.if %cond3A_120 {
        %dma_wait3A_527 = arith.constant 2 : i32
        %dma_wait3A_528 = arith.constant 2 : i32
        %dma_wait3A_529 = arith.constant 0 : i32
        %dma_wait3A_530 = arith.constant 0 : i32
        %dma_wait3A_531 = tpu.memref_slice %arg9[%dma_wait3A_527, %dma_wait3A_529, %dma_wait3A_530] : memref<5x40x128xf32, #tpu.memory_space<vmem>> -> memref<1x40x128xf32, #tpu.memory_space<vmem>>
        %dma_wait3A_532 = tpu.memref_squeeze %dma_wait3A_531 : memref<1x40x128xf32, #tpu.memory_space<vmem>> -> memref<40x128xf32, #tpu.memory_space<vmem>>
        %dma_wait3A_533 = arith.constant 0 : i32
        %dma_wait3A_534 = tpu.memref_slice %arg7[%dma_wait3A_528, %dma_wait3A_533] : memref<5x40xi32, #tpu.memory_space<vmem>> -> memref<1x40xi32, #tpu.memory_space<vmem>>
        %dma_wait3A_535 = tpu.memref_squeeze %dma_wait3A_534 : memref<1x40xi32, #tpu.memory_space<vmem>> -> memref<40xi32, #tpu.memory_space<vmem>>
        %dma_wait3A_536 = arith.constant 0 : i32
        %dma_wait3A_537 = arith.constant 0 : i32
        %dma_wait3A_538 = tpu.memref_slice %arg10[%dma_wait3A_536, %dma_wait3A_537] : memref<10240x128xf32, #tpu.memory_space<vmem_shared>> -> memref<10240x128xf32, #tpu.memory_space<vmem_shared>>
        tpu.wait_indirect_dma semaphore(%arg12 : memref<!tpu.dma_semaphore, #tpu.memory_space<semaphore_mem>>) src(%dma_wait3A_532 : memref<40x128xf32, #tpu.memory_space<vmem>>) dst(%dma_wait3A_538 : memref<10240x128xf32, #tpu.memory_space<vmem_shared>>)
      } else {
      }
      %dma_start3A_121 = arith.constant 2 : i32
      %dma_start3A_122 = arith.constant 2 : i32
      %dma_start3A_123 = arith.constant 0 : i32
      %dma_start3A_124 = arith.constant 0 : i32
      %dma_start3A_125 = tpu.memref_slice %arg9[%dma_start3A_122, %dma_start3A_123, %dma_start3A_124] : memref<5x40x128xf32, #tpu.memory_space<vmem>> -> memref<1x40x128xf32, #tpu.memory_space<vmem>>
      %dma_start3A_126 = tpu.memref_squeeze %dma_start3A_125 : memref<1x40x128xf32, #tpu.memory_space<vmem>> -> memref<40x128xf32, #tpu.memory_space<vmem>>
      %dma_start3A_127 = arith.constant 0 : i32
      %dma_start3A_128 = tpu.memref_slice %arg6[%dma_start3A_121, %dma_start3A_127] : memref<5x40xi32, #tpu.memory_space<vmem>> -> memref<1x40xi32, #tpu.memory_space<vmem>>
      %dma_start3A_129 = tpu.memref_squeeze %dma_start3A_128 : memref<1x40xi32, #tpu.memory_space<vmem>> -> memref<40xi32, #tpu.memory_space<vmem>>
      %dma_start3A_130 = arith.constant 0 : i32
      %dma_start3A_131 = arith.constant 0 : i32
      %dma_start3A_132 = tpu.memref_slice %arg2[%dma_start3A_130, %dma_start3A_131] : memref<10000x128xf32, #tpu.memory_space<hbm>> -> memref<10000x128xf32, #tpu.memory_space<hbm>>
      tpu.enqueue_indirect_dma source(%dma_start3A_132 : memref<10000x128xf32, #tpu.memory_space<hbm>>) target(%dma_start3A_126 : memref<40x128xf32, #tpu.memory_space<vmem>>) offsets(%dma_start3A_129 : memref<40xi32, #tpu.memory_space<vmem>>) semaphore(%arg11 : memref<!tpu.dma_semaphore, #tpu.memory_space<semaphore_mem>>)
      %convert_element_type3A_133 = arith.extui %gt3A_90 : i1 to i32
      %cond3A_134 = arith.constant 0 : i32
      %cond3A_135 = arith.cmpi ne, %convert_element_type3A_133, %cond3A_134 : i32
      scf.if %cond3A_135 {
        %dma_wait3A_527 = arith.constant 3 : i32
        %dma_wait3A_528 = arith.constant 3 : i32
        %dma_wait3A_529 = arith.constant 0 : i32
        %dma_wait3A_530 = arith.constant 0 : i32
        %dma_wait3A_531 = tpu.memref_slice %arg9[%dma_wait3A_527, %dma_wait3A_529, %dma_wait3A_530] : memref<5x40x128xf32, #tpu.memory_space<vmem>> -> memref<1x40x128xf32, #tpu.memory_space<vmem>>
        %dma_wait3A_532 = tpu.memref_squeeze %dma_wait3A_531 : memref<1x40x128xf32, #tpu.memory_space<vmem>> -> memref<40x128xf32, #tpu.memory_space<vmem>>
        %dma_wait3A_533 = arith.constant 0 : i32
        %dma_wait3A_534 = tpu.memref_slice %arg7[%dma_wait3A_528, %dma_wait3A_533] : memref<5x40xi32, #tpu.memory_space<vmem>> -> memref<1x40xi32, #tpu.memory_space<vmem>>
        %dma_wait3A_535 = tpu.memref_squeeze %dma_wait3A_534 : memref<1x40xi32, #tpu.memory_space<vmem>> -> memref<40xi32, #tpu.memory_space<vmem>>
        %dma_wait3A_536 = arith.constant 0 : i32
        %dma_wait3A_537 = arith.constant 0 : i32
        %dma_wait3A_538 = tpu.memref_slice %arg10[%dma_wait3A_536, %dma_wait3A_537] : memref<10240x128xf32, #tpu.memory_space<vmem_shared>> -> memref<10240x128xf32, #tpu.memory_space<vmem_shared>>
        tpu.wait_indirect_dma semaphore(%arg12 : memref<!tpu.dma_semaphore, #tpu.memory_space<semaphore_mem>>) src(%dma_wait3A_532 : memref<40x128xf32, #tpu.memory_space<vmem>>) dst(%dma_wait3A_538 : memref<10240x128xf32, #tpu.memory_space<vmem_shared>>)
      } else {
      }
      %dma_start3A_136 = arith.constant 3 : i32
      %dma_start3A_137 = arith.constant 3 : i32
      %dma_start3A_138 = arith.constant 0 : i32
      %dma_start3A_139 = arith.constant 0 : i32
      %dma_start3A_140 = tpu.memref_slice %arg9[%dma_start3A_137, %dma_start3A_138, %dma_start3A_139] : memref<5x40x128xf32, #tpu.memory_space<vmem>> -> memref<1x40x128xf32, #tpu.memory_space<vmem>>
      %dma_start3A_141 = tpu.memref_squeeze %dma_start3A_140 : memref<1x40x128xf32, #tpu.memory_space<vmem>> -> memref<40x128xf32, #tpu.memory_space<vmem>>
      %dma_start3A_142 = arith.constant 0 : i32
      %dma_start3A_143 = tpu.memref_slice %arg6[%dma_start3A_136, %dma_start3A_142] : memref<5x40xi32, #tpu.memory_space<vmem>> -> memref<1x40xi32, #tpu.memory_space<vmem>>
      %dma_start3A_144 = tpu.memref_squeeze %dma_start3A_143 : memref<1x40xi32, #tpu.memory_space<vmem>> -> memref<40xi32, #tpu.memory_space<vmem>>
      %dma_start3A_145 = arith.constant 0 : i32
      %dma_start3A_146 = arith.constant 0 : i32
      %dma_start3A_147 = tpu.memref_slice %arg2[%dma_start3A_145, %dma_start3A_146] : memref<10000x128xf32, #tpu.memory_space<hbm>> -> memref<10000x128xf32, #tpu.memory_space<hbm>>
      tpu.enqueue_indirect_dma source(%dma_start3A_147 : memref<10000x128xf32, #tpu.memory_space<hbm>>) target(%dma_start3A_141 : memref<40x128xf32, #tpu.memory_space<vmem>>) offsets(%dma_start3A_144 : memref<40xi32, #tpu.memory_space<vmem>>) semaphore(%arg11 : memref<!tpu.dma_semaphore, #tpu.memory_space<semaphore_mem>>)
      %convert_element_type3A_148 = arith.extui %gt3A_90 : i1 to i32
      %cond3A_149 = arith.constant 0 : i32
      %cond3A_150 = arith.cmpi ne, %convert_element_type3A_148, %cond3A_149 : i32
      scf.if %cond3A_150 {
        %dma_wait3A_527 = arith.constant 4 : i32
        %dma_wait3A_528 = arith.constant 4 : i32
        %dma_wait3A_529 = arith.constant 0 : i32
        %dma_wait3A_530 = arith.constant 0 : i32
        %dma_wait3A_531 = tpu.memref_slice %arg9[%dma_wait3A_527, %dma_wait3A_529, %dma_wait3A_530] : memref<5x40x128xf32, #tpu.memory_space<vmem>> -> memref<1x40x128xf32, #tpu.memory_space<vmem>>
        %dma_wait3A_532 = tpu.memref_squeeze %dma_wait3A_531 : memref<1x40x128xf32, #tpu.memory_space<vmem>> -> memref<40x128xf32, #tpu.memory_space<vmem>>
        %dma_wait3A_533 = arith.constant 0 : i32
        %dma_wait3A_534 = tpu.memref_slice %arg7[%dma_wait3A_528, %dma_wait3A_533] : memref<5x40xi32, #tpu.memory_space<vmem>> -> memref<1x40xi32, #tpu.memory_space<vmem>>
        %dma_wait3A_535 = tpu.memref_squeeze %dma_wait3A_534 : memref<1x40xi32, #tpu.memory_space<vmem>> -> memref<40xi32, #tpu.memory_space<vmem>>
        %dma_wait3A_536 = arith.constant 0 : i32
        %dma_wait3A_537 = arith.constant 0 : i32
        %dma_wait3A_538 = tpu.memref_slice %arg10[%dma_wait3A_536, %dma_wait3A_537] : memref<10240x128xf32, #tpu.memory_space<vmem_shared>> -> memref<10240x128xf32, #tpu.memory_space<vmem_shared>>
        tpu.wait_indirect_dma semaphore(%arg12 : memref<!tpu.dma_semaphore, #tpu.memory_space<semaphore_mem>>) src(%dma_wait3A_532 : memref<40x128xf32, #tpu.memory_space<vmem>>) dst(%dma_wait3A_538 : memref<10240x128xf32, #tpu.memory_space<vmem_shared>>)
      } else {
      }
      %dma_start3A_151 = arith.constant 4 : i32
      %dma_start3A_152 = arith.constant 4 : i32
      %dma_start3A_153 = arith.constant 0 : i32
      %dma_start3A_154 = arith.constant 0 : i32
      %dma_start3A_155 = tpu.memref_slice %arg9[%dma_start3A_152, %dma_start3A_153, %dma_start3A_154] : memref<5x40x128xf32, #tpu.memory_space<vmem>> -> memref<1x40x128xf32, #tpu.memory_space<vmem>>
      %dma_start3A_156 = tpu.memref_squeeze %dma_start3A_155 : memref<1x40x128xf32, #tpu.memory_space<vmem>> -> memref<40x128xf32, #tpu.memory_space<vmem>>
      %dma_start3A_157 = arith.constant 0 : i32
      %dma_start3A_158 = tpu.memref_slice %arg6[%dma_start3A_151, %dma_start3A_157] : memref<5x40xi32, #tpu.memory_space<vmem>> -> memref<1x40xi32, #tpu.memory_space<vmem>>
      %dma_start3A_159 = tpu.memref_squeeze %dma_start3A_158 : memref<1x40xi32, #tpu.memory_space<vmem>> -> memref<40xi32, #tpu.memory_space<vmem>>
      %dma_start3A_160 = arith.constant 0 : i32
      %dma_start3A_161 = arith.constant 0 : i32
      %dma_start3A_162 = tpu.memref_slice %arg2[%dma_start3A_160, %dma_start3A_161] : memref<10000x128xf32, #tpu.memory_space<hbm>> -> memref<10000x128xf32, #tpu.memory_space<hbm>>
      tpu.enqueue_indirect_dma source(%dma_start3A_162 : memref<10000x128xf32, #tpu.memory_space<hbm>>) target(%dma_start3A_156 : memref<40x128xf32, #tpu.memory_space<vmem>>) offsets(%dma_start3A_159 : memref<40xi32, #tpu.memory_space<vmem>>) semaphore(%arg11 : memref<!tpu.dma_semaphore, #tpu.memory_space<semaphore_mem>>)
      %dma_wait3A_163 = arith.constant 0 : i32
      %dma_wait3A_164 = arith.constant 0 : i32
      %dma_wait3A_165 = arith.constant 0 : i32
      %dma_wait3A_166 = arith.constant 0 : i32
      %dma_wait3A_167 = tpu.memref_slice %arg9[%dma_wait3A_164, %dma_wait3A_165, %dma_wait3A_166] : memref<5x40x128xf32, #tpu.memory_space<vmem>> -> memref<1x40x128xf32, #tpu.memory_space<vmem>>
      %dma_wait3A_168 = tpu.memref_squeeze %dma_wait3A_167 : memref<1x40x128xf32, #tpu.memory_space<vmem>> -> memref<40x128xf32, #tpu.memory_space<vmem>>
      %dma_wait3A_169 = arith.constant 0 : i32
      %dma_wait3A_170 = tpu.memref_slice %arg6[%dma_wait3A_163, %dma_wait3A_169] : memref<5x40xi32, #tpu.memory_space<vmem>> -> memref<1x40xi32, #tpu.memory_space<vmem>>
      %dma_wait3A_171 = tpu.memref_squeeze %dma_wait3A_170 : memref<1x40xi32, #tpu.memory_space<vmem>> -> memref<40xi32, #tpu.memory_space<vmem>>
      %dma_wait3A_172 = arith.constant 0 : i32
      %dma_wait3A_173 = arith.constant 0 : i32
      %dma_wait3A_174 = tpu.memref_slice %arg2[%dma_wait3A_172, %dma_wait3A_173] : memref<10000x128xf32, #tpu.memory_space<hbm>> -> memref<10000x128xf32, #tpu.memory_space<hbm>>
      tpu.wait_indirect_dma semaphore(%arg11 : memref<!tpu.dma_semaphore, #tpu.memory_space<semaphore_mem>>) src(%dma_wait3A_174 : memref<10000x128xf32, #tpu.memory_space<hbm>>) dst(%dma_wait3A_168 : memref<40x128xf32, #tpu.memory_space<vmem>>)
      %dma_start3A_175 = arith.constant 0 : i32
      %dma_start3A_176 = arith.constant 0 : i32
      %dma_start3A_177 = arith.constant 0 : i32
      %dma_start3A_178 = arith.constant 0 : i32
      %dma_start3A_179 = tpu.memref_slice %arg9[%dma_start3A_175, %dma_start3A_177, %dma_start3A_178] : memref<5x40x128xf32, #tpu.memory_space<vmem>> -> memref<1x40x128xf32, #tpu.memory_space<vmem>>
      %dma_start3A_180 = tpu.memref_squeeze %dma_start3A_179 : memref<1x40x128xf32, #tpu.memory_space<vmem>> -> memref<40x128xf32, #tpu.memory_space<vmem>>
      %dma_start3A_181 = arith.constant 0 : i32
      %dma_start3A_182 = tpu.memref_slice %arg7[%dma_start3A_176, %dma_start3A_181] : memref<5x40xi32, #tpu.memory_space<vmem>> -> memref<1x40xi32, #tpu.memory_space<vmem>>
      %dma_start3A_183 = tpu.memref_squeeze %dma_start3A_182 : memref<1x40xi32, #tpu.memory_space<vmem>> -> memref<40xi32, #tpu.memory_space<vmem>>
      %dma_start3A_184 = arith.constant 0 : i32
      %dma_start3A_185 = arith.constant 0 : i32
      %dma_start3A_186 = tpu.memref_slice %arg10[%dma_start3A_184, %dma_start3A_185] : memref<10240x128xf32, #tpu.memory_space<vmem_shared>> -> memref<10240x128xf32, #tpu.memory_space<vmem_shared>>
      tpu.enqueue_indirect_dma source(%dma_start3A_180 : memref<40x128xf32, #tpu.memory_space<vmem>>) target(%dma_start3A_186 : memref<10240x128xf32, #tpu.memory_space<vmem_shared>>) offsets(%dma_start3A_183 : memref<40xi32, #tpu.memory_space<vmem>>) semaphore(%arg12 : memref<!tpu.dma_semaphore, #tpu.memory_space<semaphore_mem>>) {add = true}
      %dma_wait3A_187 = arith.constant 1 : i32
      %dma_wait3A_188 = arith.constant 1 : i32
      %dma_wait3A_189 = arith.constant 0 : i32
      %dma_wait3A_190 = arith.constant 0 : i32
      %dma_wait3A_191 = tpu.memref_slice %arg9[%dma_wait3A_188, %dma_wait3A_189, %dma_wait3A_190] : memref<5x40x128xf32, #tpu.memory_space<vmem>> -> memref<1x40x128xf32, #tpu.memory_space<vmem>>
      %dma_wait3A_192 = tpu.memref_squeeze %dma_wait3A_191 : memref<1x40x128xf32, #tpu.memory_space<vmem>> -> memref<40x128xf32, #tpu.memory_space<vmem>>
      %dma_wait3A_193 = arith.constant 0 : i32
      %dma_wait3A_194 = tpu.memref_slice %arg6[%dma_wait3A_187, %dma_wait3A_193] : memref<5x40xi32, #tpu.memory_space<vmem>> -> memref<1x40xi32, #tpu.memory_space<vmem>>
      %dma_wait3A_195 = tpu.memref_squeeze %dma_wait3A_194 : memref<1x40xi32, #tpu.memory_space<vmem>> -> memref<40xi32, #tpu.memory_space<vmem>>
      %dma_wait3A_196 = arith.constant 0 : i32
      %dma_wait3A_197 = arith.constant 0 : i32
      %dma_wait3A_198 = tpu.memref_slice %arg2[%dma_wait3A_196, %dma_wait3A_197] : memref<10000x128xf32, #tpu.memory_space<hbm>> -> memref<10000x128xf32, #tpu.memory_space<hbm>>
      tpu.wait_indirect_dma semaphore(%arg11 : memref<!tpu.dma_semaphore, #tpu.memory_space<semaphore_mem>>) src(%dma_wait3A_198 : memref<10000x128xf32, #tpu.memory_space<hbm>>) dst(%dma_wait3A_192 : memref<40x128xf32, #tpu.memory_space<vmem>>)
      %dma_start3A_199 = arith.constant 1 : i32
      %dma_start3A_200 = arith.constant 1 : i32
      %dma_start3A_201 = arith.constant 0 : i32
      %dma_start3A_202 = arith.constant 0 : i32
      %dma_start3A_203 = tpu.memref_slice %arg9[%dma_start3A_199, %dma_start3A_201, %dma_start3A_202] : memref<5x40x128xf32, #tpu.memory_space<vmem>> -> memref<1x40x128xf32, #tpu.memory_space<vmem>>
      %dma_start3A_204 = tpu.memref_squeeze %dma_start3A_203 : memref<1x40x128xf32, #tpu.memory_space<vmem>> -> memref<40x128xf32, #tpu.memory_space<vmem>>
      %dma_start3A_205 = arith.constant 0 : i32
      %dma_start3A_206 = tpu.memref_slice %arg7[%dma_start3A_200, %dma_start3A_205] : memref<5x40xi32, #tpu.memory_space<vmem>> -> memref<1x40xi32, #tpu.memory_space<vmem>>
      %dma_start3A_207 = tpu.memref_squeeze %dma_start3A_206 : memref<1x40xi32, #tpu.memory_space<vmem>> -> memref<40xi32, #tpu.memory_space<vmem>>
      %dma_start3A_208 = arith.constant 0 : i32
      %dma_start3A_209 = arith.constant 0 : i32
      %dma_start3A_210 = tpu.memref_slice %arg10[%dma_start3A_208, %dma_start3A_209] : memref<10240x128xf32, #tpu.memory_space<vmem_shared>> -> memref<10240x128xf32, #tpu.memory_space<vmem_shared>>
      tpu.enqueue_indirect_dma source(%dma_start3A_204 : memref<40x128xf32, #tpu.memory_space<vmem>>) target(%dma_start3A_210 : memref<10240x128xf32, #tpu.memory_space<vmem_shared>>) offsets(%dma_start3A_207 : memref<40xi32, #tpu.memory_space<vmem>>) semaphore(%arg12 : memref<!tpu.dma_semaphore, #tpu.memory_space<semaphore_mem>>) {add = true}
      %dma_wait3A_211 = arith.constant 2 : i32
      %dma_wait3A_212 = arith.constant 2 : i32
      %dma_wait3A_213 = arith.constant 0 : i32
      %dma_wait3A_214 = arith.constant 0 : i32
      %dma_wait3A_215 = tpu.memref_slice %arg9[%dma_wait3A_212, %dma_wait3A_213, %dma_wait3A_214] : memref<5x40x128xf32, #tpu.memory_space<vmem>> -> memref<1x40x128xf32, #tpu.memory_space<vmem>>
      %dma_wait3A_216 = tpu.memref_squeeze %dma_wait3A_215 : memref<1x40x128xf32, #tpu.memory_space<vmem>> -> memref<40x128xf32, #tpu.memory_space<vmem>>
      %dma_wait3A_217 = arith.constant 0 : i32
      %dma_wait3A_218 = tpu.memref_slice %arg6[%dma_wait3A_211, %dma_wait3A_217] : memref<5x40xi32, #tpu.memory_space<vmem>> -> memref<1x40xi32, #tpu.memory_space<vmem>>
      %dma_wait3A_219 = tpu.memref_squeeze %dma_wait3A_218 : memref<1x40xi32, #tpu.memory_space<vmem>> -> memref<40xi32, #tpu.memory_space<vmem>>
      %dma_wait3A_220 = arith.constant 0 : i32
      %dma_wait3A_221 = arith.constant 0 : i32
      %dma_wait3A_222 = tpu.memref_slice %arg2[%dma_wait3A_220, %dma_wait3A_221] : memref<10000x128xf32, #tpu.memory_space<hbm>> -> memref<10000x128xf32, #tpu.memory_space<hbm>>
      tpu.wait_indirect_dma semaphore(%arg11 : memref<!tpu.dma_semaphore, #tpu.memory_space<semaphore_mem>>) src(%dma_wait3A_222 : memref<10000x128xf32, #tpu.memory_space<hbm>>) dst(%dma_wait3A_216 : memref<40x128xf32, #tpu.memory_space<vmem>>)
      %dma_start3A_223 = arith.constant 2 : i32
      %dma_start3A_224 = arith.constant 2 : i32
      %dma_start3A_225 = arith.constant 0 : i32
      %dma_start3A_226 = arith.constant 0 : i32
      %dma_start3A_227 = tpu.memref_slice %arg9[%dma_start3A_223, %dma_start3A_225, %dma_start3A_226] : memref<5x40x128xf32, #tpu.memory_space<vmem>> -> memref<1x40x128xf32, #tpu.memory_space<vmem>>
      %dma_start3A_228 = tpu.memref_squeeze %dma_start3A_227 : memref<1x40x128xf32, #tpu.memory_space<vmem>> -> memref<40x128xf32, #tpu.memory_space<vmem>>
      %dma_start3A_229 = arith.constant 0 : i32
      %dma_start3A_230 = tpu.memref_slice %arg7[%dma_start3A_224, %dma_start3A_229] : memref<5x40xi32, #tpu.memory_space<vmem>> -> memref<1x40xi32, #tpu.memory_space<vmem>>
      %dma_start3A_231 = tpu.memref_squeeze %dma_start3A_230 : memref<1x40xi32, #tpu.memory_space<vmem>> -> memref<40xi32, #tpu.memory_space<vmem>>
      %dma_start3A_232 = arith.constant 0 : i32
      %dma_start3A_233 = arith.constant 0 : i32
      %dma_start3A_234 = tpu.memref_slice %arg10[%dma_start3A_232, %dma_start3A_233] : memref<10240x128xf32, #tpu.memory_space<vmem_shared>> -> memref<10240x128xf32, #tpu.memory_space<vmem_shared>>
      tpu.enqueue_indirect_dma source(%dma_start3A_228 : memref<40x128xf32, #tpu.memory_space<vmem>>) target(%dma_start3A_234 : memref<10240x128xf32, #tpu.memory_space<vmem_shared>>) offsets(%dma_start3A_231 : memref<40xi32, #tpu.memory_space<vmem>>) semaphore(%arg12 : memref<!tpu.dma_semaphore, #tpu.memory_space<semaphore_mem>>) {add = true}
      %dma_wait3A_235 = arith.constant 3 : i32
      %dma_wait3A_236 = arith.constant 3 : i32
      %dma_wait3A_237 = arith.constant 0 : i32
      %dma_wait3A_238 = arith.constant 0 : i32
      %dma_wait3A_239 = tpu.memref_slice %arg9[%dma_wait3A_236, %dma_wait3A_237, %dma_wait3A_238] : memref<5x40x128xf32, #tpu.memory_space<vmem>> -> memref<1x40x128xf32, #tpu.memory_space<vmem>>
      %dma_wait3A_240 = tpu.memref_squeeze %dma_wait3A_239 : memref<1x40x128xf32, #tpu.memory_space<vmem>> -> memref<40x128xf32, #tpu.memory_space<vmem>>
      %dma_wait3A_241 = arith.constant 0 : i32
      %dma_wait3A_242 = tpu.memref_slice %arg6[%dma_wait3A_235, %dma_wait3A_241] : memref<5x40xi32, #tpu.memory_space<vmem>> -> memref<1x40xi32, #tpu.memory_space<vmem>>
      %dma_wait3A_243 = tpu.memref_squeeze %dma_wait3A_242 : memref<1x40xi32, #tpu.memory_space<vmem>> -> memref<40xi32, #tpu.memory_space<vmem>>
      %dma_wait3A_244 = arith.constant 0 : i32
      %dma_wait3A_245 = arith.constant 0 : i32
      %dma_wait3A_246 = tpu.memref_slice %arg2[%dma_wait3A_244, %dma_wait3A_245] : memref<10000x128xf32, #tpu.memory_space<hbm>> -> memref<10000x128xf32, #tpu.memory_space<hbm>>
      tpu.wait_indirect_dma semaphore(%arg11 : memref<!tpu.dma_semaphore, #tpu.memory_space<semaphore_mem>>) src(%dma_wait3A_246 : memref<10000x128xf32, #tpu.memory_space<hbm>>) dst(%dma_wait3A_240 : memref<40x128xf32, #tpu.memory_space<vmem>>)
      %dma_start3A_247 = arith.constant 3 : i32
      %dma_start3A_248 = arith.constant 3 : i32
      %dma_start3A_249 = arith.constant 0 : i32
      %dma_start3A_250 = arith.constant 0 : i32
      %dma_start3A_251 = tpu.memref_slice %arg9[%dma_start3A_247, %dma_start3A_249, %dma_start3A_250] : memref<5x40x128xf32, #tpu.memory_space<vmem>> -> memref<1x40x128xf32, #tpu.memory_space<vmem>>
      %dma_start3A_252 = tpu.memref_squeeze %dma_start3A_251 : memref<1x40x128xf32, #tpu.memory_space<vmem>> -> memref<40x128xf32, #tpu.memory_space<vmem>>
      %dma_start3A_253 = arith.constant 0 : i32
      %dma_start3A_254 = tpu.memref_slice %arg7[%dma_start3A_248, %dma_start3A_253] : memref<5x40xi32, #tpu.memory_space<vmem>> -> memref<1x40xi32, #tpu.memory_space<vmem>>
      %dma_start3A_255 = tpu.memref_squeeze %dma_start3A_254 : memref<1x40xi32, #tpu.memory_space<vmem>> -> memref<40xi32, #tpu.memory_space<vmem>>
      %dma_start3A_256 = arith.constant 0 : i32
      %dma_start3A_257 = arith.constant 0 : i32
      %dma_start3A_258 = tpu.memref_slice %arg10[%dma_start3A_256, %dma_start3A_257] : memref<10240x128xf32, #tpu.memory_space<vmem_shared>> -> memref<10240x128xf32, #tpu.memory_space<vmem_shared>>
      tpu.enqueue_indirect_dma source(%dma_start3A_252 : memref<40x128xf32, #tpu.memory_space<vmem>>) target(%dma_start3A_258 : memref<10240x128xf32, #tpu.memory_space<vmem_shared>>) offsets(%dma_start3A_255 : memref<40xi32, #tpu.memory_space<vmem>>) semaphore(%arg12 : memref<!tpu.dma_semaphore, #tpu.memory_space<semaphore_mem>>) {add = true}
      %dma_wait3A_259 = arith.constant 4 : i32
      %dma_wait3A_260 = arith.constant 4 : i32
      %dma_wait3A_261 = arith.constant 0 : i32
      %dma_wait3A_262 = arith.constant 0 : i32
      %dma_wait3A_263 = tpu.memref_slice %arg9[%dma_wait3A_260, %dma_wait3A_261, %dma_wait3A_262] : memref<5x40x128xf32, #tpu.memory_space<vmem>> -> memref<1x40x128xf32, #tpu.memory_space<vmem>>
      %dma_wait3A_264 = tpu.memref_squeeze %dma_wait3A_263 : memref<1x40x128xf32, #tpu.memory_space<vmem>> -> memref<40x128xf32, #tpu.memory_space<vmem>>
      %dma_wait3A_265 = arith.constant 0 : i32
      %dma_wait3A_266 = tpu.memref_slice %arg6[%dma_wait3A_259, %dma_wait3A_265] : memref<5x40xi32, #tpu.memory_space<vmem>> -> memref<1x40xi32, #tpu.memory_space<vmem>>
      %dma_wait3A_267 = tpu.memref_squeeze %dma_wait3A_266 : memref<1x40xi32, #tpu.memory_space<vmem>> -> memref<40xi32, #tpu.memory_space<vmem>>
      %dma_wait3A_268 = arith.constant 0 : i32
      %dma_wait3A_269 = arith.constant 0 : i32
      %dma_wait3A_270 = tpu.memref_slice %arg2[%dma_wait3A_268, %dma_wait3A_269] : memref<10000x128xf32, #tpu.memory_space<hbm>> -> memref<10000x128xf32, #tpu.memory_space<hbm>>
      tpu.wait_indirect_dma semaphore(%arg11 : memref<!tpu.dma_semaphore, #tpu.memory_space<semaphore_mem>>) src(%dma_wait3A_270 : memref<10000x128xf32, #tpu.memory_space<hbm>>) dst(%dma_wait3A_264 : memref<40x128xf32, #tpu.memory_space<vmem>>)
      %dma_start3A_271 = arith.constant 4 : i32
      %dma_start3A_272 = arith.constant 4 : i32
      %dma_start3A_273 = arith.constant 0 : i32
      %dma_start3A_274 = arith.constant 0 : i32
      %dma_start3A_275 = tpu.memref_slice %arg9[%dma_start3A_271, %dma_start3A_273, %dma_start3A_274] : memref<5x40x128xf32, #tpu.memory_space<vmem>> -> memref<1x40x128xf32, #tpu.memory_space<vmem>>
      %dma_start3A_276 = tpu.memref_squeeze %dma_start3A_275 : memref<1x40x128xf32, #tpu.memory_space<vmem>> -> memref<40x128xf32, #tpu.memory_space<vmem>>
      %dma_start3A_277 = arith.constant 0 : i32
      %dma_start3A_278 = tpu.memref_slice %arg7[%dma_start3A_272, %dma_start3A_277] : memref<5x40xi32, #tpu.memory_space<vmem>> -> memref<1x40xi32, #tpu.memory_space<vmem>>
      %dma_start3A_279 = tpu.memref_squeeze %dma_start3A_278 : memref<1x40xi32, #tpu.memory_space<vmem>> -> memref<40xi32, #tpu.memory_space<vmem>>
      %dma_start3A_280 = arith.constant 0 : i32
      %dma_start3A_281 = arith.constant 0 : i32
      %dma_start3A_282 = tpu.memref_slice %arg10[%dma_start3A_280, %dma_start3A_281] : memref<10240x128xf32, #tpu.memory_space<vmem_shared>> -> memref<10240x128xf32, #tpu.memory_space<vmem_shared>>
      tpu.enqueue_indirect_dma source(%dma_start3A_276 : memref<40x128xf32, #tpu.memory_space<vmem>>) target(%dma_start3A_282 : memref<10240x128xf32, #tpu.memory_space<vmem_shared>>) offsets(%dma_start3A_279 : memref<40xi32, #tpu.memory_space<vmem>>) semaphore(%arg12 : memref<!tpu.dma_semaphore, #tpu.memory_space<semaphore_mem>>) {add = true}
      %mul3A_283 = arith.constant 2 : i32
      %mul3A_284 = arith.muli %mul3A_283, %scan3A_87 : i32
      %add3A_285 = arith.constant 1 : i32
      %add3A_286 = arith.addi %mul3A_284, %add3A_285 : i32
      "tpu.region"() ({
        %run_scoped3A = tpu.sem_alloc : memref<!tpu.dma_semaphore, #tpu.memory_space<semaphore_mem>>
        %dma_start3A_527 = arith.constant 0 : i32
        %dma_start3A_528 = arith.constant 0 : i32
        %dma_start3A_529 = tpu.memref_slice %arg3[%add3A, %add3A_286, %dma_start3A_527, %dma_start3A_528] : memref<32x50x5x40xi32, #tpu.memory_space<hbm>> -> memref<1x1x5x40xi32, #tpu.memory_space<hbm>>
        %dma_start3A_530 = tpu.memref_squeeze %dma_start3A_529 : memref<1x1x5x40xi32, #tpu.memory_space<hbm>> -> memref<5x40xi32, #tpu.memory_space<hbm>>
        %dma_start3A_531 = arith.constant 0 : i32
        %dma_start3A_532 = arith.constant 0 : i32
        %dma_start3A_533 = tpu.memref_slice %arg3[%add3A, %add3A_286, %dma_start3A_531, %dma_start3A_532] : memref<32x50x5x40xi32, #tpu.memory_space<hbm>> -> memref<1x1x5x40xi32, #tpu.memory_space<hbm>>
        %dma_start3A_534 = tpu.memref_squeeze %dma_start3A_533 : memref<1x1x5x40xi32, #tpu.memory_space<hbm>> -> memref<5x40xi32, #tpu.memory_space<hbm>>
        tpu.enqueue_dma source(%dma_start3A_534 : memref<5x40xi32, #tpu.memory_space<hbm>>) target(%arg6 : memref<5x40xi32, #tpu.memory_space<vmem>>) target_semaphore(%run_scoped3A : memref<!tpu.dma_semaphore, #tpu.memory_space<semaphore_mem>>)
        %dma_wait3A_535 = arith.constant 0 : i32
        %dma_wait3A_536 = arith.constant 0 : i32
        %dma_wait3A_537 = tpu.memref_slice %arg3[%add3A, %add3A_286, %dma_wait3A_535, %dma_wait3A_536] : memref<32x50x5x40xi32, #tpu.memory_space<hbm>> -> memref<1x1x5x40xi32, #tpu.memory_space<hbm>>
        %dma_wait3A_538 = tpu.memref_squeeze %dma_wait3A_537 : memref<1x1x5x40xi32, #tpu.memory_space<hbm>> -> memref<5x40xi32, #tpu.memory_space<hbm>>
        %dma_wait3A_539 = arith.constant 0 : i32
        %dma_wait3A_540 = arith.constant 0 : i32
        %dma_wait3A_541 = tpu.memref_slice %arg3[%add3A, %add3A_286, %dma_wait3A_539, %dma_wait3A_540] : memref<32x50x5x40xi32, #tpu.memory_space<hbm>> -> memref<1x1x5x40xi32, #tpu.memory_space<hbm>>
        %dma_wait3A_542 = tpu.memref_squeeze %dma_wait3A_541 : memref<1x1x5x40xi32, #tpu.memory_space<hbm>> -> memref<5x40xi32, #tpu.memory_space<hbm>>
        tpu.wait_dma2 semaphore(%run_scoped3A : memref<!tpu.dma_semaphore, #tpu.memory_space<semaphore_mem>>) src(%dma_wait3A_542 : memref<5x40xi32, #tpu.memory_space<hbm>>) dst(%arg6 : memref<5x40xi32, #tpu.memory_space<vmem>>)
        tpu.yield
      }) : () -> ()
      "tpu.region"() ({
        %run_scoped3A = tpu.sem_alloc : memref<!tpu.dma_semaphore, #tpu.memory_space<semaphore_mem>>
        %dma_start3A_527 = arith.constant 0 : i32
        %dma_start3A_528 = arith.constant 0 : i32
        %dma_start3A_529 = tpu.memref_slice %arg4[%add3A, %add3A_286, %dma_start3A_527, %dma_start3A_528] : memref<32x50x5x40xi32, #tpu.memory_space<hbm>> -> memref<1x1x5x40xi32, #tpu.memory_space<hbm>>
        %dma_start3A_530 = tpu.memref_squeeze %dma_start3A_529 : memref<1x1x5x40xi32, #tpu.memory_space<hbm>> -> memref<5x40xi32, #tpu.memory_space<hbm>>
        %dma_start3A_531 = arith.constant 0 : i32
        %dma_start3A_532 = arith.constant 0 : i32
        %dma_start3A_533 = tpu.memref_slice %arg4[%add3A, %add3A_286, %dma_start3A_531, %dma_start3A_532] : memref<32x50x5x40xi32, #tpu.memory_space<hbm>> -> memref<1x1x5x40xi32, #tpu.memory_space<hbm>>
        %dma_start3A_534 = tpu.memref_squeeze %dma_start3A_533 : memref<1x1x5x40xi32, #tpu.memory_space<hbm>> -> memref<5x40xi32, #tpu.memory_space<hbm>>
        tpu.enqueue_dma source(%dma_start3A_534 : memref<5x40xi32, #tpu.memory_space<hbm>>) target(%arg8 : memref<5x40xi32, #tpu.memory_space<vmem>>) target_semaphore(%run_scoped3A : memref<!tpu.dma_semaphore, #tpu.memory_space<semaphore_mem>>)
        %dma_wait3A_535 = arith.constant 0 : i32
        %dma_wait3A_536 = arith.constant 0 : i32
        %dma_wait3A_537 = tpu.memref_slice %arg4[%add3A, %add3A_286, %dma_wait3A_535, %dma_wait3A_536] : memref<32x50x5x40xi32, #tpu.memory_space<hbm>> -> memref<1x1x5x40xi32, #tpu.memory_space<hbm>>
        %dma_wait3A_538 = tpu.memref_squeeze %dma_wait3A_537 : memref<1x1x5x40xi32, #tpu.memory_space<hbm>> -> memref<5x40xi32, #tpu.memory_space<hbm>>
        %dma_wait3A_539 = arith.constant 0 : i32
        %dma_wait3A_540 = arith.constant 0 : i32
        %dma_wait3A_541 = tpu.memref_slice %arg4[%add3A, %add3A_286, %dma_wait3A_539, %dma_wait3A_540] : memref<32x50x5x40xi32, #tpu.memory_space<hbm>> -> memref<1x1x5x40xi32, #tpu.memory_space<hbm>>
        %dma_wait3A_542 = tpu.memref_squeeze %dma_wait3A_541 : memref<1x1x5x40xi32, #tpu.memory_space<hbm>> -> memref<5x40xi32, #tpu.memory_space<hbm>>
        tpu.wait_dma2 semaphore(%run_scoped3A : memref<!tpu.dma_semaphore, #tpu.memory_space<semaphore_mem>>) src(%dma_wait3A_542 : memref<5x40xi32, #tpu.memory_space<hbm>>) dst(%arg8 : memref<5x40xi32, #tpu.memory_space<vmem>>)
        tpu.yield
      }) : () -> ()
      %dma_wait3A_287 = arith.constant 0 : i32
      %dma_wait3A_288 = arith.constant 0 : i32
      %dma_wait3A_289 = arith.constant 0 : i32
      %dma_wait3A_290 = arith.constant 0 : i32
      %dma_wait3A_291 = tpu.memref_slice %arg9[%dma_wait3A_287, %dma_wait3A_289, %dma_wait3A_290] : memref<5x40x128xf32, #tpu.memory_space<vmem>> -> memref<1x40x128xf32, #tpu.memory_space<vmem>>
      %dma_wait3A_292 = tpu.memref_squeeze %dma_wait3A_291 : memref<1x40x128xf32, #tpu.memory_space<vmem>> -> memref<40x128xf32, #tpu.memory_space<vmem>>
      %dma_wait3A_293 = arith.constant 0 : i32
      %dma_wait3A_294 = tpu.memref_slice %arg8[%dma_wait3A_288, %dma_wait3A_293] : memref<5x40xi32, #tpu.memory_space<vmem>> -> memref<1x40xi32, #tpu.memory_space<vmem>>
      %dma_wait3A_295 = tpu.memref_squeeze %dma_wait3A_294 : memref<1x40xi32, #tpu.memory_space<vmem>> -> memref<40xi32, #tpu.memory_space<vmem>>
      %dma_wait3A_296 = arith.constant 0 : i32
      %dma_wait3A_297 = arith.constant 0 : i32
      %dma_wait3A_298 = tpu.memref_slice %arg10[%dma_wait3A_296, %dma_wait3A_297] : memref<10240x128xf32, #tpu.memory_space<vmem_shared>> -> memref<10240x128xf32, #tpu.memory_space<vmem_shared>>
      tpu.wait_indirect_dma semaphore(%arg12 : memref<!tpu.dma_semaphore, #tpu.memory_space<semaphore_mem>>) src(%dma_wait3A_292 : memref<40x128xf32, #tpu.memory_space<vmem>>) dst(%dma_wait3A_298 : memref<10240x128xf32, #tpu.memory_space<vmem_shared>>)
      %dma_start3A_299 = arith.constant 0 : i32
      %dma_start3A_300 = arith.constant 0 : i32
      %dma_start3A_301 = arith.constant 0 : i32
      %dma_start3A_302 = arith.constant 0 : i32
      %dma_start3A_303 = tpu.memref_slice %arg9[%dma_start3A_300, %dma_start3A_301, %dma_start3A_302] : memref<5x40x128xf32, #tpu.memory_space<vmem>> -> memref<1x40x128xf32, #tpu.memory_space<vmem>>
      %dma_start3A_304 = tpu.memref_squeeze %dma_start3A_303 : memref<1x40x128xf32, #tpu.memory_space<vmem>> -> memref<40x128xf32, #tpu.memory_space<vmem>>
      %dma_start3A_305 = arith.constant 0 : i32
      %dma_start3A_306 = tpu.memref_slice %arg6[%dma_start3A_299, %dma_start3A_305] : memref<5x40xi32, #tpu.memory_space<vmem>> -> memref<1x40xi32, #tpu.memory_space<vmem>>
      %dma_start3A_307 = tpu.memref_squeeze %dma_start3A_306 : memref<1x40xi32, #tpu.memory_space<vmem>> -> memref<40xi32, #tpu.memory_space<vmem>>
      %dma_start3A_308 = arith.constant 0 : i32
      %dma_start3A_309 = arith.constant 0 : i32
      %dma_start3A_310 = tpu.memref_slice %arg2[%dma_start3A_308, %dma_start3A_309] : memref<10000x128xf32, #tpu.memory_space<hbm>> -> memref<10000x128xf32, #tpu.memory_space<hbm>>
      tpu.enqueue_indirect_dma source(%dma_start3A_310 : memref<10000x128xf32, #tpu.memory_space<hbm>>) target(%dma_start3A_304 : memref<40x128xf32, #tpu.memory_space<vmem>>) offsets(%dma_start3A_307 : memref<40xi32, #tpu.memory_space<vmem>>) semaphore(%arg11 : memref<!tpu.dma_semaphore, #tpu.memory_space<semaphore_mem>>)
      %dma_wait3A_311 = arith.constant 1 : i32
      %dma_wait3A_312 = arith.constant 1 : i32
      %dma_wait3A_313 = arith.constant 0 : i32
      %dma_wait3A_314 = arith.constant 0 : i32
      %dma_wait3A_315 = tpu.memref_slice %arg9[%dma_wait3A_311, %dma_wait3A_313, %dma_wait3A_314] : memref<5x40x128xf32, #tpu.memory_space<vmem>> -> memref<1x40x128xf32, #tpu.memory_space<vmem>>
      %dma_wait3A_316 = tpu.memref_squeeze %dma_wait3A_315 : memref<1x40x128xf32, #tpu.memory_space<vmem>> -> memref<40x128xf32, #tpu.memory_space<vmem>>
      %dma_wait3A_317 = arith.constant 0 : i32
      %dma_wait3A_318 = tpu.memref_slice %arg8[%dma_wait3A_312, %dma_wait3A_317] : memref<5x40xi32, #tpu.memory_space<vmem>> -> memref<1x40xi32, #tpu.memory_space<vmem>>
      %dma_wait3A_319 = tpu.memref_squeeze %dma_wait3A_318 : memref<1x40xi32, #tpu.memory_space<vmem>> -> memref<40xi32, #tpu.memory_space<vmem>>
      %dma_wait3A_320 = arith.constant 0 : i32
      %dma_wait3A_321 = arith.constant 0 : i32
      %dma_wait3A_322 = tpu.memref_slice %arg10[%dma_wait3A_320, %dma_wait3A_321] : memref<10240x128xf32, #tpu.memory_space<vmem_shared>> -> memref<10240x128xf32, #tpu.memory_space<vmem_shared>>
      tpu.wait_indirect_dma semaphore(%arg12 : memref<!tpu.dma_semaphore, #tpu.memory_space<semaphore_mem>>) src(%dma_wait3A_316 : memref<40x128xf32, #tpu.memory_space<vmem>>) dst(%dma_wait3A_322 : memref<10240x128xf32, #tpu.memory_space<vmem_shared>>)
      %dma_start3A_323 = arith.constant 1 : i32
      %dma_start3A_324 = arith.constant 1 : i32
      %dma_start3A_325 = arith.constant 0 : i32
      %dma_start3A_326 = arith.constant 0 : i32
      %dma_start3A_327 = tpu.memref_slice %arg9[%dma_start3A_324, %dma_start3A_325, %dma_start3A_326] : memref<5x40x128xf32, #tpu.memory_space<vmem>> -> memref<1x40x128xf32, #tpu.memory_space<vmem>>
      %dma_start3A_328 = tpu.memref_squeeze %dma_start3A_327 : memref<1x40x128xf32, #tpu.memory_space<vmem>> -> memref<40x128xf32, #tpu.memory_space<vmem>>
      %dma_start3A_329 = arith.constant 0 : i32
      %dma_start3A_330 = tpu.memref_slice %arg6[%dma_start3A_323, %dma_start3A_329] : memref<5x40xi32, #tpu.memory_space<vmem>> -> memref<1x40xi32, #tpu.memory_space<vmem>>
      %dma_start3A_331 = tpu.memref_squeeze %dma_start3A_330 : memref<1x40xi32, #tpu.memory_space<vmem>> -> memref<40xi32, #tpu.memory_space<vmem>>
      %dma_start3A_332 = arith.constant 0 : i32
      %dma_start3A_333 = arith.constant 0 : i32
      %dma_start3A_334 = tpu.memref_slice %arg2[%dma_start3A_332, %dma_start3A_333] : memref<10000x128xf32, #tpu.memory_space<hbm>> -> memref<10000x128xf32, #tpu.memory_space<hbm>>
      tpu.enqueue_indirect_dma source(%dma_start3A_334 : memref<10000x128xf32, #tpu.memory_space<hbm>>) target(%dma_start3A_328 : memref<40x128xf32, #tpu.memory_space<vmem>>) offsets(%dma_start3A_331 : memref<40xi32, #tpu.memory_space<vmem>>) semaphore(%arg11 : memref<!tpu.dma_semaphore, #tpu.memory_space<semaphore_mem>>)
      %dma_wait3A_335 = arith.constant 2 : i32
      %dma_wait3A_336 = arith.constant 2 : i32
      %dma_wait3A_337 = arith.constant 0 : i32
      %dma_wait3A_338 = arith.constant 0 : i32
      %dma_wait3A_339 = tpu.memref_slice %arg9[%dma_wait3A_335, %dma_wait3A_337, %dma_wait3A_338] : memref<5x40x128xf32, #tpu.memory_space<vmem>> -> memref<1x40x128xf32, #tpu.memory_space<vmem>>
      %dma_wait3A_340 = tpu.memref_squeeze %dma_wait3A_339 : memref<1x40x128xf32, #tpu.memory_space<vmem>> -> memref<40x128xf32, #tpu.memory_space<vmem>>
      %dma_wait3A_341 = arith.constant 0 : i32
      %dma_wait3A_342 = tpu.memref_slice %arg8[%dma_wait3A_336, %dma_wait3A_341] : memref<5x40xi32, #tpu.memory_space<vmem>> -> memref<1x40xi32, #tpu.memory_space<vmem>>
      %dma_wait3A_343 = tpu.memref_squeeze %dma_wait3A_342 : memref<1x40xi32, #tpu.memory_space<vmem>> -> memref<40xi32, #tpu.memory_space<vmem>>
      %dma_wait3A_344 = arith.constant 0 : i32
      %dma_wait3A_345 = arith.constant 0 : i32
      %dma_wait3A_346 = tpu.memref_slice %arg10[%dma_wait3A_344, %dma_wait3A_345] : memref<10240x128xf32, #tpu.memory_space<vmem_shared>> -> memref<10240x128xf32, #tpu.memory_space<vmem_shared>>
      tpu.wait_indirect_dma semaphore(%arg12 : memref<!tpu.dma_semaphore, #tpu.memory_space<semaphore_mem>>) src(%dma_wait3A_340 : memref<40x128xf32, #tpu.memory_space<vmem>>) dst(%dma_wait3A_346 : memref<10240x128xf32, #tpu.memory_space<vmem_shared>>)
      %dma_start3A_347 = arith.constant 2 : i32
      %dma_start3A_348 = arith.constant 2 : i32
      %dma_start3A_349 = arith.constant 0 : i32
      %dma_start3A_350 = arith.constant 0 : i32
      %dma_start3A_351 = tpu.memref_slice %arg9[%dma_start3A_348, %dma_start3A_349, %dma_start3A_350] : memref<5x40x128xf32, #tpu.memory_space<vmem>> -> memref<1x40x128xf32, #tpu.memory_space<vmem>>
      %dma_start3A_352 = tpu.memref_squeeze %dma_start3A_351 : memref<1x40x128xf32, #tpu.memory_space<vmem>> -> memref<40x128xf32, #tpu.memory_space<vmem>>
      %dma_start3A_353 = arith.constant 0 : i32
      %dma_start3A_354 = tpu.memref_slice %arg6[%dma_start3A_347, %dma_start3A_353] : memref<5x40xi32, #tpu.memory_space<vmem>> -> memref<1x40xi32, #tpu.memory_space<vmem>>
      %dma_start3A_355 = tpu.memref_squeeze %dma_start3A_354 : memref<1x40xi32, #tpu.memory_space<vmem>> -> memref<40xi32, #tpu.memory_space<vmem>>
      %dma_start3A_356 = arith.constant 0 : i32
      %dma_start3A_357 = arith.constant 0 : i32
      %dma_start3A_358 = tpu.memref_slice %arg2[%dma_start3A_356, %dma_start3A_357] : memref<10000x128xf32, #tpu.memory_space<hbm>> -> memref<10000x128xf32, #tpu.memory_space<hbm>>
      tpu.enqueue_indirect_dma source(%dma_start3A_358 : memref<10000x128xf32, #tpu.memory_space<hbm>>) target(%dma_start3A_352 : memref<40x128xf32, #tpu.memory_space<vmem>>) offsets(%dma_start3A_355 : memref<40xi32, #tpu.memory_space<vmem>>) semaphore(%arg11 : memref<!tpu.dma_semaphore, #tpu.memory_space<semaphore_mem>>)
      %dma_wait3A_359 = arith.constant 3 : i32
      %dma_wait3A_360 = arith.constant 3 : i32
      %dma_wait3A_361 = arith.constant 0 : i32
      %dma_wait3A_362 = arith.constant 0 : i32
      %dma_wait3A_363 = tpu.memref_slice %arg9[%dma_wait3A_359, %dma_wait3A_361, %dma_wait3A_362] : memref<5x40x128xf32, #tpu.memory_space<vmem>> -> memref<1x40x128xf32, #tpu.memory_space<vmem>>
      %dma_wait3A_364 = tpu.memref_squeeze %dma_wait3A_363 : memref<1x40x128xf32, #tpu.memory_space<vmem>> -> memref<40x128xf32, #tpu.memory_space<vmem>>
      %dma_wait3A_365 = arith.constant 0 : i32
      %dma_wait3A_366 = tpu.memref_slice %arg8[%dma_wait3A_360, %dma_wait3A_365] : memref<5x40xi32, #tpu.memory_space<vmem>> -> memref<1x40xi32, #tpu.memory_space<vmem>>
      %dma_wait3A_367 = tpu.memref_squeeze %dma_wait3A_366 : memref<1x40xi32, #tpu.memory_space<vmem>> -> memref<40xi32, #tpu.memory_space<vmem>>
      %dma_wait3A_368 = arith.constant 0 : i32
      %dma_wait3A_369 = arith.constant 0 : i32
      %dma_wait3A_370 = tpu.memref_slice %arg10[%dma_wait3A_368, %dma_wait3A_369] : memref<10240x128xf32, #tpu.memory_space<vmem_shared>> -> memref<10240x128xf32, #tpu.memory_space<vmem_shared>>
      tpu.wait_indirect_dma semaphore(%arg12 : memref<!tpu.dma_semaphore, #tpu.memory_space<semaphore_mem>>) src(%dma_wait3A_364 : memref<40x128xf32, #tpu.memory_space<vmem>>) dst(%dma_wait3A_370 : memref<10240x128xf32, #tpu.memory_space<vmem_shared>>)
      %dma_start3A_371 = arith.constant 3 : i32
      %dma_start3A_372 = arith.constant 3 : i32
      %dma_start3A_373 = arith.constant 0 : i32
      %dma_start3A_374 = arith.constant 0 : i32
      %dma_start3A_375 = tpu.memref_slice %arg9[%dma_start3A_372, %dma_start3A_373, %dma_start3A_374] : memref<5x40x128xf32, #tpu.memory_space<vmem>> -> memref<1x40x128xf32, #tpu.memory_space<vmem>>
      %dma_start3A_376 = tpu.memref_squeeze %dma_start3A_375 : memref<1x40x128xf32, #tpu.memory_space<vmem>> -> memref<40x128xf32, #tpu.memory_space<vmem>>
      %dma_start3A_377 = arith.constant 0 : i32
      %dma_start3A_378 = tpu.memref_slice %arg6[%dma_start3A_371, %dma_start3A_377] : memref<5x40xi32, #tpu.memory_space<vmem>> -> memref<1x40xi32, #tpu.memory_space<vmem>>
      %dma_start3A_379 = tpu.memref_squeeze %dma_start3A_378 : memref<1x40xi32, #tpu.memory_space<vmem>> -> memref<40xi32, #tpu.memory_space<vmem>>
      %dma_start3A_380 = arith.constant 0 : i32
      %dma_start3A_381 = arith.constant 0 : i32
      %dma_start3A_382 = tpu.memref_slice %arg2[%dma_start3A_380, %dma_start3A_381] : memref<10000x128xf32, #tpu.memory_space<hbm>> -> memref<10000x128xf32, #tpu.memory_space<hbm>>
      tpu.enqueue_indirect_dma source(%dma_start3A_382 : memref<10000x128xf32, #tpu.memory_space<hbm>>) target(%dma_start3A_376 : memref<40x128xf32, #tpu.memory_space<vmem>>) offsets(%dma_start3A_379 : memref<40xi32, #tpu.memory_space<vmem>>) semaphore(%arg11 : memref<!tpu.dma_semaphore, #tpu.memory_space<semaphore_mem>>)
      %dma_wait3A_383 = arith.constant 4 : i32
      %dma_wait3A_384 = arith.constant 4 : i32
      %dma_wait3A_385 = arith.constant 0 : i32
      %dma_wait3A_386 = arith.constant 0 : i32
      %dma_wait3A_387 = tpu.memref_slice %arg9[%dma_wait3A_383, %dma_wait3A_385, %dma_wait3A_386] : memref<5x40x128xf32, #tpu.memory_space<vmem>> -> memref<1x40x128xf32, #tpu.memory_space<vmem>>
      %dma_wait3A_388 = tpu.memref_squeeze %dma_wait3A_387 : memref<1x40x128xf32, #tpu.memory_space<vmem>> -> memref<40x128xf32, #tpu.memory_space<vmem>>
      %dma_wait3A_389 = arith.constant 0 : i32
      %dma_wait3A_390 = tpu.memref_slice %arg8[%dma_wait3A_384, %dma_wait3A_389] : memref<5x40xi32, #tpu.memory_space<vmem>> -> memref<1x40xi32, #tpu.memory_space<vmem>>
      %dma_wait3A_391 = tpu.memref_squeeze %dma_wait3A_390 : memref<1x40xi32, #tpu.memory_space<vmem>> -> memref<40xi32, #tpu.memory_space<vmem>>
      %dma_wait3A_392 = arith.constant 0 : i32
      %dma_wait3A_393 = arith.constant 0 : i32
      %dma_wait3A_394 = tpu.memref_slice %arg10[%dma_wait3A_392, %dma_wait3A_393] : memref<10240x128xf32, #tpu.memory_space<vmem_shared>> -> memref<10240x128xf32, #tpu.memory_space<vmem_shared>>
      tpu.wait_indirect_dma semaphore(%arg12 : memref<!tpu.dma_semaphore, #tpu.memory_space<semaphore_mem>>) src(%dma_wait3A_388 : memref<40x128xf32, #tpu.memory_space<vmem>>) dst(%dma_wait3A_394 : memref<10240x128xf32, #tpu.memory_space<vmem_shared>>)
      %dma_start3A_395 = arith.constant 4 : i32
      %dma_start3A_396 = arith.constant 4 : i32
      %dma_start3A_397 = arith.constant 0 : i32
      %dma_start3A_398 = arith.constant 0 : i32
      %dma_start3A_399 = tpu.memref_slice %arg9[%dma_start3A_396, %dma_start3A_397, %dma_start3A_398] : memref<5x40x128xf32, #tpu.memory_space<vmem>> -> memref<1x40x128xf32, #tpu.memory_space<vmem>>
      %dma_start3A_400 = tpu.memref_squeeze %dma_start3A_399 : memref<1x40x128xf32, #tpu.memory_space<vmem>> -> memref<40x128xf32, #tpu.memory_space<vmem>>
      %dma_start3A_401 = arith.constant 0 : i32
      %dma_start3A_402 = tpu.memref_slice %arg6[%dma_start3A_395, %dma_start3A_401] : memref<5x40xi32, #tpu.memory_space<vmem>> -> memref<1x40xi32, #tpu.memory_space<vmem>>
      %dma_start3A_403 = tpu.memref_squeeze %dma_start3A_402 : memref<1x40xi32, #tpu.memory_space<vmem>> -> memref<40xi32, #tpu.memory_space<vmem>>
      %dma_start3A_404 = arith.constant 0 : i32
      %dma_start3A_405 = arith.constant 0 : i32
      %dma_start3A_406 = tpu.memref_slice %arg2[%dma_start3A_404, %dma_start3A_405] : memref<10000x128xf32, #tpu.memory_space<hbm>> -> memref<10000x128xf32, #tpu.memory_space<hbm>>
      tpu.enqueue_indirect_dma source(%dma_start3A_406 : memref<10000x128xf32, #tpu.memory_space<hbm>>) target(%dma_start3A_400 : memref<40x128xf32, #tpu.memory_space<vmem>>) offsets(%dma_start3A_403 : memref<40xi32, #tpu.memory_space<vmem>>) semaphore(%arg11 : memref<!tpu.dma_semaphore, #tpu.memory_space<semaphore_mem>>)
      %dma_wait3A_407 = arith.constant 0 : i32
      %dma_wait3A_408 = arith.constant 0 : i32
      %dma_wait3A_409 = arith.constant 0 : i32
      %dma_wait3A_410 = arith.constant 0 : i32
      %dma_wait3A_411 = tpu.memref_slice %arg9[%dma_wait3A_408, %dma_wait3A_409, %dma_wait3A_410] : memref<5x40x128xf32, #tpu.memory_space<vmem>> -> memref<1x40x128xf32, #tpu.memory_space<vmem>>
      %dma_wait3A_412 = tpu.memref_squeeze %dma_wait3A_411 : memref<1x40x128xf32, #tpu.memory_space<vmem>> -> memref<40x128xf32, #tpu.memory_space<vmem>>
      %dma_wait3A_413 = arith.constant 0 : i32
      %dma_wait3A_414 = tpu.memref_slice %arg6[%dma_wait3A_407, %dma_wait3A_413] : memref<5x40xi32, #tpu.memory_space<vmem>> -> memref<1x40xi32, #tpu.memory_space<vmem>>
      %dma_wait3A_415 = tpu.memref_squeeze %dma_wait3A_414 : memref<1x40xi32, #tpu.memory_space<vmem>> -> memref<40xi32, #tpu.memory_space<vmem>>
      %dma_wait3A_416 = arith.constant 0 : i32
      %dma_wait3A_417 = arith.constant 0 : i32
      %dma_wait3A_418 = tpu.memref_slice %arg2[%dma_wait3A_416, %dma_wait3A_417] : memref<10000x128xf32, #tpu.memory_space<hbm>> -> memref<10000x128xf32, #tpu.memory_space<hbm>>
      tpu.wait_indirect_dma semaphore(%arg11 : memref<!tpu.dma_semaphore, #tpu.memory_space<semaphore_mem>>) src(%dma_wait3A_418 : memref<10000x128xf32, #tpu.memory_space<hbm>>) dst(%dma_wait3A_412 : memref<40x128xf32, #tpu.memory_space<vmem>>)
      %dma_start3A_419 = arith.constant 0 : i32
      %dma_start3A_420 = arith.constant 0 : i32
      %dma_start3A_421 = arith.constant 0 : i32
      %dma_start3A_422 = arith.constant 0 : i32
      %dma_start3A_423 = tpu.memref_slice %arg9[%dma_start3A_419, %dma_start3A_421, %dma_start3A_422] : memref<5x40x128xf32, #tpu.memory_space<vmem>> -> memref<1x40x128xf32, #tpu.memory_space<vmem>>
      %dma_start3A_424 = tpu.memref_squeeze %dma_start3A_423 : memref<1x40x128xf32, #tpu.memory_space<vmem>> -> memref<40x128xf32, #tpu.memory_space<vmem>>
      %dma_start3A_425 = arith.constant 0 : i32
      %dma_start3A_426 = tpu.memref_slice %arg8[%dma_start3A_420, %dma_start3A_425] : memref<5x40xi32, #tpu.memory_space<vmem>> -> memref<1x40xi32, #tpu.memory_space<vmem>>
      %dma_start3A_427 = tpu.memref_squeeze %dma_start3A_426 : memref<1x40xi32, #tpu.memory_space<vmem>> -> memref<40xi32, #tpu.memory_space<vmem>>
      %dma_start3A_428 = arith.constant 0 : i32
      %dma_start3A_429 = arith.constant 0 : i32
      %dma_start3A_430 = tpu.memref_slice %arg10[%dma_start3A_428, %dma_start3A_429] : memref<10240x128xf32, #tpu.memory_space<vmem_shared>> -> memref<10240x128xf32, #tpu.memory_space<vmem_shared>>
      tpu.enqueue_indirect_dma source(%dma_start3A_424 : memref<40x128xf32, #tpu.memory_space<vmem>>) target(%dma_start3A_430 : memref<10240x128xf32, #tpu.memory_space<vmem_shared>>) offsets(%dma_start3A_427 : memref<40xi32, #tpu.memory_space<vmem>>) semaphore(%arg12 : memref<!tpu.dma_semaphore, #tpu.memory_space<semaphore_mem>>) {add = true}
      %dma_wait3A_431 = arith.constant 1 : i32
      %dma_wait3A_432 = arith.constant 1 : i32
      %dma_wait3A_433 = arith.constant 0 : i32
      %dma_wait3A_434 = arith.constant 0 : i32
      %dma_wait3A_435 = tpu.memref_slice %arg9[%dma_wait3A_432, %dma_wait3A_433, %dma_wait3A_434] : memref<5x40x128xf32, #tpu.memory_space<vmem>> -> memref<1x40x128xf32, #tpu.memory_space<vmem>>
      %dma_wait3A_436 = tpu.memref_squeeze %dma_wait3A_435 : memref<1x40x128xf32, #tpu.memory_space<vmem>> -> memref<40x128xf32, #tpu.memory_space<vmem>>
      %dma_wait3A_437 = arith.constant 0 : i32
      %dma_wait3A_438 = tpu.memref_slice %arg6[%dma_wait3A_431, %dma_wait3A_437] : memref<5x40xi32, #tpu.memory_space<vmem>> -> memref<1x40xi32, #tpu.memory_space<vmem>>
      %dma_wait3A_439 = tpu.memref_squeeze %dma_wait3A_438 : memref<1x40xi32, #tpu.memory_space<vmem>> -> memref<40xi32, #tpu.memory_space<vmem>>
      %dma_wait3A_440 = arith.constant 0 : i32
      %dma_wait3A_441 = arith.constant 0 : i32
      %dma_wait3A_442 = tpu.memref_slice %arg2[%dma_wait3A_440, %dma_wait3A_441] : memref<10000x128xf32, #tpu.memory_space<hbm>> -> memref<10000x128xf32, #tpu.memory_space<hbm>>
      tpu.wait_indirect_dma semaphore(%arg11 : memref<!tpu.dma_semaphore, #tpu.memory_space<semaphore_mem>>) src(%dma_wait3A_442 : memref<10000x128xf32, #tpu.memory_space<hbm>>) dst(%dma_wait3A_436 : memref<40x128xf32, #tpu.memory_space<vmem>>)
      %dma_start3A_443 = arith.constant 1 : i32
      %dma_start3A_444 = arith.constant 1 : i32
      %dma_start3A_445 = arith.constant 0 : i32
      %dma_start3A_446 = arith.constant 0 : i32
      %dma_start3A_447 = tpu.memref_slice %arg9[%dma_start3A_443, %dma_start3A_445, %dma_start3A_446] : memref<5x40x128xf32, #tpu.memory_space<vmem>> -> memref<1x40x128xf32, #tpu.memory_space<vmem>>
      %dma_start3A_448 = tpu.memref_squeeze %dma_start3A_447 : memref<1x40x128xf32, #tpu.memory_space<vmem>> -> memref<40x128xf32, #tpu.memory_space<vmem>>
      %dma_start3A_449 = arith.constant 0 : i32
      %dma_start3A_450 = tpu.memref_slice %arg8[%dma_start3A_444, %dma_start3A_449] : memref<5x40xi32, #tpu.memory_space<vmem>> -> memref<1x40xi32, #tpu.memory_space<vmem>>
      %dma_start3A_451 = tpu.memref_squeeze %dma_start3A_450 : memref<1x40xi32, #tpu.memory_space<vmem>> -> memref<40xi32, #tpu.memory_space<vmem>>
      %dma_start3A_452 = arith.constant 0 : i32
      %dma_start3A_453 = arith.constant 0 : i32
      %dma_start3A_454 = tpu.memref_slice %arg10[%dma_start3A_452, %dma_start3A_453] : memref<10240x128xf32, #tpu.memory_space<vmem_shared>> -> memref<10240x128xf32, #tpu.memory_space<vmem_shared>>
      tpu.enqueue_indirect_dma source(%dma_start3A_448 : memref<40x128xf32, #tpu.memory_space<vmem>>) target(%dma_start3A_454 : memref<10240x128xf32, #tpu.memory_space<vmem_shared>>) offsets(%dma_start3A_451 : memref<40xi32, #tpu.memory_space<vmem>>) semaphore(%arg12 : memref<!tpu.dma_semaphore, #tpu.memory_space<semaphore_mem>>) {add = true}
      %dma_wait3A_455 = arith.constant 2 : i32
      %dma_wait3A_456 = arith.constant 2 : i32
      %dma_wait3A_457 = arith.constant 0 : i32
      %dma_wait3A_458 = arith.constant 0 : i32
      %dma_wait3A_459 = tpu.memref_slice %arg9[%dma_wait3A_456, %dma_wait3A_457, %dma_wait3A_458] : memref<5x40x128xf32, #tpu.memory_space<vmem>> -> memref<1x40x128xf32, #tpu.memory_space<vmem>>
      %dma_wait3A_460 = tpu.memref_squeeze %dma_wait3A_459 : memref<1x40x128xf32, #tpu.memory_space<vmem>> -> memref<40x128xf32, #tpu.memory_space<vmem>>
      %dma_wait3A_461 = arith.constant 0 : i32
      %dma_wait3A_462 = tpu.memref_slice %arg6[%dma_wait3A_455, %dma_wait3A_461] : memref<5x40xi32, #tpu.memory_space<vmem>> -> memref<1x40xi32, #tpu.memory_space<vmem>>
      %dma_wait3A_463 = tpu.memref_squeeze %dma_wait3A_462 : memref<1x40xi32, #tpu.memory_space<vmem>> -> memref<40xi32, #tpu.memory_space<vmem>>
      %dma_wait3A_464 = arith.constant 0 : i32
      %dma_wait3A_465 = arith.constant 0 : i32
      %dma_wait3A_466 = tpu.memref_slice %arg2[%dma_wait3A_464, %dma_wait3A_465] : memref<10000x128xf32, #tpu.memory_space<hbm>> -> memref<10000x128xf32, #tpu.memory_space<hbm>>
      tpu.wait_indirect_dma semaphore(%arg11 : memref<!tpu.dma_semaphore, #tpu.memory_space<semaphore_mem>>) src(%dma_wait3A_466 : memref<10000x128xf32, #tpu.memory_space<hbm>>) dst(%dma_wait3A_460 : memref<40x128xf32, #tpu.memory_space<vmem>>)
      %dma_start3A_467 = arith.constant 2 : i32
      %dma_start3A_468 = arith.constant 2 : i32
      %dma_start3A_469 = arith.constant 0 : i32
      %dma_start3A_470 = arith.constant 0 : i32
      %dma_start3A_471 = tpu.memref_slice %arg9[%dma_start3A_467, %dma_start3A_469, %dma_start3A_470] : memref<5x40x128xf32, #tpu.memory_space<vmem>> -> memref<1x40x128xf32, #tpu.memory_space<vmem>>
      %dma_start3A_472 = tpu.memref_squeeze %dma_start3A_471 : memref<1x40x128xf32, #tpu.memory_space<vmem>> -> memref<40x128xf32, #tpu.memory_space<vmem>>
      %dma_start3A_473 = arith.constant 0 : i32
      %dma_start3A_474 = tpu.memref_slice %arg8[%dma_start3A_468, %dma_start3A_473] : memref<5x40xi32, #tpu.memory_space<vmem>> -> memref<1x40xi32, #tpu.memory_space<vmem>>
      %dma_start3A_475 = tpu.memref_squeeze %dma_start3A_474 : memref<1x40xi32, #tpu.memory_space<vmem>> -> memref<40xi32, #tpu.memory_space<vmem>>
      %dma_start3A_476 = arith.constant 0 : i32
      %dma_start3A_477 = arith.constant 0 : i32
      %dma_start3A_478 = tpu.memref_slice %arg10[%dma_start3A_476, %dma_start3A_477] : memref<10240x128xf32, #tpu.memory_space<vmem_shared>> -> memref<10240x128xf32, #tpu.memory_space<vmem_shared>>
      tpu.enqueue_indirect_dma source(%dma_start3A_472 : memref<40x128xf32, #tpu.memory_space<vmem>>) target(%dma_start3A_478 : memref<10240x128xf32, #tpu.memory_space<vmem_shared>>) offsets(%dma_start3A_475 : memref<40xi32, #tpu.memory_space<vmem>>) semaphore(%arg12 : memref<!tpu.dma_semaphore, #tpu.memory_space<semaphore_mem>>) {add = true}
      %dma_wait3A_479 = arith.constant 3 : i32
      %dma_wait3A_480 = arith.constant 3 : i32
      %dma_wait3A_481 = arith.constant 0 : i32
      %dma_wait3A_482 = arith.constant 0 : i32
      %dma_wait3A_483 = tpu.memref_slice %arg9[%dma_wait3A_480, %dma_wait3A_481, %dma_wait3A_482] : memref<5x40x128xf32, #tpu.memory_space<vmem>> -> memref<1x40x128xf32, #tpu.memory_space<vmem>>
      %dma_wait3A_484 = tpu.memref_squeeze %dma_wait3A_483 : memref<1x40x128xf32, #tpu.memory_space<vmem>> -> memref<40x128xf32, #tpu.memory_space<vmem>>
      %dma_wait3A_485 = arith.constant 0 : i32
      %dma_wait3A_486 = tpu.memref_slice %arg6[%dma_wait3A_479, %dma_wait3A_485] : memref<5x40xi32, #tpu.memory_space<vmem>> -> memref<1x40xi32, #tpu.memory_space<vmem>>
      %dma_wait3A_487 = tpu.memref_squeeze %dma_wait3A_486 : memref<1x40xi32, #tpu.memory_space<vmem>> -> memref<40xi32, #tpu.memory_space<vmem>>
      %dma_wait3A_488 = arith.constant 0 : i32
      %dma_wait3A_489 = arith.constant 0 : i32
      %dma_wait3A_490 = tpu.memref_slice %arg2[%dma_wait3A_488, %dma_wait3A_489] : memref<10000x128xf32, #tpu.memory_space<hbm>> -> memref<10000x128xf32, #tpu.memory_space<hbm>>
      tpu.wait_indirect_dma semaphore(%arg11 : memref<!tpu.dma_semaphore, #tpu.memory_space<semaphore_mem>>) src(%dma_wait3A_490 : memref<10000x128xf32, #tpu.memory_space<hbm>>) dst(%dma_wait3A_484 : memref<40x128xf32, #tpu.memory_space<vmem>>)
      %dma_start3A_491 = arith.constant 3 : i32
      %dma_start3A_492 = arith.constant 3 : i32
      %dma_start3A_493 = arith.constant 0 : i32
      %dma_start3A_494 = arith.constant 0 : i32
      %dma_start3A_495 = tpu.memref_slice %arg9[%dma_start3A_491, %dma_start3A_493, %dma_start3A_494] : memref<5x40x128xf32, #tpu.memory_space<vmem>> -> memref<1x40x128xf32, #tpu.memory_space<vmem>>
      %dma_start3A_496 = tpu.memref_squeeze %dma_start3A_495 : memref<1x40x128xf32, #tpu.memory_space<vmem>> -> memref<40x128xf32, #tpu.memory_space<vmem>>
      %dma_start3A_497 = arith.constant 0 : i32
      %dma_start3A_498 = tpu.memref_slice %arg8[%dma_start3A_492, %dma_start3A_497] : memref<5x40xi32, #tpu.memory_space<vmem>> -> memref<1x40xi32, #tpu.memory_space<vmem>>
      %dma_start3A_499 = tpu.memref_squeeze %dma_start3A_498 : memref<1x40xi32, #tpu.memory_space<vmem>> -> memref<40xi32, #tpu.memory_space<vmem>>
      %dma_start3A_500 = arith.constant 0 : i32
      %dma_start3A_501 = arith.constant 0 : i32
      %dma_start3A_502 = tpu.memref_slice %arg10[%dma_start3A_500, %dma_start3A_501] : memref<10240x128xf32, #tpu.memory_space<vmem_shared>> -> memref<10240x128xf32, #tpu.memory_space<vmem_shared>>
      tpu.enqueue_indirect_dma source(%dma_start3A_496 : memref<40x128xf32, #tpu.memory_space<vmem>>) target(%dma_start3A_502 : memref<10240x128xf32, #tpu.memory_space<vmem_shared>>) offsets(%dma_start3A_499 : memref<40xi32, #tpu.memory_space<vmem>>) semaphore(%arg12 : memref<!tpu.dma_semaphore, #tpu.memory_space<semaphore_mem>>) {add = true}
      %dma_wait3A_503 = arith.constant 4 : i32
      %dma_wait3A_504 = arith.constant 4 : i32
      %dma_wait3A_505 = arith.constant 0 : i32
      %dma_wait3A_506 = arith.constant 0 : i32
      %dma_wait3A_507 = tpu.memref_slice %arg9[%dma_wait3A_504, %dma_wait3A_505, %dma_wait3A_506] : memref<5x40x128xf32, #tpu.memory_space<vmem>> -> memref<1x40x128xf32, #tpu.memory_space<vmem>>
      %dma_wait3A_508 = tpu.memref_squeeze %dma_wait3A_507 : memref<1x40x128xf32, #tpu.memory_space<vmem>> -> memref<40x128xf32, #tpu.memory_space<vmem>>
      %dma_wait3A_509 = arith.constant 0 : i32
      %dma_wait3A_510 = tpu.memref_slice %arg6[%dma_wait3A_503, %dma_wait3A_509] : memref<5x40xi32, #tpu.memory_space<vmem>> -> memref<1x40xi32, #tpu.memory_space<vmem>>
      %dma_wait3A_511 = tpu.memref_squeeze %dma_wait3A_510 : memref<1x40xi32, #tpu.memory_space<vmem>> -> memref<40xi32, #tpu.memory_space<vmem>>
      %dma_wait3A_512 = arith.constant 0 : i32
      %dma_wait3A_513 = arith.constant 0 : i32
      %dma_wait3A_514 = tpu.memref_slice %arg2[%dma_wait3A_512, %dma_wait3A_513] : memref<10000x128xf32, #tpu.memory_space<hbm>> -> memref<10000x128xf32, #tpu.memory_space<hbm>>
      tpu.wait_indirect_dma semaphore(%arg11 : memref<!tpu.dma_semaphore, #tpu.memory_space<semaphore_mem>>) src(%dma_wait3A_514 : memref<10000x128xf32, #tpu.memory_space<hbm>>) dst(%dma_wait3A_508 : memref<40x128xf32, #tpu.memory_space<vmem>>)
      %dma_start3A_515 = arith.constant 4 : i32
      %dma_start3A_516 = arith.constant 4 : i32
      %dma_start3A_517 = arith.constant 0 : i32
      %dma_start3A_518 = arith.constant 0 : i32
      %dma_start3A_519 = tpu.memref_slice %arg9[%dma_start3A_515, %dma_start3A_517, %dma_start3A_518] : memref<5x40x128xf32, #tpu.memory_space<vmem>> -> memref<1x40x128xf32, #tpu.memory_space<vmem>>
      %dma_start3A_520 = tpu.memref_squeeze %dma_start3A_519 : memref<1x40x128xf32, #tpu.memory_space<vmem>> -> memref<40x128xf32, #tpu.memory_space<vmem>>
      %dma_start3A_521 = arith.constant 0 : i32
      %dma_start3A_522 = tpu.memref_slice %arg8[%dma_start3A_516, %dma_start3A_521] : memref<5x40xi32, #tpu.memory_space<vmem>> -> memref<1x40xi32, #tpu.memory_space<vmem>>
      %dma_start3A_523 = tpu.memref_squeeze %dma_start3A_522 : memref<1x40xi32, #tpu.memory_space<vmem>> -> memref<40xi32, #tpu.memory_space<vmem>>
      %dma_start3A_524 = arith.constant 0 : i32
      %dma_start3A_525 = arith.constant 0 : i32
      %dma_start3A_526 = tpu.memref_slice %arg10[%dma_start3A_524, %dma_start3A_525] : memref<10240x128xf32, #tpu.memory_space<vmem_shared>> -> memref<10240x128xf32, #tpu.memory_space<vmem_shared>>
      tpu.enqueue_indirect_dma source(%dma_start3A_520 : memref<40x128xf32, #tpu.memory_space<vmem>>) target(%dma_start3A_526 : memref<10240x128xf32, #tpu.memory_space<vmem_shared>>) offsets(%dma_start3A_523 : memref<40xi32, #tpu.memory_space<vmem>>) semaphore(%arg12 : memref<!tpu.dma_semaphore, #tpu.memory_space<semaphore_mem>>) {add = true}
    }
    %scan3A_20 = arith.constant 25 : i32
    %dma_wait3A = arith.constant 0 : i32
    %dma_wait3A_21 = arith.constant 0 : i32
    %dma_wait3A_22 = arith.constant 0 : i32
    %dma_wait3A_23 = arith.constant 0 : i32
    %dma_wait3A_24 = tpu.memref_slice %arg9[%dma_wait3A, %dma_wait3A_22, %dma_wait3A_23] : memref<5x40x128xf32, #tpu.memory_space<vmem>> -> memref<1x40x128xf32, #tpu.memory_space<vmem>>
    %dma_wait3A_25 = tpu.memref_squeeze %dma_wait3A_24 : memref<1x40x128xf32, #tpu.memory_space<vmem>> -> memref<40x128xf32, #tpu.memory_space<vmem>>
    %dma_wait3A_26 = arith.constant 0 : i32
    %dma_wait3A_27 = tpu.memref_slice %arg8[%dma_wait3A_21, %dma_wait3A_26] : memref<5x40xi32, #tpu.memory_space<vmem>> -> memref<1x40xi32, #tpu.memory_space<vmem>>
    %dma_wait3A_28 = tpu.memref_squeeze %dma_wait3A_27 : memref<1x40xi32, #tpu.memory_space<vmem>> -> memref<40xi32, #tpu.memory_space<vmem>>
    %dma_wait3A_29 = arith.constant 0 : i32
    %dma_wait3A_30 = arith.constant 0 : i32
    %dma_wait3A_31 = tpu.memref_slice %arg10[%dma_wait3A_29, %dma_wait3A_30] : memref<10240x128xf32, #tpu.memory_space<vmem_shared>> -> memref<10240x128xf32, #tpu.memory_space<vmem_shared>>
    tpu.wait_indirect_dma semaphore(%arg12 : memref<!tpu.dma_semaphore, #tpu.memory_space<semaphore_mem>>) src(%dma_wait3A_25 : memref<40x128xf32, #tpu.memory_space<vmem>>) dst(%dma_wait3A_31 : memref<10240x128xf32, #tpu.memory_space<vmem_shared>>)
    %dma_wait3A_32 = arith.constant 1 : i32
    %dma_wait3A_33 = arith.constant 1 : i32
    %dma_wait3A_34 = arith.constant 0 : i32
    %dma_wait3A_35 = arith.constant 0 : i32
    %dma_wait3A_36 = tpu.memref_slice %arg9[%dma_wait3A_32, %dma_wait3A_34, %dma_wait3A_35] : memref<5x40x128xf32, #tpu.memory_space<vmem>> -> memref<1x40x128xf32, #tpu.memory_space<vmem>>
    %dma_wait3A_37 = tpu.memref_squeeze %dma_wait3A_36 : memref<1x40x128xf32, #tpu.memory_space<vmem>> -> memref<40x128xf32, #tpu.memory_space<vmem>>
    %dma_wait3A_38 = arith.constant 0 : i32
    %dma_wait3A_39 = tpu.memref_slice %arg8[%dma_wait3A_33, %dma_wait3A_38] : memref<5x40xi32, #tpu.memory_space<vmem>> -> memref<1x40xi32, #tpu.memory_space<vmem>>
    %dma_wait3A_40 = tpu.memref_squeeze %dma_wait3A_39 : memref<1x40xi32, #tpu.memory_space<vmem>> -> memref<40xi32, #tpu.memory_space<vmem>>
    %dma_wait3A_41 = arith.constant 0 : i32
    %dma_wait3A_42 = arith.constant 0 : i32
    %dma_wait3A_43 = tpu.memref_slice %arg10[%dma_wait3A_41, %dma_wait3A_42] : memref<10240x128xf32, #tpu.memory_space<vmem_shared>> -> memref<10240x128xf32, #tpu.memory_space<vmem_shared>>
    tpu.wait_indirect_dma semaphore(%arg12 : memref<!tpu.dma_semaphore, #tpu.memory_space<semaphore_mem>>) src(%dma_wait3A_37 : memref<40x128xf32, #tpu.memory_space<vmem>>) dst(%dma_wait3A_43 : memref<10240x128xf32, #tpu.memory_space<vmem_shared>>)
    %dma_wait3A_44 = arith.constant 2 : i32
    %dma_wait3A_45 = arith.constant 2 : i32
    %dma_wait3A_46 = arith.constant 0 : i32
    %dma_wait3A_47 = arith.constant 0 : i32
    %dma_wait3A_48 = tpu.memref_slice %arg9[%dma_wait3A_44, %dma_wait3A_46, %dma_wait3A_47] : memref<5x40x128xf32, #tpu.memory_space<vmem>> -> memref<1x40x128xf32, #tpu.memory_space<vmem>>
    %dma_wait3A_49 = tpu.memref_squeeze %dma_wait3A_48 : memref<1x40x128xf32, #tpu.memory_space<vmem>> -> memref<40x128xf32, #tpu.memory_space<vmem>>
    %dma_wait3A_50 = arith.constant 0 : i32
    %dma_wait3A_51 = tpu.memref_slice %arg8[%dma_wait3A_45, %dma_wait3A_50] : memref<5x40xi32, #tpu.memory_space<vmem>> -> memref<1x40xi32, #tpu.memory_space<vmem>>
    %dma_wait3A_52 = tpu.memref_squeeze %dma_wait3A_51 : memref<1x40xi32, #tpu.memory_space<vmem>> -> memref<40xi32, #tpu.memory_space<vmem>>
    %dma_wait3A_53 = arith.constant 0 : i32
    %dma_wait3A_54 = arith.constant 0 : i32
    %dma_wait3A_55 = tpu.memref_slice %arg10[%dma_wait3A_53, %dma_wait3A_54] : memref<10240x128xf32, #tpu.memory_space<vmem_shared>> -> memref<10240x128xf32, #tpu.memory_space<vmem_shared>>
    tpu.wait_indirect_dma semaphore(%arg12 : memref<!tpu.dma_semaphore, #tpu.memory_space<semaphore_mem>>) src(%dma_wait3A_49 : memref<40x128xf32, #tpu.memory_space<vmem>>) dst(%dma_wait3A_55 : memref<10240x128xf32, #tpu.memory_space<vmem_shared>>)
    %dma_wait3A_56 = arith.constant 3 : i32
    %dma_wait3A_57 = arith.constant 3 : i32
    %dma_wait3A_58 = arith.constant 0 : i32
    %dma_wait3A_59 = arith.constant 0 : i32
    %dma_wait3A_60 = tpu.memref_slice %arg9[%dma_wait3A_56, %dma_wait3A_58, %dma_wait3A_59] : memref<5x40x128xf32, #tpu.memory_space<vmem>> -> memref<1x40x128xf32, #tpu.memory_space<vmem>>
    %dma_wait3A_61 = tpu.memref_squeeze %dma_wait3A_60 : memref<1x40x128xf32, #tpu.memory_space<vmem>> -> memref<40x128xf32, #tpu.memory_space<vmem>>
    %dma_wait3A_62 = arith.constant 0 : i32
    %dma_wait3A_63 = tpu.memref_slice %arg8[%dma_wait3A_57, %dma_wait3A_62] : memref<5x40xi32, #tpu.memory_space<vmem>> -> memref<1x40xi32, #tpu.memory_space<vmem>>
    %dma_wait3A_64 = tpu.memref_squeeze %dma_wait3A_63 : memref<1x40xi32, #tpu.memory_space<vmem>> -> memref<40xi32, #tpu.memory_space<vmem>>
    %dma_wait3A_65 = arith.constant 0 : i32
    %dma_wait3A_66 = arith.constant 0 : i32
    %dma_wait3A_67 = tpu.memref_slice %arg10[%dma_wait3A_65, %dma_wait3A_66] : memref<10240x128xf32, #tpu.memory_space<vmem_shared>> -> memref<10240x128xf32, #tpu.memory_space<vmem_shared>>
    tpu.wait_indirect_dma semaphore(%arg12 : memref<!tpu.dma_semaphore, #tpu.memory_space<semaphore_mem>>) src(%dma_wait3A_61 : memref<40x128xf32, #tpu.memory_space<vmem>>) dst(%dma_wait3A_67 : memref<10240x128xf32, #tpu.memory_space<vmem_shared>>)
    %dma_wait3A_68 = arith.constant 4 : i32
    %dma_wait3A_69 = arith.constant 4 : i32
    %dma_wait3A_70 = arith.constant 0 : i32
    %dma_wait3A_71 = arith.constant 0 : i32
    %dma_wait3A_72 = tpu.memref_slice %arg9[%dma_wait3A_68, %dma_wait3A_70, %dma_wait3A_71] : memref<5x40x128xf32, #tpu.memory_space<vmem>> -> memref<1x40x128xf32, #tpu.memory_space<vmem>>
    %dma_wait3A_73 = tpu.memref_squeeze %dma_wait3A_72 : memref<1x40x128xf32, #tpu.memory_space<vmem>> -> memref<40x128xf32, #tpu.memory_space<vmem>>
    %dma_wait3A_74 = arith.constant 0 : i32
    %dma_wait3A_75 = tpu.memref_slice %arg8[%dma_wait3A_69, %dma_wait3A_74] : memref<5x40xi32, #tpu.memory_space<vmem>> -> memref<1x40xi32, #tpu.memory_space<vmem>>
    %dma_wait3A_76 = tpu.memref_squeeze %dma_wait3A_75 : memref<1x40xi32, #tpu.memory_space<vmem>> -> memref<40xi32, #tpu.memory_space<vmem>>
    %dma_wait3A_77 = arith.constant 0 : i32
    %dma_wait3A_78 = arith.constant 0 : i32
    %dma_wait3A_79 = tpu.memref_slice %arg10[%dma_wait3A_77, %dma_wait3A_78] : memref<10240x128xf32, #tpu.memory_space<vmem_shared>> -> memref<10240x128xf32, #tpu.memory_space<vmem_shared>>
    tpu.wait_indirect_dma semaphore(%arg12 : memref<!tpu.dma_semaphore, #tpu.memory_space<semaphore_mem>>) src(%dma_wait3A_73 : memref<40x128xf32, #tpu.memory_space<vmem>>) dst(%dma_wait3A_79 : memref<10240x128xf32, #tpu.memory_space<vmem_shared>>)
    %barrier3A_80 = arith.constant 0 : index
    tpu.barrier barrier_id(%barrier3A_80)
    %scan3A_81 = arith.constant 0 : i32
    %scan3A_82 = arith.constant 0 : i32
    %scan3A_83 = arith.constant 16 : i32
    %scan3A_84 = arith.addi %scan3A_82, %scan3A_83 : i32
    %scan3A_85 = arith.constant 1 : i32
    scf.for %scan3A_87 = %scan3A_82 to %scan3A_84 step %scan3A_85  : i32 {
      %mul3A_88 = arith.constant 40 : i32
      %mul3A_89 = arith.muli %scan3A_87, %mul3A_88 : i32
      %add3A_90 = arith.addi %mul3A_8, %mul3A_89 : i32
      %run_scoped3A = arith.constant 0 : i32
      "tpu.region"() ({
        %run_scoped3A_92 = tpu.sem_alloc : memref<!tpu.dma_semaphore, #tpu.memory_space<semaphore_mem>>
        %dma_start3A = arith.constant 0 : i32
        %dma_start3A_93 = arith.constant 0 : i32
        %dma_start3A_94 = tpu.memref_slice %arg9[%run_scoped3A, %dma_start3A, %dma_start3A_93] : memref<5x40x128xf32, #tpu.memory_space<vmem>> -> memref<1x40x128xf32, #tpu.memory_space<vmem>>
        %dma_start3A_95 = tpu.memref_squeeze %dma_start3A_94 : memref<1x40x128xf32, #tpu.memory_space<vmem>> -> memref<40x128xf32, #tpu.memory_space<vmem>>
        %dma_start3A_96 = arith.constant 0 : i32
        %dma_start3A_97 = tpu.memref_slice %arg10[%add3A_90, %dma_start3A_96] : memref<10240x128xf32, #tpu.memory_space<vmem_shared>> -> memref<40x128xf32, #tpu.memory_space<vmem_shared>>
        %dma_start3A_98 = arith.constant 0 : i32
        %dma_start3A_99 = arith.constant 0 : i32
        %dma_start3A_100 = tpu.memref_slice %arg9[%run_scoped3A, %dma_start3A_98, %dma_start3A_99] : memref<5x40x128xf32, #tpu.memory_space<vmem>> -> memref<1x40x128xf32, #tpu.memory_space<vmem>>
        %dma_start3A_101 = tpu.memref_squeeze %dma_start3A_100 : memref<1x40x128xf32, #tpu.memory_space<vmem>> -> memref<40x128xf32, #tpu.memory_space<vmem>>
        %dma_start3A_102 = arith.constant 0 : i32
        %dma_start3A_103 = tpu.memref_slice %arg10[%add3A_90, %dma_start3A_102] : memref<10240x128xf32, #tpu.memory_space<vmem_shared>> -> memref<40x128xf32, #tpu.memory_space<vmem_shared>>
        tpu.enqueue_dma source(%dma_start3A_103 : memref<40x128xf32, #tpu.memory_space<vmem_shared>>) target(%dma_start3A_101 : memref<40x128xf32, #tpu.memory_space<vmem>>) target_semaphore(%run_scoped3A_92 : memref<!tpu.dma_semaphore, #tpu.memory_space<semaphore_mem>>)
        %dma_wait3A_104 = arith.constant 0 : i32
        %dma_wait3A_105 = arith.constant 0 : i32
        %dma_wait3A_106 = tpu.memref_slice %arg9[%run_scoped3A, %dma_wait3A_104, %dma_wait3A_105] : memref<5x40x128xf32, #tpu.memory_space<vmem>> -> memref<1x40x128xf32, #tpu.memory_space<vmem>>
        %dma_wait3A_107 = tpu.memref_squeeze %dma_wait3A_106 : memref<1x40x128xf32, #tpu.memory_space<vmem>> -> memref<40x128xf32, #tpu.memory_space<vmem>>
        %dma_wait3A_108 = arith.constant 0 : i32
        %dma_wait3A_109 = tpu.memref_slice %arg10[%add3A_90, %dma_wait3A_108] : memref<10240x128xf32, #tpu.memory_space<vmem_shared>> -> memref<40x128xf32, #tpu.memory_space<vmem_shared>>
        %dma_wait3A_110 = arith.constant 0 : i32
        %dma_wait3A_111 = arith.constant 0 : i32
        %dma_wait3A_112 = tpu.memref_slice %arg9[%run_scoped3A, %dma_wait3A_110, %dma_wait3A_111] : memref<5x40x128xf32, #tpu.memory_space<vmem>> -> memref<1x40x128xf32, #tpu.memory_space<vmem>>
        %dma_wait3A_113 = tpu.memref_squeeze %dma_wait3A_112 : memref<1x40x128xf32, #tpu.memory_space<vmem>> -> memref<40x128xf32, #tpu.memory_space<vmem>>
        %dma_wait3A_114 = arith.constant 0 : i32
        %dma_wait3A_115 = tpu.memref_slice %arg10[%add3A_90, %dma_wait3A_114] : memref<10240x128xf32, #tpu.memory_space<vmem_shared>> -> memref<40x128xf32, #tpu.memory_space<vmem_shared>>
        tpu.wait_dma2 semaphore(%run_scoped3A_92 : memref<!tpu.dma_semaphore, #tpu.memory_space<semaphore_mem>>) src(%dma_wait3A_115 : memref<40x128xf32, #tpu.memory_space<vmem_shared>>) dst(%dma_wait3A_113 : memref<40x128xf32, #tpu.memory_space<vmem>>)
        tpu.yield
      }) : () -> ()
      %run_scoped3A_91 = arith.constant 0 : i32
      "tpu.region"() ({
        %run_scoped3A_92 = tpu.sem_alloc : memref<!tpu.dma_semaphore, #tpu.memory_space<semaphore_mem>>
        %dma_start3A = arith.constant 0 : i32
        %dma_start3A_93 = arith.constant 0 : i32
        %dma_start3A_94 = tpu.memref_slice %arg9[%run_scoped3A_91, %dma_start3A, %dma_start3A_93] : memref<5x40x128xf32, #tpu.memory_space<vmem>> -> memref<1x40x128xf32, #tpu.memory_space<vmem>>
        %dma_start3A_95 = tpu.memref_squeeze %dma_start3A_94 : memref<1x40x128xf32, #tpu.memory_space<vmem>> -> memref<40x128xf32, #tpu.memory_space<vmem>>
        %dma_start3A_96 = arith.constant 0 : i32
        %dma_start3A_97 = tpu.memref_slice %arg5[%arg0, %add3A_90, %dma_start3A_96] : memref<2x10240x128xf32, #tpu.memory_space<hbm>> -> memref<1x40x128xf32, #tpu.memory_space<hbm>>
        %dma_start3A_98 = tpu.memref_squeeze %dma_start3A_97 : memref<1x40x128xf32, #tpu.memory_space<hbm>> -> memref<40x128xf32, #tpu.memory_space<hbm>>
        %dma_start3A_99 = arith.constant 0 : i32
        %dma_start3A_100 = tpu.memref_slice %arg5[%arg0, %add3A_90, %dma_start3A_99] : memref<2x10240x128xf32, #tpu.memory_space<hbm>> -> memref<1x40x128xf32, #tpu.memory_space<hbm>>
        %dma_start3A_101 = tpu.memref_squeeze %dma_start3A_100 : memref<1x40x128xf32, #tpu.memory_space<hbm>> -> memref<40x128xf32, #tpu.memory_space<hbm>>
        %dma_start3A_102 = arith.constant 0 : i32
        %dma_start3A_103 = arith.constant 0 : i32
        %dma_start3A_104 = tpu.memref_slice %arg9[%run_scoped3A_91, %dma_start3A_102, %dma_start3A_103] : memref<5x40x128xf32, #tpu.memory_space<vmem>> -> memref<1x40x128xf32, #tpu.memory_space<vmem>>
        %dma_start3A_105 = tpu.memref_squeeze %dma_start3A_104 : memref<1x40x128xf32, #tpu.memory_space<vmem>> -> memref<40x128xf32, #tpu.memory_space<vmem>>
        tpu.enqueue_dma source(%dma_start3A_105 : memref<40x128xf32, #tpu.memory_space<vmem>>) target(%dma_start3A_101 : memref<40x128xf32, #tpu.memory_space<hbm>>) target_semaphore(%run_scoped3A_92 : memref<!tpu.dma_semaphore, #tpu.memory_space<semaphore_mem>>)
        %dma_wait3A_106 = arith.constant 0 : i32
        %dma_wait3A_107 = arith.constant 0 : i32
        %dma_wait3A_108 = tpu.memref_slice %arg9[%run_scoped3A_91, %dma_wait3A_106, %dma_wait3A_107] : memref<5x40x128xf32, #tpu.memory_space<vmem>> -> memref<1x40x128xf32, #tpu.memory_space<vmem>>
        %dma_wait3A_109 = tpu.memref_squeeze %dma_wait3A_108 : memref<1x40x128xf32, #tpu.memory_space<vmem>> -> memref<40x128xf32, #tpu.memory_space<vmem>>
        %dma_wait3A_110 = arith.constant 0 : i32
        %dma_wait3A_111 = tpu.memref_slice %arg5[%arg0, %add3A_90, %dma_wait3A_110] : memref<2x10240x128xf32, #tpu.memory_space<hbm>> -> memref<1x40x128xf32, #tpu.memory_space<hbm>>
        %dma_wait3A_112 = tpu.memref_squeeze %dma_wait3A_111 : memref<1x40x128xf32, #tpu.memory_space<hbm>> -> memref<40x128xf32, #tpu.memory_space<hbm>>
        %dma_wait3A_113 = arith.constant 0 : i32
        %dma_wait3A_114 = tpu.memref_slice %arg5[%arg0, %add3A_90, %dma_wait3A_113] : memref<2x10240x128xf32, #tpu.memory_space<hbm>> -> memref<1x40x128xf32, #tpu.memory_space<hbm>>
        %dma_wait3A_115 = tpu.memref_squeeze %dma_wait3A_114 : memref<1x40x128xf32, #tpu.memory_space<hbm>> -> memref<40x128xf32, #tpu.memory_space<hbm>>
        %dma_wait3A_116 = arith.constant 0 : i32
        %dma_wait3A_117 = arith.constant 0 : i32
        %dma_wait3A_118 = tpu.memref_slice %arg9[%run_scoped3A_91, %dma_wait3A_116, %dma_wait3A_117] : memref<5x40x128xf32, #tpu.memory_space<vmem>> -> memref<1x40x128xf32, #tpu.memory_space<vmem>>
        %dma_wait3A_119 = tpu.memref_squeeze %dma_wait3A_118 : memref<1x40x128xf32, #tpu.memory_space<vmem>> -> memref<40x128xf32, #tpu.memory_space<vmem>>
        tpu.wait_dma2 semaphore(%run_scoped3A_92 : memref<!tpu.dma_semaphore, #tpu.memory_space<semaphore_mem>>) src(%dma_wait3A_119 : memref<40x128xf32, #tpu.memory_space<vmem>>) dst(%dma_wait3A_115 : memref<40x128xf32, #tpu.memory_space<hbm>>)
        tpu.yield
      }) : () -> ()
    }
    %scan3A_86 = arith.constant 16 : i32
    return
  }
}

#map = affine_map<(d0, d1) -> (0, 0)>
module attributes {stable_mosaic.version = 14 : i64} {
  func.func @body(%arg0: i32, %arg1: i32, %arg2: memref<32x10000xi32, #tpu.memory_space<hbm>>, %arg3: memref<32x10240xf32, #tpu.memory_space<hbm>>, %arg4: memref<10000xi32, #tpu.memory_space<vmem>>, %arg5: memref<10240xf32, #tpu.memory_space<vmem>>) attributes {dimension_semantics = [#tpu.dimension_semantics<core_parallel>, #tpu.dimension_semantics<subcore_parallel>], iteration_bounds = array<i64: 2, 16>, scalar_prefetch = 0 : i64, scratch_operands = 2 : i64, tpu.core_type = #tpu.core_type<sc_vector_subcore>, window_params = [{transform_indices = #map}, {transform_indices = #map}]} {
    %mul3A = arith.constant 16 : i32
    %mul3A_0 = arith.muli %arg0, %mul3A : i32
    %add3A = arith.addi %mul3A_0, %arg1 : i32
    "tpu.region"() ({
      %run_scoped3A = tpu.sem_alloc : memref<!tpu.dma_semaphore, #tpu.memory_space<semaphore_mem>>
      %dma_start3A = arith.constant 0 : i32
      %dma_start3A_15 = tpu.memref_slice %arg2[%add3A, %dma_start3A] : memref<32x10000xi32, #tpu.memory_space<hbm>> -> memref<1x10000xi32, #tpu.memory_space<hbm>>
      %dma_start3A_16 = tpu.memref_squeeze %dma_start3A_15 : memref<1x10000xi32, #tpu.memory_space<hbm>> -> memref<10000xi32, #tpu.memory_space<hbm>>
      %dma_start3A_17 = arith.constant 0 : i32
      %dma_start3A_18 = tpu.memref_slice %arg2[%add3A, %dma_start3A_17] : memref<32x10000xi32, #tpu.memory_space<hbm>> -> memref<1x10000xi32, #tpu.memory_space<hbm>>
      %dma_start3A_19 = tpu.memref_squeeze %dma_start3A_18 : memref<1x10000xi32, #tpu.memory_space<hbm>> -> memref<10000xi32, #tpu.memory_space<hbm>>
      tpu.enqueue_dma source(%dma_start3A_19 : memref<10000xi32, #tpu.memory_space<hbm>>) target(%arg4 : memref<10000xi32, #tpu.memory_space<vmem>>) target_semaphore(%run_scoped3A : memref<!tpu.dma_semaphore, #tpu.memory_space<semaphore_mem>>)
      %dma_wait3A = arith.constant 0 : i32
      %dma_wait3A_20 = tpu.memref_slice %arg2[%add3A, %dma_wait3A] : memref<32x10000xi32, #tpu.memory_space<hbm>> -> memref<1x10000xi32, #tpu.memory_space<hbm>>
      %dma_wait3A_21 = tpu.memref_squeeze %dma_wait3A_20 : memref<1x10000xi32, #tpu.memory_space<hbm>> -> memref<10000xi32, #tpu.memory_space<hbm>>
      %dma_wait3A_22 = arith.constant 0 : i32
      %dma_wait3A_23 = tpu.memref_slice %arg2[%add3A, %dma_wait3A_22] : memref<32x10000xi32, #tpu.memory_space<hbm>> -> memref<1x10000xi32, #tpu.memory_space<hbm>>
      %dma_wait3A_24 = tpu.memref_squeeze %dma_wait3A_23 : memref<1x10000xi32, #tpu.memory_space<hbm>> -> memref<10000xi32, #tpu.memory_space<hbm>>
      tpu.wait_dma2 semaphore(%run_scoped3A : memref<!tpu.dma_semaphore, #tpu.memory_space<semaphore_mem>>) src(%dma_wait3A_24 : memref<10000xi32, #tpu.memory_space<hbm>>) dst(%arg4 : memref<10000xi32, #tpu.memory_space<vmem>>)
      tpu.yield
    }) : () -> ()
    %broadcast_in_dim3A = arith.constant 0.000000e+00 : f32
    %broadcast_in_dim3A_1 = vector.broadcast %broadcast_in_dim3A : f32 to vector<16xf32>
    %broadcast_in_dim3A_2 = arith.constant 1.000000e+00 : f32
    %broadcast_in_dim3A_3 = vector.broadcast %broadcast_in_dim3A_2 : f32 to vector<16xf32>
    %scan3A = arith.constant 0 : i32
    %scan3A_4 = arith.constant 0 : i32
    %scan3A_5 = arith.constant 640 : i32
    %scan3A_6 = arith.addi %scan3A_4, %scan3A_5 : i32
    %scan3A_7 = arith.constant 1 : i32
    scf.for %scan3A_15 = %scan3A_4 to %scan3A_6 step %scan3A_7  : i32 {
      %mul3A_16 = arith.constant 16 : i32
      %mul3A_17 = arith.muli %scan3A_15, %mul3A_16 : i32
      %swap3A = arith.index_cast %mul3A_17 : i32 to index
      %swap3A_18 = tpu.vector_load %arg5[%swap3A] {strides = array<i32>} : memref<10240xf32, #tpu.memory_space<vmem>>, vector<16xf32>,
      tpu.vector_store %arg5[%swap3A], %broadcast_in_dim3A_1 {strides = array<i32>} : memref<10240xf32, #tpu.memory_space<vmem>>, vector<16xf32>,
    }
    %scan3A_8 = arith.constant 640 : i32
    %scan3A_9 = arith.constant 0 : i32
    %scan3A_10 = arith.constant 0 : i32
    %scan3A_11 = arith.constant 625 : i32
    %scan3A_12 = arith.addi %scan3A_10, %scan3A_11 : i32
    %scan3A_13 = arith.constant 1 : i32
    scf.for %scan3A_15 = %scan3A_10 to %scan3A_12 step %scan3A_13  : i32 {
      %mul3A_16 = arith.constant 16 : i32
      %mul3A_17 = arith.muli %scan3A_15, %mul3A_16 : i32
      %get3A = arith.index_cast %mul3A_17 : i32 to index
      %get3A_18 = tpu.vector_load %arg4[%get3A] {strides = array<i32>} : memref<10000xi32, #tpu.memory_space<vmem>>, vector<16xi32>,
      tpu.vector_store_idx %arg5[%get3A_18], %broadcast_in_dim3A_3 {add = true} : memref<10240xf32, #tpu.memory_space<vmem>>[vector<16xi32>], vector<16xf32>,
    }
    %scan3A_14 = arith.constant 625 : i32
    "tpu.region"() ({
      %run_scoped3A = tpu.sem_alloc : memref<!tpu.dma_semaphore, #tpu.memory_space<semaphore_mem>>
      %dma_start3A = arith.constant 0 : i32
      %dma_start3A_15 = tpu.memref_slice %arg3[%add3A, %dma_start3A] : memref<32x10240xf32, #tpu.memory_space<hbm>> -> memref<1x10240xf32, #tpu.memory_space<hbm>>
      %dma_start3A_16 = tpu.memref_squeeze %dma_start3A_15 : memref<1x10240xf32, #tpu.memory_space<hbm>> -> memref<10240xf32, #tpu.memory_space<hbm>>
      %dma_start3A_17 = arith.constant 0 : i32
      %dma_start3A_18 = tpu.memref_slice %arg3[%add3A, %dma_start3A_17] : memref<32x10240xf32, #tpu.memory_space<hbm>> -> memref<1x10240xf32, #tpu.memory_space<hbm>>
      %dma_start3A_19 = tpu.memref_squeeze %dma_start3A_18 : memref<1x10240xf32, #tpu.memory_space<hbm>> -> memref<10240xf32, #tpu.memory_space<hbm>>
      tpu.enqueue_dma source(%arg5 : memref<10240xf32, #tpu.memory_space<vmem>>) target(%dma_start3A_19 : memref<10240xf32, #tpu.memory_space<hbm>>) target_semaphore(%run_scoped3A : memref<!tpu.dma_semaphore, #tpu.memory_space<semaphore_mem>>)
      %dma_wait3A = arith.constant 0 : i32
      %dma_wait3A_20 = tpu.memref_slice %arg3[%add3A, %dma_wait3A] : memref<32x10240xf32, #tpu.memory_space<hbm>> -> memref<1x10240xf32, #tpu.memory_space<hbm>>
      %dma_wait3A_21 = tpu.memref_squeeze %dma_wait3A_20 : memref<1x10240xf32, #tpu.memory_space<hbm>> -> memref<10240xf32, #tpu.memory_space<hbm>>
      %dma_wait3A_22 = arith.constant 0 : i32
      %dma_wait3A_23 = tpu.memref_slice %arg3[%add3A, %dma_wait3A_22] : memref<32x10240xf32, #tpu.memory_space<hbm>> -> memref<1x10240xf32, #tpu.memory_space<hbm>>
      %dma_wait3A_24 = tpu.memref_squeeze %dma_wait3A_23 : memref<1x10240xf32, #tpu.memory_space<hbm>> -> memref<10240xf32, #tpu.memory_space<hbm>>
      tpu.wait_dma2 semaphore(%run_scoped3A : memref<!tpu.dma_semaphore, #tpu.memory_space<semaphore_mem>>) src(%arg5 : memref<10240xf32, #tpu.memory_space<vmem>>) dst(%dma_wait3A_24 : memref<10240xf32, #tpu.memory_space<hbm>>)
      tpu.yield
    }) : () -> ()
    return
  }
}

module attributes {stable_mosaic.version = 14 : i64} {
  func.func @tcb(%arg0: i32, %arg1: memref<1000x128xf32, #tpu.memory_space<vmem>>, %arg2: memref<1000x128xf32, #tpu.memory_space<vmem>>, %arg3: memref<1000x32xf32, #tpu.memory_space<vmem>>, %arg4: memref<1000x128xf32, #tpu.memory_space<vmem>>, %arg5: memref<128x128xf32, #tpu.memory_space<vmem>>, %arg6: memref<128x128xf32, #tpu.memory_space<vmem>>, %arg7: memref<1x128xf32, #tpu.memory_space<vmem>>, %arg8: memref<1000x128xf32, #tpu.memory_space<vmem>>) attributes {dimension_semantics = [#tpu.dimension_semantics<arbitrary>], iteration_bounds = array<i64: 10>, scalar_prefetch = 0 : i64, scratch_operands = 0 : i64, tpu.core_type = #tpu.core_type<tc>, window_params = [{transform_indices = @transform_0, window_bounds = array<i64: 1000, 128>}, {transform_indices = @transform_1, window_bounds = array<i64: 1000, 128>}, {transform_indices = @transform_2, window_bounds = array<i64: 1000, 32>}, {transform_indices = @transform_3, window_bounds = array<i64: 1000, 128>}, {pipeline_mode = #tpu.pipeline_mode<synchronous>, transform_indices = @transform_4, window_bounds = array<i64: 128, 128>}, {pipeline_mode = #tpu.pipeline_mode<synchronous>, transform_indices = @transform_5, window_bounds = array<i64: 128, 128>}, {pipeline_mode = #tpu.pipeline_mode<synchronous>, transform_indices = @transform_6, window_bounds = array<i64: 1, 128>}, {transform_indices = @transform_7, window_bounds = array<i64: 1000, 128>}]} {
    %get3A = arith.constant 0 : index
    %get3A_0 = arith.constant 0 : index
    %get3A_1 = vector.load %arg3[%get3A, %get3A_0] : memref<1000x32xf32, #tpu.memory_space<vmem>>, vector<1000x32xf32>
    %reduce_sum3A = arith.constant dense<0.000000e+00> : vector<1000xf32>
    %reduce_sum3A_2 = vector.multi_reduction <add>, %get3A_1, %reduce_sum3A [1] : vector<1000x32xf32> to vector<1000xf32>
    %broadcast_in_dim3A = vector.shape_cast %reduce_sum3A_2 : vector<1000xf32> to vector<1000x1xf32>
    %get3A_3 = arith.constant 0 : index
    %get3A_4 = arith.constant 0 : index
    %get3A_5 = vector.load %arg1[%get3A_3, %get3A_4] : memref<1000x128xf32, #tpu.memory_space<vmem>>, vector<1000x128xf32>
    %get3A_6 = arith.constant 0 : index
    %get3A_7 = arith.constant 0 : index
    %get3A_8 = vector.load %arg2[%get3A_6, %get3A_7] : memref<1000x128xf32, #tpu.memory_space<vmem>>, vector<1000x128xf32>
    %add3A = arith.addf %get3A_5, %get3A_8 : vector<1000x128xf32>
    %max3A = arith.constant 1.000000e+00 : f32
    %max3A_9 = vector.broadcast %max3A : f32 to vector<1000x1xf32>
    %max3A_10 = arith.maximumf %broadcast_in_dim3A, %max3A_9 : vector<1000x1xf32>
    %div3A = vector.broadcast %max3A_10 : vector<1000x1xf32> to vector<1000x128xf32>
    %div3A_11 = arith.divf %add3A, %div3A : vector<1000x128xf32>
    %get3A_12 = arith.constant 0 : index
    %get3A_13 = arith.constant 0 : index
    %get3A_14 = vector.load %arg5[%get3A_12, %get3A_13] : memref<128x128xf32, #tpu.memory_space<vmem>>, vector<128x128xf32>
    %dot_general3A = arith.constant dense<0.000000e+00> : vector<1000x128xf32>
    %dot_general3A_15 = tpu.matmul %div3A_11, %get3A_14, %dot_general3A {dimension_numbers = #tpu.dot_dimension_numbers<[1], [0], [0], [1], [0, 0, 1, 1], [], []>, transpose_lhs_hint = false} : vector<1000x128xf32>, vector<128x128xf32>, vector<1000x128xf32> -> vector<1000x128xf32>
    %get3A_16 = arith.constant 0 : index
    %get3A_17 = arith.constant 0 : index
    %get3A_18 = vector.load %arg4[%get3A_16, %get3A_17] : memref<1000x128xf32, #tpu.memory_space<vmem>>, vector<1000x128xf32>
    %get3A_19 = arith.constant 0 : index
    %get3A_20 = arith.constant 0 : index
    %get3A_21 = vector.load %arg6[%get3A_19, %get3A_20] : memref<128x128xf32, #tpu.memory_space<vmem>>, vector<128x128xf32>
    %dot_general3A_22 = arith.constant dense<0.000000e+00> : vector<1000x128xf32>
    %dot_general3A_23 = tpu.matmul %get3A_18, %get3A_21, %dot_general3A_22 {dimension_numbers = #tpu.dot_dimension_numbers<[1], [0], [0], [1], [0, 0, 1, 1], [], []>, transpose_lhs_hint = false} : vector<1000x128xf32>, vector<128x128xf32>, vector<1000x128xf32> -> vector<1000x128xf32>
    %add3A_24 = arith.addf %dot_general3A_15, %dot_general3A_23 : vector<1000x128xf32>
    %get3A_25 = arith.constant 0 : index
    %get3A_26 = arith.constant 0 : index
    %get3A_27 = vector.load %arg7[%get3A_25, %get3A_26] : memref<1x128xf32, #tpu.memory_space<vmem>>, vector<1x128xf32>
    %add3A_28 = vector.broadcast %get3A_27 : vector<1x128xf32> to vector<1000x128xf32>
    %add3A_29 = arith.addf %add3A_24, %add3A_28 : vector<1000x128xf32>
    %max3A_30 = arith.constant 0.000000e+00 : f32
    %max3A_31 = vector.broadcast %max3A_30 : f32 to vector<1000x128xf32>
    %max3A_32 = arith.maximumf %add3A_29, %max3A_31 : vector<1000x128xf32>
    %swap3A = arith.constant 0 : index
    %swap3A_33 = arith.constant 0 : index
    %swap3A_34 = vector.load %arg8[%swap3A, %swap3A_33] : memref<1000x128xf32, #tpu.memory_space<vmem>>, vector<1000x128xf32>
    tpu.vector_store %arg8[%swap3A, %swap3A_33], %max3A_32 {strides = array<i32>} : memref<1000x128xf32, #tpu.memory_space<vmem>>, vector<1000x128xf32>,
    return
  }
  func.func @transform_0(%arg0: i32) -> (i32, i32) {
    %c0_i32 = arith.constant 0 : i32
    %c0_i32_0 = arith.constant 0 : i32
    return %arg0, %c0_i32 : i32, i32
  }
  func.func @transform_1(%arg0: i32) -> (i32, i32) {
    %c0_i32 = arith.constant 0 : i32
    %c0_i32_0 = arith.constant 0 : i32
    return %arg0, %c0_i32 : i32, i32
  }
  func.func @transform_2(%arg0: i32) -> (i32, i32) {
    %c0_i32 = arith.constant 0 : i32
    %c0_i32_0 = arith.constant 0 : i32
    return %arg0, %c0_i32 : i32, i32
  }
  func.func @transform_3(%arg0: i32) -> (i32, i32) {
    %c0_i32 = arith.constant 0 : i32
    %c0_i32_0 = arith.constant 0 : i32
    return %arg0, %c0_i32 : i32, i32
  }
  func.func @transform_4(%arg0: i32) -> (i32, i32) {
    %c0_i32 = arith.constant 0 : i32
    %c0_i32_0 = arith.constant 0 : i32
    %c0_i32_1 = arith.constant 0 : i32
    return %c0_i32, %c0_i32_0 : i32, i32
  }
  func.func @transform_5(%arg0: i32) -> (i32, i32) {
    %c0_i32 = arith.constant 0 : i32
    %c0_i32_0 = arith.constant 0 : i32
    %c0_i32_1 = arith.constant 0 : i32
    return %c0_i32, %c0_i32_0 : i32, i32
  }
  func.func @transform_6(%arg0: i32) -> (i32, i32) {
    %c0_i32 = arith.constant 0 : i32
    %c0_i32_0 = arith.constant 0 : i32
    %c0_i32_1 = arith.constant 0 : i32
    return %c0_i32, %c0_i32_0 : i32, i32
  }
  func.func @transform_7(%arg0: i32) -> (i32, i32) {
    %c0_i32 = arith.constant 0 : i32
    %c0_i32_0 = arith.constant 0 : i32
    return %arg0, %c0_i32 : i32, i32
  }
}

module attributes {stable_mosaic.version = 14 : i64} {
  func.func @tcb(%arg0: i32, %arg1: memref<1000x128xf32, #tpu.memory_space<vmem>>, %arg2: memref<1000x128xf32, #tpu.memory_space<vmem>>, %arg3: memref<1000x32xf32, #tpu.memory_space<vmem>>, %arg4: memref<1000x128xf32, #tpu.memory_space<vmem>>, %arg5: memref<128x128xf32, #tpu.memory_space<vmem>>, %arg6: memref<128x128xf32, #tpu.memory_space<vmem>>, %arg7: memref<1x128xf32, #tpu.memory_space<vmem>>, %arg8: memref<128x128xf32, #tpu.memory_space<vmem>>, %arg9: memref<1x128xf32, #tpu.memory_space<vmem>>, %arg10: memref<1000x128xf32, #tpu.memory_space<vmem>>) attributes {dimension_semantics = [#tpu.dimension_semantics<arbitrary>], iteration_bounds = array<i64: 10>, scalar_prefetch = 0 : i64, scratch_operands = 0 : i64, tpu.core_type = #tpu.core_type<tc>, window_params = [{transform_indices = @transform_0, window_bounds = array<i64: 1000, 128>}, {transform_indices = @transform_1, window_bounds = array<i64: 1000, 128>}, {transform_indices = @transform_2, window_bounds = array<i64: 1000, 32>}, {transform_indices = @transform_3, window_bounds = array<i64: 1000, 128>}, {pipeline_mode = #tpu.pipeline_mode<synchronous>, transform_indices = @transform_4, window_bounds = array<i64: 128, 128>}, {pipeline_mode = #tpu.pipeline_mode<synchronous>, transform_indices = @transform_5, window_bounds = array<i64: 128, 128>}, {pipeline_mode = #tpu.pipeline_mode<synchronous>, transform_indices = @transform_6, window_bounds = array<i64: 1, 128>}, {pipeline_mode = #tpu.pipeline_mode<synchronous>, transform_indices = @transform_7, window_bounds = array<i64: 128, 128>}, {pipeline_mode = #tpu.pipeline_mode<synchronous>, transform_indices = @transform_8, window_bounds = array<i64: 1, 128>}, {transform_indices = @transform_9, window_bounds = array<i64: 1000, 128>}]} {
    %get3A = arith.constant 0 : index
    %get3A_0 = arith.constant 0 : index
    %get3A_1 = vector.load %arg3[%get3A, %get3A_0] : memref<1000x32xf32, #tpu.memory_space<vmem>>, vector<1000x32xf32>
    %reduce_sum3A = arith.constant dense<0.000000e+00> : vector<1000xf32>
    %reduce_sum3A_2 = vector.multi_reduction <add>, %get3A_1, %reduce_sum3A [1] : vector<1000x32xf32> to vector<1000xf32>
    %broadcast_in_dim3A = vector.shape_cast %reduce_sum3A_2 : vector<1000xf32> to vector<1000x1xf32>
    %get3A_3 = arith.constant 0 : index
    %get3A_4 = arith.constant 0 : index
    %get3A_5 = vector.load %arg1[%get3A_3, %get3A_4] : memref<1000x128xf32, #tpu.memory_space<vmem>>, vector<1000x128xf32>
    %get3A_6 = arith.constant 0 : index
    %get3A_7 = arith.constant 0 : index
    %get3A_8 = vector.load %arg2[%get3A_6, %get3A_7] : memref<1000x128xf32, #tpu.memory_space<vmem>>, vector<1000x128xf32>
    %add3A = arith.addf %get3A_5, %get3A_8 : vector<1000x128xf32>
    %max3A = arith.constant 1.000000e+00 : f32
    %max3A_9 = vector.broadcast %max3A : f32 to vector<1000x1xf32>
    %max3A_10 = arith.maximumf %broadcast_in_dim3A, %max3A_9 : vector<1000x1xf32>
    %div3A = vector.broadcast %max3A_10 : vector<1000x1xf32> to vector<1000x128xf32>
    %div3A_11 = arith.divf %add3A, %div3A : vector<1000x128xf32>
    %get3A_12 = arith.constant 0 : index
    %get3A_13 = arith.constant 0 : index
    %get3A_14 = vector.load %arg5[%get3A_12, %get3A_13] : memref<128x128xf32, #tpu.memory_space<vmem>>, vector<128x128xf32>
    %dot_general3A = arith.constant dense<0.000000e+00> : vector<1000x128xf32>
    %dot_general3A_15 = tpu.matmul %div3A_11, %get3A_14, %dot_general3A {dimension_numbers = #tpu.dot_dimension_numbers<[1], [0], [0], [1], [0, 0, 1, 1], [], []>, transpose_lhs_hint = false} : vector<1000x128xf32>, vector<128x128xf32>, vector<1000x128xf32> -> vector<1000x128xf32>
    %get3A_16 = arith.constant 0 : index
    %get3A_17 = arith.constant 0 : index
    %get3A_18 = vector.load %arg4[%get3A_16, %get3A_17] : memref<1000x128xf32, #tpu.memory_space<vmem>>, vector<1000x128xf32>
    %get3A_19 = arith.constant 0 : index
    %get3A_20 = arith.constant 0 : index
    %get3A_21 = vector.load %arg6[%get3A_19, %get3A_20] : memref<128x128xf32, #tpu.memory_space<vmem>>, vector<128x128xf32>
    %dot_general3A_22 = arith.constant dense<0.000000e+00> : vector<1000x128xf32>
    %dot_general3A_23 = tpu.matmul %get3A_18, %get3A_21, %dot_general3A_22 {dimension_numbers = #tpu.dot_dimension_numbers<[1], [0], [0], [1], [0, 0, 1, 1], [], []>, transpose_lhs_hint = false} : vector<1000x128xf32>, vector<128x128xf32>, vector<1000x128xf32> -> vector<1000x128xf32>
    %add3A_24 = arith.addf %dot_general3A_15, %dot_general3A_23 : vector<1000x128xf32>
    %get3A_25 = arith.constant 0 : index
    %get3A_26 = arith.constant 0 : index
    %get3A_27 = vector.load %arg7[%get3A_25, %get3A_26] : memref<1x128xf32, #tpu.memory_space<vmem>>, vector<1x128xf32>
    %add3A_28 = vector.broadcast %get3A_27 : vector<1x128xf32> to vector<1000x128xf32>
    %add3A_29 = arith.addf %add3A_24, %add3A_28 : vector<1000x128xf32>
    %max3A_30 = arith.constant 0.000000e+00 : f32
    %max3A_31 = vector.broadcast %max3A_30 : f32 to vector<1000x128xf32>
    %max3A_32 = arith.maximumf %add3A_29, %max3A_31 : vector<1000x128xf32>
    %get3A_33 = arith.constant 0 : index
    %get3A_34 = arith.constant 0 : index
    %get3A_35 = vector.load %arg8[%get3A_33, %get3A_34] : memref<128x128xf32, #tpu.memory_space<vmem>>, vector<128x128xf32>
    %dot_general3A_36 = arith.constant dense<0.000000e+00> : vector<1000x128xf32>
    %dot_general3A_37 = tpu.matmul %max3A_32, %get3A_35, %dot_general3A_36 {dimension_numbers = #tpu.dot_dimension_numbers<[1], [0], [0], [1], [0, 0, 1, 1], [], []>, transpose_lhs_hint = false} : vector<1000x128xf32>, vector<128x128xf32>, vector<1000x128xf32> -> vector<1000x128xf32>
    %get3A_38 = arith.constant 0 : index
    %get3A_39 = arith.constant 0 : index
    %get3A_40 = vector.load %arg9[%get3A_38, %get3A_39] : memref<1x128xf32, #tpu.memory_space<vmem>>, vector<1x128xf32>
    %add3A_41 = vector.broadcast %get3A_40 : vector<1x128xf32> to vector<1000x128xf32>
    %add3A_42 = arith.addf %dot_general3A_37, %add3A_41 : vector<1000x128xf32>
    %swap3A = arith.constant 0 : index
    %swap3A_43 = arith.constant 0 : index
    %swap3A_44 = vector.load %arg10[%swap3A, %swap3A_43] : memref<1000x128xf32, #tpu.memory_space<vmem>>, vector<1000x128xf32>
    tpu.vector_store %arg10[%swap3A, %swap3A_43], %add3A_42 {strides = array<i32>} : memref<1000x128xf32, #tpu.memory_space<vmem>>, vector<1000x128xf32>,
    return
  }
  func.func @transform_0(%arg0: i32) -> (i32, i32) {
    %c0_i32 = arith.constant 0 : i32
    %c0_i32_0 = arith.constant 0 : i32
    return %arg0, %c0_i32 : i32, i32
  }
  func.func @transform_1(%arg0: i32) -> (i32, i32) {
    %c0_i32 = arith.constant 0 : i32
    %c0_i32_0 = arith.constant 0 : i32
    return %arg0, %c0_i32 : i32, i32
  }
  func.func @transform_2(%arg0: i32) -> (i32, i32) {
    %c0_i32 = arith.constant 0 : i32
    %c0_i32_0 = arith.constant 0 : i32
    return %arg0, %c0_i32 : i32, i32
  }
  func.func @transform_3(%arg0: i32) -> (i32, i32) {
    %c0_i32 = arith.constant 0 : i32
    %c0_i32_0 = arith.constant 0 : i32
    return %arg0, %c0_i32 : i32, i32
  }
  func.func @transform_4(%arg0: i32) -> (i32, i32) {
    %c0_i32 = arith.constant 0 : i32
    %c0_i32_0 = arith.constant 0 : i32
    %c0_i32_1 = arith.constant 0 : i32
    return %c0_i32, %c0_i32_0 : i32, i32
  }
  func.func @transform_5(%arg0: i32) -> (i32, i32) {
    %c0_i32 = arith.constant 0 : i32
    %c0_i32_0 = arith.constant 0 : i32
    %c0_i32_1 = arith.constant 0 : i32
    return %c0_i32, %c0_i32_0 : i32, i32
  }
  func.func @transform_6(%arg0: i32) -> (i32, i32) {
    %c0_i32 = arith.constant 0 : i32
    %c0_i32_0 = arith.constant 0 : i32
    %c0_i32_1 = arith.constant 0 : i32
    return %c0_i32, %c0_i32_0 : i32, i32
  }
  func.func @transform_7(%arg0: i32) -> (i32, i32) {
    %c0_i32 = arith.constant 0 : i32
    %c0_i32_0 = arith.constant 0 : i32
    %c0_i32_1 = arith.constant 0 : i32
    return %c0_i32, %c0_i32_0 : i32, i32
  }
  func.func @transform_8(%arg0: i32) -> (i32, i32) {
    %c0_i32 = arith.constant 0 : i32
    %c0_i32_0 = arith.constant 0 : i32
    %c0_i32_1 = arith.constant 0 : i32
    return %c0_i32, %c0_i32_0 : i32, i32
  }
  func.func @transform_9(%arg0: i32) -> (i32, i32) {
    %c0_i32 = arith.constant 0 : i32
    %c0_i32_0 = arith.constant 0 : i32
    return %arg0, %c0_i32 : i32, i32
  }
}

</mosaic_0001>

<sc_bundles>
// kernel: kernel.12.cloned.1.call-start
scs
__scs_entry_jumppad:
0x0: {  	(pc) =	sbr.rel $0x88, $3  }
0x1: {  	(tag) =	ssettag $0x0;
	lr =	simm.s32 $0x1  }
0x2: {  	[smem:$0x3F94] =	sst lr;
	_ =	strace $0xD0000000  }
0x3: {  	_ = 	snop  }
0x4: {  	_ = 	snop  }
0x5: {  	_ = 	snop  }
0x6: {  	_ = 	snop  }
0x7: {  	_ = 	snop  }
__scs_overlays_trampoline_lowered:
0x8: {  	[smem:$0x3FA3] =	sst s0  }
0x9: {  	[smem:$0x3FA4] =	sst s1  }
0xa: {  	[smem:$0x3FA5] =	sst s2  }
0xb: {  	[smem:$0x3FA6] =	sst s3  }
0xc: {  	[smem:$0x3FA7] =	sst s4  }
0xd: {  	[smem:$0x3FA8] =	sst s5  }
0xe: {  	[smem:$0x3FA9] =	sst s6  }
0xf: {  	[smem:$0x3FAA] =	sst s7  }
0x10: {  	[smem:$0x3FAB] =	sst s8  }
0x11: {  	[smem:$0x3FAC] =	sst s9;
	s0 =	simm.s32 @!p0 $0x0  }
0x12: {  	s1 =	sld [smem:$0x3F92];
	s0 =	simm.s32 @p0 $0x1  }
0x13: {  	[smem:$0x3FAD] =	sst s0;
	s0 =	simm.s32 @!p1 $0x0  }
0x14: {  	s2 =	sld [smem:$0x3F91];
	s0 =	simm.s32 @p1 $0x1  }
0x15: {  	[smem:$0x3FAE] =	sst s0;
	s0 =	simm.s32 @!p2 $0x0  }
0x16: {  	s3 =	sld [smem:$0x3FDB];
	s0 =	simm.s32 @p2 $0x1  }
0x17: {  	s4 =	simm.s32 $0x1BF5;
	[smem:$0x3FB0] =	sst s0  }
0x18: {  	s0 =	sld [smem:$0x3F93];
	_ =	swait.ge [sflag:s4], $0x0  }
0x19: {  	s7 =	sld [smem:$0x3F94]  }
0x1a: {  	s8 =	sadd.s32 $0xFFFFE003, lr  }
0x1b: {  	s9 =	sadd.s32 $0xFFFFFEF7, lr;
	s5 =	simm.s32 $0xFFFFFFFF;
	p2 =	slt.u32 s8, $0xFFFFF086  }
0x1c: {  	p1 =	slt.u32 s9, $0xF7A;
	s5 =	simm.s32 @!p2 $0x0  }
0x1d: {  	s5 =	simm.s32 @p1 $0x1;
	p0 =	seq.s32 s7, s2  }
0x1e: {  	s7 =	smul.u32 @!p0 $0xF7A, s2;
	p2 =	seq.s32 @!p0 s5, $0x0  }
0x1f: {  	s9 =	smul.u32 $0xF7A, s1;
	s8 =	simm.s32 @!p0 $0x1BF5;
	p2 =	por !p2, p0  }
0x20: {  	[sflag:s8] =	ssyncset.s32 @!p0 $0xFFFFF086;
	s6 =	sadd.s32 @!p0 s3, s7;
	s7 =	simm.s32 @!p0 $0x108  }
0x21: {  	s3 =	sadd.s32 s3, s9;
	s6 =	sadd.s32 @!p0 $0x88, s6;
	s7 =	simm.s32 @p2 $0x1082  }
0x22: {  	[simem:s7], [sflag:s8] =	dma.local @!p0 [hbm:s6], $0xF7A  }
0x23: {  	s9 =	sor.u32 $0xD0000000, s2;
	s6 =	simm.s32 $0x108;
	_ =	swait.ge @!p0 [sflag:s8], $0x0  }
0x24: {  	s3 =	sadd.s32 $0x88, s3;
	s6 =	simm.s32 @!p1 $0x1082;
	[sflag:s4] =	ssyncset.s32 $0xFFFFF086  }
0x25: {  	[simem:s6], [sflag:s4] =	dma.local [hbm:s3], $0xF7A  }
0x26: {  	[smem:$0x3F94] =	sst s1;
	(tag) =	ssettag s2;
	_ =	strace s9  }
0x27: {  	s1 =	sld [smem:$0x3FA4]  }
0x28: {  	s2 =	sld [smem:$0x3FA5]  }
0x29: {  	s4 =	sld [smem:$0x3FA7]  }
0x2a: {  	p0 =	seq.s32 s5, $0x0;
	s5 =	sld [smem:$0x3FA8]  }
0x2b: {  	s6 =	sld [smem:$0x3FA9]  }
0x2c: {  	s7 =	sld [smem:$0x3FAA]  }
0x2d: {  	s3 =	simm.s32 $0x108;
	s8 =	sld [smem:$0x3FAB]  }
0x2e: {  	s3 =	simm.s32 @!p0 $0x1082;
	s9 =	sld [smem:$0x3FAC]  }
0x2f: {  	lr =	sadd.s32 s0, s3;
	s0 =	sld [smem:$0x3FA3]  }
0x30: {  	s3 =	sld [smem:$0x3FA6]  }
0x31: {  	[smem:$0x3FAF] =	sst s10  }
0x32: {  	s10 =	sld [smem:$0x3FAD];
	_ =	sdelay $0x3  }
0x33: {  	p0 =	seq.s32 s10, $0x1;
	s10 =	sld [smem:$0x3FAF];
	_ =	sdelay $0x3  }
0x34: {  	[smem:$0x3FAF] =	sst s10  }
0x35: {  	s10 =	sld [smem:$0x3FAE];
	_ =	sdelay $0x3  }
0x36: {  	p1 =	seq.s32 s10, $0x1;
	s10 =	sld [smem:$0x3FAF];
	_ =	sdelay $0x3  }
0x37: {  	[smem:$0x3FAF] =	sst s10  }
0x38: {  	s10 =	sld [smem:$0x3FB0]  }
0x39: {  	_ = 	snop;
	(pc) =	sbr.ind lr, $3  }
0x3a: {  	_ = 	snop  }
0x3b: {  	_ = 	snop  }
0x3c: {  	p2 =	seq.s32 s10, $0x1;
	s10 =	sld [smem:$0x3FAF]  }
0x3d: {  	_ =	shalt  }
0x3e: {  	_ =	shalt  }
0x3f: {  	_ =	shalt  }
0x40: {  	_ =	shalt  }
0x41: {  	_ =	shalt  }
0x42: {  	_ =	shalt  }
0x43: {  	_ =	shalt  }
0x44: {  	_ =	shalt  }
0x45: {  	_ =	shalt  }
0x46: {  	_ =	shalt  }
0x47: {  	_ =	shalt  }
0x48: {  	_ =	shalt  }
0x49: {  	_ =	shalt  }
0x4a: {  	_ =	shalt  }
0x4b: {  	_ =	shalt  }
0x4c: {  	_ =	shalt  }
0x4d: {  	_ =	shalt  }
0x4e: {  	_ =	shalt  }
0x4f: {  	_ =	shalt  }
0x50: {  	_ =	shalt  }
0x51: {  	_ =	shalt  }
0x52: {  	_ =	shalt  }
0x53: {  	_ =	shalt  }
0x54: {  	_ =	shalt  }
0x55: {  	_ =	shalt  }
0x56: {  	_ =	shalt  }
0x57: {  	_ =	shalt  }
0x58: {  	_ =	shalt  }
0x59: {  	_ =	shalt  }
0x5a: {  	_ =	shalt  }
0x5b: {  	_ =	shalt  }
0x5c: {  	_ =	shalt  }
0x5d: {  	_ =	shalt  }
0x5e: {  	_ =	shalt  }
0x5f: {  	_ =	shalt  }
0x60: {  	_ =	shalt  }
0x61: {  	_ =	shalt  }
0x62: {  	_ =	shalt  }
0x63: {  	_ =	shalt  }
0x64: {  	_ =	shalt  }
0x65: {  	_ =	shalt  }
0x66: {  	_ =	shalt  }
0x67: {  	_ =	shalt  }
0x68: {  	_ =	shalt  }
0x69: {  	_ =	shalt  }
0x6a: {  	_ =	shalt  }
0x6b: {  	_ =	shalt  }
0x6c: {  	_ =	shalt  }
0x6d: {  	_ =	shalt  }
0x6e: {  	_ =	shalt  }
0x6f: {  	_ =	shalt  }
0x70: {  	_ =	shalt  }
0x71: {  	_ =	shalt  }
0x72: {  	_ =	shalt  }
0x73: {  	_ =	shalt  }
0x74: {  	_ =	shalt  }
0x75: {  	_ =	shalt  }
0x76: {  	_ =	shalt  }
0x77: {  	_ =	shalt  }
0x78: {  	_ =	shalt  }
0x79: {  	_ =	shalt  }
0x7a: {  	_ =	shalt  }
0x7b: {  	_ =	shalt  }
0x7c: {  	_ =	shalt  }
0x7d: {  	_ =	shalt  }
0x7e: {  	_ =	shalt  }
0x7f: {  	_ =	shalt  }
0x80: {  	_ =	shalt  }
0x81: {  	_ =	shalt  }
0x82: {  	_ =	shalt  }
0x83: {  	_ =	shalt  }
0x84: {  	_ =	shalt  }
0x85: {  	_ =	shalt  }
0x86: {  	_ =	shalt  }
0x87: {  	_ =	shalt  }
.Lfunc_end0:
.L_simem_size_0:
called_computation.1_lowered:
.L_overlay_start_0:
0x88: {  	s2 =	sld [smem:$0x3FD9]  }
0x89: {  	s3 =	sld [smem:$0x3FFE];
	_ =	sdelay $0x1  }
0x8a: {  	s1 =	srdreg.scid  }
0x8b: {  	s0 =	sand.u32 $0x1, s1  }
0x8c: {  	s17 =	sshll.u32 s0, $0xA;
	s2 =	sadd.s32 s3, s2  }
0x8d: {  	s2 =	sadd.s32 s2, s17  }
0x8e: {  	[smem:$0x3FBB] =	sst s2  }
0x8f: {  	_ = 	snop  }
0x90: {  	s18 =	sld [smem:$0x3FC9];
	(tm) =	ssettm $0x1  }
0x91: {  	s19 =	sld [smem:$0x3FFB];
	_ =	sdelay $0x3  }
0x92: {  	_ =	strace s19  }
0x93: {  	s2 =	sld [smem:$0x3FFC];
	_ =	sdelay $0x3  }
0x94: {  	_ =	strace s2  }
0x95: {  	s2 =	sld [smem:$0x3FFD];
	_ =	sdelay $0x3  }
0x96: {  	_ =	strace s2  }
0x97: {  	_ =	strace $0x8FFFFFFF  }
0x98: {  	s20 =	sld [smem:$0x3FDB];
	_ =	sdelay $0x1  }
0x99: {  	s4 =	simm.s32 $_scs_section_size  }
0x9a: {  	s5 =	simm.s32 $_size__tile_overlayer_lowered;
	s6 =	simm.s32 $_tile_overlayer_lowered  }
0x9b: {  	s7 =	simm.s32 $0x1BFF;
	s21 =	sshll.u32 s6, $0x1;
	s4 =	sadd.s32 s4, s20  }
0x9c: {  	s22 =	simm.s32 $0x0;
	s5 =	sshll.u32 s5, $0x1;
	s6 =	sadd.s32 s21, s4  }
0x9d: {  	[timem:s22], [sflag:s7] =	dma.local [hbm:s6], s5  }
0x9e: {  	_ =	swait.ge [sflag:s7], s5  }
0x9f: {  	s5 =	ssub.s32 $0x0, s5;
	[sflag:s7] =	ssyncset.done $0x0  }
0xa0: {  	[sflag:s7] =	ssyncadd.s32 s5;
	_ =	sdelay $0x1  }
0xa1: {  	s23 =	simm.s32 $0x1B8B  }
0xa2: {  	_ =	swait.ge [sflag:s23], $0x1  }
0xa3: {  	[sflag:s23] =	ssyncset.done $0x0  }
0xa4: {  	[sflag:s23] =	ssyncadd.s32 $0xFFFFFFFF  }
0xa5: {  	s5 =	sld [smem:$0x0]  }
0xa6: {  	s6 =	sand.u32 $0xFFFFFFFE, s1  }
0xa7: {  	p0 =	sne.s32 s1, s6  }
0xa8: {  	s6 =	sshll.u32 @p0 s6, $0xE  }
0xa9: {  	s6 =	sadd.s32 @p0 $0x11B8D, s6;
	s7 =	sshll.u32 @p0 s5, $0x11  }
0xaa: {  	s6 =	sor.u32 @p0 s7, s6  }
0xab: {  	[sflag:s6] =	ssyncadd.remote.s32 @p0 $0x1;
	_ =	sdelay $0x1  }
0xac: {  	s6 =	simm.s32 @p0 $0x1B8D  }
0xad: {  	_ =	swait.eq @p0 [sflag:s6], $0x1  }
0xae: {  	[sflag:s6] =	ssyncadd.s32 @p0 $0xFFFFFFFF  }
0xaf: {  	s7 =	sshll.u32 @!p0 s1, $0xE  }
0xb0: {  	s7 =	sor.u32 @!p0 $0x4000, s7;
	s6 =	simm.s32 @!p0 $0x1B8D  }
0xb1: {  	s5 =	sshll.u32 @!p0 s5, $0x11;
	s7 =	sadd.s32 @!p0 $0x11B8D, s7;
	_ =	swait.eq @!p0 [sflag:s6], $0x1  }
0xb2: {  	s5 =	sor.u32 @!p0 s5, s7;
	[sflag:s6] =	ssyncadd.s32 @!p0 $0xFFFFFFFF  }
0xb3: {  	s25 =	simm.s32 $0x1B8E;
	s24 =	sld [smem:$0x3FFE];
	[sflag:s5] =	ssyncadd.remote.s32 @!p0 $0x1  }
0xb4: {  	s26 =	simm.s32 $execute0_lowered;
	[smem:$0x3FD2] =	sst s25  }
0xb5: {  	s6 =	sshll.u32 s26, $0x1;
	_ =	strace $0x80000049;
	[dreg:$0x1] =	wrdreg $0xFFFFFFFF  }
0xb6: {  	s28 =	simm.s32 $_size_execute0_lowered;
	s4 =	sadd.s32 s4, s6;
	[dreg:$0x0] =	wrdreg $0x0  }
0xb7: {  	s6 =	sshll.u32 s28, $0x1;
	[dreg:$0x2] =	wrdreg s4  }
0xb8: {  	[dreg:$0x3] =	wrdreg s6  }
0xb9: {  	[dreg:$0x4] =	wrdreg $0xC0  }
0xba: {  	_ =	task [dreg:s22], $0x5FFFF  }
0xbb: {  	[dreg:$0x1] =	wrdreg $0xFFFFFFFF  }
0xbc: {  	[dreg:$0x0] =	wrdreg $0x60  }
0xbd: {  	[dreg:$0x2] =	wrdreg s18  }
0xbe: {  	[dreg:$0x3] =	wrdreg s24  }
0xbf: {  	[dreg:$0x4] =	wrdreg $0x70000  }
0xc0: {  	[dreg:$0x5] =	wrdreg $0xA  }
0xc1: {  	_ =	task.clear_ibuf [dreg:s22], $0x6FFFF;
	_ =	strace $0x90000049  }
0xc2: {  	s29 =	simm.s32 $0xA;
	_ =	strace $0x8000004B  }
0xc3: {  	_ =	swait.ge [sflag:s29], $0x1  }
0xc4: {  	[sflag:s29] =	ssyncadd.s32 $0xFFFFFFFF  }
0xc5: {  	_ =	strace $0x9000004B  }
0xc6: {  	_ =	sfence  }
0xc7: {  	s30 =	sld [smem:$0x0];
	_ =	sdelay $0x2  }
0xc8: {  	s31 =	sshll.u32 s1, $0xD;
	s1 =	sshrl.u32 s1, $0x2  }
0xc9: {  	s4 =	sand.u32 $0x4000, s31;
	s1 =	sadd.s32 s1, s30  }
0xca: {  	s0 =	sor.u32 s4, s0;
	s1 =	sshll.u32 s1, $0x11  }
0xcb: {  	s0 =	sor.u32 s1, s0  }
0xcc: {  	s0 =	sadd.s32 $0x8F2B, s0  }
0xcd: {  	[sflag:s0] =	ssyncadd.remote.s32 $0x1  }
0xce: {  	_ =	sfence.sel $0xFFFF  }
0xcf: {  	[dreg:$0x0] =	wrdreg $0xFFFFFFFF;
	(pc) =	sbr.abs _section_cstart, $3  }
0xd0: {  	[dreg:$0x1] =	wrdreg $0xFFFFFFFF  }
0xd1: {  	_ =	task.clear_ibuf [dreg:s22], $0x2FFFF;
	_ =	strace $0x9FFFFFFF  }
0xd2: {  	(tm) =	ssettm $0x7FFFFFFF  }
0xd3: {  	_ =	shalt  }
tec
execute0_lowered:
.L_overlay_start_1:
0x0: {  	(tag) =	ssettag $0x1  }
0x1: {  	s1 =	rddreg [dreg:$0x0]  }
0x2: {  	s0 =	rddreg [dreg:$0x1]  }
0x3: {  	s2 =	rddreg [dreg:$0x2]  }
0x4: {  	s3 =	srdreg.scid;
	s4 =	simm.s32 $0x0;
	s10 =	stileid.u32  }
0x5: {  	s15 =	simm.s32 $0x480;
	s17 =	simm.s32 $0x500;
	s18 =	simm.s32 $0x580  }
0x6: {  	s3 =	sand.u32 $0x1, s3;
	[smem:$0x7FF] =	sst s4;
	s6 =	smul.u32 $0x14000, s10  }
0x7: {  	s7 =	sadd.s32 $0x3E800, s0;
	s8 =	smul.u32 $0x50000, s10;
	s9 =	sadd.s32 $0xC800, s0  }
0x8: {  	s5 =	smul.u32 $0x140000, s3;
	_ =	strace $0x8000004A;
	[dreg:$0x8] =	wrdreg s15  }
0x9: {  	s19 =	smul.u32 $0xC8000, s3;
	s3 =	ssub.s32 $0x2, s3;
	[dreg:$0x9] =	wrdreg s17  }
0xa: {  	s10 =	smul.u32 $0xC800, s10;
	[dreg:$0xa] =	wrdreg s18;
	s20 =	sshrl.u32 s3, $0x1  }
0xb: {  	s8 =	sshrl.u32 s8, $0x2;
	s5 =	sadd.s32 s6, s5;
	s3 =	ssub.s32 s3, s20  }
0xc: {  	s6 =	sadd.s32 s10, s19;
	s19 =	simm.s32 $0x600;
	s20 =	simm.s32 $0x80  }
0xd: {  	s5 =	sshrl.u32 s5, $0x3;
	s3 =	smax.u32 s3, $0x1;
	[dreg:$0xb] =	wrdreg s19  }
0xe: {  	s22 =	sor.u32 $0x400, s6;
	s6 =	sshrl.u32 s6, $0x3;
	[dreg:$0xc] =	wrdreg s20  }
0xf: {  	s0 =	sadd.s32 s5, s0;
	[dreg:$0x13] =	wrdreg s3;
	s11 =	sadd.s32 s6, s9  }
0x10: {  	s5 =	sadd.s32 s8, s2;
	s13 =	sadd.s32 s6, s7;
	[dreg:$0x6] =	wrdreg s11  }
0x11: {  	s3 =	sshrl.u32 s22, $0x3;
	s22 =	simm.s32 $0x180;
	[dreg:$0x7] =	wrdreg s13  }
0x12: {  	s21 =	sadd.s32 $0x1400, s5;
	[dreg:$0xe] =	wrdreg s22  }
0x13: {  	s28 =	simm.s32 $0x200;
	s8 =	sadd.s32 $0x2800, s5;
	[dreg:$0x14] =	wrdreg s21  }
0x14: {  	s29 =	simm.s32 $0x5C00;
	s23 =	sadd.s32 $0x3C00, s5;
	[dreg:$0x15] =	wrdreg s8  }
0x15: {  	s30 =	simm.s32 $0x1;
	s24 =	sadd.s32 $0x5000, s5;
	[dreg:$0x16] =	wrdreg s23  }
0x16: {  	s31 =	simm.s32 $0x2000;
	s25 =	sadd.s32 $0x6400, s5;
	[dreg:$0x17] =	wrdreg s24  }
0x17: {  	s6 =	simm.s32 $0x800;
	s26 =	sadd.s32 s3, s9;
	[dreg:$0x18] =	wrdreg s25  }
0x18: {  	s3 =	sadd.s32 s3, s7;
	s10 =	sadd.s32 $0x7800, s5;
	[dreg:$0x4] =	wrdreg s26  }
0x19: {  	s12 =	sadd.s32 $0x8C00, s5;
	s14 =	sadd.s32 $0xA000, s5;
	[dreg:$0x19] =	wrdreg s10  }
0x1a: {  	s16 =	sadd.s32 $0xB400, s5;
	s17 =	sadd.s32 $0xDC00, s5;
	[dreg:$0x5] =	wrdreg s3  }
0x1b: {  	s18 =	sadd.s32 $0xF000, s5;
	s19 =	sadd.s32 $0x10400, s5;
	[dreg:$0x1a] =	wrdreg s12  }
0x1c: {  	s20 =	sadd.s32 $0x11800, s5;
	s22 =	sadd.s32 $0x70800, s0;
	[dreg:$0x1b] =	wrdreg s14  }
0x1d: {  	s0 =	simm.s32 $0x3400;
	s7 =	simm.s32 $0x2;
	[dreg:$0x1c] =	wrdreg s16  }
0x1e: {  	s16 =	sadd.s32 $0xC800, s5;
	s21 =	simm.s32 $0x100;
	s23 =	simm.s32 $0x880  }
0x1f: {  	s24 =	simm.s32 $0x900;
	s25 =	simm.s32 $0x980;
	[dreg:$0xd] =	wrdreg s21  }
0x20: {  	s26 =	simm.s32 $0xA00;
	s3 =	simm.s32 $0x4800;
	[dreg:$0xf] =	wrdreg s23  }
0x21: {  	s8 =	simm.s32 $0x0;
	s21 =	sadd.s32 $0x12C00, s5;
	[dreg:$0x10] =	wrdreg s24  }
0x22: {  	s23 =	simm.s32 $0xC00;
	s24 =	simm.s32 $0x3;
	[dreg:$0x11] =	wrdreg s25  }
0x23: {  	v0 =	vimm.f32 $0.0e+00;
	[dreg:$0x12] =	wrdreg s26;
	s25 =	simm.s32 $0x400;
	s26 =	simm.s32 $0x28  }
.LBB2_1:
0x24: {  	s9 =	simm.s32 $0x0;
	s10 =	simm.s32 $0x200  }
.LBB2_2:
0x25: {  	p0 =	sne.s32 s10, $0x4E00;
	[tilespmem:s9+$0xC70] =	vst v0  }
0x26: {  	[tilespmem:s9+$0xC00] =	vst v0  }
0x27: {  	[tilespmem:s9+$0xC10] =	vst v0  }
.Ltmp0:
0x28: {  	[tilespmem:s9+$0xC20] =	vst v0;
	(pc) =	sbr.rel @p0 .LBB2_2-.Ltmp0, $4  }
0x29: {  	[tilespmem:s9+$0xC30] =	vst v0  }
0x2a: {  	[tilespmem:s9+$0xC40] =	vst v0  }
0x2b: {  	[tilespmem:s9+$0xC50] =	vst v0  }
0x2c: {  	[tilespmem:s9+$0xC60] =	vst v0;
	s9 =	sshra.s32 s10, $0x2;
	s10 =	sadd.s32 $0x200, s10  }
0x2d: {  	[tilespmem:s9+$0xC70] =	vst v0  }
0x2e: {  	[tilespmem:s9+$0xC00] =	vst v0  }
0x2f: {  	[tilespmem:s9+$0xC10] =	vst v0  }
0x30: {  	[tilespmem:s9+$0xC20] =	vst v0  }
0x31: {  	[tilespmem:s9+$0xC30] =	vst v0  }
0x32: {  	[tilespmem:s9+$0xC40] =	vst v0  }
0x33: {  	[tilespmem:s9+$0xC50] =	vst v0  }
0x34: {  	[tilespmem:s9+$0xC60] =	vst v0  }
0x35: {  	[spmem:s5] =	stream.linear.scatter [tilespmem:s23], [sflag:$0x3], $0x1400, $0x38;
	[tilespmem:$0x1B000] =	vst v63  }
0x36: {  	_ =	swait.ge [sflag:s24], $0x1400  }
0x37: {  	[sflag:s24] =	ssyncset.done $0x0  }
0x38: {  	s10 =	rddreg [dreg:$0x14];
	[sflag:s24] =	ssyncadd.s32 $0xFFFFEC00  }
0x39: {  	[spmem:s10] =	stream.linear.scatter [tilespmem:s23], [sflag:$0x3], $0x1400, $0x38;
	[tilespmem:$0x1B000] =	vst v63  }
0x3a: {  	_ =	swait.ge [sflag:s24], $0x1400  }
0x3b: {  	[sflag:s24] =	ssyncset.done $0x0  }
0x3c: {  	s11 =	rddreg [dreg:$0x15];
	[sflag:s24] =	ssyncadd.s32 $0xFFFFEC00  }
0x3d: {  	[spmem:s11] =	stream.linear.scatter [tilespmem:s23], [sflag:$0x3], $0x1400, $0x38;
	[tilespmem:$0x1B000] =	vst v63  }
0x3e: {  	_ =	swait.ge [sflag:s24], $0x1400  }
0x3f: {  	[sflag:s24] =	ssyncset.done $0x0  }
0x40: {  	s12 =	rddreg [dreg:$0x16];
	[sflag:s24] =	ssyncadd.s32 $0xFFFFEC00  }
0x41: {  	[spmem:s12] =	stream.linear.scatter [tilespmem:s23], [sflag:$0x3], $0x1400, $0x38;
	[tilespmem:$0x1B000] =	vst v63  }
0x42: {  	_ =	swait.ge [sflag:s24], $0x1400  }
0x43: {  	[sflag:s24] =	ssyncset.done $0x0  }
0x44: {  	s13 =	rddreg [dreg:$0x17];
	[sflag:s24] =	ssyncadd.s32 $0xFFFFEC00  }
0x45: {  	[spmem:s13] =	stream.linear.scatter [tilespmem:s23], [sflag:$0x3], $0x1400, $0x38;
	[tilespmem:$0x1B000] =	vst v63  }
0x46: {  	_ =	swait.ge [sflag:s24], $0x1400  }
0x47: {  	[sflag:s24] =	ssyncset.done $0x0  }
0x48: {  	s14 =	rddreg [dreg:$0x18];
	[sflag:s24] =	ssyncadd.s32 $0xFFFFEC00  }
0x49: {  	[spmem:s14] =	stream.linear.scatter [tilespmem:s23], [sflag:$0x3], $0x1400, $0x38;
	[tilespmem:$0x1B000] =	vst v63  }
0x4a: {  	_ =	swait.ge [sflag:s24], $0x1400  }
0x4b: {  	[sflag:s24] =	ssyncset.done $0x0  }
0x4c: {  	s15 =	rddreg [dreg:$0x19];
	[sflag:s24] =	ssyncadd.s32 $0xFFFFEC00  }
0x4d: {  	[spmem:s15] =	stream.linear.scatter [tilespmem:s23], [sflag:$0x3], $0x1400, $0x38;
	[tilespmem:$0x1B000] =	vst v63  }
0x4e: {  	_ =	swait.ge [sflag:s24], $0x1400  }
0x4f: {  	[sflag:s24] =	ssyncset.done $0x0  }
0x50: {  	s10 =	rddreg [dreg:$0x1a];
	[sflag:s24] =	ssyncadd.s32 $0xFFFFEC00  }
0x51: {  	[spmem:s10] =	stream.linear.scatter [tilespmem:s23], [sflag:$0x3], $0x1400, $0x38;
	[tilespmem:$0x1B000] =	vst v63  }
0x52: {  	_ =	swait.ge [sflag:s24], $0x1400  }
0x53: {  	[sflag:s24] =	ssyncset.done $0x0  }
0x54: {  	s11 =	rddreg [dreg:$0x1b];
	[sflag:s24] =	ssyncadd.s32 $0xFFFFEC00  }
0x55: {  	[spmem:s11] =	stream.linear.scatter [tilespmem:s23], [sflag:$0x3], $0x1400, $0x38;
	[tilespmem:$0x1B000] =	vst v63  }
0x56: {  	_ =	swait.ge [sflag:s24], $0x1400  }
0x57: {  	[sflag:s24] =	ssyncset.done $0x0  }
0x58: {  	s12 =	rddreg [dreg:$0x1c];
	[sflag:s24] =	ssyncadd.s32 $0xFFFFEC00  }
0x59: {  	[spmem:s12] =	stream.linear.scatter [tilespmem:s23], [sflag:$0x3], $0x1400, $0x38;
	[tilespmem:$0x1B000] =	vst v63  }
0x5a: {  	_ =	swait.ge [sflag:s24], $0x1400  }
0x5b: {  	[sflag:s24] =	ssyncset.done $0x0  }
0x5c: {  	[sflag:s24] =	ssyncadd.s32 $0xFFFFEC00  }
0x5d: {  	[spmem:s16] =	stream.linear.scatter [tilespmem:s23], [sflag:$0x3], $0x1400, $0x38;
	[tilespmem:$0x1B000] =	vst v63  }
0x5e: {  	_ =	swait.ge [sflag:s24], $0x1400  }
0x5f: {  	[sflag:s24] =	ssyncset.done $0x0  }
0x60: {  	[sflag:s24] =	ssyncadd.s32 $0xFFFFEC00  }
0x61: {  	[spmem:s17] =	stream.linear.scatter [tilespmem:s23], [sflag:$0x3], $0x1400, $0x38;
	[tilespmem:$0x1B000] =	vst v63  }
0x62: {  	_ =	swait.ge [sflag:s24], $0x1400  }
0x63: {  	[sflag:s24] =	ssyncset.done $0x0  }
0x64: {  	[sflag:s24] =	ssyncadd.s32 $0xFFFFEC00  }
0x65: {  	[spmem:s18] =	stream.linear.scatter [tilespmem:s23], [sflag:$0x3], $0x1400, $0x38;
	[tilespmem:$0x1B000] =	vst v63  }
0x66: {  	_ =	swait.ge [sflag:s24], $0x1400  }
0x67: {  	[sflag:s24] =	ssyncset.done $0x0  }
0x68: {  	[sflag:s24] =	ssyncadd.s32 $0xFFFFEC00  }
0x69: {  	[spmem:s19] =	stream.linear.scatter [tilespmem:s23], [sflag:$0x3], $0x1400, $0x38;
	[tilespmem:$0x1B000] =	vst v63  }
0x6a: {  	_ =	swait.ge [sflag:s24], $0x1400  }
0x6b: {  	[sflag:s24] =	ssyncset.done $0x0  }
0x6c: {  	[sflag:s24] =	ssyncadd.s32 $0xFFFFEC00  }
0x6d: {  	[spmem:s20] =	stream.linear.scatter [tilespmem:s23], [sflag:$0x3], $0x1400, $0x38;
	[tilespmem:$0x1B000] =	vst v63  }
0x6e: {  	_ =	swait.ge [sflag:s24], $0x1400  }
0x6f: {  	[sflag:s24] =	ssyncset.done $0x0  }
0x70: {  	[sflag:s24] =	ssyncadd.s32 $0xFFFFEC00  }
0x71: {  	[spmem:s21] =	stream.linear.scatter [tilespmem:s23], [sflag:$0x3], $0x1400, $0x38;
	[tilespmem:$0x1B000] =	vst v63  }
0x72: {  	_ =	swait.ge [sflag:s24], $0x1400  }
0x73: {  	[sflag:s24] =	ssyncset.done $0x0  }
0x74: {  	[sflag:s24] =	ssyncadd.s32 $0xFFFFEC00  }
0x75: {  	[bflag:$0x0] =	sbarrier.arrive $0xFFFF  }
0x76: {  	s13 =	rddreg [dreg:$0x7]  }
0x77: {  	s9 =	sadd.s32 $0x0, s13  }
0x78: {  	[tilespmem:s4], [sflag:$0x3] =	stream.linear.gather [hbm4b:s9+s4], $0x280, $0x38;
	[tilespmem:$0x1B000] =	vst v63  }
0x79: {  	_ =	swait.ge [sflag:s24], $0x280  }
0x7a: {  	s14 =	rddreg [dreg:$0x6];
	[sflag:s24] =	ssyncset.done $0x0  }
0x7b: {  	[sflag:s24] =	ssyncadd.s32 $0xFFFFFD80;
	s9 =	sadd.s32 $0x0, s14  }
0x7c: {  	[tilespmem:s25], [sflag:$0x3] =	stream.linear.gather [hbm4b:s9+s4], $0x280, $0x38;
	[tilespmem:$0x1B000] =	vst v63  }
0x7d: {  	_ =	swait.ge [sflag:s24], $0x280  }
0x7e: {  	p0 =	por $0x0, $0x0;
	[sflag:s24] =	ssyncset.done $0x0  }
0x7f: {  	s9 =	simm.s32 @p0 $0x2;
	[sflag:s24] =	ssyncadd.s32 $0xFFFFFD80  }
0x80: {  	_ =	swait.ge @p0 [sflag:s9], $0x1400  }
0x81: {  	s10 =	simm.s32 @p0 $0xC00;
	[sflag:s9] =	ssyncset.done @p0 $0x0  }
0x82: {  	s11 =	simm.s32 @p0 $0x28;
	s12 =	simm.s32 @p0 $0x0;
	[sflag:s9] =	ssyncadd.s32 @p0 $0xFFFFEC00  }
0x83: {  	[tilespmem:s10], [sflag:$0x1] =	stream.indirect.gather @p0 [hbm4b:s1+s11], $0x80, s12, s11, $0xb8;
	[tilespmem:$0x1B000] =	vst v63  }
0x84: {  	_ =	swait.ge @p0 [sflag:s9], $0x1400  }
0x85: {  	[sflag:s9] =	ssyncset.done @p0 $0x0  }
0x86: {  	s10 =	simm.s32 @p0 $0x80;
	s12 =	simm.s32 @p0 $0x2000;
	[sflag:s9] =	ssyncadd.s32 @p0 $0xFFFFEC00  }
0x87: {  	[tilespmem:s12], [sflag:$0x1] =	stream.indirect.gather @p0 [hbm4b:s1+s11], $0x80, s10, s11, $0xb8;
	[tilespmem:$0x1B000] =	vst v63  }
0x88: {  	_ =	swait.ge @p0 [sflag:s9], $0x1400  }
0x89: {  	[sflag:s9] =	ssyncset.done @p0 $0x0  }
0x8a: {  	s10 =	simm.s32 @p0 $0x100;
	s12 =	simm.s32 @p0 $0x3400;
	[sflag:s9] =	ssyncadd.s32 @p0 $0xFFFFEC00  }
0x8b: {  	[tilespmem:s12], [sflag:$0x1] =	stream.indirect.gather @p0 [hbm4b:s1+s11], $0x80, s10, s11, $0xb8;
	[tilespmem:$0x1B000] =	vst v63  }
0x8c: {  	_ =	swait.ge @p0 [sflag:s9], $0x1400  }
0x8d: {  	[sflag:s9] =	ssyncset.done @p0 $0x0  }
0x8e: {  	s10 =	simm.s32 @p0 $0x180;
	s12 =	simm.s32 @p0 $0x4800;
	[sflag:s9] =	ssyncadd.s32 @p0 $0xFFFFEC00  }
0x8f: {  	[tilespmem:s12], [sflag:$0x1] =	stream.indirect.gather @p0 [hbm4b:s1+s11], $0x80, s10, s11, $0xb8;
	[tilespmem:$0x1B000] =	vst v63  }
0x90: {  	_ =	swait.ge @p0 [sflag:s9], $0x1400  }
0x91: {  	s10 =	simm.s32 @!p0 $0xC00;
	[sflag:s9] =	ssyncset.done @p0 $0x0  }
0x92: {  	s11 =	simm.s32 @!p0 $0x0;
	[sflag:s9] =	ssyncadd.s32 @p0 $0xFFFFEC00;
	s9 =	simm.s32 @!p0 $0x28  }
0x93: {  	[tilespmem:s10], [sflag:$0x1] =	stream.indirect.gather @!p0 [hbm4b:s1+s9], $0x80, s11, s9, $0xb8;
	[tilespmem:$0x1B000] =	vst v63  }
0x94: {  	s10 =	simm.s32 @!p0 $0x80;
	s11 =	simm.s32 @!p0 $0x2000  }
0x95: {  	[tilespmem:s11], [sflag:$0x1] =	stream.indirect.gather @!p0 [hbm4b:s1+s9], $0x80, s10, s9, $0xb8;
	[tilespmem:$0x1B000] =	vst v63  }
0x96: {  	s10 =	simm.s32 @!p0 $0x100;
	s11 =	simm.s32 @!p0 $0x3400  }
0x97: {  	[tilespmem:s11], [sflag:$0x1] =	stream.indirect.gather @!p0 [hbm4b:s1+s9], $0x80, s10, s9, $0xb8;
	[tilespmem:$0x1B000] =	vst v63  }
0x98: {  	s10 =	simm.s32 @!p0 $0x180;
	s11 =	simm.s32 @!p0 $0x4800  }
0x99: {  	[tilespmem:s11], [sflag:$0x1] =	stream.indirect.gather @!p0 [hbm4b:s1+s9], $0x80, s10, s9, $0xb8;
	[tilespmem:$0x1B000] =	vst v63  }
0x9a: {  	_ = 	snop  }
0x9b: {  	[tilespmem:s29], [sflag:$0x1] =	stream.indirect.gather [hbm4b:s1+s26], $0x80, s28, s26, $0xb8;
	[tilespmem:$0x1B000] =	vst v63  }
0x9c: {  	_ =	swait.ge [sflag:s30], $0x1400  }
0x9d: {  	[sflag:s30] =	ssyncset.done $0x0  }
0x9e: {  	[sflag:s30] =	ssyncadd.s32 $0xFFFFEC00  }
0x9f: {  	[spmem:s2] =	stream.indirect.scatter.add.f32 [tilespmem:s23], [sflag:$0x2], $0x80, s25, s26, $0xb8;
	[tilespmem:$0x1B000] =	vst v63  }
0xa0: {  	_ =	swait.ge [sflag:s30], $0x1400  }
0xa1: {  	[sflag:s30] =	ssyncset.done $0x0  }
0xa2: {  	s15 =	rddreg [dreg:$0x8];
	[sflag:s30] =	ssyncadd.s32 $0xFFFFEC00  }
0xa3: {  	[spmem:s2] =	stream.indirect.scatter.add.f32 [tilespmem:s31], [sflag:$0x2], $0x80, s15, s26, $0xb8;
	[tilespmem:$0x1B000] =	vst v63  }
0xa4: {  	_ =	swait.ge [sflag:s30], $0x1400  }
0xa5: {  	[sflag:s30] =	ssyncset.done $0x0  }
0xa6: {  	s10 =	rddreg [dreg:$0x9];
	[sflag:s30] =	ssyncadd.s32 $0xFFFFEC00  }
0xa7: {  	[spmem:s2] =	stream.indirect.scatter.add.f32 [tilespmem:s0], [sflag:$0x2], $0x80, s10, s26, $0xb8;
	[tilespmem:$0x1B000] =	vst v63  }
0xa8: {  	_ =	swait.ge [sflag:s30], $0x1400  }
0xa9: {  	[sflag:s30] =	ssyncset.done $0x0  }
0xaa: {  	s11 =	rddreg [dreg:$0xa];
	[sflag:s30] =	ssyncadd.s32 $0xFFFFEC00  }
0xab: {  	[spmem:s2] =	stream.indirect.scatter.add.f32 [tilespmem:s3], [sflag:$0x2], $0x80, s11, s26, $0xb8;
	[tilespmem:$0x1B000] =	vst v63  }
0xac: {  	_ =	swait.ge [sflag:s30], $0x1400  }
0xad: {  	s12 =	rddreg [dreg:$0xb];
	[sflag:s30] =	ssyncset.done $0x0  }
0xae: {  	s13 =	rddreg [dreg:$0x5];
	[sflag:s30] =	ssyncadd.s32 $0xFFFFEC00  }
0xaf: {  	[spmem:s2] =	stream.indirect.scatter.add.f32 [tilespmem:s29], [sflag:$0x2], $0x80, s12, s26, $0xb8;
	[tilespmem:$0x1B000] =	vst v63  }
0xb0: {  	s14 =	sadd.s32 $0x0, s13  }
0xb1: {  	[tilespmem:s4], [sflag:$0x3] =	stream.linear.gather [hbm4b:s14+s4], $0x280, $0x38;
	[tilespmem:$0x1B000] =	vst v63  }
0xb2: {  	_ =	swait.ge [sflag:s24], $0x280  }
0xb3: {  	s15 =	rddreg [dreg:$0x4];
	[sflag:s24] =	ssyncset.done $0x0  }
0xb4: {  	[sflag:s24] =	ssyncadd.s32 $0xFFFFFD80;
	s9 =	sadd.s32 $0x0, s15  }
0xb5: {  	[tilespmem:s6], [sflag:$0x3] =	stream.linear.gather [hbm4b:s9+s4], $0x280, $0x38;
	[tilespmem:$0x1B000] =	vst v63  }
0xb6: {  	_ =	swait.ge [sflag:s24], $0x280  }
0xb7: {  	[sflag:s24] =	ssyncset.done $0x0  }
0xb8: {  	[sflag:s24] =	ssyncadd.s32 $0xFFFFFD80  }
0xb9: {  	_ =	swait.ge [sflag:s7], $0x1400  }
0xba: {  	[sflag:s7] =	ssyncset.done $0x0  }
0xbb: {  	[sflag:s7] =	ssyncadd.s32 $0xFFFFEC00  }
0xbc: {  	[tilespmem:s23], [sflag:$0x1] =	stream.indirect.gather [hbm4b:s1+s26], $0x80, s4, s26, $0xb8;
	[tilespmem:$0x1B000] =	vst v63  }
0xbd: {  	_ =	swait.ge [sflag:s7], $0x1400  }
0xbe: {  	[sflag:s7] =	ssyncset.done $0x0  }
0xbf: {  	s10 =	rddreg [dreg:$0xc];
	[sflag:s7] =	ssyncadd.s32 $0xFFFFEC00  }
0xc0: {  	[tilespmem:s31], [sflag:$0x1] =	stream.indirect.gather [hbm4b:s1+s26], $0x80, s10, s26, $0xb8;
	[tilespmem:$0x1B000] =	vst v63  }
0xc1: {  	_ =	swait.ge [sflag:s7], $0x1400  }
0xc2: {  	[sflag:s7] =	ssyncset.done $0x0  }
0xc3: {  	s11 =	rddreg [dreg:$0xd];
	[sflag:s7] =	ssyncadd.s32 $0xFFFFEC00  }
0xc4: {  	[tilespmem:s0], [sflag:$0x1] =	stream.indirect.gather [hbm4b:s1+s26], $0x80, s11, s26, $0xb8;
	[tilespmem:$0x1B000] =	vst v63  }
0xc5: {  	_ =	swait.ge [sflag:s7], $0x1400  }
0xc6: {  	[sflag:s7] =	ssyncset.done $0x0  }
0xc7: {  	s12 =	rddreg [dreg:$0xe];
	[sflag:s7] =	ssyncadd.s32 $0xFFFFEC00  }
0xc8: {  	[tilespmem:s3], [sflag:$0x1] =	stream.indirect.gather [hbm4b:s1+s26], $0x80, s12, s26, $0xb8;
	[tilespmem:$0x1B000] =	vst v63  }
0xc9: {  	_ =	swait.ge [sflag:s7], $0x1400  }
0xca: {  	[sflag:s7] =	ssyncset.done $0x0  }
0xcb: {  	[sflag:s7] =	ssyncadd.s32 $0xFFFFEC00  }
0xcc: {  	[tilespmem:s29], [sflag:$0x1] =	stream.indirect.gather [hbm4b:s1+s26], $0x80, s28, s26, $0xb8;
	[tilespmem:$0x1B000] =	vst v63  }
0xcd: {  	_ =	swait.ge [sflag:s30], $0x1400  }
0xce: {  	[sflag:s30] =	ssyncset.done $0x0  }
0xcf: {  	[sflag:s30] =	ssyncadd.s32 $0xFFFFEC00  }
0xd0: {  	[spmem:s2] =	stream.indirect.scatter.add.f32 [tilespmem:s23], [sflag:$0x2], $0x80, s6, s26, $0xb8;
	[tilespmem:$0x1B000] =	vst v63  }
0xd1: {  	_ =	swait.ge [sflag:s30], $0x1400  }
0xd2: {  	[sflag:s30] =	ssyncset.done $0x0  }
0xd3: {  	s13 =	rddreg [dreg:$0xf];
	[sflag:s30] =	ssyncadd.s32 $0xFFFFEC00  }
0xd4: {  	[spmem:s2] =	stream.indirect.scatter.add.f32 [tilespmem:s31], [sflag:$0x2], $0x80, s13, s26, $0xb8;
	[tilespmem:$0x1B000] =	vst v63  }
0xd5: {  	_ =	swait.ge [sflag:s30], $0x1400  }
0xd6: {  	[sflag:s30] =	ssyncset.done $0x0  }
0xd7: {  	s14 =	rddreg [dreg:$0x10];
	[sflag:s30] =	ssyncadd.s32 $0xFFFFEC00  }
0xd8: {  	[spmem:s2] =	stream.indirect.scatter.add.f32 [tilespmem:s0], [sflag:$0x2], $0x80, s14, s26, $0xb8;
	[tilespmem:$0x1B000] =	vst v63  }
0xd9: {  	_ =	swait.ge [sflag:s30], $0x1400  }
0xda: {  	[sflag:s30] =	ssyncset.done $0x0  }
0xdb: {  	s15 =	rddreg [dreg:$0x11];
	[sflag:s30] =	ssyncadd.s32 $0xFFFFEC00  }
0xdc: {  	[spmem:s2] =	stream.indirect.scatter.add.f32 [tilespmem:s3], [sflag:$0x2], $0x80, s15, s26, $0xb8;
	[tilespmem:$0x1B000] =	vst v63  }
0xdd: {  	_ =	swait.ge [sflag:s30], $0x1400  }
0xde: {  	s9 =	simm.s32 $0x100;
	[sflag:s30] =	ssyncset.done $0x0;
	s11 =	rddreg [dreg:$0x12]  }
0xdf: {  	s10 =	simm.s32 $0x200;
	s12 =	rddreg [dreg:$0x7];
	[sflag:s30] =	ssyncadd.s32 $0xFFFFEC00  }
.LBB2_4:
0xe0: {  	[spmem:s2] =	stream.indirect.scatter.add.f32 [tilespmem:s29], [sflag:$0x2], $0x80, s11, s26, $0xb8;
	[tilespmem:$0x1B000] =	vst v63  }
0xe1: {  	s12 =	sadd.s32 s9, s12  }
0xe2: {  	[tilespmem:s4], [sflag:$0x3] =	stream.linear.gather [hbm4b:s12+s4], $0x280, $0x38;
	[tilespmem:$0x1B000] =	vst v63  }
0xe3: {  	_ =	swait.ge [sflag:s24], $0x280  }
0xe4: {  	s15 =	rddreg [dreg:$0x6];
	[sflag:s24] =	ssyncset.done $0x0  }
0xe5: {  	[sflag:s24] =	ssyncadd.s32 $0xFFFFFD80;
	s12 =	sadd.s32 s9, s15  }
0xe6: {  	[tilespmem:s25], [sflag:$0x3] =	stream.linear.gather [hbm4b:s12+s4], $0x280, $0x38;
	[tilespmem:$0x1B000] =	vst v63  }
0xe7: {  	_ =	swait.ge [sflag:s24], $0x280  }
0xe8: {  	p1 =	sne.s32 s9, $0x0;
	[sflag:s24] =	ssyncset.done $0x0  }
0xe9: {  	s12 =	simm.s32 @p1 $0x2;
	[sflag:s24] =	ssyncadd.s32 $0xFFFFFD80  }
0xea: {  	_ =	swait.ge @p1 [sflag:s12], $0x1400  }
0xeb: {  	s13 =	simm.s32 @p1 $0xC00;
	[sflag:s12] =	ssyncset.done @p1 $0x0  }
0xec: {  	s14 =	simm.s32 @p1 $0x28;
	s15 =	simm.s32 @p1 $0x0;
	[sflag:s12] =	ssyncadd.s32 @p1 $0xFFFFEC00  }
0xed: {  	[tilespmem:s13], [sflag:$0x1] =	stream.indirect.gather @p1 [hbm4b:s1+s14], $0x80, s15, s14, $0xb8;
	[tilespmem:$0x1B000] =	vst v63  }
0xee: {  	_ =	swait.ge @p1 [sflag:s12], $0x1400  }
0xef: {  	[sflag:s12] =	ssyncset.done @p1 $0x0  }
0xf0: {  	s13 =	simm.s32 @p1 $0x80;
	s15 =	simm.s32 @p1 $0x2000;
	[sflag:s12] =	ssyncadd.s32 @p1 $0xFFFFEC00  }
0xf1: {  	[tilespmem:s15], [sflag:$0x1] =	stream.indirect.gather @p1 [hbm4b:s1+s14], $0x80, s13, s14, $0xb8;
	[tilespmem:$0x1B000] =	vst v63  }
0xf2: {  	_ =	swait.ge @p1 [sflag:s12], $0x1400  }
0xf3: {  	[sflag:s12] =	ssyncset.done @p1 $0x0  }
0xf4: {  	s13 =	simm.s32 @p1 $0x100;
	s15 =	simm.s32 @p1 $0x3400;
	[sflag:s12] =	ssyncadd.s32 @p1 $0xFFFFEC00  }
0xf5: {  	[tilespmem:s15], [sflag:$0x1] =	stream.indirect.gather @p1 [hbm4b:s1+s14], $0x80, s13, s14, $0xb8;
	[tilespmem:$0x1B000] =	vst v63  }
0xf6: {  	_ =	swait.ge @p1 [sflag:s12], $0x1400  }
0xf7: {  	[sflag:s12] =	ssyncset.done @p1 $0x0  }
0xf8: {  	s13 =	simm.s32 @p1 $0x180;
	s15 =	simm.s32 @p1 $0x4800;
	[sflag:s12] =	ssyncadd.s32 @p1 $0xFFFFEC00  }
0xf9: {  	[tilespmem:s15], [sflag:$0x1] =	stream.indirect.gather @p1 [hbm4b:s1+s14], $0x80, s13, s14, $0xb8;
	[tilespmem:$0x1B000] =	vst v63  }
0xfa: {  	_ =	swait.ge @p1 [sflag:s12], $0x1400  }
0xfb: {  	s13 =	simm.s32 @!p1 $0xC00;
	[sflag:s12] =	ssyncset.done @p1 $0x0  }
0xfc: {  	s14 =	simm.s32 @!p1 $0x0;
	[sflag:s12] =	ssyncadd.s32 @p1 $0xFFFFEC00;
	s12 =	simm.s32 @!p1 $0x28  }
0xfd: {  	[tilespmem:s13], [sflag:$0x1] =	stream.indirect.gather @!p1 [hbm4b:s1+s12], $0x80, s14, s12, $0xb8;
	[tilespmem:$0x1B000] =	vst v63  }
0xfe: {  	s13 =	simm.s32 @!p1 $0x80;
	s14 =	simm.s32 @!p1 $0x2000  }
0xff: {  	[tilespmem:s14], [sflag:$0x1] =	stream.indirect.gather @!p1 [hbm4b:s1+s12], $0x80, s13, s12, $0xb8;
	[tilespmem:$0x1B000] =	vst v63  }
0x100: {  	s13 =	simm.s32 @!p1 $0x100;
	s14 =	simm.s32 @!p1 $0x3400  }
0x101: {  	[tilespmem:s14], [sflag:$0x1] =	stream.indirect.gather @!p1 [hbm4b:s1+s12], $0x80, s13, s12, $0xb8;
	[tilespmem:$0x1B000] =	vst v63  }
0x102: {  	s13 =	simm.s32 @!p1 $0x180;
	s14 =	simm.s32 @!p1 $0x4800  }
0x103: {  	[tilespmem:s14], [sflag:$0x1] =	stream.indirect.gather @!p1 [hbm4b:s1+s12], $0x80, s13, s12, $0xb8;
	[tilespmem:$0x1B000] =	vst v63  }
0x104: {  	_ = 	snop  }
0x105: {  	[tilespmem:s29], [sflag:$0x1] =	stream.indirect.gather [hbm4b:s1+s26], $0x80, s28, s26, $0xb8;
	[tilespmem:$0x1B000] =	vst v63  }
0x106: {  	_ =	swait.ge [sflag:s30], $0x1400  }
0x107: {  	[sflag:s30] =	ssyncset.done $0x0  }
0x108: {  	[sflag:s30] =	ssyncadd.s32 $0xFFFFEC00  }
0x109: {  	[spmem:s2] =	stream.indirect.scatter.add.f32 [tilespmem:s23], [sflag:$0x2], $0x80, s25, s26, $0xb8;
	[tilespmem:$0x1B000] =	vst v63  }
0x10a: {  	_ =	swait.ge [sflag:s30], $0x1400  }
0x10b: {  	[sflag:s30] =	ssyncset.done $0x0  }
0x10c: {  	s13 =	rddreg [dreg:$0x8];
	[sflag:s30] =	ssyncadd.s32 $0xFFFFEC00  }
0x10d: {  	[spmem:s2] =	stream.indirect.scatter.add.f32 [tilespmem:s31], [sflag:$0x2], $0x80, s13, s26, $0xb8;
	[tilespmem:$0x1B000] =	vst v63  }
0x10e: {  	_ =	swait.ge [sflag:s30], $0x1400  }
0x10f: {  	[sflag:s30] =	ssyncset.done $0x0  }
0x110: {  	s14 =	rddreg [dreg:$0x9];
	[sflag:s30] =	ssyncadd.s32 $0xFFFFEC00  }
0x111: {  	[spmem:s2] =	stream.indirect.scatter.add.f32 [tilespmem:s0], [sflag:$0x2], $0x80, s14, s26, $0xb8;
	[tilespmem:$0x1B000] =	vst v63  }
0x112: {  	_ =	swait.ge [sflag:s30], $0x1400  }
0x113: {  	[sflag:s30] =	ssyncset.done $0x0  }
0x114: {  	s15 =	rddreg [dreg:$0xa];
	[sflag:s30] =	ssyncadd.s32 $0xFFFFEC00  }
0x115: {  	[spmem:s2] =	stream.indirect.scatter.add.f32 [tilespmem:s3], [sflag:$0x2], $0x80, s15, s26, $0xb8;
	[tilespmem:$0x1B000] =	vst v63  }
0x116: {  	_ =	swait.ge [sflag:s30], $0x1400  }
0x117: {  	s13 =	rddreg [dreg:$0xb];
	[sflag:s30] =	ssyncset.done $0x0  }
0x118: {  	s14 =	rddreg [dreg:$0x5];
	[sflag:s30] =	ssyncadd.s32 $0xFFFFEC00  }
0x119: {  	[spmem:s2] =	stream.indirect.scatter.add.f32 [tilespmem:s29], [sflag:$0x2], $0x80, s13, s26, $0xb8;
	[tilespmem:$0x1B000] =	vst v63  }
0x11a: {  	s15 =	sadd.s32 s9, s14  }
0x11b: {  	[tilespmem:s4], [sflag:$0x3] =	stream.linear.gather [hbm4b:s15+s4], $0x280, $0x38;
	[tilespmem:$0x1B000] =	vst v63  }
0x11c: {  	_ =	swait.ge [sflag:s24], $0x280  }
0x11d: {  	s13 =	rddreg [dreg:$0x4];
	[sflag:s24] =	ssyncset.done $0x0  }
0x11e: {  	[sflag:s24] =	ssyncadd.s32 $0xFFFFFD80;
	s12 =	sadd.s32 s9, s13  }
0x11f: {  	[tilespmem:s6], [sflag:$0x3] =	stream.linear.gather [hbm4b:s12+s4], $0x280, $0x38;
	[tilespmem:$0x1B000] =	vst v63  }
0x120: {  	_ =	swait.ge [sflag:s24], $0x280  }
0x121: {  	[sflag:s24] =	ssyncset.done $0x0  }
0x122: {  	[sflag:s24] =	ssyncadd.s32 $0xFFFFFD80  }
0x123: {  	_ =	swait.ge [sflag:s7], $0x1400  }
0x124: {  	[sflag:s7] =	ssyncset.done $0x0  }
0x125: {  	[sflag:s7] =	ssyncadd.s32 $0xFFFFEC00  }
0x126: {  	[tilespmem:s23], [sflag:$0x1] =	stream.indirect.gather [hbm4b:s1+s26], $0x80, s4, s26, $0xb8;
	[tilespmem:$0x1B000] =	vst v63  }
0x127: {  	_ =	swait.ge [sflag:s7], $0x1400  }
0x128: {  	[sflag:s7] =	ssyncset.done $0x0  }
0x129: {  	s14 =	rddreg [dreg:$0xc];
	[sflag:s7] =	ssyncadd.s32 $0xFFFFEC00  }
0x12a: {  	[tilespmem:s31], [sflag:$0x1] =	stream.indirect.gather [hbm4b:s1+s26], $0x80, s14, s26, $0xb8;
	[tilespmem:$0x1B000] =	vst v63  }
0x12b: {  	_ =	swait.ge [sflag:s7], $0x1400  }
0x12c: {  	[sflag:s7] =	ssyncset.done $0x0  }
0x12d: {  	s15 =	rddreg [dreg:$0xd];
	[sflag:s7] =	ssyncadd.s32 $0xFFFFEC00  }
0x12e: {  	[tilespmem:s0], [sflag:$0x1] =	stream.indirect.gather [hbm4b:s1+s26], $0x80, s15, s26, $0xb8;
	[tilespmem:$0x1B000] =	vst v63  }
0x12f: {  	_ =	swait.ge [sflag:s7], $0x1400  }
0x130: {  	[sflag:s7] =	ssyncset.done $0x0  }
0x131: {  	s12 =	rddreg [dreg:$0xe];
	[sflag:s7] =	ssyncadd.s32 $0xFFFFEC00  }
0x132: {  	[tilespmem:s3], [sflag:$0x1] =	stream.indirect.gather [hbm4b:s1+s26], $0x80, s12, s26, $0xb8;
	[tilespmem:$0x1B000] =	vst v63  }
0x133: {  	_ =	swait.ge [sflag:s7], $0x1400  }
0x134: {  	[sflag:s7] =	ssyncset.done $0x0  }
0x135: {  	[sflag:s7] =	ssyncadd.s32 $0xFFFFEC00  }
0x136: {  	[tilespmem:s29], [sflag:$0x1] =	stream.indirect.gather [hbm4b:s1+s26], $0x80, s28, s26, $0xb8;
	[tilespmem:$0x1B000] =	vst v63  }
0x137: {  	_ =	swait.ge [sflag:s30], $0x1400  }
0x138: {  	[sflag:s30] =	ssyncset.done $0x0  }
0x139: {  	[sflag:s30] =	ssyncadd.s32 $0xFFFFEC00  }
0x13a: {  	[spmem:s2] =	stream.indirect.scatter.add.f32 [tilespmem:s23], [sflag:$0x2], $0x80, s6, s26, $0xb8;
	[tilespmem:$0x1B000] =	vst v63  }
0x13b: {  	_ =	swait.ge [sflag:s30], $0x1400  }
0x13c: {  	[sflag:s30] =	ssyncset.done $0x0  }
0x13d: {  	s13 =	rddreg [dreg:$0xf];
	[sflag:s30] =	ssyncadd.s32 $0xFFFFEC00  }
0x13e: {  	[spmem:s2] =	stream.indirect.scatter.add.f32 [tilespmem:s31], [sflag:$0x2], $0x80, s13, s26, $0xb8;
	[tilespmem:$0x1B000] =	vst v63  }
0x13f: {  	_ =	swait.ge [sflag:s30], $0x1400  }
0x140: {  	[sflag:s30] =	ssyncset.done $0x0  }
0x141: {  	s14 =	rddreg [dreg:$0x10];
	[sflag:s30] =	ssyncadd.s32 $0xFFFFEC00  }
0x142: {  	[spmem:s2] =	stream.indirect.scatter.add.f32 [tilespmem:s0], [sflag:$0x2], $0x80, s14, s26, $0xb8;
	[tilespmem:$0x1B000] =	vst v63  }
0x143: {  	s11 =	smov.u32 s10;
	s10 =	sadd.s32 $0x100, s10;
	_ =	swait.ge [sflag:s30], $0x1400  }
0x144: {  	p0 =	sne.s32 s10, $0x1900;
	[sflag:s30] =	ssyncset.done $0x0  }
.Ltmp1:
0x145: {  	s15 =	rddreg [dreg:$0x11];
	[sflag:s30] =	ssyncadd.s32 $0xFFFFEC00;
	(pc) =	sbr.rel @p0 .LBB2_4-.Ltmp1, $4  }
0x146: {  	[spmem:s2] =	stream.indirect.scatter.add.f32 [tilespmem:s3], [sflag:$0x2], $0x80, s15, s26, $0xb8;
	[tilespmem:$0x1B000] =	vst v63  }
0x147: {  	_ =	swait.ge [sflag:s30], $0x1400  }
0x148: {  	s9 =	smov.u32 s11;
	[sflag:s30] =	ssyncset.done $0x0;
	s11 =	rddreg [dreg:$0x12]  }
0x149: {  	s12 =	rddreg [dreg:$0x7];
	[sflag:s30] =	ssyncadd.s32 $0xFFFFEC00  }
0x14a: {  	[spmem:s2] =	stream.indirect.scatter.add.f32 [tilespmem:s29], [sflag:$0x2], $0x80, s11, s26, $0xb8;
	[tilespmem:$0x1B000] =	vst v63  }
0x14b: {  	s10 =	sadd.s32 s9, s12  }
0x14c: {  	[tilespmem:s4], [sflag:$0x3] =	stream.linear.gather [hbm4b:s10+s4], $0x280, $0x38;
	[tilespmem:$0x1B000] =	vst v63  }
0x14d: {  	_ =	swait.ge [sflag:s24], $0x280  }
0x14e: {  	s15 =	rddreg [dreg:$0x6];
	[sflag:s24] =	ssyncset.done $0x0  }
0x14f: {  	[sflag:s24] =	ssyncadd.s32 $0xFFFFFD80;
	s10 =	sadd.s32 s9, s15  }
0x150: {  	[tilespmem:s25], [sflag:$0x3] =	stream.linear.gather [hbm4b:s10+s4], $0x280, $0x38;
	[tilespmem:$0x1B000] =	vst v63  }
0x151: {  	_ =	swait.ge [sflag:s24], $0x280  }
0x152: {  	p0 =	sne.s32 s9, $0x0;
	[sflag:s24] =	ssyncset.done $0x0  }
0x153: {  	s10 =	simm.s32 @p0 $0x2;
	[sflag:s24] =	ssyncadd.s32 $0xFFFFFD80  }
0x154: {  	_ =	swait.ge @p0 [sflag:s10], $0x1400  }
0x155: {  	s11 =	simm.s32 @p0 $0xC00;
	[sflag:s10] =	ssyncset.done @p0 $0x0  }
0x156: {  	s12 =	simm.s32 @p0 $0x28;
	s13 =	simm.s32 @p0 $0x0;
	[sflag:s10] =	ssyncadd.s32 @p0 $0xFFFFEC00  }
0x157: {  	[tilespmem:s11], [sflag:$0x1] =	stream.indirect.gather @p0 [hbm4b:s1+s12], $0x80, s13, s12, $0xb8;
	[tilespmem:$0x1B000] =	vst v63  }
0x158: {  	_ =	swait.ge @p0 [sflag:s10], $0x1400  }
0x159: {  	[sflag:s10] =	ssyncset.done @p0 $0x0  }
0x15a: {  	s11 =	simm.s32 @p0 $0x80;
	s13 =	simm.s32 @p0 $0x2000;
	[sflag:s10] =	ssyncadd.s32 @p0 $0xFFFFEC00  }
0x15b: {  	[tilespmem:s13], [sflag:$0x1] =	stream.indirect.gather @p0 [hbm4b:s1+s12], $0x80, s11, s12, $0xb8;
	[tilespmem:$0x1B000] =	vst v63  }
0x15c: {  	_ =	swait.ge @p0 [sflag:s10], $0x1400  }
0x15d: {  	[sflag:s10] =	ssyncset.done @p0 $0x0  }
0x15e: {  	s11 =	simm.s32 @p0 $0x100;
	s13 =	simm.s32 @p0 $0x3400;
	[sflag:s10] =	ssyncadd.s32 @p0 $0xFFFFEC00  }
0x15f: {  	[tilespmem:s13], [sflag:$0x1] =	stream.indirect.gather @p0 [hbm4b:s1+s12], $0x80, s11, s12, $0xb8;
	[tilespmem:$0x1B000] =	vst v63  }
0x160: {  	_ =	swait.ge @p0 [sflag:s10], $0x1400  }
0x161: {  	[sflag:s10] =	ssyncset.done @p0 $0x0  }
0x162: {  	s11 =	simm.s32 @p0 $0x180;
	s13 =	simm.s32 @p0 $0x4800;
	[sflag:s10] =	ssyncadd.s32 @p0 $0xFFFFEC00  }
0x163: {  	[tilespmem:s13], [sflag:$0x1] =	stream.indirect.gather @p0 [hbm4b:s1+s12], $0x80, s11, s12, $0xb8;
	[tilespmem:$0x1B000] =	vst v63  }
0x164: {  	_ =	swait.ge @p0 [sflag:s10], $0x1400  }
0x165: {  	s11 =	simm.s32 @!p0 $0xC00;
	[sflag:s10] =	ssyncset.done @p0 $0x0  }
0x166: {  	s12 =	simm.s32 @!p0 $0x0;
	[sflag:s10] =	ssyncadd.s32 @p0 $0xFFFFEC00;
	s10 =	simm.s32 @!p0 $0x28  }
0x167: {  	[tilespmem:s11], [sflag:$0x1] =	stream.indirect.gather @!p0 [hbm4b:s1+s10], $0x80, s12, s10, $0xb8;
	[tilespmem:$0x1B000] =	vst v63  }
0x168: {  	s11 =	simm.s32 @!p0 $0x80;
	s12 =	simm.s32 @!p0 $0x2000  }
0x169: {  	[tilespmem:s12], [sflag:$0x1] =	stream.indirect.gather @!p0 [hbm4b:s1+s10], $0x80, s11, s10, $0xb8;
	[tilespmem:$0x1B000] =	vst v63  }
0x16a: {  	s11 =	simm.s32 @!p0 $0x100;
	s12 =	simm.s32 @!p0 $0x3400  }
0x16b: {  	[tilespmem:s12], [sflag:$0x1] =	stream.indirect.gather @!p0 [hbm4b:s1+s10], $0x80, s11, s10, $0xb8;
	[tilespmem:$0x1B000] =	vst v63  }
0x16c: {  	s11 =	simm.s32 @!p0 $0x180;
	s12 =	simm.s32 @!p0 $0x4800  }
0x16d: {  	[tilespmem:s12], [sflag:$0x1] =	stream.indirect.gather @!p0 [hbm4b:s1+s10], $0x80, s11, s10, $0xb8;
	[tilespmem:$0x1B000] =	vst v63  }
0x16e: {  	_ = 	snop  }
0x16f: {  	[tilespmem:s29], [sflag:$0x1] =	stream.indirect.gather [hbm4b:s1+s26], $0x80, s28, s26, $0xb8;
	[tilespmem:$0x1B000] =	vst v63  }
0x170: {  	_ =	swait.ge [sflag:s30], $0x1400  }
0x171: {  	[sflag:s30] =	ssyncset.done $0x0  }
0x172: {  	[sflag:s30] =	ssyncadd.s32 $0xFFFFEC00  }
0x173: {  	[spmem:s2] =	stream.indirect.scatter.add.f32 [tilespmem:s23], [sflag:$0x2], $0x80, s25, s26, $0xb8;
	[tilespmem:$0x1B000] =	vst v63  }
0x174: {  	_ =	swait.ge [sflag:s30], $0x1400  }
0x175: {  	[sflag:s30] =	ssyncset.done $0x0  }
0x176: {  	s11 =	rddreg [dreg:$0x8];
	[sflag:s30] =	ssyncadd.s32 $0xFFFFEC00  }
0x177: {  	[spmem:s2] =	stream.indirect.scatter.add.f32 [tilespmem:s31], [sflag:$0x2], $0x80, s11, s26, $0xb8;
	[tilespmem:$0x1B000] =	vst v63  }
0x178: {  	_ =	swait.ge [sflag:s30], $0x1400  }
0x179: {  	[sflag:s30] =	ssyncset.done $0x0  }
0x17a: {  	s12 =	rddreg [dreg:$0x9];
	[sflag:s30] =	ssyncadd.s32 $0xFFFFEC00  }
0x17b: {  	[spmem:s2] =	stream.indirect.scatter.add.f32 [tilespmem:s0], [sflag:$0x2], $0x80, s12, s26, $0xb8;
	[tilespmem:$0x1B000] =	vst v63  }
0x17c: {  	_ =	swait.ge [sflag:s30], $0x1400  }
0x17d: {  	[sflag:s30] =	ssyncset.done $0x0  }
0x17e: {  	s13 =	rddreg [dreg:$0xa];
	[sflag:s30] =	ssyncadd.s32 $0xFFFFEC00  }
0x17f: {  	[spmem:s2] =	stream.indirect.scatter.add.f32 [tilespmem:s3], [sflag:$0x2], $0x80, s13, s26, $0xb8;
	[tilespmem:$0x1B000] =	vst v63  }
0x180: {  	_ =	swait.ge [sflag:s30], $0x1400  }
0x181: {  	s14 =	rddreg [dreg:$0xb];
	[sflag:s30] =	ssyncset.done $0x0  }
0x182: {  	s15 =	rddreg [dreg:$0x5];
	[sflag:s30] =	ssyncadd.s32 $0xFFFFEC00  }
0x183: {  	[spmem:s2] =	stream.indirect.scatter.add.f32 [tilespmem:s29], [sflag:$0x2], $0x80, s14, s26, $0xb8;
	[tilespmem:$0x1B000] =	vst v63  }
0x184: {  	s11 =	sadd.s32 s9, s15  }
0x185: {  	[tilespmem:s4], [sflag:$0x3] =	stream.linear.gather [hbm4b:s11+s4], $0x280, $0x38;
	[tilespmem:$0x1B000] =	vst v63  }
0x186: {  	_ =	swait.ge [sflag:s24], $0x280  }
0x187: {  	s12 =	rddreg [dreg:$0x4];
	[sflag:s24] =	ssyncset.done $0x0  }
0x188: {  	[sflag:s24] =	ssyncadd.s32 $0xFFFFFD80;
	s13 =	sadd.s32 s9, s12  }
0x189: {  	[tilespmem:s6], [sflag:$0x3] =	stream.linear.gather [hbm4b:s13+s4], $0x280, $0x38;
	[tilespmem:$0x1B000] =	vst v63  }
0x18a: {  	_ =	swait.ge [sflag:s24], $0x280  }
0x18b: {  	[sflag:s24] =	ssyncset.done $0x0  }
0x18c: {  	[sflag:s24] =	ssyncadd.s32 $0xFFFFFD80  }
0x18d: {  	_ =	swait.ge [sflag:s7], $0x1400  }
0x18e: {  	[sflag:s7] =	ssyncset.done $0x0  }
0x18f: {  	[sflag:s7] =	ssyncadd.s32 $0xFFFFEC00  }
0x190: {  	[tilespmem:s23], [sflag:$0x1] =	stream.indirect.gather [hbm4b:s1+s26], $0x80, s4, s26, $0xb8;
	[tilespmem:$0x1B000] =	vst v63  }
0x191: {  	_ =	swait.ge [sflag:s7], $0x1400  }
0x192: {  	[sflag:s7] =	ssyncset.done $0x0  }
0x193: {  	s14 =	rddreg [dreg:$0xc];
	[sflag:s7] =	ssyncadd.s32 $0xFFFFEC00  }
0x194: {  	[tilespmem:s31], [sflag:$0x1] =	stream.indirect.gather [hbm4b:s1+s26], $0x80, s14, s26, $0xb8;
	[tilespmem:$0x1B000] =	vst v63  }
0x195: {  	_ =	swait.ge [sflag:s7], $0x1400  }
0x196: {  	[sflag:s7] =	ssyncset.done $0x0  }
0x197: {  	s15 =	rddreg [dreg:$0xd];
	[sflag:s7] =	ssyncadd.s32 $0xFFFFEC00  }
0x198: {  	[tilespmem:s0], [sflag:$0x1] =	stream.indirect.gather [hbm4b:s1+s26], $0x80, s15, s26, $0xb8;
	[tilespmem:$0x1B000] =	vst v63  }
0x199: {  	_ =	swait.ge [sflag:s7], $0x1400  }
0x19a: {  	[sflag:s7] =	ssyncset.done $0x0  }
0x19b: {  	s10 =	rddreg [dreg:$0xe];
	[sflag:s7] =	ssyncadd.s32 $0xFFFFEC00  }
0x19c: {  	[tilespmem:s3], [sflag:$0x1] =	stream.indirect.gather [hbm4b:s1+s26], $0x80, s10, s26, $0xb8;
	[tilespmem:$0x1B000] =	vst v63  }
0x19d: {  	_ =	swait.ge [sflag:s7], $0x1400  }
0x19e: {  	[sflag:s7] =	ssyncset.done $0x0  }
0x19f: {  	[sflag:s7] =	ssyncadd.s32 $0xFFFFEC00  }
0x1a0: {  	[tilespmem:s29], [sflag:$0x1] =	stream.indirect.gather [hbm4b:s1+s26], $0x80, s28, s26, $0xb8;
	[tilespmem:$0x1B000] =	vst v63  }
0x1a1: {  	_ =	swait.ge [sflag:s30], $0x1400  }
0x1a2: {  	[sflag:s30] =	ssyncset.done $0x0  }
0x1a3: {  	[sflag:s30] =	ssyncadd.s32 $0xFFFFEC00  }
0x1a4: {  	[spmem:s2] =	stream.indirect.scatter.add.f32 [tilespmem:s23], [sflag:$0x2], $0x80, s6, s26, $0xb8;
	[tilespmem:$0x1B000] =	vst v63  }
0x1a5: {  	_ =	swait.ge [sflag:s30], $0x1400  }
0x1a6: {  	[sflag:s30] =	ssyncset.done $0x0  }
0x1a7: {  	s11 =	rddreg [dreg:$0xf];
	[sflag:s30] =	ssyncadd.s32 $0xFFFFEC00  }
0x1a8: {  	[spmem:s2] =	stream.indirect.scatter.add.f32 [tilespmem:s31], [sflag:$0x2], $0x80, s11, s26, $0xb8;
	[tilespmem:$0x1B000] =	vst v63  }
0x1a9: {  	_ =	swait.ge [sflag:s30], $0x1400  }
0x1aa: {  	[sflag:s30] =	ssyncset.done $0x0  }
0x1ab: {  	s12 =	rddreg [dreg:$0x10];
	[sflag:s30] =	ssyncadd.s32 $0xFFFFEC00  }
0x1ac: {  	[spmem:s2] =	stream.indirect.scatter.add.f32 [tilespmem:s0], [sflag:$0x2], $0x80, s12, s26, $0xb8;
	[tilespmem:$0x1B000] =	vst v63  }
0x1ad: {  	_ =	swait.ge [sflag:s30], $0x1400  }
0x1ae: {  	[sflag:s30] =	ssyncset.done $0x0  }
0x1af: {  	s13 =	rddreg [dreg:$0x11];
	[sflag:s30] =	ssyncadd.s32 $0xFFFFEC00  }
0x1b0: {  	[spmem:s2] =	stream.indirect.scatter.add.f32 [tilespmem:s3], [sflag:$0x2], $0x80, s13, s26, $0xb8;
	[tilespmem:$0x1B000] =	vst v63  }
0x1b1: {  	_ =	swait.ge [sflag:s30], $0x1400  }
0x1b2: {  	[sflag:s30] =	ssyncset.done $0x0  }
0x1b3: {  	s14 =	rddreg [dreg:$0x12];
	[sflag:s30] =	ssyncadd.s32 $0xFFFFEC00  }
0x1b4: {  	[spmem:s2] =	stream.indirect.scatter.add.f32 [tilespmem:s29], [sflag:$0x2], $0x80, s14, s26, $0xb8;
	[tilespmem:$0x1B000] =	vst v63  }
0x1b5: {  	_ =	swait.ge [sflag:s7], $0x1400  }
0x1b6: {  	[sflag:s7] =	ssyncset.done $0x0  }
0x1b7: {  	[sflag:s7] =	ssyncadd.s32 $0xFFFFEC00  }
0x1b8: {  	_ =	swait.ge [sflag:s7], $0x1400  }
0x1b9: {  	[sflag:s7] =	ssyncset.done $0x0  }
0x1ba: {  	[sflag:s7] =	ssyncadd.s32 $0xFFFFEC00  }
0x1bb: {  	_ =	swait.ge [sflag:s7], $0x1400  }
0x1bc: {  	[sflag:s7] =	ssyncset.done $0x0  }
0x1bd: {  	[sflag:s7] =	ssyncadd.s32 $0xFFFFEC00  }
0x1be: {  	_ =	swait.ge [sflag:s7], $0x1400  }
0x1bf: {  	[sflag:s7] =	ssyncset.done $0x0  }
0x1c0: {  	[sflag:s7] =	ssyncadd.s32 $0xFFFFEC00  }
0x1c1: {  	_ =	swait.ge [sflag:s7], $0x1400  }
0x1c2: {  	[sflag:s7] =	ssyncset.done $0x0  }
0x1c3: {  	[sflag:s7] =	ssyncadd.s32 $0xFFFFEC00  }
0x1c4: {  	[bflag:$0x0] =	sbarrier.arrive $0xFFFF  }
0x1c5: {  	[tilespmem:s23], [sflag:$0x3] =	stream.linear.gather [spmem:s5], $0x1400, $0x38;
	[tilespmem:$0x1B000] =	vst v63  }
0x1c6: {  	_ =	swait.ge [sflag:s24], $0x1400  }
0x1c7: {  	[sflag:s24] =	ssyncset.done $0x0  }
0x1c8: {  	s15 =	sadd.s32 $0x0, s22;
	[sflag:s24] =	ssyncadd.s32 $0xFFFFEC00  }
0x1c9: {  	[hbm4b:s15+s4] =	stream.linear.scatter [tilespmem:s23], [sflag:$0x3], $0x1400, $0x38;
	[tilespmem:$0x1B000] =	vst v63  }
0x1ca: {  	_ =	swait.ge [sflag:s24], $0x1400  }
0x1cb: {  	s9 =	simm.s32 $0x280;
	s10 =	smov.u32 s5;
	[sflag:s24] =	ssyncset.done $0x0  }
.LBB2_6:
0x1cc: {  	p0 =	sne.s32 s9, $0x2580;
	[sflag:s24] =	ssyncadd.s32 $0xFFFFEC00;
	s10 =	sadd.s32 $0x1400, s10  }
0x1cd: {  	[tilespmem:s23], [sflag:$0x3] =	stream.linear.gather [spmem:s10], $0x1400, $0x38;
	[tilespmem:$0x1B000] =	vst v63  }
0x1ce: {  	s11 =	smov.u32 s9;
	s9 =	sadd.s32 $0x280, s9;
	_ =	swait.ge [sflag:s24], $0x1400  }
.Ltmp2:
0x1cf: {  	[sflag:s24] =	ssyncset.done $0x0;
	(pc) =	sbr.rel @p0 .LBB2_6-.Ltmp2, $4  }
0x1d0: {  	s11 =	sadd.s32 s11, s22;
	[sflag:s24] =	ssyncadd.s32 $0xFFFFEC00  }
0x1d1: {  	[hbm4b:s11+s4] =	stream.linear.scatter [tilespmem:s23], [sflag:$0x3], $0x1400, $0x38;
	[tilespmem:$0x1B000] =	vst v63  }
0x1d2: {  	_ =	swait.ge [sflag:s24], $0x1400  }
0x1d3: {  	[sflag:s24] =	ssyncset.done $0x0  }
0x1d4: {  	s8 =	sadd.s32 $0x1, s8;
	s9 =	rddreg [dreg:$0x13]  }
0x1d5: {  	p0 =	sne.s32 s8, s9  }
.Ltmp3:
0x1d6: {  	_ = 	snop;
	(pc) =	sbr.rel @p0 .LBB2_1-.Ltmp3, $2  }
0x1d7: {  	_ =	sdelay $0x2  }
0x1d8: {  	[sflag:s24] =	ssyncadd.s32 $0xFFFFEC00  }
0x1d9: {  	_ =	sfence.sel $0x180000  }
0x1da: {  	[bflag:$0x0] =	sbarrier.arrive $0xFFFF  }
0x1db: {  	_ =	strace $0x9000004A  }
0x1dc: {  	s0 =	stileid.u32;
	[bflag:$0x2] =	sbarrier.arrive $0xFFFF  }
0x1dd: {  	p0 =	sne.s32 s0, $0x0;
	s0 =	rddreg [dreg:$0x3]  }
0x1de: {  	s0 =	sadd.s32 @!p0 $0x100000, s0  }
0x1df: {  	[sflag:s0] =	ssyncadd.tile.s32 @!p0 $0x1;
	_ =	shalt  }
.Lfunc_end2:
_tile_overlayer_lowered:
.L_overlay_start_2:
0x1e0: {  	(tag) =	ssettag $0x2  }
0x1e1: {  	s0 =	rddreg [dreg:$0x0];
	s2 =	stileid.u32  }
0x1e2: {  	s1 =	rddreg [dreg:$0x1];
	p0 =	sne.s32 s2, $0x0  }
0x1e3: {  	s3 =	rddreg [dreg:$0x2];
	[bflag:$0x3] =	sbarrier.arrive $0xFFFF;
	s2 =	simm.s32 @!p0 $0x1C03  }
0x1e4: {  	[timem:s3], [sflag:s2] =	dma.local @!p0 [hbm:s0], s1  }
0x1e5: {  	s0 =	simm.s32 @!p0 $0x3  }
0x1e6: {  	_ =	swait.ge @!p0 [sflag:s0], s1  }
0x1e7: {  	s1 =	ssub.s32 @!p0 $0x0, s1;
	[sflag:s0] =	ssyncset.done @!p0 $0x0  }
0x1e8: {  	[sflag:s0] =	ssyncadd.s32 @!p0 s1  }
0x1e9: {  	[bflag:$0x3] =	sbarrier.arrive $0xFFFF  }
0x1ea: {  	_ =	shalt  }

// kernel: kernel.15.cloned.1.call-start
scs
__scs_entry_jumppad:
0x0: {  	(pc) =	sbr.rel $0x88, $3  }
0x1: {  	(tag) =	ssettag $0x0;
	lr =	simm.s32 $0x1  }
0x2: {  	[smem:$0x3F94] =	sst lr;
	_ =	strace $0xD0000000  }
0x3: {  	_ = 	snop  }
0x4: {  	_ = 	snop  }
0x5: {  	_ = 	snop  }
0x6: {  	_ = 	snop  }
0x7: {  	_ = 	snop  }
__scs_overlays_trampoline_lowered:
0x8: {  	[smem:$0x3FA3] =	sst s0  }
0x9: {  	[smem:$0x3FA4] =	sst s1  }
0xa: {  	[smem:$0x3FA5] =	sst s2  }
0xb: {  	[smem:$0x3FA6] =	sst s3  }
0xc: {  	[smem:$0x3FA7] =	sst s4  }
0xd: {  	[smem:$0x3FA8] =	sst s5  }
0xe: {  	[smem:$0x3FA9] =	sst s6  }
0xf: {  	[smem:$0x3FAA] =	sst s7  }
0x10: {  	[smem:$0x3FAB] =	sst s8  }
0x11: {  	[smem:$0x3FAC] =	sst s9;
	s0 =	simm.s32 @!p0 $0x0  }
0x12: {  	s1 =	sld [smem:$0x3F92];
	s0 =	simm.s32 @p0 $0x1  }
0x13: {  	[smem:$0x3FAD] =	sst s0;
	s0 =	simm.s32 @!p1 $0x0  }
0x14: {  	s2 =	sld [smem:$0x3F91];
	s0 =	simm.s32 @p1 $0x1  }
0x15: {  	[smem:$0x3FAE] =	sst s0;
	s0 =	simm.s32 @!p2 $0x0  }
0x16: {  	s3 =	sld [smem:$0x3FDB];
	s0 =	simm.s32 @p2 $0x1  }
0x17: {  	s4 =	simm.s32 $0x1BF5;
	[smem:$0x3FB0] =	sst s0  }
0x18: {  	s0 =	sld [smem:$0x3F93];
	_ =	swait.ge [sflag:s4], $0x0  }
0x19: {  	s7 =	sld [smem:$0x3F94]  }
0x1a: {  	s8 =	sadd.s32 $0xFFFFE003, lr  }
0x1b: {  	s9 =	sadd.s32 $0xFFFFFEF7, lr;
	s5 =	simm.s32 $0xFFFFFFFF;
	p2 =	slt.u32 s8, $0xFFFFF086  }
0x1c: {  	p1 =	slt.u32 s9, $0xF7A;
	s5 =	simm.s32 @!p2 $0x0  }
0x1d: {  	s5 =	simm.s32 @p1 $0x1;
	p0 =	seq.s32 s7, s2  }
0x1e: {  	s7 =	smul.u32 @!p0 $0xF7A, s2;
	p2 =	seq.s32 @!p0 s5, $0x0  }
0x1f: {  	s9 =	smul.u32 $0xF7A, s1;
	s8 =	simm.s32 @!p0 $0x1BF5;
	p2 =	por !p2, p0  }
0x20: {  	[sflag:s8] =	ssyncset.s32 @!p0 $0xFFFFF086;
	s6 =	sadd.s32 @!p0 s3, s7;
	s7 =	simm.s32 @!p0 $0x108  }
0x21: {  	s3 =	sadd.s32 s3, s9;
	s6 =	sadd.s32 @!p0 $0x88, s6;
	s7 =	simm.s32 @p2 $0x1082  }
0x22: {  	[simem:s7], [sflag:s8] =	dma.local @!p0 [hbm:s6], $0xF7A  }
0x23: {  	s9 =	sor.u32 $0xD0000000, s2;
	s6 =	simm.s32 $0x108;
	_ =	swait.ge @!p0 [sflag:s8], $0x0  }
0x24: {  	s3 =	sadd.s32 $0x88, s3;
	s6 =	simm.s32 @!p1 $0x1082;
	[sflag:s4] =	ssyncset.s32 $0xFFFFF086  }
0x25: {  	[simem:s6], [sflag:s4] =	dma.local [hbm:s3], $0xF7A  }
0x26: {  	[smem:$0x3F94] =	sst s1;
	(tag) =	ssettag s2;
	_ =	strace s9  }
0x27: {  	s1 =	sld [smem:$0x3FA4]  }
0x28: {  	s2 =	sld [smem:$0x3FA5]  }
0x29: {  	s4 =	sld [smem:$0x3FA7]  }
0x2a: {  	p0 =	seq.s32 s5, $0x0;
	s5 =	sld [smem:$0x3FA8]  }
0x2b: {  	s6 =	sld [smem:$0x3FA9]  }
0x2c: {  	s7 =	sld [smem:$0x3FAA]  }
0x2d: {  	s3 =	simm.s32 $0x108;
	s8 =	sld [smem:$0x3FAB]  }
0x2e: {  	s3 =	simm.s32 @!p0 $0x1082;
	s9 =	sld [smem:$0x3FAC]  }
0x2f: {  	lr =	sadd.s32 s0, s3;
	s0 =	sld [smem:$0x3FA3]  }
0x30: {  	s3 =	sld [smem:$0x3FA6]  }
0x31: {  	[smem:$0x3FAF] =	sst s10  }
0x32: {  	s10 =	sld [smem:$0x3FAD];
	_ =	sdelay $0x3  }
0x33: {  	p0 =	seq.s32 s10, $0x1;
	s10 =	sld [smem:$0x3FAF];
	_ =	sdelay $0x3  }
0x34: {  	[smem:$0x3FAF] =	sst s10  }
0x35: {  	s10 =	sld [smem:$0x3FAE];
	_ =	sdelay $0x3  }
0x36: {  	p1 =	seq.s32 s10, $0x1;
	s10 =	sld [smem:$0x3FAF];
	_ =	sdelay $0x3  }
0x37: {  	[smem:$0x3FAF] =	sst s10  }
0x38: {  	s10 =	sld [smem:$0x3FB0]  }
0x39: {  	_ = 	snop;
	(pc) =	sbr.ind lr, $3  }
0x3a: {  	_ = 	snop  }
0x3b: {  	_ = 	snop  }
0x3c: {  	p2 =	seq.s32 s10, $0x1;
	s10 =	sld [smem:$0x3FAF]  }
0x3d: {  	_ =	shalt  }
0x3e: {  	_ =	shalt  }
0x3f: {  	_ =	shalt  }
0x40: {  	_ =	shalt  }
0x41: {  	_ =	shalt  }
0x42: {  	_ =	shalt  }
0x43: {  	_ =	shalt  }
0x44: {  	_ =	shalt  }
0x45: {  	_ =	shalt  }
0x46: {  	_ =	shalt  }
0x47: {  	_ =	shalt  }
0x48: {  	_ =	shalt  }
0x49: {  	_ =	shalt  }
0x4a: {  	_ =	shalt  }
0x4b: {  	_ =	shalt  }
0x4c: {  	_ =	shalt  }
0x4d: {  	_ =	shalt  }
0x4e: {  	_ =	shalt  }
0x4f: {  	_ =	shalt  }
0x50: {  	_ =	shalt  }
0x51: {  	_ =	shalt  }
0x52: {  	_ =	shalt  }
0x53: {  	_ =	shalt  }
0x54: {  	_ =	shalt  }
0x55: {  	_ =	shalt  }
0x56: {  	_ =	shalt  }
0x57: {  	_ =	shalt  }
0x58: {  	_ =	shalt  }
0x59: {  	_ =	shalt  }
0x5a: {  	_ =	shalt  }
0x5b: {  	_ =	shalt  }
0x5c: {  	_ =	shalt  }
0x5d: {  	_ =	shalt  }
0x5e: {  	_ =	shalt  }
0x5f: {  	_ =	shalt  }
0x60: {  	_ =	shalt  }
0x61: {  	_ =	shalt  }
0x62: {  	_ =	shalt  }
0x63: {  	_ =	shalt  }
0x64: {  	_ =	shalt  }
0x65: {  	_ =	shalt  }
0x66: {  	_ =	shalt  }
0x67: {  	_ =	shalt  }
0x68: {  	_ =	shalt  }
0x69: {  	_ =	shalt  }
0x6a: {  	_ =	shalt  }
0x6b: {  	_ =	shalt  }
0x6c: {  	_ =	shalt  }
0x6d: {  	_ =	shalt  }
0x6e: {  	_ =	shalt  }
0x6f: {  	_ =	shalt  }
0x70: {  	_ =	shalt  }
0x71: {  	_ =	shalt  }
0x72: {  	_ =	shalt  }
0x73: {  	_ =	shalt  }
0x74: {  	_ =	shalt  }
0x75: {  	_ =	shalt  }
0x76: {  	_ =	shalt  }
0x77: {  	_ =	shalt  }
0x78: {  	_ =	shalt  }
0x79: {  	_ =	shalt  }
0x7a: {  	_ =	shalt  }
0x7b: {  	_ =	shalt  }
0x7c: {  	_ =	shalt  }
0x7d: {  	_ =	shalt  }
0x7e: {  	_ =	shalt  }
0x7f: {  	_ =	shalt  }
0x80: {  	_ =	shalt  }
0x81: {  	_ =	shalt  }
0x82: {  	_ =	shalt  }
0x83: {  	_ =	shalt  }
0x84: {  	_ =	shalt  }
0x85: {  	_ =	shalt  }
0x86: {  	_ =	shalt  }
0x87: {  	_ =	shalt  }
.Lfunc_end0:
.L_simem_size_0:
called_computation.2_lowered:
.L_overlay_start_0:
0x88: {  	s2 =	sld [smem:$0x3FD9]  }
0x89: {  	s3 =	sld [smem:$0x3FFE];
	_ =	sdelay $0x1  }
0x8a: {  	s1 =	srdreg.scid  }
0x8b: {  	s0 =	sand.u32 $0x1, s1  }
0x8c: {  	s17 =	sshll.u32 s0, $0xA;
	s2 =	sadd.s32 s3, s2  }
0x8d: {  	s2 =	sadd.s32 s2, s17  }
0x8e: {  	[smem:$0x3FBB] =	sst s2  }
0x8f: {  	_ = 	snop  }
0x90: {  	s2 =	sld [smem:$0x3FD0];
	(tm) =	ssettm $0x1  }
0x91: {  	s18 =	sld [smem:$0x3FFB];
	_ =	sdelay $0x3  }
0x92: {  	_ =	strace s18  }
0x93: {  	s3 =	sld [smem:$0x3FFC];
	_ =	sdelay $0x3  }
0x94: {  	_ =	strace s3  }
0x95: {  	s3 =	sld [smem:$0x3FFD];
	_ =	sdelay $0x3  }
0x96: {  	_ =	strace s3  }
0x97: {  	_ =	strace $0x8FFFFFFF  }
0x98: {  	s19 =	sld [smem:$0x3FDB];
	_ =	sdelay $0x1  }
0x99: {  	s4 =	simm.s32 $_scs_section_size  }
0x9a: {  	s5 =	simm.s32 $_size__tile_overlayer_lowered;
	s6 =	simm.s32 $_tile_overlayer_lowered  }
0x9b: {  	s22 =	simm.s32 $0x1BFF;
	s21 =	sshll.u32 s6, $0x1;
	s3 =	sadd.s32 s4, s19  }
0x9c: {  	s7 =	simm.s32 $0x0;
	s20 =	sshll.u32 s5, $0x1;
	s5 =	sadd.s32 s21, s3  }
0x9d: {  	[timem:s7], [sflag:s22] =	dma.local [hbm:s5], s20  }
0x9e: {  	_ =	swait.ge [sflag:s22], s20  }
0x9f: {  	s4 =	ssub.s32 $0x0, s20;
	[sflag:s22] =	ssyncset.done $0x0  }
0xa0: {  	[sflag:s22] =	ssyncadd.s32 s4;
	_ =	sdelay $0x1  }
0xa1: {  	s23 =	simm.s32 $0x1B8B  }
0xa2: {  	_ =	swait.ge [sflag:s23], $0x1  }
0xa3: {  	[sflag:s23] =	ssyncset.done $0x0  }
0xa4: {  	s25 =	simm.s32 $0x1B8E;
	s24 =	sld [smem:$0x3FFE];
	[sflag:s23] =	ssyncadd.s32 $0xFFFFFFFF  }
0xa5: {  	s26 =	simm.s32 $execute0_lowered;
	[smem:$0x3FD2] =	sst s25  }
0xa6: {  	s5 =	sshll.u32 s26, $0x1;
	_ =	strace $0x8000004C;
	[dreg:$0x1] =	wrdreg $0xFFFFFFFF  }
0xa7: {  	s28 =	simm.s32 $_size_execute0_lowered;
	s3 =	sadd.s32 s3, s5;
	[dreg:$0x0] =	wrdreg $0x0  }
0xa8: {  	s5 =	sshll.u32 s28, $0x1;
	[dreg:$0x2] =	wrdreg s3  }
0xa9: {  	[dreg:$0x3] =	wrdreg s5  }
0xaa: {  	[dreg:$0x4] =	wrdreg $0xC0  }
0xab: {  	_ =	task [dreg:s7], $0x5FFFF  }
0xac: {  	[dreg:$0x1] =	wrdreg $0xFFFFFFFF  }
0xad: {  	[dreg:$0x0] =	wrdreg $0x60  }
0xae: {  	[dreg:$0x2] =	wrdreg s2  }
0xaf: {  	[dreg:$0x3] =	wrdreg s24  }
0xb0: {  	[dreg:$0x4] =	wrdreg $0x70000  }
0xb1: {  	[dreg:$0x5] =	wrdreg $0x9  }
0xb2: {  	_ =	task.clear_ibuf [dreg:s7], $0x6FFFF;
	_ =	strace $0x9000004C  }
0xb3: {  	s29 =	simm.s32 $0x9;
	_ =	strace $0x8000004E  }
0xb4: {  	_ =	swait.ge [sflag:s29], $0x1  }
0xb5: {  	[sflag:s29] =	ssyncadd.s32 $0xFFFFFFFF  }
0xb6: {  	_ =	strace $0x9000004E  }
0xb7: {  	_ =	sfence  }
0xb8: {  	s30 =	sld [smem:$0x0];
	_ =	sdelay $0x2  }
0xb9: {  	s31 =	sshll.u32 s1, $0xD;
	s1 =	sshrl.u32 s1, $0x2  }
0xba: {  	s3 =	sand.u32 $0x4000, s31;
	s1 =	sadd.s32 s1, s30  }
0xbb: {  	s0 =	sor.u32 s3, s0;
	s1 =	sshll.u32 s1, $0x11  }
0xbc: {  	s0 =	sor.u32 s1, s0  }
0xbd: {  	s0 =	sadd.s32 $0x8F2B, s0  }
0xbe: {  	[sflag:s0] =	ssyncadd.remote.s32 $0x1  }
0xbf: {  	_ =	sfence.sel $0xFFFF  }
0xc0: {  	[dreg:$0x0] =	wrdreg $0xFFFFFFFF;
	(pc) =	sbr.abs _section_cstart, $3  }
0xc1: {  	[dreg:$0x1] =	wrdreg $0xFFFFFFFF  }
0xc2: {  	_ =	task.clear_ibuf [dreg:s7], $0x2FFFF;
	_ =	strace $0x9FFFFFFF  }
0xc3: {  	(tm) =	ssettm $0x7FFFFFFF  }
tec
execute0_lowered:
.L_overlay_start_1:
0x0: {  	(tag) =	ssettag $0x1  }
0x1: {  	s1 =	rddreg [dreg:$0x0]  }
0x2: {  	s0 =	rddreg [dreg:$0x1]  }
0x3: {  	s2 =	rddreg [dreg:$0x2]  }
0x4: {  	s3 =	srdreg.scid;
	s4 =	simm.s32 $0x0;
	s10 =	stileid.u32  }
0x5: {  	s15 =	simm.s32 $0x480;
	s17 =	simm.s32 $0x500;
	s18 =	simm.s32 $0x580  }
0x6: {  	s3 =	sand.u32 $0x1, s3;
	[smem:$0x7FF] =	sst s4;
	s6 =	smul.u32 $0x14000, s10  }
0x7: {  	s7 =	sadd.s32 $0x3E800, s0;
	s8 =	smul.u32 $0x50000, s10;
	s9 =	sadd.s32 $0xC800, s0  }
0x8: {  	s5 =	smul.u32 $0x140000, s3;
	_ =	strace $0x8000004D;
	[dreg:$0x8] =	wrdreg s15  }
0x9: {  	s19 =	smul.u32 $0xC8000, s3;
	s3 =	ssub.s32 $0x2, s3;
	[dreg:$0x9] =	wrdreg s17  }
0xa: {  	s10 =	smul.u32 $0xC800, s10;
	[dreg:$0xa] =	wrdreg s18;
	s20 =	sshrl.u32 s3, $0x1  }
0xb: {  	s8 =	sshrl.u32 s8, $0x2;
	s5 =	sadd.s32 s6, s5;
	s3 =	ssub.s32 s3, s20  }
0xc: {  	s6 =	sadd.s32 s10, s19;
	s19 =	simm.s32 $0x600;
	s20 =	simm.s32 $0x80  }
0xd: {  	s5 =	sshrl.u32 s5, $0x3;
	s3 =	smax.u32 s3, $0x1;
	[dreg:$0xb] =	wrdreg s19  }
0xe: {  	s22 =	sor.u32 $0x400, s6;
	s6 =	sshrl.u32 s6, $0x3;
	[dreg:$0xc] =	wrdreg s20  }
0xf: {  	s0 =	sadd.s32 s5, s0;
	[dreg:$0x13] =	wrdreg s3;
	s11 =	sadd.s32 s6, s9  }
0x10: {  	s5 =	sadd.s32 s8, s2;
	s13 =	sadd.s32 s6, s7;
	[dreg:$0x6] =	wrdreg s11  }
0x11: {  	s3 =	sshrl.u32 s22, $0x3;
	s22 =	simm.s32 $0x180;
	[dreg:$0x7] =	wrdreg s13  }
0x12: {  	s21 =	sadd.s32 $0x1400, s5;
	[dreg:$0xe] =	wrdreg s22  }
0x13: {  	s28 =	simm.s32 $0x200;
	s8 =	sadd.s32 $0x2800, s5;
	[dreg:$0x14] =	wrdreg s21  }
0x14: {  	s29 =	simm.s32 $0x5C00;
	s23 =	sadd.s32 $0x3C00, s5;
	[dreg:$0x15] =	wrdreg s8  }
0x15: {  	s30 =	simm.s32 $0x1;
	s24 =	sadd.s32 $0x5000, s5;
	[dreg:$0x16] =	wrdreg s23  }
0x16: {  	s31 =	simm.s32 $0x2000;
	s25 =	sadd.s32 $0x6400, s5;
	[dreg:$0x17] =	wrdreg s24  }
0x17: {  	s6 =	simm.s32 $0x800;
	s26 =	sadd.s32 s3, s9;
	[dreg:$0x18] =	wrdreg s25  }
0x18: {  	s3 =	sadd.s32 s3, s7;
	s10 =	sadd.s32 $0x7800, s5;
	[dreg:$0x4] =	wrdreg s26  }
0x19: {  	s12 =	sadd.s32 $0x8C00, s5;
	s14 =	sadd.s32 $0xA000, s5;
	[dreg:$0x19] =	wrdreg s10  }
0x1a: {  	s16 =	sadd.s32 $0xB400, s5;
	s17 =	sadd.s32 $0xDC00, s5;
	[dreg:$0x5] =	wrdreg s3  }
0x1b: {  	s18 =	sadd.s32 $0xF000, s5;
	s19 =	sadd.s32 $0x10400, s5;
	[dreg:$0x1a] =	wrdreg s12  }
0x1c: {  	s20 =	sadd.s32 $0x11800, s5;
	s22 =	sadd.s32 $0x70800, s0;
	[dreg:$0x1b] =	wrdreg s14  }
0x1d: {  	s0 =	simm.s32 $0x3400;
	s7 =	simm.s32 $0x2;
	[dreg:$0x1c] =	wrdreg s16  }
0x1e: {  	s16 =	sadd.s32 $0xC800, s5;
	s21 =	simm.s32 $0x100;
	s23 =	simm.s32 $0x880  }
0x1f: {  	s24 =	simm.s32 $0x900;
	s25 =	simm.s32 $0x980;
	[dreg:$0xd] =	wrdreg s21  }
0x20: {  	s26 =	simm.s32 $0xA00;
	s3 =	simm.s32 $0x4800;
	[dreg:$0xf] =	wrdreg s23  }
0x21: {  	s8 =	simm.s32 $0x0;
	s21 =	sadd.s32 $0x12C00, s5;
	[dreg:$0x10] =	wrdreg s24  }
0x22: {  	s23 =	simm.s32 $0xC00;
	s24 =	simm.s32 $0x3;
	[dreg:$0x11] =	wrdreg s25  }
0x23: {  	v0 =	vimm.f32 $0.0e+00;
	[dreg:$0x12] =	wrdreg s26;
	s25 =	simm.s32 $0x400;
	s26 =	simm.s32 $0x28  }
.LBB2_1:
0x24: {  	s9 =	simm.s32 $0x0;
	s10 =	simm.s32 $0x200  }
.LBB2_2:
0x25: {  	p0 =	sne.s32 s10, $0x4E00;
	[tilespmem:s9+$0xC70] =	vst v0  }
0x26: {  	[tilespmem:s9+$0xC00] =	vst v0  }
0x27: {  	[tilespmem:s9+$0xC10] =	vst v0  }
.Ltmp0:
0x28: {  	[tilespmem:s9+$0xC20] =	vst v0;
	(pc) =	sbr.rel @p0 .LBB2_2-.Ltmp0, $4  }
0x29: {  	[tilespmem:s9+$0xC30] =	vst v0  }
0x2a: {  	[tilespmem:s9+$0xC40] =	vst v0  }
0x2b: {  	[tilespmem:s9+$0xC50] =	vst v0  }
0x2c: {  	[tilespmem:s9+$0xC60] =	vst v0;
	s9 =	sshra.s32 s10, $0x2;
	s10 =	sadd.s32 $0x200, s10  }
0x2d: {  	[tilespmem:s9+$0xC70] =	vst v0  }
0x2e: {  	[tilespmem:s9+$0xC00] =	vst v0  }
0x2f: {  	[tilespmem:s9+$0xC10] =	vst v0  }
0x30: {  	[tilespmem:s9+$0xC20] =	vst v0  }
0x31: {  	[tilespmem:s9+$0xC30] =	vst v0  }
0x32: {  	[tilespmem:s9+$0xC40] =	vst v0  }
0x33: {  	[tilespmem:s9+$0xC50] =	vst v0  }
0x34: {  	[tilespmem:s9+$0xC60] =	vst v0  }
0x35: {  	[spmem:s5] =	stream.linear.scatter [tilespmem:s23], [sflag:$0x3], $0x1400, $0x38;
	[tilespmem:$0x1B000] =	vst v63  }
0x36: {  	_ =	swait.ge [sflag:s24], $0x1400  }
0x37: {  	[sflag:s24] =	ssyncset.done $0x0  }
0x38: {  	s10 =	rddreg [dreg:$0x14];
	[sflag:s24] =	ssyncadd.s32 $0xFFFFEC00  }
0x39: {  	[spmem:s10] =	stream.linear.scatter [tilespmem:s23], [sflag:$0x3], $0x1400, $0x38;
	[tilespmem:$0x1B000] =	vst v63  }
0x3a: {  	_ =	swait.ge [sflag:s24], $0x1400  }
0x3b: {  	[sflag:s24] =	ssyncset.done $0x0  }
0x3c: {  	s11 =	rddreg [dreg:$0x15];
	[sflag:s24] =	ssyncadd.s32 $0xFFFFEC00  }
0x3d: {  	[spmem:s11] =	stream.linear.scatter [tilespmem:s23], [sflag:$0x3], $0x1400, $0x38;
	[tilespmem:$0x1B000] =	vst v63  }
0x3e: {  	_ =	swait.ge [sflag:s24], $0x1400  }
0x3f: {  	[sflag:s24] =	ssyncset.done $0x0  }
0x40: {  	s12 =	rddreg [dreg:$0x16];
	[sflag:s24] =	ssyncadd.s32 $0xFFFFEC00  }
0x41: {  	[spmem:s12] =	stream.linear.scatter [tilespmem:s23], [sflag:$0x3], $0x1400, $0x38;
	[tilespmem:$0x1B000] =	vst v63  }
0x42: {  	_ =	swait.ge [sflag:s24], $0x1400  }
0x43: {  	[sflag:s24] =	ssyncset.done $0x0  }
0x44: {  	s13 =	rddreg [dreg:$0x17];
	[sflag:s24] =	ssyncadd.s32 $0xFFFFEC00  }
0x45: {  	[spmem:s13] =	stream.linear.scatter [tilespmem:s23], [sflag:$0x3], $0x1400, $0x38;
	[tilespmem:$0x1B000] =	vst v63  }
0x46: {  	_ =	swait.ge [sflag:s24], $0x1400  }
0x47: {  	[sflag:s24] =	ssyncset.done $0x0  }
0x48: {  	s14 =	rddreg [dreg:$0x18];
	[sflag:s24] =	ssyncadd.s32 $0xFFFFEC00  }
0x49: {  	[spmem:s14] =	stream.linear.scatter [tilespmem:s23], [sflag:$0x3], $0x1400, $0x38;
	[tilespmem:$0x1B000] =	vst v63  }
0x4a: {  	_ =	swait.ge [sflag:s24], $0x1400  }
0x4b: {  	[sflag:s24] =	ssyncset.done $0x0  }
0x4c: {  	s15 =	rddreg [dreg:$0x19];
	[sflag:s24] =	ssyncadd.s32 $0xFFFFEC00  }
0x4d: {  	[spmem:s15] =	stream.linear.scatter [tilespmem:s23], [sflag:$0x3], $0x1400, $0x38;
	[tilespmem:$0x1B000] =	vst v63  }
0x4e: {  	_ =	swait.ge [sflag:s24], $0x1400  }
0x4f: {  	[sflag:s24] =	ssyncset.done $0x0  }
0x50: {  	s10 =	rddreg [dreg:$0x1a];
	[sflag:s24] =	ssyncadd.s32 $0xFFFFEC00  }
0x51: {  	[spmem:s10] =	stream.linear.scatter [tilespmem:s23], [sflag:$0x3], $0x1400, $0x38;
	[tilespmem:$0x1B000] =	vst v63  }
0x52: {  	_ =	swait.ge [sflag:s24], $0x1400  }
0x53: {  	[sflag:s24] =	ssyncset.done $0x0  }
0x54: {  	s11 =	rddreg [dreg:$0x1b];
	[sflag:s24] =	ssyncadd.s32 $0xFFFFEC00  }
0x55: {  	[spmem:s11] =	stream.linear.scatter [tilespmem:s23], [sflag:$0x3], $0x1400, $0x38;
	[tilespmem:$0x1B000] =	vst v63  }
0x56: {  	_ =	swait.ge [sflag:s24], $0x1400  }
0x57: {  	[sflag:s24] =	ssyncset.done $0x0  }
0x58: {  	s12 =	rddreg [dreg:$0x1c];
	[sflag:s24] =	ssyncadd.s32 $0xFFFFEC00  }
0x59: {  	[spmem:s12] =	stream.linear.scatter [tilespmem:s23], [sflag:$0x3], $0x1400, $0x38;
	[tilespmem:$0x1B000] =	vst v63  }
0x5a: {  	_ =	swait.ge [sflag:s24], $0x1400  }
0x5b: {  	[sflag:s24] =	ssyncset.done $0x0  }
0x5c: {  	[sflag:s24] =	ssyncadd.s32 $0xFFFFEC00  }
0x5d: {  	[spmem:s16] =	stream.linear.scatter [tilespmem:s23], [sflag:$0x3], $0x1400, $0x38;
	[tilespmem:$0x1B000] =	vst v63  }
0x5e: {  	_ =	swait.ge [sflag:s24], $0x1400  }
0x5f: {  	[sflag:s24] =	ssyncset.done $0x0  }
0x60: {  	[sflag:s24] =	ssyncadd.s32 $0xFFFFEC00  }
0x61: {  	[spmem:s17] =	stream.linear.scatter [tilespmem:s23], [sflag:$0x3], $0x1400, $0x38;
	[tilespmem:$0x1B000] =	vst v63  }
0x62: {  	_ =	swait.ge [sflag:s24], $0x1400  }
0x63: {  	[sflag:s24] =	ssyncset.done $0x0  }
0x64: {  	[sflag:s24] =	ssyncadd.s32 $0xFFFFEC00  }
0x65: {  	[spmem:s18] =	stream.linear.scatter [tilespmem:s23], [sflag:$0x3], $0x1400, $0x38;
	[tilespmem:$0x1B000] =	vst v63  }
0x66: {  	_ =	swait.ge [sflag:s24], $0x1400  }
0x67: {  	[sflag:s24] =	ssyncset.done $0x0  }
0x68: {  	[sflag:s24] =	ssyncadd.s32 $0xFFFFEC00  }
0x69: {  	[spmem:s19] =	stream.linear.scatter [tilespmem:s23], [sflag:$0x3], $0x1400, $0x38;
	[tilespmem:$0x1B000] =	vst v63  }
0x6a: {  	_ =	swait.ge [sflag:s24], $0x1400  }
0x6b: {  	[sflag:s24] =	ssyncset.done $0x0  }
0x6c: {  	[sflag:s24] =	ssyncadd.s32 $0xFFFFEC00  }
0x6d: {  	[spmem:s20] =	stream.linear.scatter [tilespmem:s23], [sflag:$0x3], $0x1400, $0x38;
	[tilespmem:$0x1B000] =	vst v63  }
0x6e: {  	_ =	swait.ge [sflag:s24], $0x1400  }
0x6f: {  	[sflag:s24] =	ssyncset.done $0x0  }
0x70: {  	[sflag:s24] =	ssyncadd.s32 $0xFFFFEC00  }
0x71: {  	[spmem:s21] =	stream.linear.scatter [tilespmem:s23], [sflag:$0x3], $0x1400, $0x38;
	[tilespmem:$0x1B000] =	vst v63  }
0x72: {  	_ =	swait.ge [sflag:s24], $0x1400  }
0x73: {  	[sflag:s24] =	ssyncset.done $0x0  }
0x74: {  	[sflag:s24] =	ssyncadd.s32 $0xFFFFEC00  }
0x75: {  	[bflag:$0x0] =	sbarrier.arrive $0xFFFF  }
0x76: {  	s13 =	rddreg [dreg:$0x7]  }
0x77: {  	s9 =	sadd.s32 $0x0, s13  }
0x78: {  	[tilespmem:s4], [sflag:$0x3] =	stream.linear.gather [hbm4b:s9+s4], $0x280, $0x38;
	[tilespmem:$0x1B000] =	vst v63  }
0x79: {  	_ =	swait.ge [sflag:s24], $0x280  }
0x7a: {  	s14 =	rddreg [dreg:$0x6];
	[sflag:s24] =	ssyncset.done $0x0  }
0x7b: {  	[sflag:s24] =	ssyncadd.s32 $0xFFFFFD80;
	s9 =	sadd.s32 $0x0, s14  }
0x7c: {  	[tilespmem:s25], [sflag:$0x3] =	stream.linear.gather [hbm4b:s9+s4], $0x280, $0x38;
	[tilespmem:$0x1B000] =	vst v63  }
0x7d: {  	_ =	swait.ge [sflag:s24], $0x280  }
0x7e: {  	p0 =	por $0x0, $0x0;
	[sflag:s24] =	ssyncset.done $0x0  }
0x7f: {  	s9 =	simm.s32 @p0 $0x2;
	[sflag:s24] =	ssyncadd.s32 $0xFFFFFD80  }
0x80: {  	_ =	swait.ge @p0 [sflag:s9], $0x1400  }
0x81: {  	s10 =	simm.s32 @p0 $0xC00;
	[sflag:s9] =	ssyncset.done @p0 $0x0  }
0x82: {  	s11 =	simm.s32 @p0 $0x28;
	s12 =	simm.s32 @p0 $0x0;
	[sflag:s9] =	ssyncadd.s32 @p0 $0xFFFFEC00  }
0x83: {  	[tilespmem:s10], [sflag:$0x1] =	stream.indirect.gather @p0 [hbm4b:s1+s11], $0x80, s12, s11, $0xb8;
	[tilespmem:$0x1B000] =	vst v63  }
0x84: {  	_ =	swait.ge @p0 [sflag:s9], $0x1400  }
0x85: {  	[sflag:s9] =	ssyncset.done @p0 $0x0  }
0x86: {  	s10 =	simm.s32 @p0 $0x80;
	s12 =	simm.s32 @p0 $0x2000;
	[sflag:s9] =	ssyncadd.s32 @p0 $0xFFFFEC00  }
0x87: {  	[tilespmem:s12], [sflag:$0x1] =	stream.indirect.gather @p0 [hbm4b:s1+s11], $0x80, s10, s11, $0xb8;
	[tilespmem:$0x1B000] =	vst v63  }
0x88: {  	_ =	swait.ge @p0 [sflag:s9], $0x1400  }
0x89: {  	[sflag:s9] =	ssyncset.done @p0 $0x0  }
0x8a: {  	s10 =	simm.s32 @p0 $0x100;
	s12 =	simm.s32 @p0 $0x3400;
	[sflag:s9] =	ssyncadd.s32 @p0 $0xFFFFEC00  }
0x8b: {  	[tilespmem:s12], [sflag:$0x1] =	stream.indirect.gather @p0 [hbm4b:s1+s11], $0x80, s10, s11, $0xb8;
	[tilespmem:$0x1B000] =	vst v63  }
0x8c: {  	_ =	swait.ge @p0 [sflag:s9], $0x1400  }
0x8d: {  	[sflag:s9] =	ssyncset.done @p0 $0x0  }
0x8e: {  	s10 =	simm.s32 @p0 $0x180;
	s12 =	simm.s32 @p0 $0x4800;
	[sflag:s9] =	ssyncadd.s32 @p0 $0xFFFFEC00  }
0x8f: {  	[tilespmem:s12], [sflag:$0x1] =	stream.indirect.gather @p0 [hbm4b:s1+s11], $0x80, s10, s11, $0xb8;
	[tilespmem:$0x1B000] =	vst v63  }
0x90: {  	_ =	swait.ge @p0 [sflag:s9], $0x1400  }
0x91: {  	s10 =	simm.s32 @!p0 $0xC00;
	[sflag:s9] =	ssyncset.done @p0 $0x0  }
0x92: {  	s11 =	simm.s32 @!p0 $0x0;
	[sflag:s9] =	ssyncadd.s32 @p0 $0xFFFFEC00;
	s9 =	simm.s32 @!p0 $0x28  }
0x93: {  	[tilespmem:s10], [sflag:$0x1] =	stream.indirect.gather @!p0 [hbm4b:s1+s9], $0x80, s11, s9, $0xb8;
	[tilespmem:$0x1B000] =	vst v63  }
0x94: {  	s10 =	simm.s32 @!p0 $0x80;
	s11 =	simm.s32 @!p0 $0x2000  }
0x95: {  	[tilespmem:s11], [sflag:$0x1] =	stream.indirect.gather @!p0 [hbm4b:s1+s9], $0x80, s10, s9, $0xb8;
	[tilespmem:$0x1B000] =	vst v63  }
0x96: {  	s10 =	simm.s32 @!p0 $0x100;
	s11 =	simm.s32 @!p0 $0x3400  }
0x97: {  	[tilespmem:s11], [sflag:$0x1] =	stream.indirect.gather @!p0 [hbm4b:s1+s9], $0x80, s10, s9, $0xb8;
	[tilespmem:$0x1B000] =	vst v63  }
0x98: {  	s10 =	simm.s32 @!p0 $0x180;
	s11 =	simm.s32 @!p0 $0x4800  }
0x99: {  	[tilespmem:s11], [sflag:$0x1] =	stream.indirect.gather @!p0 [hbm4b:s1+s9], $0x80, s10, s9, $0xb8;
	[tilespmem:$0x1B000] =	vst v63  }
0x9a: {  	_ = 	snop  }
0x9b: {  	[tilespmem:s29], [sflag:$0x1] =	stream.indirect.gather [hbm4b:s1+s26], $0x80, s28, s26, $0xb8;
	[tilespmem:$0x1B000] =	vst v63  }
0x9c: {  	_ =	swait.ge [sflag:s30], $0x1400  }
0x9d: {  	[sflag:s30] =	ssyncset.done $0x0  }
0x9e: {  	[sflag:s30] =	ssyncadd.s32 $0xFFFFEC00  }
0x9f: {  	[spmem:s2] =	stream.indirect.scatter.add.f32 [tilespmem:s23], [sflag:$0x2], $0x80, s25, s26, $0xb8;
	[tilespmem:$0x1B000] =	vst v63  }
0xa0: {  	_ =	swait.ge [sflag:s30], $0x1400  }
0xa1: {  	[sflag:s30] =	ssyncset.done $0x0  }
0xa2: {  	s15 =	rddreg [dreg:$0x8];
	[sflag:s30] =	ssyncadd.s32 $0xFFFFEC00  }
0xa3: {  	[spmem:s2] =	stream.indirect.scatter.add.f32 [tilespmem:s31], [sflag:$0x2], $0x80, s15, s26, $0xb8;
	[tilespmem:$0x1B000] =	vst v63  }
0xa4: {  	_ =	swait.ge [sflag:s30], $0x1400  }
0xa5: {  	[sflag:s30] =	ssyncset.done $0x0  }
0xa6: {  	s10 =	rddreg [dreg:$0x9];
	[sflag:s30] =	ssyncadd.s32 $0xFFFFEC00  }
0xa7: {  	[spmem:s2] =	stream.indirect.scatter.add.f32 [tilespmem:s0], [sflag:$0x2], $0x80, s10, s26, $0xb8;
	[tilespmem:$0x1B000] =	vst v63  }
0xa8: {  	_ =	swait.ge [sflag:s30], $0x1400  }
0xa9: {  	[sflag:s30] =	ssyncset.done $0x0  }
0xaa: {  	s11 =	rddreg [dreg:$0xa];
	[sflag:s30] =	ssyncadd.s32 $0xFFFFEC00  }
0xab: {  	[spmem:s2] =	stream.indirect.scatter.add.f32 [tilespmem:s3], [sflag:$0x2], $0x80, s11, s26, $0xb8;
	[tilespmem:$0x1B000] =	vst v63  }
0xac: {  	_ =	swait.ge [sflag:s30], $0x1400  }
0xad: {  	s12 =	rddreg [dreg:$0xb];
	[sflag:s30] =	ssyncset.done $0x0  }
0xae: {  	s13 =	rddreg [dreg:$0x5];
	[sflag:s30] =	ssyncadd.s32 $0xFFFFEC00  }
0xaf: {  	[spmem:s2] =	stream.indirect.scatter.add.f32 [tilespmem:s29], [sflag:$0x2], $0x80, s12, s26, $0xb8;
	[tilespmem:$0x1B000] =	vst v63  }
0xb0: {  	s14 =	sadd.s32 $0x0, s13  }
0xb1: {  	[tilespmem:s4], [sflag:$0x3] =	stream.linear.gather [hbm4b:s14+s4], $0x280, $0x38;
	[tilespmem:$0x1B000] =	vst v63  }
0xb2: {  	_ =	swait.ge [sflag:s24], $0x280  }
0xb3: {  	s15 =	rddreg [dreg:$0x4];
	[sflag:s24] =	ssyncset.done $0x0  }
0xb4: {  	[sflag:s24] =	ssyncadd.s32 $0xFFFFFD80;
	s9 =	sadd.s32 $0x0, s15  }
0xb5: {  	[tilespmem:s6], [sflag:$0x3] =	stream.linear.gather [hbm4b:s9+s4], $0x280, $0x38;
	[tilespmem:$0x1B000] =	vst v63  }
0xb6: {  	_ =	swait.ge [sflag:s24], $0x280  }
0xb7: {  	[sflag:s24] =	ssyncset.done $0x0  }
0xb8: {  	[sflag:s24] =	ssyncadd.s32 $0xFFFFFD80  }
0xb9: {  	_ =	swait.ge [sflag:s7], $0x1400  }
0xba: {  	[sflag:s7] =	ssyncset.done $0x0  }
0xbb: {  	[sflag:s7] =	ssyncadd.s32 $0xFFFFEC00  }
0xbc: {  	[tilespmem:s23], [sflag:$0x1] =	stream.indirect.gather [hbm4b:s1+s26], $0x80, s4, s26, $0xb8;
	[tilespmem:$0x1B000] =	vst v63  }
0xbd: {  	_ =	swait.ge [sflag:s7], $0x1400  }
0xbe: {  	[sflag:s7] =	ssyncset.done $0x0  }
0xbf: {  	s10 =	rddreg [dreg:$0xc];
	[sflag:s7] =	ssyncadd.s32 $0xFFFFEC00  }
0xc0: {  	[tilespmem:s31], [sflag:$0x1] =	stream.indirect.gather [hbm4b:s1+s26], $0x80, s10, s26, $0xb8;
	[tilespmem:$0x1B000] =	vst v63  }
0xc1: {  	_ =	swait.ge [sflag:s7], $0x1400  }
0xc2: {  	[sflag:s7] =	ssyncset.done $0x0  }
0xc3: {  	s11 =	rddreg [dreg:$0xd];
	[sflag:s7] =	ssyncadd.s32 $0xFFFFEC00  }
0xc4: {  	[tilespmem:s0], [sflag:$0x1] =	stream.indirect.gather [hbm4b:s1+s26], $0x80, s11, s26, $0xb8;
	[tilespmem:$0x1B000] =	vst v63  }
0xc5: {  	_ =	swait.ge [sflag:s7], $0x1400  }
0xc6: {  	[sflag:s7] =	ssyncset.done $0x0  }
0xc7: {  	s12 =	rddreg [dreg:$0xe];
	[sflag:s7] =	ssyncadd.s32 $0xFFFFEC00  }
0xc8: {  	[tilespmem:s3], [sflag:$0x1] =	stream.indirect.gather [hbm4b:s1+s26], $0x80, s12, s26, $0xb8;
	[tilespmem:$0x1B000] =	vst v63  }
0xc9: {  	_ =	swait.ge [sflag:s7], $0x1400  }
0xca: {  	[sflag:s7] =	ssyncset.done $0x0  }
0xcb: {  	[sflag:s7] =	ssyncadd.s32 $0xFFFFEC00  }
0xcc: {  	[tilespmem:s29], [sflag:$0x1] =	stream.indirect.gather [hbm4b:s1+s26], $0x80, s28, s26, $0xb8;
	[tilespmem:$0x1B000] =	vst v63  }
0xcd: {  	_ =	swait.ge [sflag:s30], $0x1400  }
0xce: {  	[sflag:s30] =	ssyncset.done $0x0  }
0xcf: {  	[sflag:s30] =	ssyncadd.s32 $0xFFFFEC00  }
0xd0: {  	[spmem:s2] =	stream.indirect.scatter.add.f32 [tilespmem:s23], [sflag:$0x2], $0x80, s6, s26, $0xb8;
	[tilespmem:$0x1B000] =	vst v63  }
0xd1: {  	_ =	swait.ge [sflag:s30], $0x1400  }
0xd2: {  	[sflag:s30] =	ssyncset.done $0x0  }
0xd3: {  	s13 =	rddreg [dreg:$0xf];
	[sflag:s30] =	ssyncadd.s32 $0xFFFFEC00  }
0xd4: {  	[spmem:s2] =	stream.indirect.scatter.add.f32 [tilespmem:s31], [sflag:$0x2], $0x80, s13, s26, $0xb8;
	[tilespmem:$0x1B000] =	vst v63  }
0xd5: {  	_ =	swait.ge [sflag:s30], $0x1400  }
0xd6: {  	[sflag:s30] =	ssyncset.done $0x0  }
0xd7: {  	s14 =	rddreg [dreg:$0x10];
	[sflag:s30] =	ssyncadd.s32 $0xFFFFEC00  }
0xd8: {  	[spmem:s2] =	stream.indirect.scatter.add.f32 [tilespmem:s0], [sflag:$0x2], $0x80, s14, s26, $0xb8;
	[tilespmem:$0x1B000] =	vst v63  }
0xd9: {  	_ =	swait.ge [sflag:s30], $0x1400  }
0xda: {  	[sflag:s30] =	ssyncset.done $0x0  }
0xdb: {  	s15 =	rddreg [dreg:$0x11];
	[sflag:s30] =	ssyncadd.s32 $0xFFFFEC00  }
0xdc: {  	[spmem:s2] =	stream.indirect.scatter.add.f32 [tilespmem:s3], [sflag:$0x2], $0x80, s15, s26, $0xb8;
	[tilespmem:$0x1B000] =	vst v63  }
0xdd: {  	_ =	swait.ge [sflag:s30], $0x1400  }
0xde: {  	s9 =	simm.s32 $0x100;
	[sflag:s30] =	ssyncset.done $0x0;
	s11 =	rddreg [dreg:$0x12]  }
0xdf: {  	s10 =	simm.s32 $0x200;
	s12 =	rddreg [dreg:$0x7];
	[sflag:s30] =	ssyncadd.s32 $0xFFFFEC00  }
.LBB2_4:
0xe0: {  	[spmem:s2] =	stream.indirect.scatter.add.f32 [tilespmem:s29], [sflag:$0x2], $0x80, s11, s26, $0xb8;
	[tilespmem:$0x1B000] =	vst v63  }
0xe1: {  	s12 =	sadd.s32 s9, s12  }
0xe2: {  	[tilespmem:s4], [sflag:$0x3] =	stream.linear.gather [hbm4b:s12+s4], $0x280, $0x38;
	[tilespmem:$0x1B000] =	vst v63  }
0xe3: {  	_ =	swait.ge [sflag:s24], $0x280  }
0xe4: {  	s15 =	rddreg [dreg:$0x6];
	[sflag:s24] =	ssyncset.done $0x0  }
0xe5: {  	[sflag:s24] =	ssyncadd.s32 $0xFFFFFD80;
	s12 =	sadd.s32 s9, s15  }
0xe6: {  	[tilespmem:s25], [sflag:$0x3] =	stream.linear.gather [hbm4b:s12+s4], $0x280, $0x38;
	[tilespmem:$0x1B000] =	vst v63  }
0xe7: {  	_ =	swait.ge [sflag:s24], $0x280  }
0xe8: {  	p1 =	sne.s32 s9, $0x0;
	[sflag:s24] =	ssyncset.done $0x0  }
0xe9: {  	s12 =	simm.s32 @p1 $0x2;
	[sflag:s24] =	ssyncadd.s32 $0xFFFFFD80  }
0xea: {  	_ =	swait.ge @p1 [sflag:s12], $0x1400  }
0xeb: {  	s13 =	simm.s32 @p1 $0xC00;
	[sflag:s12] =	ssyncset.done @p1 $0x0  }
0xec: {  	s14 =	simm.s32 @p1 $0x28;
	s15 =	simm.s32 @p1 $0x0;
	[sflag:s12] =	ssyncadd.s32 @p1 $0xFFFFEC00  }
0xed: {  	[tilespmem:s13], [sflag:$0x1] =	stream.indirect.gather @p1 [hbm4b:s1+s14], $0x80, s15, s14, $0xb8;
	[tilespmem:$0x1B000] =	vst v63  }
0xee: {  	_ =	swait.ge @p1 [sflag:s12], $0x1400  }
0xef: {  	[sflag:s12] =	ssyncset.done @p1 $0x0  }
0xf0: {  	s13 =	simm.s32 @p1 $0x80;
	s15 =	simm.s32 @p1 $0x2000;
	[sflag:s12] =	ssyncadd.s32 @p1 $0xFFFFEC00  }
0xf1: {  	[tilespmem:s15], [sflag:$0x1] =	stream.indirect.gather @p1 [hbm4b:s1+s14], $0x80, s13, s14, $0xb8;
	[tilespmem:$0x1B000] =	vst v63  }
0xf2: {  	_ =	swait.ge @p1 [sflag:s12], $0x1400  }
0xf3: {  	[sflag:s12] =	ssyncset.done @p1 $0x0  }
0xf4: {  	s13 =	simm.s32 @p1 $0x100;
	s15 =	simm.s32 @p1 $0x3400;
	[sflag:s12] =	ssyncadd.s32 @p1 $0xFFFFEC00  }
0xf5: {  	[tilespmem:s15], [sflag:$0x1] =	stream.indirect.gather @p1 [hbm4b:s1+s14], $0x80, s13, s14, $0xb8;
	[tilespmem:$0x1B000] =	vst v63  }
0xf6: {  	_ =	swait.ge @p1 [sflag:s12], $0x1400  }
0xf7: {  	[sflag:s12] =	ssyncset.done @p1 $0x0  }
0xf8: {  	s13 =	simm.s32 @p1 $0x180;
	s15 =	simm.s32 @p1 $0x4800;
	[sflag:s12] =	ssyncadd.s32 @p1 $0xFFFFEC00  }
0xf9: {  	[tilespmem:s15], [sflag:$0x1] =	stream.indirect.gather @p1 [hbm4b:s1+s14], $0x80, s13, s14, $0xb8;
	[tilespmem:$0x1B000] =	vst v63  }
0xfa: {  	_ =	swait.ge @p1 [sflag:s12], $0x1400  }
0xfb: {  	s13 =	simm.s32 @!p1 $0xC00;
	[sflag:s12] =	ssyncset.done @p1 $0x0  }
0xfc: {  	s14 =	simm.s32 @!p1 $0x0;
	[sflag:s12] =	ssyncadd.s32 @p1 $0xFFFFEC00;
	s12 =	simm.s32 @!p1 $0x28  }
0xfd: {  	[tilespmem:s13], [sflag:$0x1] =	stream.indirect.gather @!p1 [hbm4b:s1+s12], $0x80, s14, s12, $0xb8;
	[tilespmem:$0x1B000] =	vst v63  }
0xfe: {  	s13 =	simm.s32 @!p1 $0x80;
	s14 =	simm.s32 @!p1 $0x2000  }
0xff: {  	[tilespmem:s14], [sflag:$0x1] =	stream.indirect.gather @!p1 [hbm4b:s1+s12], $0x80, s13, s12, $0xb8;
	[tilespmem:$0x1B000] =	vst v63  }
0x100: {  	s13 =	simm.s32 @!p1 $0x100;
	s14 =	simm.s32 @!p1 $0x3400  }
0x101: {  	[tilespmem:s14], [sflag:$0x1] =	stream.indirect.gather @!p1 [hbm4b:s1+s12], $0x80, s13, s12, $0xb8;
	[tilespmem:$0x1B000] =	vst v63  }
0x102: {  	s13 =	simm.s32 @!p1 $0x180;
	s14 =	simm.s32 @!p1 $0x4800  }
0x103: {  	[tilespmem:s14], [sflag:$0x1] =	stream.indirect.gather @!p1 [hbm4b:s1+s12], $0x80, s13, s12, $0xb8;
	[tilespmem:$0x1B000] =	vst v63  }
0x104: {  	_ = 	snop  }
0x105: {  	[tilespmem:s29], [sflag:$0x1] =	stream.indirect.gather [hbm4b:s1+s26], $0x80, s28, s26, $0xb8;
	[tilespmem:$0x1B000] =	vst v63  }
0x106: {  	_ =	swait.ge [sflag:s30], $0x1400  }
0x107: {  	[sflag:s30] =	ssyncset.done $0x0  }
0x108: {  	[sflag:s30] =	ssyncadd.s32 $0xFFFFEC00  }
0x109: {  	[spmem:s2] =	stream.indirect.scatter.add.f32 [tilespmem:s23], [sflag:$0x2], $0x80, s25, s26, $0xb8;
	[tilespmem:$0x1B000] =	vst v63  }
0x10a: {  	_ =	swait.ge [sflag:s30], $0x1400  }
0x10b: {  	[sflag:s30] =	ssyncset.done $0x0  }
0x10c: {  	s13 =	rddreg [dreg:$0x8];
	[sflag:s30] =	ssyncadd.s32 $0xFFFFEC00  }
0x10d: {  	[spmem:s2] =	stream.indirect.scatter.add.f32 [tilespmem:s31], [sflag:$0x2], $0x80, s13, s26, $0xb8;
	[tilespmem:$0x1B000] =	vst v63  }
0x10e: {  	_ =	swait.ge [sflag:s30], $0x1400  }
0x10f: {  	[sflag:s30] =	ssyncset.done $0x0  }
0x110: {  	s14 =	rddreg [dreg:$0x9];
	[sflag:s30] =	ssyncadd.s32 $0xFFFFEC00  }
0x111: {  	[spmem:s2] =	stream.indirect.scatter.add.f32 [tilespmem:s0], [sflag:$0x2], $0x80, s14, s26, $0xb8;
	[tilespmem:$0x1B000] =	vst v63  }
0x112: {  	_ =	swait.ge [sflag:s30], $0x1400  }
0x113: {  	[sflag:s30] =	ssyncset.done $0x0  }
0x114: {  	s15 =	rddreg [dreg:$0xa];
	[sflag:s30] =	ssyncadd.s32 $0xFFFFEC00  }
0x115: {  	[spmem:s2] =	stream.indirect.scatter.add.f32 [tilespmem:s3], [sflag:$0x2], $0x80, s15, s26, $0xb8;
	[tilespmem:$0x1B000] =	vst v63  }
0x116: {  	_ =	swait.ge [sflag:s30], $0x1400  }
0x117: {  	s13 =	rddreg [dreg:$0xb];
	[sflag:s30] =	ssyncset.done $0x0  }
0x118: {  	s14 =	rddreg [dreg:$0x5];
	[sflag:s30] =	ssyncadd.s32 $0xFFFFEC00  }
0x119: {  	[spmem:s2] =	stream.indirect.scatter.add.f32 [tilespmem:s29], [sflag:$0x2], $0x80, s13, s26, $0xb8;
	[tilespmem:$0x1B000] =	vst v63  }
0x11a: {  	s15 =	sadd.s32 s9, s14  }
0x11b: {  	[tilespmem:s4], [sflag:$0x3] =	stream.linear.gather [hbm4b:s15+s4], $0x280, $0x38;
	[tilespmem:$0x1B000] =	vst v63  }
0x11c: {  	_ =	swait.ge [sflag:s24], $0x280  }
0x11d: {  	s13 =	rddreg [dreg:$0x4];
	[sflag:s24] =	ssyncset.done $0x0  }
0x11e: {  	[sflag:s24] =	ssyncadd.s32 $0xFFFFFD80;
	s12 =	sadd.s32 s9, s13  }
0x11f: {  	[tilespmem:s6], [sflag:$0x3] =	stream.linear.gather [hbm4b:s12+s4], $0x280, $0x38;
	[tilespmem:$0x1B000] =	vst v63  }
0x120: {  	_ =	swait.ge [sflag:s24], $0x280  }
0x121: {  	[sflag:s24] =	ssyncset.done $0x0  }
0x122: {  	[sflag:s24] =	ssyncadd.s32 $0xFFFFFD80  }
0x123: {  	_ =	swait.ge [sflag:s7], $0x1400  }
0x124: {  	[sflag:s7] =	ssyncset.done $0x0  }
0x125: {  	[sflag:s7] =	ssyncadd.s32 $0xFFFFEC00  }
0x126: {  	[tilespmem:s23], [sflag:$0x1] =	stream.indirect.gather [hbm4b:s1+s26], $0x80, s4, s26, $0xb8;
	[tilespmem:$0x1B000] =	vst v63  }
0x127: {  	_ =	swait.ge [sflag:s7], $0x1400  }
0x128: {  	[sflag:s7] =	ssyncset.done $0x0  }
0x129: {  	s14 =	rddreg [dreg:$0xc];
	[sflag:s7] =	ssyncadd.s32 $0xFFFFEC00  }
0x12a: {  	[tilespmem:s31], [sflag:$0x1] =	stream.indirect.gather [hbm4b:s1+s26], $0x80, s14, s26, $0xb8;
	[tilespmem:$0x1B000] =	vst v63  }
0x12b: {  	_ =	swait.ge [sflag:s7], $0x1400  }
0x12c: {  	[sflag:s7] =	ssyncset.done $0x0  }
0x12d: {  	s15 =	rddreg [dreg:$0xd];
	[sflag:s7] =	ssyncadd.s32 $0xFFFFEC00  }
0x12e: {  	[tilespmem:s0], [sflag:$0x1] =	stream.indirect.gather [hbm4b:s1+s26], $0x80, s15, s26, $0xb8;
	[tilespmem:$0x1B000] =	vst v63  }
0x12f: {  	_ =	swait.ge [sflag:s7], $0x1400  }
0x130: {  	[sflag:s7] =	ssyncset.done $0x0  }
0x131: {  	s12 =	rddreg [dreg:$0xe];
	[sflag:s7] =	ssyncadd.s32 $0xFFFFEC00  }
0x132: {  	[tilespmem:s3], [sflag:$0x1] =	stream.indirect.gather [hbm4b:s1+s26], $0x80, s12, s26, $0xb8;
	[tilespmem:$0x1B000] =	vst v63  }
0x133: {  	_ =	swait.ge [sflag:s7], $0x1400  }
0x134: {  	[sflag:s7] =	ssyncset.done $0x0  }
0x135: {  	[sflag:s7] =	ssyncadd.s32 $0xFFFFEC00  }
0x136: {  	[tilespmem:s29], [sflag:$0x1] =	stream.indirect.gather [hbm4b:s1+s26], $0x80, s28, s26, $0xb8;
	[tilespmem:$0x1B000] =	vst v63  }
0x137: {  	_ =	swait.ge [sflag:s30], $0x1400  }
0x138: {  	[sflag:s30] =	ssyncset.done $0x0  }
0x139: {  	[sflag:s30] =	ssyncadd.s32 $0xFFFFEC00  }
0x13a: {  	[spmem:s2] =	stream.indirect.scatter.add.f32 [tilespmem:s23], [sflag:$0x2], $0x80, s6, s26, $0xb8;
	[tilespmem:$0x1B000] =	vst v63  }
0x13b: {  	_ =	swait.ge [sflag:s30], $0x1400  }
0x13c: {  	[sflag:s30] =	ssyncset.done $0x0  }
0x13d: {  	s13 =	rddreg [dreg:$0xf];
	[sflag:s30] =	ssyncadd.s32 $0xFFFFEC00  }
0x13e: {  	[spmem:s2] =	stream.indirect.scatter.add.f32 [tilespmem:s31], [sflag:$0x2], $0x80, s13, s26, $0xb8;
	[tilespmem:$0x1B000] =	vst v63  }
0x13f: {  	_ =	swait.ge [sflag:s30], $0x1400  }
0x140: {  	[sflag:s30] =	ssyncset.done $0x0  }
0x141: {  	s14 =	rddreg [dreg:$0x10];
	[sflag:s30] =	ssyncadd.s32 $0xFFFFEC00  }
0x142: {  	[spmem:s2] =	stream.indirect.scatter.add.f32 [tilespmem:s0], [sflag:$0x2], $0x80, s14, s26, $0xb8;
	[tilespmem:$0x1B000] =	vst v63  }
0x143: {  	s11 =	smov.u32 s10;
	s10 =	sadd.s32 $0x100, s10;
	_ =	swait.ge [sflag:s30], $0x1400  }
0x144: {  	p0 =	sne.s32 s10, $0x1900;
	[sflag:s30] =	ssyncset.done $0x0  }
.Ltmp1:
0x145: {  	s15 =	rddreg [dreg:$0x11];
	[sflag:s30] =	ssyncadd.s32 $0xFFFFEC00;
	(pc) =	sbr.rel @p0 .LBB2_4-.Ltmp1, $4  }
0x146: {  	[spmem:s2] =	stream.indirect.scatter.add.f32 [tilespmem:s3], [sflag:$0x2], $0x80, s15, s26, $0xb8;
	[tilespmem:$0x1B000] =	vst v63  }
0x147: {  	_ =	swait.ge [sflag:s30], $0x1400  }
0x148: {  	s9 =	smov.u32 s11;
	[sflag:s30] =	ssyncset.done $0x0;
	s11 =	rddreg [dreg:$0x12]  }
0x149: {  	s12 =	rddreg [dreg:$0x7];
	[sflag:s30] =	ssyncadd.s32 $0xFFFFEC00  }
0x14a: {  	[spmem:s2] =	stream.indirect.scatter.add.f32 [tilespmem:s29], [sflag:$0x2], $0x80, s11, s26, $0xb8;
	[tilespmem:$0x1B000] =	vst v63  }
0x14b: {  	s10 =	sadd.s32 s9, s12  }
0x14c: {  	[tilespmem:s4], [sflag:$0x3] =	stream.linear.gather [hbm4b:s10+s4], $0x280, $0x38;
	[tilespmem:$0x1B000] =	vst v63  }
0x14d: {  	_ =	swait.ge [sflag:s24], $0x280  }
0x14e: {  	s15 =	rddreg [dreg:$0x6];
	[sflag:s24] =	ssyncset.done $0x0  }
0x14f: {  	[sflag:s24] =	ssyncadd.s32 $0xFFFFFD80;
	s10 =	sadd.s32 s9, s15  }
0x150: {  	[tilespmem:s25], [sflag:$0x3] =	stream.linear.gather [hbm4b:s10+s4], $0x280, $0x38;
	[tilespmem:$0x1B000] =	vst v63  }
0x151: {  	_ =	swait.ge [sflag:s24], $0x280  }
0x152: {  	p0 =	sne.s32 s9, $0x0;
	[sflag:s24] =	ssyncset.done $0x0  }
0x153: {  	s10 =	simm.s32 @p0 $0x2;
	[sflag:s24] =	ssyncadd.s32 $0xFFFFFD80  }
0x154: {  	_ =	swait.ge @p0 [sflag:s10], $0x1400  }
0x155: {  	s11 =	simm.s32 @p0 $0xC00;
	[sflag:s10] =	ssyncset.done @p0 $0x0  }
0x156: {  	s12 =	simm.s32 @p0 $0x28;
	s13 =	simm.s32 @p0 $0x0;
	[sflag:s10] =	ssyncadd.s32 @p0 $0xFFFFEC00  }
0x157: {  	[tilespmem:s11], [sflag:$0x1] =	stream.indirect.gather @p0 [hbm4b:s1+s12], $0x80, s13, s12, $0xb8;
	[tilespmem:$0x1B000] =	vst v63  }
0x158: {  	_ =	swait.ge @p0 [sflag:s10], $0x1400  }
0x159: {  	[sflag:s10] =	ssyncset.done @p0 $0x0  }
0x15a: {  	s11 =	simm.s32 @p0 $0x80;
	s13 =	simm.s32 @p0 $0x2000;
	[sflag:s10] =	ssyncadd.s32 @p0 $0xFFFFEC00  }
0x15b: {  	[tilespmem:s13], [sflag:$0x1] =	stream.indirect.gather @p0 [hbm4b:s1+s12], $0x80, s11, s12, $0xb8;
	[tilespmem:$0x1B000] =	vst v63  }
0x15c: {  	_ =	swait.ge @p0 [sflag:s10], $0x1400  }
0x15d: {  	[sflag:s10] =	ssyncset.done @p0 $0x0  }
0x15e: {  	s11 =	simm.s32 @p0 $0x100;
	s13 =	simm.s32 @p0 $0x3400;
	[sflag:s10] =	ssyncadd.s32 @p0 $0xFFFFEC00  }
0x15f: {  	[tilespmem:s13], [sflag:$0x1] =	stream.indirect.gather @p0 [hbm4b:s1+s12], $0x80, s11, s12, $0xb8;
	[tilespmem:$0x1B000] =	vst v63  }
0x160: {  	_ =	swait.ge @p0 [sflag:s10], $0x1400  }
0x161: {  	[sflag:s10] =	ssyncset.done @p0 $0x0  }
0x162: {  	s11 =	simm.s32 @p0 $0x180;
	s13 =	simm.s32 @p0 $0x4800;
	[sflag:s10] =	ssyncadd.s32 @p0 $0xFFFFEC00  }
0x163: {  	[tilespmem:s13], [sflag:$0x1] =	stream.indirect.gather @p0 [hbm4b:s1+s12], $0x80, s11, s12, $0xb8;
	[tilespmem:$0x1B000] =	vst v63  }
0x164: {  	_ =	swait.ge @p0 [sflag:s10], $0x1400  }
0x165: {  	s11 =	simm.s32 @!p0 $0xC00;
	[sflag:s10] =	ssyncset.done @p0 $0x0  }
0x166: {  	s12 =	simm.s32 @!p0 $0x0;
	[sflag:s10] =	ssyncadd.s32 @p0 $0xFFFFEC00;
	s10 =	simm.s32 @!p0 $0x28  }
0x167: {  	[tilespmem:s11], [sflag:$0x1] =	stream.indirect.gather @!p0 [hbm4b:s1+s10], $0x80, s12, s10, $0xb8;
	[tilespmem:$0x1B000] =	vst v63  }
0x168: {  	s11 =	simm.s32 @!p0 $0x80;
	s12 =	simm.s32 @!p0 $0x2000  }
0x169: {  	[tilespmem:s12], [sflag:$0x1] =	stream.indirect.gather @!p0 [hbm4b:s1+s10], $0x80, s11, s10, $0xb8;
	[tilespmem:$0x1B000] =	vst v63  }
0x16a: {  	s11 =	simm.s32 @!p0 $0x100;
	s12 =	simm.s32 @!p0 $0x3400  }
0x16b: {  	[tilespmem:s12], [sflag:$0x1] =	stream.indirect.gather @!p0 [hbm4b:s1+s10], $0x80, s11, s10, $0xb8;
	[tilespmem:$0x1B000] =	vst v63  }
0x16c: {  	s11 =	simm.s32 @!p0 $0x180;
	s12 =	simm.s32 @!p0 $0x4800  }
0x16d: {  	[tilespmem:s12], [sflag:$0x1] =	stream.indirect.gather @!p0 [hbm4b:s1+s10], $0x80, s11, s10, $0xb8;
	[tilespmem:$0x1B000] =	vst v63  }
0x16e: {  	_ = 	snop  }
0x16f: {  	[tilespmem:s29], [sflag:$0x1] =	stream.indirect.gather [hbm4b:s1+s26], $0x80, s28, s26, $0xb8;
	[tilespmem:$0x1B000] =	vst v63  }
0x170: {  	_ =	swait.ge [sflag:s30], $0x1400  }
0x171: {  	[sflag:s30] =	ssyncset.done $0x0  }
0x172: {  	[sflag:s30] =	ssyncadd.s32 $0xFFFFEC00  }
0x173: {  	[spmem:s2] =	stream.indirect.scatter.add.f32 [tilespmem:s23], [sflag:$0x2], $0x80, s25, s26, $0xb8;
	[tilespmem:$0x1B000] =	vst v63  }
0x174: {  	_ =	swait.ge [sflag:s30], $0x1400  }
0x175: {  	[sflag:s30] =	ssyncset.done $0x0  }
0x176: {  	s11 =	rddreg [dreg:$0x8];
	[sflag:s30] =	ssyncadd.s32 $0xFFFFEC00  }
0x177: {  	[spmem:s2] =	stream.indirect.scatter.add.f32 [tilespmem:s31], [sflag:$0x2], $0x80, s11, s26, $0xb8;
	[tilespmem:$0x1B000] =	vst v63  }
0x178: {  	_ =	swait.ge [sflag:s30], $0x1400  }
0x179: {  	[sflag:s30] =	ssyncset.done $0x0  }
0x17a: {  	s12 =	rddreg [dreg:$0x9];
	[sflag:s30] =	ssyncadd.s32 $0xFFFFEC00  }
0x17b: {  	[spmem:s2] =	stream.indirect.scatter.add.f32 [tilespmem:s0], [sflag:$0x2], $0x80, s12, s26, $0xb8;
	[tilespmem:$0x1B000] =	vst v63  }
0x17c: {  	_ =	swait.ge [sflag:s30], $0x1400  }
0x17d: {  	[sflag:s30] =	ssyncset.done $0x0  }
0x17e: {  	s13 =	rddreg [dreg:$0xa];
	[sflag:s30] =	ssyncadd.s32 $0xFFFFEC00  }
0x17f: {  	[spmem:s2] =	stream.indirect.scatter.add.f32 [tilespmem:s3], [sflag:$0x2], $0x80, s13, s26, $0xb8;
	[tilespmem:$0x1B000] =	vst v63  }
0x180: {  	_ =	swait.ge [sflag:s30], $0x1400  }
0x181: {  	s14 =	rddreg [dreg:$0xb];
	[sflag:s30] =	ssyncset.done $0x0  }
0x182: {  	s15 =	rddreg [dreg:$0x5];
	[sflag:s30] =	ssyncadd.s32 $0xFFFFEC00  }
0x183: {  	[spmem:s2] =	stream.indirect.scatter.add.f32 [tilespmem:s29], [sflag:$0x2], $0x80, s14, s26, $0xb8;
	[tilespmem:$0x1B000] =	vst v63  }
0x184: {  	s11 =	sadd.s32 s9, s15  }
0x185: {  	[tilespmem:s4], [sflag:$0x3] =	stream.linear.gather [hbm4b:s11+s4], $0x280, $0x38;
	[tilespmem:$0x1B000] =	vst v63  }
0x186: {  	_ =	swait.ge [sflag:s24], $0x280  }
0x187: {  	s12 =	rddreg [dreg:$0x4];
	[sflag:s24] =	ssyncset.done $0x0  }
0x188: {  	[sflag:s24] =	ssyncadd.s32 $0xFFFFFD80;
	s13 =	sadd.s32 s9, s12  }
0x189: {  	[tilespmem:s6], [sflag:$0x3] =	stream.linear.gather [hbm4b:s13+s4], $0x280, $0x38;
	[tilespmem:$0x1B000] =	vst v63  }
0x18a: {  	_ =	swait.ge [sflag:s24], $0x280  }
0x18b: {  	[sflag:s24] =	ssyncset.done $0x0  }
0x18c: {  	[sflag:s24] =	ssyncadd.s32 $0xFFFFFD80  }
0x18d: {  	_ =	swait.ge [sflag:s7], $0x1400  }
0x18e: {  	[sflag:s7] =	ssyncset.done $0x0  }
0x18f: {  	[sflag:s7] =	ssyncadd.s32 $0xFFFFEC00  }
0x190: {  	[tilespmem:s23], [sflag:$0x1] =	stream.indirect.gather [hbm4b:s1+s26], $0x80, s4, s26, $0xb8;
	[tilespmem:$0x1B000] =	vst v63  }
0x191: {  	_ =	swait.ge [sflag:s7], $0x1400  }
0x192: {  	[sflag:s7] =	ssyncset.done $0x0  }
0x193: {  	s14 =	rddreg [dreg:$0xc];
	[sflag:s7] =	ssyncadd.s32 $0xFFFFEC00  }
0x194: {  	[tilespmem:s31], [sflag:$0x1] =	stream.indirect.gather [hbm4b:s1+s26], $0x80, s14, s26, $0xb8;
	[tilespmem:$0x1B000] =	vst v63  }
0x195: {  	_ =	swait.ge [sflag:s7], $0x1400  }
0x196: {  	[sflag:s7] =	ssyncset.done $0x0  }
0x197: {  	s15 =	rddreg [dreg:$0xd];
	[sflag:s7] =	ssyncadd.s32 $0xFFFFEC00  }
0x198: {  	[tilespmem:s0], [sflag:$0x1] =	stream.indirect.gather [hbm4b:s1+s26], $0x80, s15, s26, $0xb8;
	[tilespmem:$0x1B000] =	vst v63  }
0x199: {  	_ =	swait.ge [sflag:s7], $0x1400  }
0x19a: {  	[sflag:s7] =	ssyncset.done $0x0  }
0x19b: {  	s10 =	rddreg [dreg:$0xe];
	[sflag:s7] =	ssyncadd.s32 $0xFFFFEC00  }
0x19c: {  	[tilespmem:s3], [sflag:$0x1] =	stream.indirect.gather [hbm4b:s1+s26], $0x80, s10, s26, $0xb8;
	[tilespmem:$0x1B000] =	vst v63  }
0x19d: {  	_ =	swait.ge [sflag:s7], $0x1400  }
0x19e: {  	[sflag:s7] =	ssyncset.done $0x0  }
0x19f: {  	[sflag:s7] =	ssyncadd.s32 $0xFFFFEC00  }
0x1a0: {  	[tilespmem:s29], [sflag:$0x1] =	stream.indirect.gather [hbm4b:s1+s26], $0x80, s28, s26, $0xb8;
	[tilespmem:$0x1B000] =	vst v63  }
0x1a1: {  	_ =	swait.ge [sflag:s30], $0x1400  }
0x1a2: {  	[sflag:s30] =	ssyncset.done $0x0  }
0x1a3: {  	[sflag:s30] =	ssyncadd.s32 $0xFFFFEC00  }
0x1a4: {  	[spmem:s2] =	stream.indirect.scatter.add.f32 [tilespmem:s23], [sflag:$0x2], $0x80, s6, s26, $0xb8;
	[tilespmem:$0x1B000] =	vst v63  }
0x1a5: {  	_ =	swait.ge [sflag:s30], $0x1400  }
0x1a6: {  	[sflag:s30] =	ssyncset.done $0x0  }
0x1a7: {  	s11 =	rddreg [dreg:$0xf];
	[sflag:s30] =	ssyncadd.s32 $0xFFFFEC00  }
0x1a8: {  	[spmem:s2] =	stream.indirect.scatter.add.f32 [tilespmem:s31], [sflag:$0x2], $0x80, s11, s26, $0xb8;
	[tilespmem:$0x1B000] =	vst v63  }
0x1a9: {  	_ =	swait.ge [sflag:s30], $0x1400  }
0x1aa: {  	[sflag:s30] =	ssyncset.done $0x0  }
0x1ab: {  	s12 =	rddreg [dreg:$0x10];
	[sflag:s30] =	ssyncadd.s32 $0xFFFFEC00  }
0x1ac: {  	[spmem:s2] =	stream.indirect.scatter.add.f32 [tilespmem:s0], [sflag:$0x2], $0x80, s12, s26, $0xb8;
	[tilespmem:$0x1B000] =	vst v63  }
0x1ad: {  	_ =	swait.ge [sflag:s30], $0x1400  }
0x1ae: {  	[sflag:s30] =	ssyncset.done $0x0  }
0x1af: {  	s13 =	rddreg [dreg:$0x11];
	[sflag:s30] =	ssyncadd.s32 $0xFFFFEC00  }
0x1b0: {  	[spmem:s2] =	stream.indirect.scatter.add.f32 [tilespmem:s3], [sflag:$0x2], $0x80, s13, s26, $0xb8;
	[tilespmem:$0x1B000] =	vst v63  }
0x1b1: {  	_ =	swait.ge [sflag:s30], $0x1400  }
0x1b2: {  	[sflag:s30] =	ssyncset.done $0x0  }
0x1b3: {  	s14 =	rddreg [dreg:$0x12];
	[sflag:s30] =	ssyncadd.s32 $0xFFFFEC00  }
0x1b4: {  	[spmem:s2] =	stream.indirect.scatter.add.f32 [tilespmem:s29], [sflag:$0x2], $0x80, s14, s26, $0xb8;
	[tilespmem:$0x1B000] =	vst v63  }
0x1b5: {  	_ =	swait.ge [sflag:s7], $0x1400  }
0x1b6: {  	[sflag:s7] =	ssyncset.done $0x0  }
0x1b7: {  	[sflag:s7] =	ssyncadd.s32 $0xFFFFEC00  }
0x1b8: {  	_ =	swait.ge [sflag:s7], $0x1400  }
0x1b9: {  	[sflag:s7] =	ssyncset.done $0x0  }
0x1ba: {  	[sflag:s7] =	ssyncadd.s32 $0xFFFFEC00  }
0x1bb: {  	_ =	swait.ge [sflag:s7], $0x1400  }
0x1bc: {  	[sflag:s7] =	ssyncset.done $0x0  }
0x1bd: {  	[sflag:s7] =	ssyncadd.s32 $0xFFFFEC00  }
0x1be: {  	_ =	swait.ge [sflag:s7], $0x1400  }
0x1bf: {  	[sflag:s7] =	ssyncset.done $0x0  }
0x1c0: {  	[sflag:s7] =	ssyncadd.s32 $0xFFFFEC00  }
0x1c1: {  	_ =	swait.ge [sflag:s7], $0x1400  }
0x1c2: {  	[sflag:s7] =	ssyncset.done $0x0  }
0x1c3: {  	[sflag:s7] =	ssyncadd.s32 $0xFFFFEC00  }
0x1c4: {  	[bflag:$0x0] =	sbarrier.arrive $0xFFFF  }
0x1c5: {  	[tilespmem:s23], [sflag:$0x3] =	stream.linear.gather [spmem:s5], $0x1400, $0x38;
	[tilespmem:$0x1B000] =	vst v63  }
0x1c6: {  	_ =	swait.ge [sflag:s24], $0x1400  }
0x1c7: {  	[sflag:s24] =	ssyncset.done $0x0  }
0x1c8: {  	s15 =	sadd.s32 $0x0, s22;
	[sflag:s24] =	ssyncadd.s32 $0xFFFFEC00  }
0x1c9: {  	[hbm4b:s15+s4] =	stream.linear.scatter [tilespmem:s23], [sflag:$0x3], $0x1400, $0x38;
	[tilespmem:$0x1B000] =	vst v63  }
0x1ca: {  	_ =	swait.ge [sflag:s24], $0x1400  }
0x1cb: {  	s9 =	simm.s32 $0x280;
	s10 =	smov.u32 s5;
	[sflag:s24] =	ssyncset.done $0x0  }
.LBB2_6:
0x1cc: {  	p0 =	sne.s32 s9, $0x2580;
	[sflag:s24] =	ssyncadd.s32 $0xFFFFEC00;
	s10 =	sadd.s32 $0x1400, s10  }
0x1cd: {  	[tilespmem:s23], [sflag:$0x3] =	stream.linear.gather [spmem:s10], $0x1400, $0x38;
	[tilespmem:$0x1B000] =	vst v63  }
0x1ce: {  	s11 =	smov.u32 s9;
	s9 =	sadd.s32 $0x280, s9;
	_ =	swait.ge [sflag:s24], $0x1400  }
.Ltmp2:
0x1cf: {  	[sflag:s24] =	ssyncset.done $0x0;
	(pc) =	sbr.rel @p0 .LBB2_6-.Ltmp2, $4  }
0x1d0: {  	s11 =	sadd.s32 s11, s22;
	[sflag:s24] =	ssyncadd.s32 $0xFFFFEC00  }
0x1d1: {  	[hbm4b:s11+s4] =	stream.linear.scatter [tilespmem:s23], [sflag:$0x3], $0x1400, $0x38;
	[tilespmem:$0x1B000] =	vst v63  }
0x1d2: {  	_ =	swait.ge [sflag:s24], $0x1400  }
0x1d3: {  	[sflag:s24] =	ssyncset.done $0x0  }
0x1d4: {  	s8 =	sadd.s32 $0x1, s8;
	s9 =	rddreg [dreg:$0x13]  }
0x1d5: {  	p0 =	sne.s32 s8, s9  }
.Ltmp3:
0x1d6: {  	_ = 	snop;
	(pc) =	sbr.rel @p0 .LBB2_1-.Ltmp3, $2  }
0x1d7: {  	_ =	sdelay $0x2  }
0x1d8: {  	[sflag:s24] =	ssyncadd.s32 $0xFFFFEC00  }
0x1d9: {  	_ =	sfence.sel $0x180000  }
0x1da: {  	[bflag:$0x0] =	sbarrier.arrive $0xFFFF  }
0x1db: {  	_ =	strace $0x9000004D  }
0x1dc: {  	s0 =	stileid.u32;
	[bflag:$0x2] =	sbarrier.arrive $0xFFFF  }
0x1dd: {  	p0 =	sne.s32 s0, $0x0;
	s0 =	rddreg [dreg:$0x3]  }
0x1de: {  	s0 =	sadd.s32 @!p0 $0x100000, s0  }
0x1df: {  	[sflag:s0] =	ssyncadd.tile.s32 @!p0 $0x1;
	_ =	shalt  }
.Lfunc_end2:
_tile_overlayer_lowered:
.L_overlay_start_2:
0x1e0: {  	(tag) =	ssettag $0x2  }
0x1e1: {  	s0 =	rddreg [dreg:$0x0];
	s2 =	stileid.u32  }
0x1e2: {  	s1 =	rddreg [dreg:$0x1];
	p0 =	sne.s32 s2, $0x0  }
0x1e3: {  	s3 =	rddreg [dreg:$0x2];
	[bflag:$0x3] =	sbarrier.arrive $0xFFFF;
	s2 =	simm.s32 @!p0 $0x1C03  }
0x1e4: {  	[timem:s3], [sflag:s2] =	dma.local @!p0 [hbm:s0], s1  }
0x1e5: {  	s0 =	simm.s32 @!p0 $0x3  }
0x1e6: {  	_ =	swait.ge @!p0 [sflag:s0], s1  }
0x1e7: {  	s1 =	ssub.s32 @!p0 $0x0, s1;
	[sflag:s0] =	ssyncset.done @!p0 $0x0  }
0x1e8: {  	[sflag:s0] =	ssyncadd.s32 @!p0 s1  }
0x1e9: {  	[bflag:$0x3] =	sbarrier.arrive $0xFFFF  }
0x1ea: {  	_ =	shalt  }

// kernel: kernel.18.cloned.1.call-start
scs
__scs_entry_jumppad:
0x0: {  	(pc) =	sbr.rel $0x88, $3  }
0x1: {  	(tag) =	ssettag $0x0;
	lr =	simm.s32 $0x1  }
0x2: {  	[smem:$0x3F94] =	sst lr;
	_ =	strace $0xD0000000  }
0x3: {  	_ = 	snop  }
0x4: {  	_ = 	snop  }
0x5: {  	_ = 	snop  }
0x6: {  	_ = 	snop  }
0x7: {  	_ = 	snop  }
__scs_overlays_trampoline_lowered:
0x8: {  	[smem:$0x3FA3] =	sst s0  }
0x9: {  	[smem:$0x3FA4] =	sst s1  }
0xa: {  	[smem:$0x3FA5] =	sst s2  }
0xb: {  	[smem:$0x3FA6] =	sst s3  }
0xc: {  	[smem:$0x3FA7] =	sst s4  }
0xd: {  	[smem:$0x3FA8] =	sst s5  }
0xe: {  	[smem:$0x3FA9] =	sst s6  }
0xf: {  	[smem:$0x3FAA] =	sst s7  }
0x10: {  	[smem:$0x3FAB] =	sst s8  }
0x11: {  	[smem:$0x3FAC] =	sst s9;
	s0 =	simm.s32 @!p0 $0x0  }
0x12: {  	s1 =	sld [smem:$0x3F92];
	s0 =	simm.s32 @p0 $0x1  }
0x13: {  	[smem:$0x3FAD] =	sst s0;
	s0 =	simm.s32 @!p1 $0x0  }
0x14: {  	s2 =	sld [smem:$0x3F91];
	s0 =	simm.s32 @p1 $0x1  }
0x15: {  	[smem:$0x3FAE] =	sst s0;
	s0 =	simm.s32 @!p2 $0x0  }
0x16: {  	s3 =	sld [smem:$0x3FDB];
	s0 =	simm.s32 @p2 $0x1  }
0x17: {  	s4 =	simm.s32 $0x1BF5;
	[smem:$0x3FB0] =	sst s0  }
0x18: {  	s0 =	sld [smem:$0x3F93];
	_ =	swait.ge [sflag:s4], $0x0  }
0x19: {  	s7 =	sld [smem:$0x3F94]  }
0x1a: {  	s8 =	sadd.s32 $0xFFFFE003, lr  }
0x1b: {  	s9 =	sadd.s32 $0xFFFFFEF7, lr;
	s5 =	simm.s32 $0xFFFFFFFF;
	p2 =	slt.u32 s8, $0xFFFFF086  }
0x1c: {  	p1 =	slt.u32 s9, $0xF7A;
	s5 =	simm.s32 @!p2 $0x0  }
0x1d: {  	s5 =	simm.s32 @p1 $0x1;
	p0 =	seq.s32 s7, s2  }
0x1e: {  	s7 =	smul.u32 @!p0 $0xF7A, s2;
	p2 =	seq.s32 @!p0 s5, $0x0  }
0x1f: {  	s9 =	smul.u32 $0xF7A, s1;
	s8 =	simm.s32 @!p0 $0x1BF5;
	p2 =	por !p2, p0  }
0x20: {  	[sflag:s8] =	ssyncset.s32 @!p0 $0xFFFFF086;
	s6 =	sadd.s32 @!p0 s3, s7;
	s7 =	simm.s32 @!p0 $0x108  }
0x21: {  	s3 =	sadd.s32 s3, s9;
	s6 =	sadd.s32 @!p0 $0x88, s6;
	s7 =	simm.s32 @p2 $0x1082  }
0x22: {  	[simem:s7], [sflag:s8] =	dma.local @!p0 [hbm:s6], $0xF7A  }
0x23: {  	s9 =	sor.u32 $0xD0000000, s2;
	s6 =	simm.s32 $0x108;
	_ =	swait.ge @!p0 [sflag:s8], $0x0  }
0x24: {  	s3 =	sadd.s32 $0x88, s3;
	s6 =	simm.s32 @!p1 $0x1082;
	[sflag:s4] =	ssyncset.s32 $0xFFFFF086  }
0x25: {  	[simem:s6], [sflag:s4] =	dma.local [hbm:s3], $0xF7A  }
0x26: {  	[smem:$0x3F94] =	sst s1;
	(tag) =	ssettag s2;
	_ =	strace s9  }
0x27: {  	s1 =	sld [smem:$0x3FA4]  }
0x28: {  	s2 =	sld [smem:$0x3FA5]  }
0x29: {  	s4 =	sld [smem:$0x3FA7]  }
0x2a: {  	p0 =	seq.s32 s5, $0x0;
	s5 =	sld [smem:$0x3FA8]  }
0x2b: {  	s6 =	sld [smem:$0x3FA9]  }
0x2c: {  	s7 =	sld [smem:$0x3FAA]  }
0x2d: {  	s3 =	simm.s32 $0x108;
	s8 =	sld [smem:$0x3FAB]  }
0x2e: {  	s3 =	simm.s32 @!p0 $0x1082;
	s9 =	sld [smem:$0x3FAC]  }
0x2f: {  	lr =	sadd.s32 s0, s3;
	s0 =	sld [smem:$0x3FA3]  }
0x30: {  	s3 =	sld [smem:$0x3FA6]  }
0x31: {  	[smem:$0x3FAF] =	sst s10  }
0x32: {  	s10 =	sld [smem:$0x3FAD];
	_ =	sdelay $0x3  }
0x33: {  	p0 =	seq.s32 s10, $0x1;
	s10 =	sld [smem:$0x3FAF];
	_ =	sdelay $0x3  }
0x34: {  	[smem:$0x3FAF] =	sst s10  }
0x35: {  	s10 =	sld [smem:$0x3FAE];
	_ =	sdelay $0x3  }
0x36: {  	p1 =	seq.s32 s10, $0x1;
	s10 =	sld [smem:$0x3FAF];
	_ =	sdelay $0x3  }
0x37: {  	[smem:$0x3FAF] =	sst s10  }
0x38: {  	s10 =	sld [smem:$0x3FB0]  }
0x39: {  	_ = 	snop;
	(pc) =	sbr.ind lr, $3  }
0x3a: {  	_ = 	snop  }
0x3b: {  	_ = 	snop  }
0x3c: {  	p2 =	seq.s32 s10, $0x1;
	s10 =	sld [smem:$0x3FAF]  }
0x3d: {  	_ =	shalt  }
0x3e: {  	_ =	shalt  }
0x3f: {  	_ =	shalt  }
0x40: {  	_ =	shalt  }
0x41: {  	_ =	shalt  }
0x42: {  	_ =	shalt  }
0x43: {  	_ =	shalt  }
0x44: {  	_ =	shalt  }
0x45: {  	_ =	shalt  }
0x46: {  	_ =	shalt  }
0x47: {  	_ =	shalt  }
0x48: {  	_ =	shalt  }
0x49: {  	_ =	shalt  }
0x4a: {  	_ =	shalt  }
0x4b: {  	_ =	shalt  }
0x4c: {  	_ =	shalt  }
0x4d: {  	_ =	shalt  }
0x4e: {  	_ =	shalt  }
0x4f: {  	_ =	shalt  }
0x50: {  	_ =	shalt  }
0x51: {  	_ =	shalt  }
0x52: {  	_ =	shalt  }
0x53: {  	_ =	shalt  }
0x54: {  	_ =	shalt  }
0x55: {  	_ =	shalt  }
0x56: {  	_ =	shalt  }
0x57: {  	_ =	shalt  }
0x58: {  	_ =	shalt  }
0x59: {  	_ =	shalt  }
0x5a: {  	_ =	shalt  }
0x5b: {  	_ =	shalt  }
0x5c: {  	_ =	shalt  }
0x5d: {  	_ =	shalt  }
0x5e: {  	_ =	shalt  }
0x5f: {  	_ =	shalt  }
0x60: {  	_ =	shalt  }
0x61: {  	_ =	shalt  }
0x62: {  	_ =	shalt  }
0x63: {  	_ =	shalt  }
0x64: {  	_ =	shalt  }
0x65: {  	_ =	shalt  }
0x66: {  	_ =	shalt  }
0x67: {  	_ =	shalt  }
0x68: {  	_ =	shalt  }
0x69: {  	_ =	shalt  }
0x6a: {  	_ =	shalt  }
0x6b: {  	_ =	shalt  }
0x6c: {  	_ =	shalt  }
0x6d: {  	_ =	shalt  }
0x6e: {  	_ =	shalt  }
0x6f: {  	_ =	shalt  }
0x70: {  	_ =	shalt  }
0x71: {  	_ =	shalt  }
0x72: {  	_ =	shalt  }
0x73: {  	_ =	shalt  }
0x74: {  	_ =	shalt  }
0x75: {  	_ =	shalt  }
0x76: {  	_ =	shalt  }
0x77: {  	_ =	shalt  }
0x78: {  	_ =	shalt  }
0x79: {  	_ =	shalt  }
0x7a: {  	_ =	shalt  }
0x7b: {  	_ =	shalt  }
0x7c: {  	_ =	shalt  }
0x7d: {  	_ =	shalt  }
0x7e: {  	_ =	shalt  }
0x7f: {  	_ =	shalt  }
0x80: {  	_ =	shalt  }
0x81: {  	_ =	shalt  }
0x82: {  	_ =	shalt  }
0x83: {  	_ =	shalt  }
0x84: {  	_ =	shalt  }
0x85: {  	_ =	shalt  }
0x86: {  	_ =	shalt  }
0x87: {  	_ =	shalt  }
.Lfunc_end0:
.L_simem_size_0:
called_computation.3_lowered:
.L_overlay_start_0:
0x88: {  	s2 =	sld [smem:$0x3FD9]  }
0x89: {  	s3 =	sld [smem:$0x3FFE];
	_ =	sdelay $0x1  }
0x8a: {  	s1 =	srdreg.scid  }
0x8b: {  	s0 =	sand.u32 $0x1, s1  }
0x8c: {  	s17 =	sshll.u32 s0, $0xA;
	s2 =	sadd.s32 s3, s2  }
0x8d: {  	s2 =	sadd.s32 s2, s17  }
0x8e: {  	[smem:$0x3FBB] =	sst s2  }
0x8f: {  	_ = 	snop  }
0x90: {  	s2 =	sld [smem:$0x3FD0];
	(tm) =	ssettm $0x1  }
0x91: {  	s18 =	sld [smem:$0x3FFB];
	_ =	sdelay $0x3  }
0x92: {  	_ =	strace s18  }
0x93: {  	s3 =	sld [smem:$0x3FFC];
	_ =	sdelay $0x3  }
0x94: {  	_ =	strace s3  }
0x95: {  	s3 =	sld [smem:$0x3FFD];
	_ =	sdelay $0x3  }
0x96: {  	_ =	strace s3  }
0x97: {  	_ =	strace $0x8FFFFFFF  }
0x98: {  	s19 =	sld [smem:$0x3FDB];
	_ =	sdelay $0x1  }
0x99: {  	s4 =	simm.s32 $_scs_section_size  }
0x9a: {  	s5 =	simm.s32 $_size__tile_overlayer_lowered;
	s6 =	simm.s32 $_tile_overlayer_lowered  }
0x9b: {  	s22 =	simm.s32 $0x1BFF;
	s21 =	sshll.u32 s6, $0x1;
	s3 =	sadd.s32 s4, s19  }
0x9c: {  	s7 =	simm.s32 $0x0;
	s20 =	sshll.u32 s5, $0x1;
	s5 =	sadd.s32 s21, s3  }
0x9d: {  	[timem:s7], [sflag:s22] =	dma.local [hbm:s5], s20  }
0x9e: {  	_ =	swait.ge [sflag:s22], s20  }
0x9f: {  	s4 =	ssub.s32 $0x0, s20;
	[sflag:s22] =	ssyncset.done $0x0  }
0xa0: {  	[sflag:s22] =	ssyncadd.s32 s4;
	_ =	sdelay $0x1  }
0xa1: {  	s23 =	simm.s32 $0x1B8B  }
0xa2: {  	_ =	swait.ge [sflag:s23], $0x1  }
0xa3: {  	[sflag:s23] =	ssyncset.done $0x0  }
0xa4: {  	s25 =	simm.s32 $0x1B8E;
	s24 =	sld [smem:$0x3FFE];
	[sflag:s23] =	ssyncadd.s32 $0xFFFFFFFF  }
0xa5: {  	s26 =	simm.s32 $execute0_lowered;
	[smem:$0x3FD2] =	sst s25  }
0xa6: {  	s5 =	sshll.u32 s26, $0x1;
	_ =	strace $0x8000004F;
	[dreg:$0x1] =	wrdreg $0xFFFFFFFF  }
0xa7: {  	s28 =	simm.s32 $_size_execute0_lowered;
	s3 =	sadd.s32 s3, s5;
	[dreg:$0x0] =	wrdreg $0x0  }
0xa8: {  	s5 =	sshll.u32 s28, $0x1;
	[dreg:$0x2] =	wrdreg s3  }
0xa9: {  	[dreg:$0x3] =	wrdreg s5  }
0xaa: {  	[dreg:$0x4] =	wrdreg $0xC0  }
0xab: {  	_ =	task [dreg:s7], $0x5FFFF  }
0xac: {  	[dreg:$0x1] =	wrdreg $0xFFFFFFFF  }
0xad: {  	[dreg:$0x0] =	wrdreg $0x60  }
0xae: {  	[dreg:$0x2] =	wrdreg s2  }
0xaf: {  	[dreg:$0x3] =	wrdreg s24  }
0xb0: {  	[dreg:$0x4] =	wrdreg $0x70000  }
0xb1: {  	[dreg:$0x5] =	wrdreg $0x9  }
0xb2: {  	_ =	task.clear_ibuf [dreg:s7], $0x6FFFF;
	_ =	strace $0x9000004F  }
0xb3: {  	s29 =	simm.s32 $0x9;
	_ =	strace $0x80000051  }
0xb4: {  	_ =	swait.ge [sflag:s29], $0x1  }
0xb5: {  	[sflag:s29] =	ssyncadd.s32 $0xFFFFFFFF  }
0xb6: {  	_ =	strace $0x90000051  }
0xb7: {  	_ =	sfence  }
0xb8: {  	s30 =	sld [smem:$0x0];
	_ =	sdelay $0x2  }
0xb9: {  	s31 =	sshll.u32 s1, $0xD;
	s1 =	sshrl.u32 s1, $0x2  }
0xba: {  	s3 =	sand.u32 $0x4000, s31;
	s1 =	sadd.s32 s1, s30  }
0xbb: {  	s0 =	sor.u32 s3, s0;
	s1 =	sshll.u32 s1, $0x11  }
0xbc: {  	s0 =	sor.u32 s1, s0  }
0xbd: {  	s0 =	sadd.s32 $0x8F2B, s0  }
0xbe: {  	[sflag:s0] =	ssyncadd.remote.s32 $0x1  }
0xbf: {  	_ =	sfence.sel $0xFFFF  }
0xc0: {  	[dreg:$0x0] =	wrdreg $0xFFFFFFFF;
	(pc) =	sbr.abs _section_cstart, $3  }
0xc1: {  	[dreg:$0x1] =	wrdreg $0xFFFFFFFF  }
0xc2: {  	_ =	task.clear_ibuf [dreg:s7], $0x2FFFF;
	_ =	strace $0x9FFFFFFF  }
0xc3: {  	(tm) =	ssettm $0x7FFFFFFF  }
tec
execute0_lowered:
.L_overlay_start_1:
0x0: {  	(tag) =	ssettag $0x1  }
0x1: {  	s1 =	rddreg [dreg:$0x0]  }
0x2: {  	s0 =	rddreg [dreg:$0x1]  }
0x3: {  	s2 =	rddreg [dreg:$0x2]  }
0x4: {  	s3 =	srdreg.scid;
	s4 =	simm.s32 $0x0;
	s10 =	stileid.u32  }
0x5: {  	s15 =	simm.s32 $0x480;
	s17 =	simm.s32 $0x500;
	s18 =	simm.s32 $0x580  }
0x6: {  	s3 =	sand.u32 $0x1, s3;
	[smem:$0x7FF] =	sst s4;
	s6 =	smul.u32 $0x14000, s10  }
0x7: {  	s7 =	sadd.s32 $0x3E800, s0;
	s8 =	smul.u32 $0x50000, s10;
	s9 =	sadd.s32 $0xC800, s0  }
0x8: {  	s5 =	smul.u32 $0x140000, s3;
	_ =	strace $0x80000050;
	[dreg:$0x8] =	wrdreg s15  }
0x9: {  	s19 =	smul.u32 $0xC8000, s3;
	s3 =	ssub.s32 $0x2, s3;
	[dreg:$0x9] =	wrdreg s17  }
0xa: {  	s10 =	smul.u32 $0xC800, s10;
	[dreg:$0xa] =	wrdreg s18;
	s20 =	sshrl.u32 s3, $0x1  }
0xb: {  	s8 =	sshrl.u32 s8, $0x2;
	s5 =	sadd.s32 s6, s5;
	s3 =	ssub.s32 s3, s20  }
0xc: {  	s6 =	sadd.s32 s10, s19;
	s19 =	simm.s32 $0x600;
	s20 =	simm.s32 $0x80  }
0xd: {  	s5 =	sshrl.u32 s5, $0x3;
	s3 =	smax.u32 s3, $0x1;
	[dreg:$0xb] =	wrdreg s19  }
0xe: {  	s22 =	sor.u32 $0x400, s6;
	s6 =	sshrl.u32 s6, $0x3;
	[dreg:$0xc] =	wrdreg s20  }
0xf: {  	s0 =	sadd.s32 s5, s0;
	[dreg:$0x13] =	wrdreg s3;
	s11 =	sadd.s32 s6, s9  }
0x10: {  	s5 =	sadd.s32 s8, s2;
	s13 =	sadd.s32 s6, s7;
	[dreg:$0x6] =	wrdreg s11  }
0x11: {  	s3 =	sshrl.u32 s22, $0x3;
	s22 =	simm.s32 $0x180;
	[dreg:$0x7] =	wrdreg s13  }
0x12: {  	s21 =	sadd.s32 $0x1400, s5;
	[dreg:$0xe] =	wrdreg s22  }
0x13: {  	s28 =	simm.s32 $0x200;
	s8 =	sadd.s32 $0x2800, s5;
	[dreg:$0x14] =	wrdreg s21  }
0x14: {  	s29 =	simm.s32 $0x5C00;
	s23 =	sadd.s32 $0x3C00, s5;
	[dreg:$0x15] =	wrdreg s8  }
0x15: {  	s30 =	simm.s32 $0x1;
	s24 =	sadd.s32 $0x5000, s5;
	[dreg:$0x16] =	wrdreg s23  }
0x16: {  	s31 =	simm.s32 $0x2000;
	s25 =	sadd.s32 $0x6400, s5;
	[dreg:$0x17] =	wrdreg s24  }
0x17: {  	s6 =	simm.s32 $0x800;
	s26 =	sadd.s32 s3, s9;
	[dreg:$0x18] =	wrdreg s25  }
0x18: {  	s3 =	sadd.s32 s3, s7;
	s10 =	sadd.s32 $0x7800, s5;
	[dreg:$0x4] =	wrdreg s26  }
0x19: {  	s12 =	sadd.s32 $0x8C00, s5;
	s14 =	sadd.s32 $0xA000, s5;
	[dreg:$0x19] =	wrdreg s10  }
0x1a: {  	s16 =	sadd.s32 $0xB400, s5;
	s17 =	sadd.s32 $0xDC00, s5;
	[dreg:$0x5] =	wrdreg s3  }
0x1b: {  	s18 =	sadd.s32 $0xF000, s5;
	s19 =	sadd.s32 $0x10400, s5;
	[dreg:$0x1a] =	wrdreg s12  }
0x1c: {  	s20 =	sadd.s32 $0x11800, s5;
	s22 =	sadd.s32 $0x70800, s0;
	[dreg:$0x1b] =	wrdreg s14  }
0x1d: {  	s0 =	simm.s32 $0x3400;
	s7 =	simm.s32 $0x2;
	[dreg:$0x1c] =	wrdreg s16  }
0x1e: {  	s16 =	sadd.s32 $0xC800, s5;
	s21 =	simm.s32 $0x100;
	s23 =	simm.s32 $0x880  }
0x1f: {  	s24 =	simm.s32 $0x900;
	s25 =	simm.s32 $0x980;
	[dreg:$0xd] =	wrdreg s21  }
0x20: {  	s26 =	simm.s32 $0xA00;
	s3 =	simm.s32 $0x4800;
	[dreg:$0xf] =	wrdreg s23  }
0x21: {  	s8 =	simm.s32 $0x0;
	s21 =	sadd.s32 $0x12C00, s5;
	[dreg:$0x10] =	wrdreg s24  }
0x22: {  	s23 =	simm.s32 $0xC00;
	s24 =	simm.s32 $0x3;
	[dreg:$0x11] =	wrdreg s25  }
0x23: {  	v0 =	vimm.f32 $0.0e+00;
	[dreg:$0x12] =	wrdreg s26;
	s25 =	simm.s32 $0x400;
	s26 =	simm.s32 $0x28  }
.LBB2_1:
0x24: {  	s9 =	simm.s32 $0x0;
	s10 =	simm.s32 $0x200  }
.LBB2_2:
0x25: {  	p0 =	sne.s32 s10, $0x4E00;
	[tilespmem:s9+$0xC70] =	vst v0  }
0x26: {  	[tilespmem:s9+$0xC00] =	vst v0  }
0x27: {  	[tilespmem:s9+$0xC10] =	vst v0  }
.Ltmp0:
0x28: {  	[tilespmem:s9+$0xC20] =	vst v0;
	(pc) =	sbr.rel @p0 .LBB2_2-.Ltmp0, $4  }
0x29: {  	[tilespmem:s9+$0xC30] =	vst v0  }
0x2a: {  	[tilespmem:s9+$0xC40] =	vst v0  }
0x2b: {  	[tilespmem:s9+$0xC50] =	vst v0  }
0x2c: {  	[tilespmem:s9+$0xC60] =	vst v0;
	s9 =	sshra.s32 s10, $0x2;
	s10 =	sadd.s32 $0x200, s10  }
0x2d: {  	[tilespmem:s9+$0xC70] =	vst v0  }
0x2e: {  	[tilespmem:s9+$0xC00] =	vst v0  }
0x2f: {  	[tilespmem:s9+$0xC10] =	vst v0  }
0x30: {  	[tilespmem:s9+$0xC20] =	vst v0  }
0x31: {  	[tilespmem:s9+$0xC30] =	vst v0  }
0x32: {  	[tilespmem:s9+$0xC40] =	vst v0  }
0x33: {  	[tilespmem:s9+$0xC50] =	vst v0  }
0x34: {  	[tilespmem:s9+$0xC60] =	vst v0  }
0x35: {  	[spmem:s5] =	stream.linear.scatter [tilespmem:s23], [sflag:$0x3], $0x1400, $0x38;
	[tilespmem:$0x1B000] =	vst v63  }
0x36: {  	_ =	swait.ge [sflag:s24], $0x1400  }
0x37: {  	[sflag:s24] =	ssyncset.done $0x0  }
0x38: {  	s10 =	rddreg [dreg:$0x14];
	[sflag:s24] =	ssyncadd.s32 $0xFFFFEC00  }
0x39: {  	[spmem:s10] =	stream.linear.scatter [tilespmem:s23], [sflag:$0x3], $0x1400, $0x38;
	[tilespmem:$0x1B000] =	vst v63  }
0x3a: {  	_ =	swait.ge [sflag:s24], $0x1400  }
0x3b: {  	[sflag:s24] =	ssyncset.done $0x0  }
0x3c: {  	s11 =	rddreg [dreg:$0x15];
	[sflag:s24] =	ssyncadd.s32 $0xFFFFEC00  }
0x3d: {  	[spmem:s11] =	stream.linear.scatter [tilespmem:s23], [sflag:$0x3], $0x1400, $0x38;
	[tilespmem:$0x1B000] =	vst v63  }
0x3e: {  	_ =	swait.ge [sflag:s24], $0x1400  }
0x3f: {  	[sflag:s24] =	ssyncset.done $0x0  }
0x40: {  	s12 =	rddreg [dreg:$0x16];
	[sflag:s24] =	ssyncadd.s32 $0xFFFFEC00  }
0x41: {  	[spmem:s12] =	stream.linear.scatter [tilespmem:s23], [sflag:$0x3], $0x1400, $0x38;
	[tilespmem:$0x1B000] =	vst v63  }
0x42: {  	_ =	swait.ge [sflag:s24], $0x1400  }
0x43: {  	[sflag:s24] =	ssyncset.done $0x0  }
0x44: {  	s13 =	rddreg [dreg:$0x17];
	[sflag:s24] =	ssyncadd.s32 $0xFFFFEC00  }
0x45: {  	[spmem:s13] =	stream.linear.scatter [tilespmem:s23], [sflag:$0x3], $0x1400, $0x38;
	[tilespmem:$0x1B000] =	vst v63  }
0x46: {  	_ =	swait.ge [sflag:s24], $0x1400  }
0x47: {  	[sflag:s24] =	ssyncset.done $0x0  }
0x48: {  	s14 =	rddreg [dreg:$0x18];
	[sflag:s24] =	ssyncadd.s32 $0xFFFFEC00  }
0x49: {  	[spmem:s14] =	stream.linear.scatter [tilespmem:s23], [sflag:$0x3], $0x1400, $0x38;
	[tilespmem:$0x1B000] =	vst v63  }
0x4a: {  	_ =	swait.ge [sflag:s24], $0x1400  }
0x4b: {  	[sflag:s24] =	ssyncset.done $0x0  }
0x4c: {  	s15 =	rddreg [dreg:$0x19];
	[sflag:s24] =	ssyncadd.s32 $0xFFFFEC00  }
0x4d: {  	[spmem:s15] =	stream.linear.scatter [tilespmem:s23], [sflag:$0x3], $0x1400, $0x38;
	[tilespmem:$0x1B000] =	vst v63  }
0x4e: {  	_ =	swait.ge [sflag:s24], $0x1400  }
0x4f: {  	[sflag:s24] =	ssyncset.done $0x0  }
0x50: {  	s10 =	rddreg [dreg:$0x1a];
	[sflag:s24] =	ssyncadd.s32 $0xFFFFEC00  }
0x51: {  	[spmem:s10] =	stream.linear.scatter [tilespmem:s23], [sflag:$0x3], $0x1400, $0x38;
	[tilespmem:$0x1B000] =	vst v63  }
0x52: {  	_ =	swait.ge [sflag:s24], $0x1400  }
0x53: {  	[sflag:s24] =	ssyncset.done $0x0  }
0x54: {  	s11 =	rddreg [dreg:$0x1b];
	[sflag:s24] =	ssyncadd.s32 $0xFFFFEC00  }
0x55: {  	[spmem:s11] =	stream.linear.scatter [tilespmem:s23], [sflag:$0x3], $0x1400, $0x38;
	[tilespmem:$0x1B000] =	vst v63  }
0x56: {  	_ =	swait.ge [sflag:s24], $0x1400  }
0x57: {  	[sflag:s24] =	ssyncset.done $0x0  }
0x58: {  	s12 =	rddreg [dreg:$0x1c];
	[sflag:s24] =	ssyncadd.s32 $0xFFFFEC00  }
0x59: {  	[spmem:s12] =	stream.linear.scatter [tilespmem:s23], [sflag:$0x3], $0x1400, $0x38;
	[tilespmem:$0x1B000] =	vst v63  }
0x5a: {  	_ =	swait.ge [sflag:s24], $0x1400  }
0x5b: {  	[sflag:s24] =	ssyncset.done $0x0  }
0x5c: {  	[sflag:s24] =	ssyncadd.s32 $0xFFFFEC00  }
0x5d: {  	[spmem:s16] =	stream.linear.scatter [tilespmem:s23], [sflag:$0x3], $0x1400, $0x38;
	[tilespmem:$0x1B000] =	vst v63  }
0x5e: {  	_ =	swait.ge [sflag:s24], $0x1400  }
0x5f: {  	[sflag:s24] =	ssyncset.done $0x0  }
0x60: {  	[sflag:s24] =	ssyncadd.s32 $0xFFFFEC00  }
0x61: {  	[spmem:s17] =	stream.linear.scatter [tilespmem:s23], [sflag:$0x3], $0x1400, $0x38;
	[tilespmem:$0x1B000] =	vst v63  }
0x62: {  	_ =	swait.ge [sflag:s24], $0x1400  }
0x63: {  	[sflag:s24] =	ssyncset.done $0x0  }
0x64: {  	[sflag:s24] =	ssyncadd.s32 $0xFFFFEC00  }
0x65: {  	[spmem:s18] =	stream.linear.scatter [tilespmem:s23], [sflag:$0x3], $0x1400, $0x38;
	[tilespmem:$0x1B000] =	vst v63  }
0x66: {  	_ =	swait.ge [sflag:s24], $0x1400  }
0x67: {  	[sflag:s24] =	ssyncset.done $0x0  }
0x68: {  	[sflag:s24] =	ssyncadd.s32 $0xFFFFEC00  }
0x69: {  	[spmem:s19] =	stream.linear.scatter [tilespmem:s23], [sflag:$0x3], $0x1400, $0x38;
	[tilespmem:$0x1B000] =	vst v63  }
0x6a: {  	_ =	swait.ge [sflag:s24], $0x1400  }
0x6b: {  	[sflag:s24] =	ssyncset.done $0x0  }
0x6c: {  	[sflag:s24] =	ssyncadd.s32 $0xFFFFEC00  }
0x6d: {  	[spmem:s20] =	stream.linear.scatter [tilespmem:s23], [sflag:$0x3], $0x1400, $0x38;
	[tilespmem:$0x1B000] =	vst v63  }
0x6e: {  	_ =	swait.ge [sflag:s24], $0x1400  }
0x6f: {  	[sflag:s24] =	ssyncset.done $0x0  }
0x70: {  	[sflag:s24] =	ssyncadd.s32 $0xFFFFEC00  }
0x71: {  	[spmem:s21] =	stream.linear.scatter [tilespmem:s23], [sflag:$0x3], $0x1400, $0x38;
	[tilespmem:$0x1B000] =	vst v63  }
0x72: {  	_ =	swait.ge [sflag:s24], $0x1400  }
0x73: {  	[sflag:s24] =	ssyncset.done $0x0  }
0x74: {  	[sflag:s24] =	ssyncadd.s32 $0xFFFFEC00  }
0x75: {  	[bflag:$0x0] =	sbarrier.arrive $0xFFFF  }
0x76: {  	s13 =	rddreg [dreg:$0x7]  }
0x77: {  	s9 =	sadd.s32 $0x0, s13  }
0x78: {  	[tilespmem:s4], [sflag:$0x3] =	stream.linear.gather [hbm4b:s9+s4], $0x280, $0x38;
	[tilespmem:$0x1B000] =	vst v63  }
0x79: {  	_ =	swait.ge [sflag:s24], $0x280  }
0x7a: {  	s14 =	rddreg [dreg:$0x6];
	[sflag:s24] =	ssyncset.done $0x0  }
0x7b: {  	[sflag:s24] =	ssyncadd.s32 $0xFFFFFD80;
	s9 =	sadd.s32 $0x0, s14  }
0x7c: {  	[tilespmem:s25], [sflag:$0x3] =	stream.linear.gather [hbm4b:s9+s4], $0x280, $0x38;
	[tilespmem:$0x1B000] =	vst v63  }
0x7d: {  	_ =	swait.ge [sflag:s24], $0x280  }
0x7e: {  	p0 =	por $0x0, $0x0;
	[sflag:s24] =	ssyncset.done $0x0  }
0x7f: {  	s9 =	simm.s32 @p0 $0x2;
	[sflag:s24] =	ssyncadd.s32 $0xFFFFFD80  }
0x80: {  	_ =	swait.ge @p0 [sflag:s9], $0x1400  }
0x81: {  	s10 =	simm.s32 @p0 $0xC00;
	[sflag:s9] =	ssyncset.done @p0 $0x0  }
0x82: {  	s11 =	simm.s32 @p0 $0x28;
	s12 =	simm.s32 @p0 $0x0;
	[sflag:s9] =	ssyncadd.s32 @p0 $0xFFFFEC00  }
0x83: {  	[tilespmem:s10], [sflag:$0x1] =	stream.indirect.gather @p0 [hbm4b:s1+s11], $0x80, s12, s11, $0xb8;
	[tilespmem:$0x1B000] =	vst v63  }
0x84: {  	_ =	swait.ge @p0 [sflag:s9], $0x1400  }
0x85: {  	[sflag:s9] =	ssyncset.done @p0 $0x0  }
0x86: {  	s10 =	simm.s32 @p0 $0x80;
	s12 =	simm.s32 @p0 $0x2000;
	[sflag:s9] =	ssyncadd.s32 @p0 $0xFFFFEC00  }
0x87: {  	[tilespmem:s12], [sflag:$0x1] =	stream.indirect.gather @p0 [hbm4b:s1+s11], $0x80, s10, s11, $0xb8;
	[tilespmem:$0x1B000] =	vst v63  }
0x88: {  	_ =	swait.ge @p0 [sflag:s9], $0x1400  }
0x89: {  	[sflag:s9] =	ssyncset.done @p0 $0x0  }
0x8a: {  	s10 =	simm.s32 @p0 $0x100;
	s12 =	simm.s32 @p0 $0x3400;
	[sflag:s9] =	ssyncadd.s32 @p0 $0xFFFFEC00  }
0x8b: {  	[tilespmem:s12], [sflag:$0x1] =	stream.indirect.gather @p0 [hbm4b:s1+s11], $0x80, s10, s11, $0xb8;
	[tilespmem:$0x1B000] =	vst v63  }
0x8c: {  	_ =	swait.ge @p0 [sflag:s9], $0x1400  }
0x8d: {  	[sflag:s9] =	ssyncset.done @p0 $0x0  }
0x8e: {  	s10 =	simm.s32 @p0 $0x180;
	s12 =	simm.s32 @p0 $0x4800;
	[sflag:s9] =	ssyncadd.s32 @p0 $0xFFFFEC00  }
0x8f: {  	[tilespmem:s12], [sflag:$0x1] =	stream.indirect.gather @p0 [hbm4b:s1+s11], $0x80, s10, s11, $0xb8;
	[tilespmem:$0x1B000] =	vst v63  }
0x90: {  	_ =	swait.ge @p0 [sflag:s9], $0x1400  }
0x91: {  	s10 =	simm.s32 @!p0 $0xC00;
	[sflag:s9] =	ssyncset.done @p0 $0x0  }
0x92: {  	s11 =	simm.s32 @!p0 $0x0;
	[sflag:s9] =	ssyncadd.s32 @p0 $0xFFFFEC00;
	s9 =	simm.s32 @!p0 $0x28  }
0x93: {  	[tilespmem:s10], [sflag:$0x1] =	stream.indirect.gather @!p0 [hbm4b:s1+s9], $0x80, s11, s9, $0xb8;
	[tilespmem:$0x1B000] =	vst v63  }
0x94: {  	s10 =	simm.s32 @!p0 $0x80;
	s11 =	simm.s32 @!p0 $0x2000  }
0x95: {  	[tilespmem:s11], [sflag:$0x1] =	stream.indirect.gather @!p0 [hbm4b:s1+s9], $0x80, s10, s9, $0xb8;
	[tilespmem:$0x1B000] =	vst v63  }
0x96: {  	s10 =	simm.s32 @!p0 $0x100;
	s11 =	simm.s32 @!p0 $0x3400  }
0x97: {  	[tilespmem:s11], [sflag:$0x1] =	stream.indirect.gather @!p0 [hbm4b:s1+s9], $0x80, s10, s9, $0xb8;
	[tilespmem:$0x1B000] =	vst v63  }
0x98: {  	s10 =	simm.s32 @!p0 $0x180;
	s11 =	simm.s32 @!p0 $0x4800  }
0x99: {  	[tilespmem:s11], [sflag:$0x1] =	stream.indirect.gather @!p0 [hbm4b:s1+s9], $0x80, s10, s9, $0xb8;
	[tilespmem:$0x1B000] =	vst v63  }
0x9a: {  	_ = 	snop  }
0x9b: {  	[tilespmem:s29], [sflag:$0x1] =	stream.indirect.gather [hbm4b:s1+s26], $0x80, s28, s26, $0xb8;
	[tilespmem:$0x1B000] =	vst v63  }
0x9c: {  	_ =	swait.ge [sflag:s30], $0x1400  }
0x9d: {  	[sflag:s30] =	ssyncset.done $0x0  }
0x9e: {  	[sflag:s30] =	ssyncadd.s32 $0xFFFFEC00  }
0x9f: {  	[spmem:s2] =	stream.indirect.scatter.add.f32 [tilespmem:s23], [sflag:$0x2], $0x80, s25, s26, $0xb8;
	[tilespmem:$0x1B000] =	vst v63  }
0xa0: {  	_ =	swait.ge [sflag:s30], $0x1400  }
0xa1: {  	[sflag:s30] =	ssyncset.done $0x0  }
0xa2: {  	s15 =	rddreg [dreg:$0x8];
	[sflag:s30] =	ssyncadd.s32 $0xFFFFEC00  }
0xa3: {  	[spmem:s2] =	stream.indirect.scatter.add.f32 [tilespmem:s31], [sflag:$0x2], $0x80, s15, s26, $0xb8;
	[tilespmem:$0x1B000] =	vst v63  }
0xa4: {  	_ =	swait.ge [sflag:s30], $0x1400  }
0xa5: {  	[sflag:s30] =	ssyncset.done $0x0  }
0xa6: {  	s10 =	rddreg [dreg:$0x9];
	[sflag:s30] =	ssyncadd.s32 $0xFFFFEC00  }
0xa7: {  	[spmem:s2] =	stream.indirect.scatter.add.f32 [tilespmem:s0], [sflag:$0x2], $0x80, s10, s26, $0xb8;
	[tilespmem:$0x1B000] =	vst v63  }
0xa8: {  	_ =	swait.ge [sflag:s30], $0x1400  }
0xa9: {  	[sflag:s30] =	ssyncset.done $0x0  }
0xaa: {  	s11 =	rddreg [dreg:$0xa];
	[sflag:s30] =	ssyncadd.s32 $0xFFFFEC00  }
0xab: {  	[spmem:s2] =	stream.indirect.scatter.add.f32 [tilespmem:s3], [sflag:$0x2], $0x80, s11, s26, $0xb8;
	[tilespmem:$0x1B000] =	vst v63  }
0xac: {  	_ =	swait.ge [sflag:s30], $0x1400  }
0xad: {  	s12 =	rddreg [dreg:$0xb];
	[sflag:s30] =	ssyncset.done $0x0  }
0xae: {  	s13 =	rddreg [dreg:$0x5];
	[sflag:s30] =	ssyncadd.s32 $0xFFFFEC00  }
0xaf: {  	[spmem:s2] =	stream.indirect.scatter.add.f32 [tilespmem:s29], [sflag:$0x2], $0x80, s12, s26, $0xb8;
	[tilespmem:$0x1B000] =	vst v63  }
0xb0: {  	s14 =	sadd.s32 $0x0, s13  }
0xb1: {  	[tilespmem:s4], [sflag:$0x3] =	stream.linear.gather [hbm4b:s14+s4], $0x280, $0x38;
	[tilespmem:$0x1B000] =	vst v63  }
0xb2: {  	_ =	swait.ge [sflag:s24], $0x280  }
0xb3: {  	s15 =	rddreg [dreg:$0x4];
	[sflag:s24] =	ssyncset.done $0x0  }
0xb4: {  	[sflag:s24] =	ssyncadd.s32 $0xFFFFFD80;
	s9 =	sadd.s32 $0x0, s15  }
0xb5: {  	[tilespmem:s6], [sflag:$0x3] =	stream.linear.gather [hbm4b:s9+s4], $0x280, $0x38;
	[tilespmem:$0x1B000] =	vst v63  }
0xb6: {  	_ =	swait.ge [sflag:s24], $0x280  }
0xb7: {  	[sflag:s24] =	ssyncset.done $0x0  }
0xb8: {  	[sflag:s24] =	ssyncadd.s32 $0xFFFFFD80  }
0xb9: {  	_ =	swait.ge [sflag:s7], $0x1400  }
0xba: {  	[sflag:s7] =	ssyncset.done $0x0  }
0xbb: {  	[sflag:s7] =	ssyncadd.s32 $0xFFFFEC00  }
0xbc: {  	[tilespmem:s23], [sflag:$0x1] =	stream.indirect.gather [hbm4b:s1+s26], $0x80, s4, s26, $0xb8;
	[tilespmem:$0x1B000] =	vst v63  }
0xbd: {  	_ =	swait.ge [sflag:s7], $0x1400  }
0xbe: {  	[sflag:s7] =	ssyncset.done $0x0  }
0xbf: {  	s10 =	rddreg [dreg:$0xc];
	[sflag:s7] =	ssyncadd.s32 $0xFFFFEC00  }
0xc0: {  	[tilespmem:s31], [sflag:$0x1] =	stream.indirect.gather [hbm4b:s1+s26], $0x80, s10, s26, $0xb8;
	[tilespmem:$0x1B000] =	vst v63  }
0xc1: {  	_ =	swait.ge [sflag:s7], $0x1400  }
0xc2: {  	[sflag:s7] =	ssyncset.done $0x0  }
0xc3: {  	s11 =	rddreg [dreg:$0xd];
	[sflag:s7] =	ssyncadd.s32 $0xFFFFEC00  }
0xc4: {  	[tilespmem:s0], [sflag:$0x1] =	stream.indirect.gather [hbm4b:s1+s26], $0x80, s11, s26, $0xb8;
	[tilespmem:$0x1B000] =	vst v63  }
0xc5: {  	_ =	swait.ge [sflag:s7], $0x1400  }
0xc6: {  	[sflag:s7] =	ssyncset.done $0x0  }
0xc7: {  	s12 =	rddreg [dreg:$0xe];
	[sflag:s7] =	ssyncadd.s32 $0xFFFFEC00  }
0xc8: {  	[tilespmem:s3], [sflag:$0x1] =	stream.indirect.gather [hbm4b:s1+s26], $0x80, s12, s26, $0xb8;
	[tilespmem:$0x1B000] =	vst v63  }
0xc9: {  	_ =	swait.ge [sflag:s7], $0x1400  }
0xca: {  	[sflag:s7] =	ssyncset.done $0x0  }
0xcb: {  	[sflag:s7] =	ssyncadd.s32 $0xFFFFEC00  }
0xcc: {  	[tilespmem:s29], [sflag:$0x1] =	stream.indirect.gather [hbm4b:s1+s26], $0x80, s28, s26, $0xb8;
	[tilespmem:$0x1B000] =	vst v63  }
0xcd: {  	_ =	swait.ge [sflag:s30], $0x1400  }
0xce: {  	[sflag:s30] =	ssyncset.done $0x0  }
0xcf: {  	[sflag:s30] =	ssyncadd.s32 $0xFFFFEC00  }
0xd0: {  	[spmem:s2] =	stream.indirect.scatter.add.f32 [tilespmem:s23], [sflag:$0x2], $0x80, s6, s26, $0xb8;
	[tilespmem:$0x1B000] =	vst v63  }
0xd1: {  	_ =	swait.ge [sflag:s30], $0x1400  }
0xd2: {  	[sflag:s30] =	ssyncset.done $0x0  }
0xd3: {  	s13 =	rddreg [dreg:$0xf];
	[sflag:s30] =	ssyncadd.s32 $0xFFFFEC00  }
0xd4: {  	[spmem:s2] =	stream.indirect.scatter.add.f32 [tilespmem:s31], [sflag:$0x2], $0x80, s13, s26, $0xb8;
	[tilespmem:$0x1B000] =	vst v63  }
0xd5: {  	_ =	swait.ge [sflag:s30], $0x1400  }
0xd6: {  	[sflag:s30] =	ssyncset.done $0x0  }
0xd7: {  	s14 =	rddreg [dreg:$0x10];
	[sflag:s30] =	ssyncadd.s32 $0xFFFFEC00  }
0xd8: {  	[spmem:s2] =	stream.indirect.scatter.add.f32 [tilespmem:s0], [sflag:$0x2], $0x80, s14, s26, $0xb8;
	[tilespmem:$0x1B000] =	vst v63  }
0xd9: {  	_ =	swait.ge [sflag:s30], $0x1400  }
0xda: {  	[sflag:s30] =	ssyncset.done $0x0  }
0xdb: {  	s15 =	rddreg [dreg:$0x11];
	[sflag:s30] =	ssyncadd.s32 $0xFFFFEC00  }
0xdc: {  	[spmem:s2] =	stream.indirect.scatter.add.f32 [tilespmem:s3], [sflag:$0x2], $0x80, s15, s26, $0xb8;
	[tilespmem:$0x1B000] =	vst v63  }
0xdd: {  	_ =	swait.ge [sflag:s30], $0x1400  }
0xde: {  	s9 =	simm.s32 $0x100;
	[sflag:s30] =	ssyncset.done $0x0;
	s11 =	rddreg [dreg:$0x12]  }
0xdf: {  	s10 =	simm.s32 $0x200;
	s12 =	rddreg [dreg:$0x7];
	[sflag:s30] =	ssyncadd.s32 $0xFFFFEC00  }
.LBB2_4:
0xe0: {  	[spmem:s2] =	stream.indirect.scatter.add.f32 [tilespmem:s29], [sflag:$0x2], $0x80, s11, s26, $0xb8;
	[tilespmem:$0x1B000] =	vst v63  }
0xe1: {  	s12 =	sadd.s32 s9, s12  }
0xe2: {  	[tilespmem:s4], [sflag:$0x3] =	stream.linear.gather [hbm4b:s12+s4], $0x280, $0x38;
	[tilespmem:$0x1B000] =	vst v63  }
0xe3: {  	_ =	swait.ge [sflag:s24], $0x280  }
0xe4: {  	s15 =	rddreg [dreg:$0x6];
	[sflag:s24] =	ssyncset.done $0x0  }
0xe5: {  	[sflag:s24] =	ssyncadd.s32 $0xFFFFFD80;
	s12 =	sadd.s32 s9, s15  }
0xe6: {  	[tilespmem:s25], [sflag:$0x3] =	stream.linear.gather [hbm4b:s12+s4], $0x280, $0x38;
	[tilespmem:$0x1B000] =	vst v63  }
0xe7: {  	_ =	swait.ge [sflag:s24], $0x280  }
0xe8: {  	p1 =	sne.s32 s9, $0x0;
	[sflag:s24] =	ssyncset.done $0x0  }
0xe9: {  	s12 =	simm.s32 @p1 $0x2;
	[sflag:s24] =	ssyncadd.s32 $0xFFFFFD80  }
0xea: {  	_ =	swait.ge @p1 [sflag:s12], $0x1400  }
0xeb: {  	s13 =	simm.s32 @p1 $0xC00;
	[sflag:s12] =	ssyncset.done @p1 $0x0  }
0xec: {  	s14 =	simm.s32 @p1 $0x28;
	s15 =	simm.s32 @p1 $0x0;
	[sflag:s12] =	ssyncadd.s32 @p1 $0xFFFFEC00  }
0xed: {  	[tilespmem:s13], [sflag:$0x1] =	stream.indirect.gather @p1 [hbm4b:s1+s14], $0x80, s15, s14, $0xb8;
	[tilespmem:$0x1B000] =	vst v63  }
0xee: {  	_ =	swait.ge @p1 [sflag:s12], $0x1400  }
0xef: {  	[sflag:s12] =	ssyncset.done @p1 $0x0  }
0xf0: {  	s13 =	simm.s32 @p1 $0x80;
	s15 =	simm.s32 @p1 $0x2000;
	[sflag:s12] =	ssyncadd.s32 @p1 $0xFFFFEC00  }
0xf1: {  	[tilespmem:s15], [sflag:$0x1] =	stream.indirect.gather @p1 [hbm4b:s1+s14], $0x80, s13, s14, $0xb8;
	[tilespmem:$0x1B000] =	vst v63  }
0xf2: {  	_ =	swait.ge @p1 [sflag:s12], $0x1400  }
0xf3: {  	[sflag:s12] =	ssyncset.done @p1 $0x0  }
0xf4: {  	s13 =	simm.s32 @p1 $0x100;
	s15 =	simm.s32 @p1 $0x3400;
	[sflag:s12] =	ssyncadd.s32 @p1 $0xFFFFEC00  }
0xf5: {  	[tilespmem:s15], [sflag:$0x1] =	stream.indirect.gather @p1 [hbm4b:s1+s14], $0x80, s13, s14, $0xb8;
	[tilespmem:$0x1B000] =	vst v63  }
0xf6: {  	_ =	swait.ge @p1 [sflag:s12], $0x1400  }
0xf7: {  	[sflag:s12] =	ssyncset.done @p1 $0x0  }
0xf8: {  	s13 =	simm.s32 @p1 $0x180;
	s15 =	simm.s32 @p1 $0x4800;
	[sflag:s12] =	ssyncadd.s32 @p1 $0xFFFFEC00  }
0xf9: {  	[tilespmem:s15], [sflag:$0x1] =	stream.indirect.gather @p1 [hbm4b:s1+s14], $0x80, s13, s14, $0xb8;
	[tilespmem:$0x1B000] =	vst v63  }
0xfa: {  	_ =	swait.ge @p1 [sflag:s12], $0x1400  }
0xfb: {  	s13 =	simm.s32 @!p1 $0xC00;
	[sflag:s12] =	ssyncset.done @p1 $0x0  }
0xfc: {  	s14 =	simm.s32 @!p1 $0x0;
	[sflag:s12] =	ssyncadd.s32 @p1 $0xFFFFEC00;
	s12 =	simm.s32 @!p1 $0x28  }
0xfd: {  	[tilespmem:s13], [sflag:$0x1] =	stream.indirect.gather @!p1 [hbm4b:s1+s12], $0x80, s14, s12, $0xb8;
	[tilespmem:$0x1B000] =	vst v63  }
0xfe: {  	s13 =	simm.s32 @!p1 $0x80;
	s14 =	simm.s32 @!p1 $0x2000  }
0xff: {  	[tilespmem:s14], [sflag:$0x1] =	stream.indirect.gather @!p1 [hbm4b:s1+s12], $0x80, s13, s12, $0xb8;
	[tilespmem:$0x1B000] =	vst v63  }
0x100: {  	s13 =	simm.s32 @!p1 $0x100;
	s14 =	simm.s32 @!p1 $0x3400  }
0x101: {  	[tilespmem:s14], [sflag:$0x1] =	stream.indirect.gather @!p1 [hbm4b:s1+s12], $0x80, s13, s12, $0xb8;
	[tilespmem:$0x1B000] =	vst v63  }
0x102: {  	s13 =	simm.s32 @!p1 $0x180;
	s14 =	simm.s32 @!p1 $0x4800  }
0x103: {  	[tilespmem:s14], [sflag:$0x1] =	stream.indirect.gather @!p1 [hbm4b:s1+s12], $0x80, s13, s12, $0xb8;
	[tilespmem:$0x1B000] =	vst v63  }
0x104: {  	_ = 	snop  }
0x105: {  	[tilespmem:s29], [sflag:$0x1] =	stream.indirect.gather [hbm4b:s1+s26], $0x80, s28, s26, $0xb8;
	[tilespmem:$0x1B000] =	vst v63  }
0x106: {  	_ =	swait.ge [sflag:s30], $0x1400  }
0x107: {  	[sflag:s30] =	ssyncset.done $0x0  }
0x108: {  	[sflag:s30] =	ssyncadd.s32 $0xFFFFEC00  }
0x109: {  	[spmem:s2] =	stream.indirect.scatter.add.f32 [tilespmem:s23], [sflag:$0x2], $0x80, s25, s26, $0xb8;
	[tilespmem:$0x1B000] =	vst v63  }
0x10a: {  	_ =	swait.ge [sflag:s30], $0x1400  }
0x10b: {  	[sflag:s30] =	ssyncset.done $0x0  }
0x10c: {  	s13 =	rddreg [dreg:$0x8];
	[sflag:s30] =	ssyncadd.s32 $0xFFFFEC00  }
0x10d: {  	[spmem:s2] =	stream.indirect.scatter.add.f32 [tilespmem:s31], [sflag:$0x2], $0x80, s13, s26, $0xb8;
	[tilespmem:$0x1B000] =	vst v63  }
0x10e: {  	_ =	swait.ge [sflag:s30], $0x1400  }
0x10f: {  	[sflag:s30] =	ssyncset.done $0x0  }
0x110: {  	s14 =	rddreg [dreg:$0x9];
	[sflag:s30] =	ssyncadd.s32 $0xFFFFEC00  }
0x111: {  	[spmem:s2] =	stream.indirect.scatter.add.f32 [tilespmem:s0], [sflag:$0x2], $0x80, s14, s26, $0xb8;
	[tilespmem:$0x1B000] =	vst v63  }
0x112: {  	_ =	swait.ge [sflag:s30], $0x1400  }
0x113: {  	[sflag:s30] =	ssyncset.done $0x0  }
0x114: {  	s15 =	rddreg [dreg:$0xa];
	[sflag:s30] =	ssyncadd.s32 $0xFFFFEC00  }
0x115: {  	[spmem:s2] =	stream.indirect.scatter.add.f32 [tilespmem:s3], [sflag:$0x2], $0x80, s15, s26, $0xb8;
	[tilespmem:$0x1B000] =	vst v63  }
0x116: {  	_ =	swait.ge [sflag:s30], $0x1400  }
0x117: {  	s13 =	rddreg [dreg:$0xb];
	[sflag:s30] =	ssyncset.done $0x0  }
0x118: {  	s14 =	rddreg [dreg:$0x5];
	[sflag:s30] =	ssyncadd.s32 $0xFFFFEC00  }
0x119: {  	[spmem:s2] =	stream.indirect.scatter.add.f32 [tilespmem:s29], [sflag:$0x2], $0x80, s13, s26, $0xb8;
	[tilespmem:$0x1B000] =	vst v63  }
0x11a: {  	s15 =	sadd.s32 s9, s14  }
0x11b: {  	[tilespmem:s4], [sflag:$0x3] =	stream.linear.gather [hbm4b:s15+s4], $0x280, $0x38;
	[tilespmem:$0x1B000] =	vst v63  }
0x11c: {  	_ =	swait.ge [sflag:s24], $0x280  }
0x11d: {  	s13 =	rddreg [dreg:$0x4];
	[sflag:s24] =	ssyncset.done $0x0  }
0x11e: {  	[sflag:s24] =	ssyncadd.s32 $0xFFFFFD80;
	s12 =	sadd.s32 s9, s13  }
0x11f: {  	[tilespmem:s6], [sflag:$0x3] =	stream.linear.gather [hbm4b:s12+s4], $0x280, $0x38;
	[tilespmem:$0x1B000] =	vst v63  }
0x120: {  	_ =	swait.ge [sflag:s24], $0x280  }
0x121: {  	[sflag:s24] =	ssyncset.done $0x0  }
0x122: {  	[sflag:s24] =	ssyncadd.s32 $0xFFFFFD80  }
0x123: {  	_ =	swait.ge [sflag:s7], $0x1400  }
0x124: {  	[sflag:s7] =	ssyncset.done $0x0  }
0x125: {  	[sflag:s7] =	ssyncadd.s32 $0xFFFFEC00  }
0x126: {  	[tilespmem:s23], [sflag:$0x1] =	stream.indirect.gather [hbm4b:s1+s26], $0x80, s4, s26, $0xb8;
	[tilespmem:$0x1B000] =	vst v63  }
0x127: {  	_ =	swait.ge [sflag:s7], $0x1400  }
0x128: {  	[sflag:s7] =	ssyncset.done $0x0  }
0x129: {  	s14 =	rddreg [dreg:$0xc];
	[sflag:s7] =	ssyncadd.s32 $0xFFFFEC00  }
0x12a: {  	[tilespmem:s31], [sflag:$0x1] =	stream.indirect.gather [hbm4b:s1+s26], $0x80, s14, s26, $0xb8;
	[tilespmem:$0x1B000] =	vst v63  }
0x12b: {  	_ =	swait.ge [sflag:s7], $0x1400  }
0x12c: {  	[sflag:s7] =	ssyncset.done $0x0  }
0x12d: {  	s15 =	rddreg [dreg:$0xd];
	[sflag:s7] =	ssyncadd.s32 $0xFFFFEC00  }
0x12e: {  	[tilespmem:s0], [sflag:$0x1] =	stream.indirect.gather [hbm4b:s1+s26], $0x80, s15, s26, $0xb8;
	[tilespmem:$0x1B000] =	vst v63  }
0x12f: {  	_ =	swait.ge [sflag:s7], $0x1400  }
0x130: {  	[sflag:s7] =	ssyncset.done $0x0  }
0x131: {  	s12 =	rddreg [dreg:$0xe];
	[sflag:s7] =	ssyncadd.s32 $0xFFFFEC00  }
0x132: {  	[tilespmem:s3], [sflag:$0x1] =	stream.indirect.gather [hbm4b:s1+s26], $0x80, s12, s26, $0xb8;
	[tilespmem:$0x1B000] =	vst v63  }
0x133: {  	_ =	swait.ge [sflag:s7], $0x1400  }
0x134: {  	[sflag:s7] =	ssyncset.done $0x0  }
0x135: {  	[sflag:s7] =	ssyncadd.s32 $0xFFFFEC00  }
0x136: {  	[tilespmem:s29], [sflag:$0x1] =	stream.indirect.gather [hbm4b:s1+s26], $0x80, s28, s26, $0xb8;
	[tilespmem:$0x1B000] =	vst v63  }
0x137: {  	_ =	swait.ge [sflag:s30], $0x1400  }
0x138: {  	[sflag:s30] =	ssyncset.done $0x0  }
0x139: {  	[sflag:s30] =	ssyncadd.s32 $0xFFFFEC00  }
0x13a: {  	[spmem:s2] =	stream.indirect.scatter.add.f32 [tilespmem:s23], [sflag:$0x2], $0x80, s6, s26, $0xb8;
	[tilespmem:$0x1B000] =	vst v63  }
0x13b: {  	_ =	swait.ge [sflag:s30], $0x1400  }
0x13c: {  	[sflag:s30] =	ssyncset.done $0x0  }
0x13d: {  	s13 =	rddreg [dreg:$0xf];
	[sflag:s30] =	ssyncadd.s32 $0xFFFFEC00  }
0x13e: {  	[spmem:s2] =	stream.indirect.scatter.add.f32 [tilespmem:s31], [sflag:$0x2], $0x80, s13, s26, $0xb8;
	[tilespmem:$0x1B000] =	vst v63  }
0x13f: {  	_ =	swait.ge [sflag:s30], $0x1400  }
0x140: {  	[sflag:s30] =	ssyncset.done $0x0  }
0x141: {  	s14 =	rddreg [dreg:$0x10];
	[sflag:s30] =	ssyncadd.s32 $0xFFFFEC00  }
0x142: {  	[spmem:s2] =	stream.indirect.scatter.add.f32 [tilespmem:s0], [sflag:$0x2], $0x80, s14, s26, $0xb8;
	[tilespmem:$0x1B000] =	vst v63  }
0x143: {  	s11 =	smov.u32 s10;
	s10 =	sadd.s32 $0x100, s10;
	_ =	swait.ge [sflag:s30], $0x1400  }
0x144: {  	p0 =	sne.s32 s10, $0x1900;
	[sflag:s30] =	ssyncset.done $0x0  }
.Ltmp1:
0x145: {  	s15 =	rddreg [dreg:$0x11];
	[sflag:s30] =	ssyncadd.s32 $0xFFFFEC00;
	(pc) =	sbr.rel @p0 .LBB2_4-.Ltmp1, $4  }
0x146: {  	[spmem:s2] =	stream.indirect.scatter.add.f32 [tilespmem:s3], [sflag:$0x2], $0x80, s15, s26, $0xb8;
	[tilespmem:$0x1B000] =	vst v63  }
0x147: {  	_ =	swait.ge [sflag:s30], $0x1400  }
0x148: {  	s9 =	smov.u32 s11;
	[sflag:s30] =	ssyncset.done $0x0;
	s11 =	rddreg [dreg:$0x12]  }
0x149: {  	s12 =	rddreg [dreg:$0x7];
	[sflag:s30] =	ssyncadd.s32 $0xFFFFEC00  }
0x14a: {  	[spmem:s2] =	stream.indirect.scatter.add.f32 [tilespmem:s29], [sflag:$0x2], $0x80, s11, s26, $0xb8;
	[tilespmem:$0x1B000] =	vst v63  }
0x14b: {  	s10 =	sadd.s32 s9, s12  }
0x14c: {  	[tilespmem:s4], [sflag:$0x3] =	stream.linear.gather [hbm4b:s10+s4], $0x280, $0x38;
	[tilespmem:$0x1B000] =	vst v63  }
0x14d: {  	_ =	swait.ge [sflag:s24], $0x280  }
0x14e: {  	s15 =	rddreg [dreg:$0x6];
	[sflag:s24] =	ssyncset.done $0x0  }
0x14f: {  	[sflag:s24] =	ssyncadd.s32 $0xFFFFFD80;
	s10 =	sadd.s32 s9, s15  }
0x150: {  	[tilespmem:s25], [sflag:$0x3] =	stream.linear.gather [hbm4b:s10+s4], $0x280, $0x38;
	[tilespmem:$0x1B000] =	vst v63  }
0x151: {  	_ =	swait.ge [sflag:s24], $0x280  }
0x152: {  	p0 =	sne.s32 s9, $0x0;
	[sflag:s24] =	ssyncset.done $0x0  }
0x153: {  	s10 =	simm.s32 @p0 $0x2;
	[sflag:s24] =	ssyncadd.s32 $0xFFFFFD80  }
0x154: {  	_ =	swait.ge @p0 [sflag:s10], $0x1400  }
0x155: {  	s11 =	simm.s32 @p0 $0xC00;
	[sflag:s10] =	ssyncset.done @p0 $0x0  }
0x156: {  	s12 =	simm.s32 @p0 $0x28;
	s13 =	simm.s32 @p0 $0x0;
	[sflag:s10] =	ssyncadd.s32 @p0 $0xFFFFEC00  }
0x157: {  	[tilespmem:s11], [sflag:$0x1] =	stream.indirect.gather @p0 [hbm4b:s1+s12], $0x80, s13, s12, $0xb8;
	[tilespmem:$0x1B000] =	vst v63  }
0x158: {  	_ =	swait.ge @p0 [sflag:s10], $0x1400  }
0x159: {  	[sflag:s10] =	ssyncset.done @p0 $0x0  }
0x15a: {  	s11 =	simm.s32 @p0 $0x80;
	s13 =	simm.s32 @p0 $0x2000;
	[sflag:s10] =	ssyncadd.s32 @p0 $0xFFFFEC00  }
0x15b: {  	[tilespmem:s13], [sflag:$0x1] =	stream.indirect.gather @p0 [hbm4b:s1+s12], $0x80, s11, s12, $0xb8;
	[tilespmem:$0x1B000] =	vst v63  }
0x15c: {  	_ =	swait.ge @p0 [sflag:s10], $0x1400  }
0x15d: {  	[sflag:s10] =	ssyncset.done @p0 $0x0  }
0x15e: {  	s11 =	simm.s32 @p0 $0x100;
	s13 =	simm.s32 @p0 $0x3400;
	[sflag:s10] =	ssyncadd.s32 @p0 $0xFFFFEC00  }
0x15f: {  	[tilespmem:s13], [sflag:$0x1] =	stream.indirect.gather @p0 [hbm4b:s1+s12], $0x80, s11, s12, $0xb8;
	[tilespmem:$0x1B000] =	vst v63  }
0x160: {  	_ =	swait.ge @p0 [sflag:s10], $0x1400  }
0x161: {  	[sflag:s10] =	ssyncset.done @p0 $0x0  }
0x162: {  	s11 =	simm.s32 @p0 $0x180;
	s13 =	simm.s32 @p0 $0x4800;
	[sflag:s10] =	ssyncadd.s32 @p0 $0xFFFFEC00  }
0x163: {  	[tilespmem:s13], [sflag:$0x1] =	stream.indirect.gather @p0 [hbm4b:s1+s12], $0x80, s11, s12, $0xb8;
	[tilespmem:$0x1B000] =	vst v63  }
0x164: {  	_ =	swait.ge @p0 [sflag:s10], $0x1400  }
0x165: {  	s11 =	simm.s32 @!p0 $0xC00;
	[sflag:s10] =	ssyncset.done @p0 $0x0  }
0x166: {  	s12 =	simm.s32 @!p0 $0x0;
	[sflag:s10] =	ssyncadd.s32 @p0 $0xFFFFEC00;
	s10 =	simm.s32 @!p0 $0x28  }
0x167: {  	[tilespmem:s11], [sflag:$0x1] =	stream.indirect.gather @!p0 [hbm4b:s1+s10], $0x80, s12, s10, $0xb8;
	[tilespmem:$0x1B000] =	vst v63  }
0x168: {  	s11 =	simm.s32 @!p0 $0x80;
	s12 =	simm.s32 @!p0 $0x2000  }
0x169: {  	[tilespmem:s12], [sflag:$0x1] =	stream.indirect.gather @!p0 [hbm4b:s1+s10], $0x80, s11, s10, $0xb8;
	[tilespmem:$0x1B000] =	vst v63  }
0x16a: {  	s11 =	simm.s32 @!p0 $0x100;
	s12 =	simm.s32 @!p0 $0x3400  }
0x16b: {  	[tilespmem:s12], [sflag:$0x1] =	stream.indirect.gather @!p0 [hbm4b:s1+s10], $0x80, s11, s10, $0xb8;
	[tilespmem:$0x1B000] =	vst v63  }
0x16c: {  	s11 =	simm.s32 @!p0 $0x180;
	s12 =	simm.s32 @!p0 $0x4800  }
0x16d: {  	[tilespmem:s12], [sflag:$0x1] =	stream.indirect.gather @!p0 [hbm4b:s1+s10], $0x80, s11, s10, $0xb8;
	[tilespmem:$0x1B000] =	vst v63  }
0x16e: {  	_ = 	snop  }
0x16f: {  	[tilespmem:s29], [sflag:$0x1] =	stream.indirect.gather [hbm4b:s1+s26], $0x80, s28, s26, $0xb8;
	[tilespmem:$0x1B000] =	vst v63  }
0x170: {  	_ =	swait.ge [sflag:s30], $0x1400  }
0x171: {  	[sflag:s30] =	ssyncset.done $0x0  }
0x172: {  	[sflag:s30] =	ssyncadd.s32 $0xFFFFEC00  }
0x173: {  	[spmem:s2] =	stream.indirect.scatter.add.f32 [tilespmem:s23], [sflag:$0x2], $0x80, s25, s26, $0xb8;
	[tilespmem:$0x1B000] =	vst v63  }
0x174: {  	_ =	swait.ge [sflag:s30], $0x1400  }
0x175: {  	[sflag:s30] =	ssyncset.done $0x0  }
0x176: {  	s11 =	rddreg [dreg:$0x8];
	[sflag:s30] =	ssyncadd.s32 $0xFFFFEC00  }
0x177: {  	[spmem:s2] =	stream.indirect.scatter.add.f32 [tilespmem:s31], [sflag:$0x2], $0x80, s11, s26, $0xb8;
	[tilespmem:$0x1B000] =	vst v63  }
0x178: {  	_ =	swait.ge [sflag:s30], $0x1400  }
0x179: {  	[sflag:s30] =	ssyncset.done $0x0  }
0x17a: {  	s12 =	rddreg [dreg:$0x9];
	[sflag:s30] =	ssyncadd.s32 $0xFFFFEC00  }
0x17b: {  	[spmem:s2] =	stream.indirect.scatter.add.f32 [tilespmem:s0], [sflag:$0x2], $0x80, s12, s26, $0xb8;
	[tilespmem:$0x1B000] =	vst v63  }
0x17c: {  	_ =	swait.ge [sflag:s30], $0x1400  }
0x17d: {  	[sflag:s30] =	ssyncset.done $0x0  }
0x17e: {  	s13 =	rddreg [dreg:$0xa];
	[sflag:s30] =	ssyncadd.s32 $0xFFFFEC00  }
0x17f: {  	[spmem:s2] =	stream.indirect.scatter.add.f32 [tilespmem:s3], [sflag:$0x2], $0x80, s13, s26, $0xb8;
	[tilespmem:$0x1B000] =	vst v63  }
0x180: {  	_ =	swait.ge [sflag:s30], $0x1400  }
0x181: {  	s14 =	rddreg [dreg:$0xb];
	[sflag:s30] =	ssyncset.done $0x0  }
0x182: {  	s15 =	rddreg [dreg:$0x5];
	[sflag:s30] =	ssyncadd.s32 $0xFFFFEC00  }
0x183: {  	[spmem:s2] =	stream.indirect.scatter.add.f32 [tilespmem:s29], [sflag:$0x2], $0x80, s14, s26, $0xb8;
	[tilespmem:$0x1B000] =	vst v63  }
0x184: {  	s11 =	sadd.s32 s9, s15  }
0x185: {  	[tilespmem:s4], [sflag:$0x3] =	stream.linear.gather [hbm4b:s11+s4], $0x280, $0x38;
	[tilespmem:$0x1B000] =	vst v63  }
0x186: {  	_ =	swait.ge [sflag:s24], $0x280  }
0x187: {  	s12 =	rddreg [dreg:$0x4];
	[sflag:s24] =	ssyncset.done $0x0  }
0x188: {  	[sflag:s24] =	ssyncadd.s32 $0xFFFFFD80;
	s13 =	sadd.s32 s9, s12  }
0x189: {  	[tilespmem:s6], [sflag:$0x3] =	stream.linear.gather [hbm4b:s13+s4], $0x280, $0x38;
	[tilespmem:$0x1B000] =	vst v63  }
0x18a: {  	_ =	swait.ge [sflag:s24], $0x280  }
0x18b: {  	[sflag:s24] =	ssyncset.done $0x0  }
0x18c: {  	[sflag:s24] =	ssyncadd.s32 $0xFFFFFD80  }
0x18d: {  	_ =	swait.ge [sflag:s7], $0x1400  }
0x18e: {  	[sflag:s7] =	ssyncset.done $0x0  }
0x18f: {  	[sflag:s7] =	ssyncadd.s32 $0xFFFFEC00  }
0x190: {  	[tilespmem:s23], [sflag:$0x1] =	stream.indirect.gather [hbm4b:s1+s26], $0x80, s4, s26, $0xb8;
	[tilespmem:$0x1B000] =	vst v63  }
0x191: {  	_ =	swait.ge [sflag:s7], $0x1400  }
0x192: {  	[sflag:s7] =	ssyncset.done $0x0  }
0x193: {  	s14 =	rddreg [dreg:$0xc];
	[sflag:s7] =	ssyncadd.s32 $0xFFFFEC00  }
0x194: {  	[tilespmem:s31], [sflag:$0x1] =	stream.indirect.gather [hbm4b:s1+s26], $0x80, s14, s26, $0xb8;
	[tilespmem:$0x1B000] =	vst v63  }
0x195: {  	_ =	swait.ge [sflag:s7], $0x1400  }
0x196: {  	[sflag:s7] =	ssyncset.done $0x0  }
0x197: {  	s15 =	rddreg [dreg:$0xd];
	[sflag:s7] =	ssyncadd.s32 $0xFFFFEC00  }
0x198: {  	[tilespmem:s0], [sflag:$0x1] =	stream.indirect.gather [hbm4b:s1+s26], $0x80, s15, s26, $0xb8;
	[tilespmem:$0x1B000] =	vst v63  }
0x199: {  	_ =	swait.ge [sflag:s7], $0x1400  }
0x19a: {  	[sflag:s7] =	ssyncset.done $0x0  }
0x19b: {  	s10 =	rddreg [dreg:$0xe];
	[sflag:s7] =	ssyncadd.s32 $0xFFFFEC00  }
0x19c: {  	[tilespmem:s3], [sflag:$0x1] =	stream.indirect.gather [hbm4b:s1+s26], $0x80, s10, s26, $0xb8;
	[tilespmem:$0x1B000] =	vst v63  }
0x19d: {  	_ =	swait.ge [sflag:s7], $0x1400  }
0x19e: {  	[sflag:s7] =	ssyncset.done $0x0  }
0x19f: {  	[sflag:s7] =	ssyncadd.s32 $0xFFFFEC00  }
0x1a0: {  	[tilespmem:s29], [sflag:$0x1] =	stream.indirect.gather [hbm4b:s1+s26], $0x80, s28, s26, $0xb8;
	[tilespmem:$0x1B000] =	vst v63  }
0x1a1: {  	_ =	swait.ge [sflag:s30], $0x1400  }
0x1a2: {  	[sflag:s30] =	ssyncset.done $0x0  }
0x1a3: {  	[sflag:s30] =	ssyncadd.s32 $0xFFFFEC00  }
0x1a4: {  	[spmem:s2] =	stream.indirect.scatter.add.f32 [tilespmem:s23], [sflag:$0x2], $0x80, s6, s26, $0xb8;
	[tilespmem:$0x1B000] =	vst v63  }
0x1a5: {  	_ =	swait.ge [sflag:s30], $0x1400  }
0x1a6: {  	[sflag:s30] =	ssyncset.done $0x0  }
0x1a7: {  	s11 =	rddreg [dreg:$0xf];
	[sflag:s30] =	ssyncadd.s32 $0xFFFFEC00  }
0x1a8: {  	[spmem:s2] =	stream.indirect.scatter.add.f32 [tilespmem:s31], [sflag:$0x2], $0x80, s11, s26, $0xb8;
	[tilespmem:$0x1B000] =	vst v63  }
0x1a9: {  	_ =	swait.ge [sflag:s30], $0x1400  }
0x1aa: {  	[sflag:s30] =	ssyncset.done $0x0  }
0x1ab: {  	s12 =	rddreg [dreg:$0x10];
	[sflag:s30] =	ssyncadd.s32 $0xFFFFEC00  }
0x1ac: {  	[spmem:s2] =	stream.indirect.scatter.add.f32 [tilespmem:s0], [sflag:$0x2], $0x80, s12, s26, $0xb8;
	[tilespmem:$0x1B000] =	vst v63  }
0x1ad: {  	_ =	swait.ge [sflag:s30], $0x1400  }
0x1ae: {  	[sflag:s30] =	ssyncset.done $0x0  }
0x1af: {  	s13 =	rddreg [dreg:$0x11];
	[sflag:s30] =	ssyncadd.s32 $0xFFFFEC00  }
0x1b0: {  	[spmem:s2] =	stream.indirect.scatter.add.f32 [tilespmem:s3], [sflag:$0x2], $0x80, s13, s26, $0xb8;
	[tilespmem:$0x1B000] =	vst v63  }
0x1b1: {  	_ =	swait.ge [sflag:s30], $0x1400  }
0x1b2: {  	[sflag:s30] =	ssyncset.done $0x0  }
0x1b3: {  	s14 =	rddreg [dreg:$0x12];
	[sflag:s30] =	ssyncadd.s32 $0xFFFFEC00  }
0x1b4: {  	[spmem:s2] =	stream.indirect.scatter.add.f32 [tilespmem:s29], [sflag:$0x2], $0x80, s14, s26, $0xb8;
	[tilespmem:$0x1B000] =	vst v63  }
0x1b5: {  	_ =	swait.ge [sflag:s7], $0x1400  }
0x1b6: {  	[sflag:s7] =	ssyncset.done $0x0  }
0x1b7: {  	[sflag:s7] =	ssyncadd.s32 $0xFFFFEC00  }
0x1b8: {  	_ =	swait.ge [sflag:s7], $0x1400  }
0x1b9: {  	[sflag:s7] =	ssyncset.done $0x0  }
0x1ba: {  	[sflag:s7] =	ssyncadd.s32 $0xFFFFEC00  }
0x1bb: {  	_ =	swait.ge [sflag:s7], $0x1400  }
0x1bc: {  	[sflag:s7] =	ssyncset.done $0x0  }
0x1bd: {  	[sflag:s7] =	ssyncadd.s32 $0xFFFFEC00  }
0x1be: {  	_ =	swait.ge [sflag:s7], $0x1400  }
0x1bf: {  	[sflag:s7] =	ssyncset.done $0x0  }
0x1c0: {  	[sflag:s7] =	ssyncadd.s32 $0xFFFFEC00  }
0x1c1: {  	_ =	swait.ge [sflag:s7], $0x1400  }
0x1c2: {  	[sflag:s7] =	ssyncset.done $0x0  }
0x1c3: {  	[sflag:s7] =	ssyncadd.s32 $0xFFFFEC00  }
0x1c4: {  	[bflag:$0x0] =	sbarrier.arrive $0xFFFF  }
0x1c5: {  	[tilespmem:s23], [sflag:$0x3] =	stream.linear.gather [spmem:s5], $0x1400, $0x38;
	[tilespmem:$0x1B000] =	vst v63  }
0x1c6: {  	_ =	swait.ge [sflag:s24], $0x1400  }
0x1c7: {  	[sflag:s24] =	ssyncset.done $0x0  }
0x1c8: {  	s15 =	sadd.s32 $0x0, s22;
	[sflag:s24] =	ssyncadd.s32 $0xFFFFEC00  }
0x1c9: {  	[hbm4b:s15+s4] =	stream.linear.scatter [tilespmem:s23], [sflag:$0x3], $0x1400, $0x38;
	[tilespmem:$0x1B000] =	vst v63  }
0x1ca: {  	_ =	swait.ge [sflag:s24], $0x1400  }
0x1cb: {  	s9 =	simm.s32 $0x280;
	s10 =	smov.u32 s5;
	[sflag:s24] =	ssyncset.done $0x0  }
.LBB2_6:
0x1cc: {  	p0 =	sne.s32 s9, $0x2580;
	[sflag:s24] =	ssyncadd.s32 $0xFFFFEC00;
	s10 =	sadd.s32 $0x1400, s10  }
0x1cd: {  	[tilespmem:s23], [sflag:$0x3] =	stream.linear.gather [spmem:s10], $0x1400, $0x38;
	[tilespmem:$0x1B000] =	vst v63  }
0x1ce: {  	s11 =	smov.u32 s9;
	s9 =	sadd.s32 $0x280, s9;
	_ =	swait.ge [sflag:s24], $0x1400  }
.Ltmp2:
0x1cf: {  	[sflag:s24] =	ssyncset.done $0x0;
	(pc) =	sbr.rel @p0 .LBB2_6-.Ltmp2, $4  }
0x1d0: {  	s11 =	sadd.s32 s11, s22;
	[sflag:s24] =	ssyncadd.s32 $0xFFFFEC00  }
0x1d1: {  	[hbm4b:s11+s4] =	stream.linear.scatter [tilespmem:s23], [sflag:$0x3], $0x1400, $0x38;
	[tilespmem:$0x1B000] =	vst v63  }
0x1d2: {  	_ =	swait.ge [sflag:s24], $0x1400  }
0x1d3: {  	[sflag:s24] =	ssyncset.done $0x0  }
0x1d4: {  	s8 =	sadd.s32 $0x1, s8;
	s9 =	rddreg [dreg:$0x13]  }
0x1d5: {  	p0 =	sne.s32 s8, s9  }
.Ltmp3:
0x1d6: {  	_ = 	snop;
	(pc) =	sbr.rel @p0 .LBB2_1-.Ltmp3, $2  }
0x1d7: {  	_ =	sdelay $0x2  }
0x1d8: {  	[sflag:s24] =	ssyncadd.s32 $0xFFFFEC00  }
0x1d9: {  	_ =	sfence.sel $0x180000  }
0x1da: {  	[bflag:$0x0] =	sbarrier.arrive $0xFFFF  }
0x1db: {  	_ =	strace $0x90000050  }
0x1dc: {  	s0 =	stileid.u32;
	[bflag:$0x2] =	sbarrier.arrive $0xFFFF  }
0x1dd: {  	p0 =	sne.s32 s0, $0x0;
	s0 =	rddreg [dreg:$0x3]  }
0x1de: {  	s0 =	sadd.s32 @!p0 $0x100000, s0  }
0x1df: {  	[sflag:s0] =	ssyncadd.tile.s32 @!p0 $0x1;
	_ =	shalt  }
.Lfunc_end2:
_tile_overlayer_lowered:
.L_overlay_start_2:
0x1e0: {  	(tag) =	ssettag $0x2  }
0x1e1: {  	s0 =	rddreg [dreg:$0x0];
	s2 =	stileid.u32  }
0x1e2: {  	s1 =	rddreg [dreg:$0x1];
	p0 =	sne.s32 s2, $0x0  }
0x1e3: {  	s3 =	rddreg [dreg:$0x2];
	[bflag:$0x3] =	sbarrier.arrive $0xFFFF;
	s2 =	simm.s32 @!p0 $0x1C03  }
0x1e4: {  	[timem:s3], [sflag:s2] =	dma.local @!p0 [hbm:s0], s1  }
0x1e5: {  	s0 =	simm.s32 @!p0 $0x3  }
0x1e6: {  	_ =	swait.ge @!p0 [sflag:s0], s1  }
0x1e7: {  	s1 =	ssub.s32 @!p0 $0x0, s1;
	[sflag:s0] =	ssyncset.done @!p0 $0x0  }
0x1e8: {  	[sflag:s0] =	ssyncadd.s32 @!p0 s1  }
0x1e9: {  	[bflag:$0x3] =	sbarrier.arrive $0xFFFF  }
0x1ea: {  	_ =	shalt  }

// kernel: kernel.9.cloned.1.call-start
scs
__scs_entry_jumppad:
0x0: {  	(pc) =	sbr.rel $0x88, $3  }
0x1: {  	(tag) =	ssettag $0x0;
	lr =	simm.s32 $0x1  }
0x2: {  	[smem:$0x3F94] =	sst lr;
	_ =	strace $0xD0000000  }
0x3: {  	_ = 	snop  }
0x4: {  	_ = 	snop  }
0x5: {  	_ = 	snop  }
0x6: {  	_ = 	snop  }
0x7: {  	_ = 	snop  }
__scs_overlays_trampoline_lowered:
0x8: {  	[smem:$0x3FA3] =	sst s0  }
0x9: {  	[smem:$0x3FA4] =	sst s1  }
0xa: {  	[smem:$0x3FA5] =	sst s2  }
0xb: {  	[smem:$0x3FA6] =	sst s3  }
0xc: {  	[smem:$0x3FA7] =	sst s4  }
0xd: {  	[smem:$0x3FA8] =	sst s5  }
0xe: {  	[smem:$0x3FA9] =	sst s6  }
0xf: {  	[smem:$0x3FAA] =	sst s7  }
0x10: {  	[smem:$0x3FAB] =	sst s8  }
0x11: {  	[smem:$0x3FAC] =	sst s9;
	s0 =	simm.s32 @!p0 $0x0  }
0x12: {  	s1 =	sld [smem:$0x3F92];
	s0 =	simm.s32 @p0 $0x1  }
0x13: {  	[smem:$0x3FAD] =	sst s0;
	s0 =	simm.s32 @!p1 $0x0  }
0x14: {  	s2 =	sld [smem:$0x3F91];
	s0 =	simm.s32 @p1 $0x1  }
0x15: {  	[smem:$0x3FAE] =	sst s0;
	s0 =	simm.s32 @!p2 $0x0  }
0x16: {  	s3 =	sld [smem:$0x3FDB];
	s0 =	simm.s32 @p2 $0x1  }
0x17: {  	s4 =	simm.s32 $0x1BF5;
	[smem:$0x3FB0] =	sst s0  }
0x18: {  	s0 =	sld [smem:$0x3F93];
	_ =	swait.ge [sflag:s4], $0x0  }
0x19: {  	s7 =	sld [smem:$0x3F94]  }
0x1a: {  	s8 =	sadd.s32 $0xFFFFE003, lr  }
0x1b: {  	s9 =	sadd.s32 $0xFFFFFEF7, lr;
	s5 =	simm.s32 $0xFFFFFFFF;
	p2 =	slt.u32 s8, $0xFFFFF086  }
0x1c: {  	p1 =	slt.u32 s9, $0xF7A;
	s5 =	simm.s32 @!p2 $0x0  }
0x1d: {  	s5 =	simm.s32 @p1 $0x1;
	p0 =	seq.s32 s7, s2  }
0x1e: {  	s7 =	smul.u32 @!p0 $0xF7A, s2;
	p2 =	seq.s32 @!p0 s5, $0x0  }
0x1f: {  	s9 =	smul.u32 $0xF7A, s1;
	s8 =	simm.s32 @!p0 $0x1BF5;
	p2 =	por !p2, p0  }
0x20: {  	[sflag:s8] =	ssyncset.s32 @!p0 $0xFFFFF086;
	s6 =	sadd.s32 @!p0 s3, s7;
	s7 =	simm.s32 @!p0 $0x108  }
0x21: {  	s3 =	sadd.s32 s3, s9;
	s6 =	sadd.s32 @!p0 $0x88, s6;
	s7 =	simm.s32 @p2 $0x1082  }
0x22: {  	[simem:s7], [sflag:s8] =	dma.local @!p0 [hbm:s6], $0xF7A  }
0x23: {  	s9 =	sor.u32 $0xD0000000, s2;
	s6 =	simm.s32 $0x108;
	_ =	swait.ge @!p0 [sflag:s8], $0x0  }
0x24: {  	s3 =	sadd.s32 $0x88, s3;
	s6 =	simm.s32 @!p1 $0x1082;
	[sflag:s4] =	ssyncset.s32 $0xFFFFF086  }
0x25: {  	[simem:s6], [sflag:s4] =	dma.local [hbm:s3], $0xF7A  }
0x26: {  	[smem:$0x3F94] =	sst s1;
	(tag) =	ssettag s2;
	_ =	strace s9  }
0x27: {  	s1 =	sld [smem:$0x3FA4]  }
0x28: {  	s2 =	sld [smem:$0x3FA5]  }
0x29: {  	s4 =	sld [smem:$0x3FA7]  }
0x2a: {  	p0 =	seq.s32 s5, $0x0;
	s5 =	sld [smem:$0x3FA8]  }
0x2b: {  	s6 =	sld [smem:$0x3FA9]  }
0x2c: {  	s7 =	sld [smem:$0x3FAA]  }
0x2d: {  	s3 =	simm.s32 $0x108;
	s8 =	sld [smem:$0x3FAB]  }
0x2e: {  	s3 =	simm.s32 @!p0 $0x1082;
	s9 =	sld [smem:$0x3FAC]  }
0x2f: {  	lr =	sadd.s32 s0, s3;
	s0 =	sld [smem:$0x3FA3]  }
0x30: {  	s3 =	sld [smem:$0x3FA6]  }
0x31: {  	[smem:$0x3FAF] =	sst s10  }
0x32: {  	s10 =	sld [smem:$0x3FAD];
	_ =	sdelay $0x3  }
0x33: {  	p0 =	seq.s32 s10, $0x1;
	s10 =	sld [smem:$0x3FAF];
	_ =	sdelay $0x3  }
0x34: {  	[smem:$0x3FAF] =	sst s10  }
0x35: {  	s10 =	sld [smem:$0x3FAE];
	_ =	sdelay $0x3  }
0x36: {  	p1 =	seq.s32 s10, $0x1;
	s10 =	sld [smem:$0x3FAF];
	_ =	sdelay $0x3  }
0x37: {  	[smem:$0x3FAF] =	sst s10  }
0x38: {  	s10 =	sld [smem:$0x3FB0]  }
0x39: {  	_ = 	snop;
	(pc) =	sbr.ind lr, $3  }
0x3a: {  	_ = 	snop  }
0x3b: {  	_ = 	snop  }
0x3c: {  	p2 =	seq.s32 s10, $0x1;
	s10 =	sld [smem:$0x3FAF]  }
0x3d: {  	_ =	shalt  }
0x3e: {  	_ =	shalt  }
0x3f: {  	_ =	shalt  }
0x40: {  	_ =	shalt  }
0x41: {  	_ =	shalt  }
0x42: {  	_ =	shalt  }
0x43: {  	_ =	shalt  }
0x44: {  	_ =	shalt  }
0x45: {  	_ =	shalt  }
0x46: {  	_ =	shalt  }
0x47: {  	_ =	shalt  }
0x48: {  	_ =	shalt  }
0x49: {  	_ =	shalt  }
0x4a: {  	_ =	shalt  }
0x4b: {  	_ =	shalt  }
0x4c: {  	_ =	shalt  }
0x4d: {  	_ =	shalt  }
0x4e: {  	_ =	shalt  }
0x4f: {  	_ =	shalt  }
0x50: {  	_ =	shalt  }
0x51: {  	_ =	shalt  }
0x52: {  	_ =	shalt  }
0x53: {  	_ =	shalt  }
0x54: {  	_ =	shalt  }
0x55: {  	_ =	shalt  }
0x56: {  	_ =	shalt  }
0x57: {  	_ =	shalt  }
0x58: {  	_ =	shalt  }
0x59: {  	_ =	shalt  }
0x5a: {  	_ =	shalt  }
0x5b: {  	_ =	shalt  }
0x5c: {  	_ =	shalt  }
0x5d: {  	_ =	shalt  }
0x5e: {  	_ =	shalt  }
0x5f: {  	_ =	shalt  }
0x60: {  	_ =	shalt  }
0x61: {  	_ =	shalt  }
0x62: {  	_ =	shalt  }
0x63: {  	_ =	shalt  }
0x64: {  	_ =	shalt  }
0x65: {  	_ =	shalt  }
0x66: {  	_ =	shalt  }
0x67: {  	_ =	shalt  }
0x68: {  	_ =	shalt  }
0x69: {  	_ =	shalt  }
0x6a: {  	_ =	shalt  }
0x6b: {  	_ =	shalt  }
0x6c: {  	_ =	shalt  }
0x6d: {  	_ =	shalt  }
0x6e: {  	_ =	shalt  }
0x6f: {  	_ =	shalt  }
0x70: {  	_ =	shalt  }
0x71: {  	_ =	shalt  }
0x72: {  	_ =	shalt  }
0x73: {  	_ =	shalt  }
0x74: {  	_ =	shalt  }
0x75: {  	_ =	shalt  }
0x76: {  	_ =	shalt  }
0x77: {  	_ =	shalt  }
0x78: {  	_ =	shalt  }
0x79: {  	_ =	shalt  }
0x7a: {  	_ =	shalt  }
0x7b: {  	_ =	shalt  }
0x7c: {  	_ =	shalt  }
0x7d: {  	_ =	shalt  }
0x7e: {  	_ =	shalt  }
0x7f: {  	_ =	shalt  }
0x80: {  	_ =	shalt  }
0x81: {  	_ =	shalt  }
0x82: {  	_ =	shalt  }
0x83: {  	_ =	shalt  }
0x84: {  	_ =	shalt  }
0x85: {  	_ =	shalt  }
0x86: {  	_ =	shalt  }
0x87: {  	_ =	shalt  }
.Lfunc_end0:
.L_simem_size_0:
called_computation_lowered:
.L_overlay_start_0:
0x88: {  	s2 =	sld [smem:$0x3FD9]  }
0x89: {  	s3 =	sld [smem:$0x3FFE];
	_ =	sdelay $0x1  }
0x8a: {  	s1 =	srdreg.scid  }
0x8b: {  	s0 =	sand.u32 $0x1, s1  }
0x8c: {  	s17 =	sshll.u32 s0, $0xA;
	s2 =	sadd.s32 s3, s2  }
0x8d: {  	s2 =	sadd.s32 s2, s17  }
0x8e: {  	[smem:$0x3FBB] =	sst s2  }
0x8f: {  	_ = 	snop  }
0x90: {  	s2 =	sld [smem:$0x3FD0];
	(tm) =	ssettm $0x1  }
0x91: {  	s18 =	sld [smem:$0x3FFB];
	_ =	sdelay $0x3  }
0x92: {  	_ =	strace s18  }
0x93: {  	s3 =	sld [smem:$0x3FFC];
	_ =	sdelay $0x3  }
0x94: {  	_ =	strace s3  }
0x95: {  	s3 =	sld [smem:$0x3FFD];
	_ =	sdelay $0x3  }
0x96: {  	_ =	strace s3  }
0x97: {  	_ =	strace $0x8FFFFFFF  }
0x98: {  	s19 =	sld [smem:$0x3FDB];
	_ =	sdelay $0x1  }
0x99: {  	s4 =	simm.s32 $_scs_section_size  }
0x9a: {  	s5 =	simm.s32 $_size__tile_overlayer_lowered;
	s6 =	simm.s32 $_tile_overlayer_lowered  }
0x9b: {  	s22 =	simm.s32 $0x1BFF;
	s21 =	sshll.u32 s6, $0x1;
	s3 =	sadd.s32 s4, s19  }
0x9c: {  	s7 =	simm.s32 $0x0;
	s20 =	sshll.u32 s5, $0x1;
	s5 =	sadd.s32 s21, s3  }
0x9d: {  	[timem:s7], [sflag:s22] =	dma.local [hbm:s5], s20  }
0x9e: {  	_ =	swait.ge [sflag:s22], s20  }
0x9f: {  	s4 =	ssub.s32 $0x0, s20;
	[sflag:s22] =	ssyncset.done $0x0  }
0xa0: {  	[sflag:s22] =	ssyncadd.s32 s4;
	_ =	sdelay $0x1  }
0xa1: {  	s23 =	simm.s32 $0x1B8B  }
0xa2: {  	_ =	swait.ge [sflag:s23], $0x1  }
0xa3: {  	[sflag:s23] =	ssyncset.done $0x0  }
0xa4: {  	s25 =	simm.s32 $0x1B8E;
	s24 =	sld [smem:$0x3FFE];
	[sflag:s23] =	ssyncadd.s32 $0xFFFFFFFF  }
0xa5: {  	s26 =	simm.s32 $execute0_lowered;
	[smem:$0x3FD2] =	sst s25  }
0xa6: {  	s5 =	sshll.u32 s26, $0x1;
	_ =	strace $0x80000046;
	[dreg:$0x1] =	wrdreg $0xFFFFFFFF  }
0xa7: {  	s28 =	simm.s32 $_size_execute0_lowered;
	s3 =	sadd.s32 s3, s5;
	[dreg:$0x0] =	wrdreg $0x0  }
0xa8: {  	s5 =	sshll.u32 s28, $0x1;
	[dreg:$0x2] =	wrdreg s3  }
0xa9: {  	[dreg:$0x3] =	wrdreg s5  }
0xaa: {  	[dreg:$0x4] =	wrdreg $0xC0  }
0xab: {  	_ =	task [dreg:s7], $0x5FFFF  }
0xac: {  	[dreg:$0x1] =	wrdreg $0xFFFFFFFF  }
0xad: {  	[dreg:$0x0] =	wrdreg $0x60  }
0xae: {  	[dreg:$0x2] =	wrdreg s24  }
0xaf: {  	[dreg:$0x3] =	wrdreg s2  }
0xb0: {  	[dreg:$0x4] =	wrdreg $0x9  }
0xb1: {  	_ =	task.clear_ibuf [dreg:s7], $0x5FFFF;
	_ =	strace $0x90000046  }
0xb2: {  	s29 =	simm.s32 $0x9;
	_ =	strace $0x80000048  }
0xb3: {  	_ =	swait.ge [sflag:s29], $0x1  }
0xb4: {  	[sflag:s29] =	ssyncadd.s32 $0xFFFFFFFF  }
0xb5: {  	_ =	strace $0x90000048  }
0xb6: {  	_ =	sfence  }
0xb7: {  	s30 =	sld [smem:$0x0];
	_ =	sdelay $0x2  }
0xb8: {  	s31 =	sshll.u32 s1, $0xD;
	s1 =	sshrl.u32 s1, $0x2  }
0xb9: {  	s3 =	sand.u32 $0x4000, s31;
	s1 =	sadd.s32 s1, s30  }
0xba: {  	s0 =	sor.u32 s3, s0;
	s1 =	sshll.u32 s1, $0x11  }
0xbb: {  	s0 =	sor.u32 s1, s0  }
0xbc: {  	s0 =	sadd.s32 $0x8F2B, s0  }
0xbd: {  	[sflag:s0] =	ssyncadd.remote.s32 $0x1  }
0xbe: {  	_ =	sfence.sel $0xFFFF  }
0xbf: {  	[dreg:$0x0] =	wrdreg $0xFFFFFFFF;
	(pc) =	sbr.abs _section_cstart, $3  }
0xc0: {  	[dreg:$0x1] =	wrdreg $0xFFFFFFFF  }
0xc1: {  	_ =	task.clear_ibuf [dreg:s7], $0x2FFFF;
	_ =	strace $0x9FFFFFFF  }
0xc2: {  	(tm) =	ssettm $0x7FFFFFFF  }
0xc3: {  	_ =	shalt  }
tec
execute0_lowered:
.L_overlay_start_1:
0x0: {  	(tag) =	ssettag $0x1  }
0x1: {  	s0 =	srdreg.scid  }
0x2: {  	s3 =	sand.u32 $0x1, s0  }
0x3: {  	s4 =	rddreg [dreg:$0x0];
	s0 =	stileid.u32;
	s1 =	sshll.u32 s3, $0x4  }
0x4: {  	s5 =	rddreg [dreg:$0x1];
	s9 =	simm.s32 $0x2780;
	s2 =	sor.u32 s0, s1  }
0x5: {  	s10 =	simm.s32 $0x0;
	s7 =	sshll.u32 s0, $0x7;
	s6 =	sshrl.u32 s2, $0x3  }
0x6: {  	s3 =	ssub.s32 $0x2, s3;
	s1 =	rddreg [dreg:$0x2];
	s8 =	smul.u32 $0x13C00, s6  }
0x7: {  	s7 =	sand.u32 $0x380, s7;
	s2 =	simm.s32 $0x0;
	s6 =	smul.u32 $0x14000, s6  }
0x8: {  	s31 =	sshrl.u32 s3, $0x1;
	[smem:$0x7FF] =	sst s2;
	s8 =	sor.u32 s7, s8  }
0x9: {  	_ =	strace $0x80000047;
	s6 =	sor.u32 s7, s6;
	s8 =	sshrl.u32 s8, $0x3  }
0xa: {  	s7 =	ssub.s32 s3, s31;
	s6 =	sshrl.u32 s6, $0x3;
	s4 =	sadd.s32 s8, s4  }
0xb: {  	s8 =	simm.s32 $0x1;
	s3 =	sadd.s32 $0x2A00, s4;
	s4 =	sadd.s32 s5, s6  }
0xc: {  	v0 =	vimm.f32 $0.0e+00;
	v1 =	vimm.f32 $1.000000000e+00;
	s5 =	smax.u32 s7, $0x1;
	s6 =	simm.s32 $0x80;
	s7 =	simm.s32 $0x400  }
.LBB2_1:
0xd: {  	[tilespmem:s2], [sflag:$0x1] =	stream.strided.gather [hbm4b:s3+s6], $0x2780, s7, s6, $0x38;
	[tilespmem:$0x4F80] =	vst v63  }
0xe: {  	_ =	swait.ge [sflag:s8], $0x2780  }
0xf: {  	[sflag:s8] =	ssyncset.done $0x0  }
0x10: {  	s11 =	simm.s32 $0x0;
	[sflag:s8] =	ssyncadd.s32 $0xFFFFD880  }
.LBB2_2:
0x11: {  	p0 =	sne.s32 s11, $0x9FC0  }
.Ltmp0:
0x12: {  	_ = 	snop;
	(pc) =	sbr.rel @p0 .LBB2_2-.Ltmp0, $3  }
0x13: {  	_ =	sdelay $0x1  }
0x14: {  	s12 =	sshra.s32 s11, $0x2  }
0x15: {  	s11 =	sadd.s32 $0x40, s11;
	[tilespmem:s12+$0x2780] =	vst v0  }
0x16: {  	s12 =	simm.s32 $0x0;
	s11 =	simm.s32 $0x40  }
.LBB2_4:
0x17: {  	p0 =	sne.s32 s11, $0x9C00;
	v2 =	vld [tilespmem:s12+$0x0];
	_ =	sdelay $0x3  }
.Ltmp1:
0x18: {  	(pc) =	sbr.rel @p0 .LBB2_4-.Ltmp1, $2  }
0x19: {  	_ =	sdelay $0x2  }
0x1a: {  	s12 =	sshra.s32 s11, $0x2;
	s11 =	sadd.s32 $0x40, s11;
	[tilespmem:v2+s9+$0x0] =	vst.idx.add.f32.msk $0xffff, v1  }
0x1b: {  	v2 =	vld [tilespmem:s12+$0x0];
	_ =	sdelay $0x5  }
0x1c: {  	s10 =	sadd.s32 $0x1, s10  }
0x1d: {  	p0 =	sne.s32 s10, s5  }
.Ltmp2:
0x1e: {  	[tilespmem:v2+s9+$0x0] =	vst.idx.add.f32.msk $0xffff, v1;
	(pc) =	sbr.rel @p0 .LBB2_1-.Ltmp2, $4  }
0x1f: {  	[hbm4b:s4+s6] =	stream.strided.scatter [tilespmem:s9], [sflag:$0x1], $0x2800, s7, s6, $0x38;
	[tilespmem:$0x4F80] =	vst v63  }
0x20: {  	_ =	swait.ge [sflag:s8], $0x2800  }
0x21: {  	[sflag:s8] =	ssyncset.done $0x0  }
0x22: {  	[sflag:s8] =	ssyncadd.s32 $0xFFFFD800  }
0x23: {  	_ =	sfence.sel $0x180000  }
0x24: {  	[bflag:$0x0] =	sbarrier.arrive $0xFFFF  }
0x25: {  	p0 =	sne.s32 s0, $0x0;
	_ =	strace $0x90000047  }
0x26: {  	s0 =	sadd.s32 @!p0 $0x100000, s1;
	[bflag:$0x2] =	sbarrier.arrive $0xFFFF  }
0x27: {  	[sflag:s0] =	ssyncadd.tile.s32 @!p0 $0x1;
	_ =	shalt  }
.Lfunc_end2:
_tile_overlayer_lowered:
.L_overlay_start_2:
0x28: {  	(tag) =	ssettag $0x2  }
0x29: {  	s0 =	rddreg [dreg:$0x0];
	s2 =	stileid.u32  }
0x2a: {  	s1 =	rddreg [dreg:$0x1];
	p0 =	sne.s32 s2, $0x0  }
0x2b: {  	s3 =	rddreg [dreg:$0x2];
	[bflag:$0x3] =	sbarrier.arrive $0xFFFF;
	s2 =	simm.s32 @!p0 $0x1C01  }
0x2c: {  	[timem:s3], [sflag:s2] =	dma.local @!p0 [hbm:s0], s1  }
0x2d: {  	s0 =	simm.s32 @!p0 $0x1  }
0x2e: {  	_ =	swait.ge @!p0 [sflag:s0], s1  }
0x2f: {  	s1 =	ssub.s32 @!p0 $0x0, s1;
	[sflag:s0] =	ssyncset.done @!p0 $0x0  }
0x30: {  	[sflag:s0] =	ssyncadd.s32 @!p0 s1  }
0x31: {  	[bflag:$0x3] =	sbarrier.arrive $0xFFFF  }
0x32: {  	_ =	shalt  }

</sc_bundles>
